<compile_context>
chip_gen: v7x
topology: tpu7x:2x2x1
jax: 0.10.2.dev20260603
libtpu: 0.0.44.dev20260713+nightly
codegen_flags: <defaults>
</compile_context>

<pallas_src>
import functools

import jax
import jax.numpy as jnp
from jax import lax
from jax.experimental import pallas as pl
from jax.experimental.pallas import tpu as pltpu
from jax.experimental.pallas import tpu_sc as plsc

LAT_N = 65536
N_TOP = 20
NUM_TILES = 16
CHUNK = LAT_N // NUM_TILES
VREGS = CHUNK // 16
CAND = 32
NCAND = NUM_TILES * CAND
NEG = float("-inf")
IMAX = 2147483647

ROWS = 16384
COLS = 2048
BLOCK_ROWS = 512


def _sc_body(lat_hbm, rxyz_hbm, out_hbm,
             lat_v, xyz_v, loc_val_v, loc_idx_v, loc_xyz_v,
             cand_val_s, cand_idx_s, cand_xyz_s,
             mrg_val_v, mrg_idx_v, mrg_xyz_v, out_v):
    wid = lax.axis_index("s")
    base = wid * CHUNK
    lanes = lax.iota(jnp.int32, 16)

    pltpu.sync_copy(lat_hbm.at[pl.ds(base, CHUNK)], lat_v)
    pltpu.sync_copy(rxyz_hbm.at[:, pl.ds(base, CHUNK)], xyz_v)

    selv0 = jnp.full((16,), NEG, jnp.float32)
    selv1 = jnp.full((16,), NEG, jnp.float32)
    seli0 = jnp.full((16,), base, jnp.int32)
    seli1 = jnp.full((16,), base, jnp.int32)

    def scan_body(i, carry):
        bv, bi = carry
        v = lat_v[pl.ds(i * 16, 16)]
        gi = base + i * 16 + lanes
        upd = v > bv
        return jnp.where(upd, v, bv), jnp.where(upd, gi, bi)

    for k in range(N_TOP):
        bv, bi = lax.fori_loop(
            0, VREGS, scan_body,
            (jnp.full((16,), NEG, jnp.float32), jnp.full((16,), base, jnp.int32)))
        m = jnp.max(bv)
        eq = bv == m
        gsel = jnp.min(jnp.where(eq, bi, IMAX))
        if k < 16:
            selv0 = jnp.where(lanes == k, m, selv0)
            seli0 = jnp.where(lanes == k, gsel, seli0)
        else:
            selv1 = jnp.where(lanes == (k - 16), m, selv1)
            seli1 = jnp.where(lanes == (k - 16), gsel, seli1)
        plsc.store_scatter(lat_v, [jnp.full((16,), gsel - base, jnp.int32)],
                           jnp.full((16,), NEG, jnp.float32), mask=lanes == 0)

    loc_val_v[pl.ds(0, 16)] = selv0
    loc_val_v[pl.ds(16, 16)] = selv1
    loc_idx_v[pl.ds(0, 16)] = seli0
    loc_idx_v[pl.ds(16, 16)] = seli1

    off0 = seli0 - base
    off1 = seli1 - base
    for r in range(3):
        rvec = jnp.full((16,), r, jnp.int32)
        loc_xyz_v[pl.ds(r * CAND, 16)] = plsc.load_gather(xyz_v, [rvec, off0])
        loc_xyz_v[pl.ds(r * CAND + 16, 16)] = plsc.load_gather(xyz_v, [rvec, off1])

    pltpu.sync_copy(loc_val_v, cand_val_s.at[pl.ds(wid * CAND, CAND)])
    pltpu.sync_copy(loc_idx_v, cand_idx_s.at[pl.ds(wid * CAND, CAND)])
    for r in range(3):
        pltpu.sync_copy(loc_xyz_v.at[pl.ds(r * CAND, CAND)],
                        cand_xyz_s.at[pl.ds(r * NCAND + wid * CAND, CAND)])

    plsc.subcore_barrier()

    @pl.when(wid == 0)
    def _merge():
        pltpu.sync_copy(cand_val_s, mrg_val_v)
        pltpu.sync_copy(cand_idx_s, mrg_idx_v)
        pltpu.sync_copy(cand_xyz_s, mrg_xyz_v)

        def mscan(i, carry):
            bv, bgi, bp = carry
            v = mrg_val_v[pl.ds(i * 16, 16)]
            gi = mrg_idx_v[pl.ds(i * 16, 16)]
            p = i * 16 + lanes
            upd = (v > bv) | ((v == bv) & (gi < bgi))
            return (jnp.where(upd, v, bv), jnp.where(upd, gi, bgi),
                    jnp.where(upd, p, bp))

        selp0 = jnp.zeros((16,), jnp.int32)
        selp1 = jnp.zeros((16,), jnp.int32)
        for k in range(N_TOP):
            bv, bgi, bp = lax.fori_loop(
                0, NCAND // 16, mscan,
                (jnp.full((16,), NEG, jnp.float32),
                 jnp.full((16,), IMAX, jnp.int32),
                 jnp.zeros((16,), jnp.int32)))
            m = jnp.max(bv)
            eq = bv == m
            gsel = jnp.min(jnp.where(eq, bgi, IMAX))
            psel = jnp.min(jnp.where(eq & (bgi == gsel), bp, IMAX))
            if k < 16:
                selp0 = jnp.where(lanes == k, psel, selp0)
            else:
                selp1 = jnp.where(lanes == (k - 16), psel, selp1)
            plsc.store_scatter(mrg_val_v, [jnp.full((16,), psel, jnp.int32)],
                               jnp.full((16,), NEG, jnp.float32), mask=lanes == 0)

        valid1 = lanes < (N_TOP - 16)
        acc = jnp.zeros((16,), jnp.float32)
        for r in range(3):
            x0 = plsc.load_gather(mrg_xyz_v, [r * NCAND + selp0])
            x1 = plsc.load_gather(mrg_xyz_v, [r * NCAND + selp1])
            x1 = jnp.where(valid1, x1, jnp.float32(0.0))
            sv = x0 + x1
            qv = x0 * x0 + x1 * x1
            s1 = jnp.full((16,), jnp.sum(sv), jnp.float32)
            s2 = jnp.full((16,), jnp.sum(qv), jnp.float32)
            acc = acc + (s2 - s1 * s1 * jnp.float32(1.0 / N_TOP))
        out_v[...] = acc * jnp.float32(0.02 / (N_TOP - 1))
        pltpu.sync_copy(out_v, out_hbm)


_sc_topk_cov = functools.partial(
    pl.kernel,
    out_type=jax.ShapeDtypeStruct((16,), jnp.float32),
    mesh=plsc.VectorSubcoreMesh(core_axis_name="c", subcore_axis_name="s",
                                num_cores=1),
    compiler_params=pltpu.CompilerParams(needs_layout_passes=False),
    scratch_types=[
        pltpu.VMEM((CHUNK,), jnp.float32),
        pltpu.VMEM((3, CHUNK), jnp.float32),
        pltpu.VMEM((CAND,), jnp.float32),
        pltpu.VMEM((CAND,), jnp.int32),
        pltpu.VMEM((3 * CAND,), jnp.float32),
        pltpu.VMEM_SHARED((NCAND,), jnp.float32),
        pltpu.VMEM_SHARED((NCAND,), jnp.int32),
        pltpu.VMEM_SHARED((3 * NCAND,), jnp.float32),
        pltpu.VMEM((NCAND,), jnp.float32),
        pltpu.VMEM((NCAND,), jnp.int32),
        pltpu.VMEM((3 * NCAND,), jnp.float32),
        pltpu.VMEM((16,), jnp.float32),
    ],
)(_sc_body)


def _l1_body(t_ref, p_ref, o_ref):
    i = pl.program_id(0)

    @pl.when(i == 0)
    def _init():
        o_ref[...] = jnp.zeros((1, 1), jnp.float32)

    o_ref[...] += jnp.sum(jnp.abs(t_ref[...] - p_ref[...])).reshape(1, 1)

    @pl.when(i == pl.num_programs(0) - 1)
    def _norm():
        o_ref[...] = o_ref[...] * jnp.float32(1.0 / (ROWS * COLS))


_l1_mean = pl.pallas_call(
    _l1_body,
    grid=(ROWS // BLOCK_ROWS,),
    in_specs=[
        pl.BlockSpec((BLOCK_ROWS, COLS), lambda i: (i, 0)),
        pl.BlockSpec((BLOCK_ROWS, COLS), lambda i: (i, 0)),
    ],
    out_specs=pl.BlockSpec((1, 1), lambda i: (0, 0)),
    out_shape=jax.ShapeDtypeStruct((1, 1), jnp.float32),
)


def kernel(target, pred, latent, R_xyz):
    l1 = _l1_mean(target, pred)[0, 0]
    cov_term = _sc_topk_cov(latent, R_xyz)[0]
    return (l1 + cov_term, l1, cov_term)

# --- scband reference (transcript-rebuilt; emitter-appended) ---
"""Pipeline reference for scband-l1-cov-loss-26525718020320 (READ-ONLY COPY).

The authoritative reference and input builder live on the scoring server;
editing this copy changes nothing except your own understanding.
"""

import jax, jax.numpy as jnp
import numpy as np

N_MAX = 20

def setup_inputs(seed: int = 0) -> dict:
    key = jax.random.key(seed)
    k1, k2, k3, k4 = jax.random.split(key, 4)
    target = jax.random.normal(k1, (16384, 2048), dtype=jnp.float32)
    pred = jax.random.normal(k2, (16384, 2048), dtype=jnp.float32)
    latent = jax.random.normal(k3, (65536,), dtype=jnp.float32)
    # R_xyz is a module buffer produced by get_field() in __init__; materialize as a
    # 3 x L field of xyz coordinates matching latent length.
    R_xyz = jax.random.normal(k4, (3, 65536), dtype=jnp.float32)
    return {"target": target, "pred": pred, "latent": latent, "R_xyz": R_xyz}

def reference(target, pred, latent, R_xyz):
    # L1Loss (mean reduction)
    l1_loss = jnp.mean(jnp.abs(target - pred))
    # torch.sort(latent, descending=True) -> take top N_max indices
    sorted_indices = jnp.argsort(-latent)
    max_idx = sorted_indices[:N_MAX]
    max_xyz = R_xyz[:, max_idx].T  # [N_max, 3]
    mean_xyz = max_xyz.mean(axis=0)
    centered_xyz = max_xyz - mean_xyz
    cov_matrix = jnp.matmul(centered_xyz.T, centered_xyz) / (max_xyz.shape[0] - 1)
    e_vals, e_vecs = jnp.linalg.eigh(cov_matrix)
    e_val_sum = jnp.sum(e_vals)
    total_loss = l1_loss + 0.02 * e_val_sum
    return (total_loss, l1_loss, 0.02 * e_val_sum)

if __name__ == "__main__":
    import jax
    _d = setup_inputs()
    print(jax.jit(kernel)(*tuple(_d.values())))

</pallas_src>

<mosaic_0001>
#map = affine_map<(d0, d1) -> (0)>
#map1 = affine_map<(d0, d1) -> (0, 0)>
module attributes {stable_mosaic.version = 14 : i64} {
  func.func @_sc_body(%arg0: i32, %arg1: i32, %arg2: memref<65536xf32, #tpu.memory_space<hbm>>, %arg3: memref<3x65536xf32, #tpu.memory_space<hbm>>, %arg4: memref<16xf32, #tpu.memory_space<hbm>>, %arg5: memref<4096xf32, #tpu.memory_space<vmem>>, %arg6: memref<3x4096xf32, #tpu.memory_space<vmem>>, %arg7: memref<32xf32, #tpu.memory_space<vmem>>, %arg8: memref<32xi32, #tpu.memory_space<vmem>>, %arg9: memref<96xf32, #tpu.memory_space<vmem>>, %arg10: memref<512xf32, #tpu.memory_space<vmem_shared>>, %arg11: memref<512xi32, #tpu.memory_space<vmem_shared>>, %arg12: memref<1536xf32, #tpu.memory_space<vmem_shared>>, %arg13: memref<512xf32, #tpu.memory_space<vmem>>, %arg14: memref<512xi32, #tpu.memory_space<vmem>>, %arg15: memref<1536xf32, #tpu.memory_space<vmem>>, %arg16: memref<16xf32, #tpu.memory_space<vmem>>) attributes {dimension_semantics = [#tpu.dimension_semantics<core_parallel>, #tpu.dimension_semantics<subcore_parallel>], iteration_bounds = array<i64: 1, 16>, scalar_prefetch = 0 : i64, scratch_operands = 12 : i64, tpu.core_type = #tpu.core_type<sc_vector_subcore>, window_params = [{transform_indices = #map}, {transform_indices = #map1}, {transform_indices = #map}]} {
    %mul3A = arith.constant 4096 : i32
    %mul3A_0 = arith.muli %arg1, %mul3A : i32
    %iota3A = tpu.iota {dimensions = array<i32: 0>} : vector<16xi32>
    "tpu.region"() ({
      %run_scoped3A = tpu.sem_alloc : memref<!tpu.dma_semaphore, #tpu.memory_space<semaphore_mem>>
      %dma_start3A = tpu.memref_slice %arg2[%mul3A_0] : memref<65536xf32, #tpu.memory_space<hbm>> -> memref<4096xf32, #tpu.memory_space<hbm>>
      %dma_start3A_911 = tpu.memref_slice %arg2[%mul3A_0] : memref<65536xf32, #tpu.memory_space<hbm>> -> memref<4096xf32, #tpu.memory_space<hbm>>
      tpu.enqueue_dma source(%dma_start3A_911 : memref<4096xf32, #tpu.memory_space<hbm>>) target(%arg5 : memref<4096xf32, #tpu.memory_space<vmem>>) target_semaphore(%run_scoped3A : memref<!tpu.dma_semaphore, #tpu.memory_space<semaphore_mem>>)
      %dma_wait3A = tpu.memref_slice %arg2[%mul3A_0] : memref<65536xf32, #tpu.memory_space<hbm>> -> memref<4096xf32, #tpu.memory_space<hbm>>
      %dma_wait3A_912 = tpu.memref_slice %arg2[%mul3A_0] : memref<65536xf32, #tpu.memory_space<hbm>> -> memref<4096xf32, #tpu.memory_space<hbm>>
      tpu.wait_dma2 semaphore(%run_scoped3A : memref<!tpu.dma_semaphore, #tpu.memory_space<semaphore_mem>>) src(%dma_wait3A_912 : memref<4096xf32, #tpu.memory_space<hbm>>) dst(%arg5 : memref<4096xf32, #tpu.memory_space<vmem>>)
      tpu.yield
    }) : () -> ()
    "tpu.region"() ({
      %run_scoped3A = tpu.sem_alloc : memref<!tpu.dma_semaphore, #tpu.memory_space<semaphore_mem>>
      %dma_start3A = arith.constant 0 : i32
      %dma_start3A_911 = tpu.memref_slice %arg3[%dma_start3A, %mul3A_0] : memref<3x65536xf32, #tpu.memory_space<hbm>> -> memref<3x4096xf32, #tpu.memory_space<hbm>>
      %dma_start3A_912 = arith.constant 0 : i32
      %dma_start3A_913 = tpu.memref_slice %arg3[%dma_start3A_912, %mul3A_0] : memref<3x65536xf32, #tpu.memory_space<hbm>> -> memref<3x4096xf32, #tpu.memory_space<hbm>>
      tpu.enqueue_dma source(%dma_start3A_913 : memref<3x4096xf32, #tpu.memory_space<hbm>>) target(%arg6 : memref<3x4096xf32, #tpu.memory_space<vmem>>) target_semaphore(%run_scoped3A : memref<!tpu.dma_semaphore, #tpu.memory_space<semaphore_mem>>)
      %dma_wait3A = arith.constant 0 : i32
      %dma_wait3A_914 = tpu.memref_slice %arg3[%dma_wait3A, %mul3A_0] : memref<3x65536xf32, #tpu.memory_space<hbm>> -> memref<3x4096xf32, #tpu.memory_space<hbm>>
      %dma_wait3A_915 = arith.constant 0 : i32
      %dma_wait3A_916 = tpu.memref_slice %arg3[%dma_wait3A_915, %mul3A_0] : memref<3x65536xf32, #tpu.memory_space<hbm>> -> memref<3x4096xf32, #tpu.memory_space<hbm>>
      tpu.wait_dma2 semaphore(%run_scoped3A : memref<!tpu.dma_semaphore, #tpu.memory_space<semaphore_mem>>) src(%dma_wait3A_916 : memref<3x4096xf32, #tpu.memory_space<hbm>>) dst(%arg6 : memref<3x4096xf32, #tpu.memory_space<vmem>>)
      tpu.yield
    }) : () -> ()
    %broadcast_in_dim3A = arith.constant 0xFF800000 : f32
    %broadcast_in_dim3A_1 = vector.broadcast %broadcast_in_dim3A : f32 to vector<16xf32>
    %broadcast_in_dim3A_2 = arith.constant 0xFF800000 : f32
    %broadcast_in_dim3A_3 = vector.broadcast %broadcast_in_dim3A_2 : f32 to vector<16xf32>
    %broadcast_in_dim3A_4 = vector.broadcast %mul3A_0 : i32 to vector<16xi32>
    %broadcast_in_dim3A_5 = vector.broadcast %mul3A_0 : i32 to vector<16xi32>
    %broadcast_in_dim3A_6 = arith.constant 0xFF800000 : f32
    %broadcast_in_dim3A_7 = vector.broadcast %broadcast_in_dim3A_6 : f32 to vector<16xf32>
    %broadcast_in_dim3A_8 = vector.broadcast %mul3A_0 : i32 to vector<16xi32>
    %scan3A = arith.constant 0 : i32
    %scan3A_9 = arith.constant 256 : i32
    %scan3A_10 = arith.addi %scan3A, %scan3A_9 : i32
    %scan3A_11 = arith.constant 1 : i32
    %scan3A_12:2 = scf.for %scan3A_911 = %scan3A to %scan3A_10 step %scan3A_11 iter_args(%scan3A_912 = %broadcast_in_dim3A_7, %scan3A_913 = %broadcast_in_dim3A_8) -> (vector<16xf32>, vector<16xi32>)  : i32 {
      %mul3A_914 = arith.constant 16 : i32
      %mul3A_915 = arith.muli %scan3A_911, %mul3A_914 : i32
      %get3A = arith.index_cast %mul3A_915 : i32 to index
      %get3A_916 = tpu.vector_load %arg5[%get3A] {strides = array<i32>} : memref<4096xf32, #tpu.memory_space<vmem>>, vector<16xf32>,
      %mul3A_917 = arith.constant 16 : i32
      %mul3A_918 = arith.muli %scan3A_911, %mul3A_917 : i32
      %add3A_919 = arith.addi %mul3A_0, %mul3A_918 : i32
      %add3A_920 = vector.broadcast %add3A_919 : i32 to vector<16xi32>
      %add3A_921 = arith.addi %add3A_920, %iota3A : vector<16xi32>
      %gt3A = arith.cmpf ogt, %get3A_916, %scan3A_912 : vector<16xf32>
      %select_n3A_922 = arith.select %gt3A, %get3A_916, %scan3A_912 : vector<16xi1>, vector<16xf32>
      %select_n3A_923 = arith.select %gt3A, %add3A_921, %scan3A_913 : vector<16xi1>, vector<16xi32>
      scf.yield %select_n3A_922, %select_n3A_923 : vector<16xf32>, vector<16xi32>
    }
    %scan3A_13 = arith.constant 256 : i32
    %reduce_max3A = arith.constant true
    %reduce_max3A_14 = vector.broadcast %reduce_max3A : i1 to vector<16xi1>
    %reduce_max3A_15 = tpu.scan <max>, %scan3A_12#0 masked %reduce_max3A_14 : vector<16xf32>, vector<16xi1> -> vector<16xf32>
    %reduce_max3A_16 = vector.extract %reduce_max3A_15[15] : f32 from vector<16xf32>
    %eq3A = vector.broadcast %reduce_max3A_16 : f32 to vector<16xf32>
    %eq3A_17 = arith.cmpf oeq, %scan3A_12#0, %eq3A : vector<16xf32>
    %jit3A = arith.constant 2147483647 : i32
    %broadcast_in_dim3A_18 = vector.broadcast %jit3A : i32 to vector<16xi32>
    %select_n3A = arith.select %eq3A_17, %scan3A_12#1, %broadcast_in_dim3A_18 : vector<16xi1>, vector<16xi32>
    %reduce_min3A = arith.constant true
    %reduce_min3A_19 = vector.broadcast %reduce_min3A : i1 to vector<16xi1>
    %reduce_min3A_20 = arith.constant -2147483648 : i32
    %reduce_min3A_21 = vector.broadcast %reduce_min3A_20 : i32 to vector<16xi32>
    %reduce_min3A_22 = arith.xori %select_n3A, %reduce_min3A_21 : vector<16xi32>
    %reduce_min3A_23 = tpu.scan <min>, %reduce_min3A_22 masked %reduce_min3A_19 : vector<16xi32>, vector<16xi1> -> vector<16xi32>
    %reduce_min3A_24 = arith.xori %reduce_min3A_23, %reduce_min3A_21 : vector<16xi32>
    %reduce_min3A_25 = vector.extract %reduce_min3A_24[15] : i32 from vector<16xi32>
    %eq3A_26 = arith.constant 0 : i32
    %eq3A_27 = vector.broadcast %eq3A_26 : i32 to vector<16xi32>
    %eq3A_28 = arith.cmpi eq, %iota3A, %eq3A_27 : vector<16xi32>
    %broadcast_in_dim3A_29 = vector.broadcast %reduce_max3A_16 : f32 to vector<16xf32>
    %select_n3A_30 = arith.select %eq3A_28, %broadcast_in_dim3A_29, %broadcast_in_dim3A_1 : vector<16xi1>, vector<16xf32>
    %eq3A_31 = arith.constant 0 : i32
    %eq3A_32 = vector.broadcast %eq3A_31 : i32 to vector<16xi32>
    %eq3A_33 = arith.cmpi eq, %iota3A, %eq3A_32 : vector<16xi32>
    %broadcast_in_dim3A_34 = vector.broadcast %reduce_min3A_25 : i32 to vector<16xi32>
    %select_n3A_35 = arith.select %eq3A_33, %broadcast_in_dim3A_34, %broadcast_in_dim3A_4 : vector<16xi1>, vector<16xi32>
    %sub3A = arith.subi %reduce_min3A_25, %mul3A_0 : i32
    %broadcast_in_dim3A_36 = vector.broadcast %sub3A : i32 to vector<16xi32>
    %broadcast_in_dim3A_37 = arith.constant 0xFF800000 : f32
    %broadcast_in_dim3A_38 = vector.broadcast %broadcast_in_dim3A_37 : f32 to vector<16xf32>
    %eq3A_39 = arith.constant 0 : i32
    %eq3A_40 = vector.broadcast %eq3A_39 : i32 to vector<16xi32>
    %eq3A_41 = arith.cmpi eq, %iota3A, %eq3A_40 : vector<16xi32>
    tpu.vector_store_idx %arg5[%broadcast_in_dim3A_36], %broadcast_in_dim3A_38 masked %eq3A_41 : memref<4096xf32, #tpu.memory_space<vmem>>[vector<16xi32>], vector<16xf32>, vector<16xi1>
    %broadcast_in_dim3A_42 = arith.constant 0xFF800000 : f32
    %broadcast_in_dim3A_43 = vector.broadcast %broadcast_in_dim3A_42 : f32 to vector<16xf32>
    %broadcast_in_dim3A_44 = vector.broadcast %mul3A_0 : i32 to vector<16xi32>
    %scan3A_45 = arith.constant 0 : i32
    %scan3A_46 = arith.constant 256 : i32
    %scan3A_47 = arith.addi %scan3A_45, %scan3A_46 : i32
    %scan3A_48 = arith.constant 1 : i32
    %scan3A_49:2 = scf.for %scan3A_911 = %scan3A_45 to %scan3A_47 step %scan3A_48 iter_args(%scan3A_912 = %broadcast_in_dim3A_43, %scan3A_913 = %broadcast_in_dim3A_44) -> (vector<16xf32>, vector<16xi32>)  : i32 {
      %mul3A_914 = arith.constant 16 : i32
      %mul3A_915 = arith.muli %scan3A_911, %mul3A_914 : i32
      %get3A = arith.index_cast %mul3A_915 : i32 to index
      %get3A_916 = tpu.vector_load %arg5[%get3A] {strides = array<i32>} : memref<4096xf32, #tpu.memory_space<vmem>>, vector<16xf32>,
      %mul3A_917 = arith.constant 16 : i32
      %mul3A_918 = arith.muli %scan3A_911, %mul3A_917 : i32
      %add3A_919 = arith.addi %mul3A_0, %mul3A_918 : i32
      %add3A_920 = vector.broadcast %add3A_919 : i32 to vector<16xi32>
      %add3A_921 = arith.addi %add3A_920, %iota3A : vector<16xi32>
      %gt3A = arith.cmpf ogt, %get3A_916, %scan3A_912 : vector<16xf32>
      %select_n3A_922 = arith.select %gt3A, %get3A_916, %scan3A_912 : vector<16xi1>, vector<16xf32>
      %select_n3A_923 = arith.select %gt3A, %add3A_921, %scan3A_913 : vector<16xi1>, vector<16xi32>
      scf.yield %select_n3A_922, %select_n3A_923 : vector<16xf32>, vector<16xi32>
    }
    %scan3A_50 = arith.constant 256 : i32
    %reduce_max3A_51 = arith.constant true
    %reduce_max3A_52 = vector.broadcast %reduce_max3A_51 : i1 to vector<16xi1>
    %reduce_max3A_53 = tpu.scan <max>, %scan3A_49#0 masked %reduce_max3A_52 : vector<16xf32>, vector<16xi1> -> vector<16xf32>
    %reduce_max3A_54 = vector.extract %reduce_max3A_53[15] : f32 from vector<16xf32>
    %eq3A_55 = vector.broadcast %reduce_max3A_54 : f32 to vector<16xf32>
    %eq3A_56 = arith.cmpf oeq, %scan3A_49#0, %eq3A_55 : vector<16xf32>
    %jit3A_57 = arith.constant 2147483647 : i32
    %broadcast_in_dim3A_58 = vector.broadcast %jit3A_57 : i32 to vector<16xi32>
    %select_n3A_59 = arith.select %eq3A_56, %scan3A_49#1, %broadcast_in_dim3A_58 : vector<16xi1>, vector<16xi32>
    %reduce_min3A_60 = arith.constant true
    %reduce_min3A_61 = vector.broadcast %reduce_min3A_60 : i1 to vector<16xi1>
    %reduce_min3A_62 = arith.constant -2147483648 : i32
    %reduce_min3A_63 = vector.broadcast %reduce_min3A_62 : i32 to vector<16xi32>
    %reduce_min3A_64 = arith.xori %select_n3A_59, %reduce_min3A_63 : vector<16xi32>
    %reduce_min3A_65 = tpu.scan <min>, %reduce_min3A_64 masked %reduce_min3A_61 : vector<16xi32>, vector<16xi1> -> vector<16xi32>
    %reduce_min3A_66 = arith.xori %reduce_min3A_65, %reduce_min3A_63 : vector<16xi32>
    %reduce_min3A_67 = vector.extract %reduce_min3A_66[15] : i32 from vector<16xi32>
    %eq3A_68 = arith.constant 1 : i32
    %eq3A_69 = vector.broadcast %eq3A_68 : i32 to vector<16xi32>
    %eq3A_70 = arith.cmpi eq, %iota3A, %eq3A_69 : vector<16xi32>
    %broadcast_in_dim3A_71 = vector.broadcast %reduce_max3A_54 : f32 to vector<16xf32>
    %select_n3A_72 = arith.select %eq3A_70, %broadcast_in_dim3A_71, %select_n3A_30 : vector<16xi1>, vector<16xf32>
    %eq3A_73 = arith.constant 1 : i32
    %eq3A_74 = vector.broadcast %eq3A_73 : i32 to vector<16xi32>
    %eq3A_75 = arith.cmpi eq, %iota3A, %eq3A_74 : vector<16xi32>
    %broadcast_in_dim3A_76 = vector.broadcast %reduce_min3A_67 : i32 to vector<16xi32>
    %select_n3A_77 = arith.select %eq3A_75, %broadcast_in_dim3A_76, %select_n3A_35 : vector<16xi1>, vector<16xi32>
    %sub3A_78 = arith.subi %reduce_min3A_67, %mul3A_0 : i32
    %broadcast_in_dim3A_79 = vector.broadcast %sub3A_78 : i32 to vector<16xi32>
    %broadcast_in_dim3A_80 = arith.constant 0xFF800000 : f32
    %broadcast_in_dim3A_81 = vector.broadcast %broadcast_in_dim3A_80 : f32 to vector<16xf32>
    %eq3A_82 = arith.constant 0 : i32
    %eq3A_83 = vector.broadcast %eq3A_82 : i32 to vector<16xi32>
    %eq3A_84 = arith.cmpi eq, %iota3A, %eq3A_83 : vector<16xi32>
    tpu.vector_store_idx %arg5[%broadcast_in_dim3A_79], %broadcast_in_dim3A_81 masked %eq3A_84 : memref<4096xf32, #tpu.memory_space<vmem>>[vector<16xi32>], vector<16xf32>, vector<16xi1>
    %broadcast_in_dim3A_85 = arith.constant 0xFF800000 : f32
    %broadcast_in_dim3A_86 = vector.broadcast %broadcast_in_dim3A_85 : f32 to vector<16xf32>
    %broadcast_in_dim3A_87 = vector.broadcast %mul3A_0 : i32 to vector<16xi32>
    %scan3A_88 = arith.constant 0 : i32
    %scan3A_89 = arith.constant 256 : i32
    %scan3A_90 = arith.addi %scan3A_88, %scan3A_89 : i32
    %scan3A_91 = arith.constant 1 : i32
    %scan3A_92:2 = scf.for %scan3A_911 = %scan3A_88 to %scan3A_90 step %scan3A_91 iter_args(%scan3A_912 = %broadcast_in_dim3A_86, %scan3A_913 = %broadcast_in_dim3A_87) -> (vector<16xf32>, vector<16xi32>)  : i32 {
      %mul3A_914 = arith.constant 16 : i32
      %mul3A_915 = arith.muli %scan3A_911, %mul3A_914 : i32
      %get3A = arith.index_cast %mul3A_915 : i32 to index
      %get3A_916 = tpu.vector_load %arg5[%get3A] {strides = array<i32>} : memref<4096xf32, #tpu.memory_space<vmem>>, vector<16xf32>,
      %mul3A_917 = arith.constant 16 : i32
      %mul3A_918 = arith.muli %scan3A_911, %mul3A_917 : i32
      %add3A_919 = arith.addi %mul3A_0, %mul3A_918 : i32
      %add3A_920 = vector.broadcast %add3A_919 : i32 to vector<16xi32>
      %add3A_921 = arith.addi %add3A_920, %iota3A : vector<16xi32>
      %gt3A = arith.cmpf ogt, %get3A_916, %scan3A_912 : vector<16xf32>
      %select_n3A_922 = arith.select %gt3A, %get3A_916, %scan3A_912 : vector<16xi1>, vector<16xf32>
      %select_n3A_923 = arith.select %gt3A, %add3A_921, %scan3A_913 : vector<16xi1>, vector<16xi32>
      scf.yield %select_n3A_922, %select_n3A_923 : vector<16xf32>, vector<16xi32>
    }
    %scan3A_93 = arith.constant 256 : i32
    %reduce_max3A_94 = arith.constant true
    %reduce_max3A_95 = vector.broadcast %reduce_max3A_94 : i1 to vector<16xi1>
    %reduce_max3A_96 = tpu.scan <max>, %scan3A_92#0 masked %reduce_max3A_95 : vector<16xf32>, vector<16xi1> -> vector<16xf32>
    %reduce_max3A_97 = vector.extract %reduce_max3A_96[15] : f32 from vector<16xf32>
    %eq3A_98 = vector.broadcast %reduce_max3A_97 : f32 to vector<16xf32>
    %eq3A_99 = arith.cmpf oeq, %scan3A_92#0, %eq3A_98 : vector<16xf32>
    %jit3A_100 = arith.constant 2147483647 : i32
    %broadcast_in_dim3A_101 = vector.broadcast %jit3A_100 : i32 to vector<16xi32>
    %select_n3A_102 = arith.select %eq3A_99, %scan3A_92#1, %broadcast_in_dim3A_101 : vector<16xi1>, vector<16xi32>
    %reduce_min3A_103 = arith.constant true
    %reduce_min3A_104 = vector.broadcast %reduce_min3A_103 : i1 to vector<16xi1>
    %reduce_min3A_105 = arith.constant -2147483648 : i32
    %reduce_min3A_106 = vector.broadcast %reduce_min3A_105 : i32 to vector<16xi32>
    %reduce_min3A_107 = arith.xori %select_n3A_102, %reduce_min3A_106 : vector<16xi32>
    %reduce_min3A_108 = tpu.scan <min>, %reduce_min3A_107 masked %reduce_min3A_104 : vector<16xi32>, vector<16xi1> -> vector<16xi32>
    %reduce_min3A_109 = arith.xori %reduce_min3A_108, %reduce_min3A_106 : vector<16xi32>
    %reduce_min3A_110 = vector.extract %reduce_min3A_109[15] : i32 from vector<16xi32>
    %eq3A_111 = arith.constant 2 : i32
    %eq3A_112 = vector.broadcast %eq3A_111 : i32 to vector<16xi32>
    %eq3A_113 = arith.cmpi eq, %iota3A, %eq3A_112 : vector<16xi32>
    %broadcast_in_dim3A_114 = vector.broadcast %reduce_max3A_97 : f32 to vector<16xf32>
    %select_n3A_115 = arith.select %eq3A_113, %broadcast_in_dim3A_114, %select_n3A_72 : vector<16xi1>, vector<16xf32>
    %eq3A_116 = arith.constant 2 : i32
    %eq3A_117 = vector.broadcast %eq3A_116 : i32 to vector<16xi32>
    %eq3A_118 = arith.cmpi eq, %iota3A, %eq3A_117 : vector<16xi32>
    %broadcast_in_dim3A_119 = vector.broadcast %reduce_min3A_110 : i32 to vector<16xi32>
    %select_n3A_120 = arith.select %eq3A_118, %broadcast_in_dim3A_119, %select_n3A_77 : vector<16xi1>, vector<16xi32>
    %sub3A_121 = arith.subi %reduce_min3A_110, %mul3A_0 : i32
    %broadcast_in_dim3A_122 = vector.broadcast %sub3A_121 : i32 to vector<16xi32>
    %broadcast_in_dim3A_123 = arith.constant 0xFF800000 : f32
    %broadcast_in_dim3A_124 = vector.broadcast %broadcast_in_dim3A_123 : f32 to vector<16xf32>
    %eq3A_125 = arith.constant 0 : i32
    %eq3A_126 = vector.broadcast %eq3A_125 : i32 to vector<16xi32>
    %eq3A_127 = arith.cmpi eq, %iota3A, %eq3A_126 : vector<16xi32>
    tpu.vector_store_idx %arg5[%broadcast_in_dim3A_122], %broadcast_in_dim3A_124 masked %eq3A_127 : memref<4096xf32, #tpu.memory_space<vmem>>[vector<16xi32>], vector<16xf32>, vector<16xi1>
    %broadcast_in_dim3A_128 = arith.constant 0xFF800000 : f32
    %broadcast_in_dim3A_129 = vector.broadcast %broadcast_in_dim3A_128 : f32 to vector<16xf32>
    %broadcast_in_dim3A_130 = vector.broadcast %mul3A_0 : i32 to vector<16xi32>
    %scan3A_131 = arith.constant 0 : i32
    %scan3A_132 = arith.constant 256 : i32
    %scan3A_133 = arith.addi %scan3A_131, %scan3A_132 : i32
    %scan3A_134 = arith.constant 1 : i32
    %scan3A_135:2 = scf.for %scan3A_911 = %scan3A_131 to %scan3A_133 step %scan3A_134 iter_args(%scan3A_912 = %broadcast_in_dim3A_129, %scan3A_913 = %broadcast_in_dim3A_130) -> (vector<16xf32>, vector<16xi32>)  : i32 {
      %mul3A_914 = arith.constant 16 : i32
      %mul3A_915 = arith.muli %scan3A_911, %mul3A_914 : i32
      %get3A = arith.index_cast %mul3A_915 : i32 to index
      %get3A_916 = tpu.vector_load %arg5[%get3A] {strides = array<i32>} : memref<4096xf32, #tpu.memory_space<vmem>>, vector<16xf32>,
      %mul3A_917 = arith.constant 16 : i32
      %mul3A_918 = arith.muli %scan3A_911, %mul3A_917 : i32
      %add3A_919 = arith.addi %mul3A_0, %mul3A_918 : i32
      %add3A_920 = vector.broadcast %add3A_919 : i32 to vector<16xi32>
      %add3A_921 = arith.addi %add3A_920, %iota3A : vector<16xi32>
      %gt3A = arith.cmpf ogt, %get3A_916, %scan3A_912 : vector<16xf32>
      %select_n3A_922 = arith.select %gt3A, %get3A_916, %scan3A_912 : vector<16xi1>, vector<16xf32>
      %select_n3A_923 = arith.select %gt3A, %add3A_921, %scan3A_913 : vector<16xi1>, vector<16xi32>
      scf.yield %select_n3A_922, %select_n3A_923 : vector<16xf32>, vector<16xi32>
    }
    %scan3A_136 = arith.constant 256 : i32
    %reduce_max3A_137 = arith.constant true
    %reduce_max3A_138 = vector.broadcast %reduce_max3A_137 : i1 to vector<16xi1>
    %reduce_max3A_139 = tpu.scan <max>, %scan3A_135#0 masked %reduce_max3A_138 : vector<16xf32>, vector<16xi1> -> vector<16xf32>
    %reduce_max3A_140 = vector.extract %reduce_max3A_139[15] : f32 from vector<16xf32>
    %eq3A_141 = vector.broadcast %reduce_max3A_140 : f32 to vector<16xf32>
    %eq3A_142 = arith.cmpf oeq, %scan3A_135#0, %eq3A_141 : vector<16xf32>
    %jit3A_143 = arith.constant 2147483647 : i32
    %broadcast_in_dim3A_144 = vector.broadcast %jit3A_143 : i32 to vector<16xi32>
    %select_n3A_145 = arith.select %eq3A_142, %scan3A_135#1, %broadcast_in_dim3A_144 : vector<16xi1>, vector<16xi32>
    %reduce_min3A_146 = arith.constant true
    %reduce_min3A_147 = vector.broadcast %reduce_min3A_146 : i1 to vector<16xi1>
    %reduce_min3A_148 = arith.constant -2147483648 : i32
    %reduce_min3A_149 = vector.broadcast %reduce_min3A_148 : i32 to vector<16xi32>
    %reduce_min3A_150 = arith.xori %select_n3A_145, %reduce_min3A_149 : vector<16xi32>
    %reduce_min3A_151 = tpu.scan <min>, %reduce_min3A_150 masked %reduce_min3A_147 : vector<16xi32>, vector<16xi1> -> vector<16xi32>
    %reduce_min3A_152 = arith.xori %reduce_min3A_151, %reduce_min3A_149 : vector<16xi32>
    %reduce_min3A_153 = vector.extract %reduce_min3A_152[15] : i32 from vector<16xi32>
    %eq3A_154 = arith.constant 3 : i32
    %eq3A_155 = vector.broadcast %eq3A_154 : i32 to vector<16xi32>
    %eq3A_156 = arith.cmpi eq, %iota3A, %eq3A_155 : vector<16xi32>
    %broadcast_in_dim3A_157 = vector.broadcast %reduce_max3A_140 : f32 to vector<16xf32>
    %select_n3A_158 = arith.select %eq3A_156, %broadcast_in_dim3A_157, %select_n3A_115 : vector<16xi1>, vector<16xf32>
    %eq3A_159 = arith.constant 3 : i32
    %eq3A_160 = vector.broadcast %eq3A_159 : i32 to vector<16xi32>
    %eq3A_161 = arith.cmpi eq, %iota3A, %eq3A_160 : vector<16xi32>
    %broadcast_in_dim3A_162 = vector.broadcast %reduce_min3A_153 : i32 to vector<16xi32>
    %select_n3A_163 = arith.select %eq3A_161, %broadcast_in_dim3A_162, %select_n3A_120 : vector<16xi1>, vector<16xi32>
    %sub3A_164 = arith.subi %reduce_min3A_153, %mul3A_0 : i32
    %broadcast_in_dim3A_165 = vector.broadcast %sub3A_164 : i32 to vector<16xi32>
    %broadcast_in_dim3A_166 = arith.constant 0xFF800000 : f32
    %broadcast_in_dim3A_167 = vector.broadcast %broadcast_in_dim3A_166 : f32 to vector<16xf32>
    %eq3A_168 = arith.constant 0 : i32
    %eq3A_169 = vector.broadcast %eq3A_168 : i32 to vector<16xi32>
    %eq3A_170 = arith.cmpi eq, %iota3A, %eq3A_169 : vector<16xi32>
    tpu.vector_store_idx %arg5[%broadcast_in_dim3A_165], %broadcast_in_dim3A_167 masked %eq3A_170 : memref<4096xf32, #tpu.memory_space<vmem>>[vector<16xi32>], vector<16xf32>, vector<16xi1>
    %broadcast_in_dim3A_171 = arith.constant 0xFF800000 : f32
    %broadcast_in_dim3A_172 = vector.broadcast %broadcast_in_dim3A_171 : f32 to vector<16xf32>
    %broadcast_in_dim3A_173 = vector.broadcast %mul3A_0 : i32 to vector<16xi32>
    %scan3A_174 = arith.constant 0 : i32
    %scan3A_175 = arith.constant 256 : i32
    %scan3A_176 = arith.addi %scan3A_174, %scan3A_175 : i32
    %scan3A_177 = arith.constant 1 : i32
    %scan3A_178:2 = scf.for %scan3A_911 = %scan3A_174 to %scan3A_176 step %scan3A_177 iter_args(%scan3A_912 = %broadcast_in_dim3A_172, %scan3A_913 = %broadcast_in_dim3A_173) -> (vector<16xf32>, vector<16xi32>)  : i32 {
      %mul3A_914 = arith.constant 16 : i32
      %mul3A_915 = arith.muli %scan3A_911, %mul3A_914 : i32
      %get3A = arith.index_cast %mul3A_915 : i32 to index
      %get3A_916 = tpu.vector_load %arg5[%get3A] {strides = array<i32>} : memref<4096xf32, #tpu.memory_space<vmem>>, vector<16xf32>,
      %mul3A_917 = arith.constant 16 : i32
      %mul3A_918 = arith.muli %scan3A_911, %mul3A_917 : i32
      %add3A_919 = arith.addi %mul3A_0, %mul3A_918 : i32
      %add3A_920 = vector.broadcast %add3A_919 : i32 to vector<16xi32>
      %add3A_921 = arith.addi %add3A_920, %iota3A : vector<16xi32>
      %gt3A = arith.cmpf ogt, %get3A_916, %scan3A_912 : vector<16xf32>
      %select_n3A_922 = arith.select %gt3A, %get3A_916, %scan3A_912 : vector<16xi1>, vector<16xf32>
      %select_n3A_923 = arith.select %gt3A, %add3A_921, %scan3A_913 : vector<16xi1>, vector<16xi32>
      scf.yield %select_n3A_922, %select_n3A_923 : vector<16xf32>, vector<16xi32>
    }
    %scan3A_179 = arith.constant 256 : i32
    %reduce_max3A_180 = arith.constant true
    %reduce_max3A_181 = vector.broadcast %reduce_max3A_180 : i1 to vector<16xi1>
    %reduce_max3A_182 = tpu.scan <max>, %scan3A_178#0 masked %reduce_max3A_181 : vector<16xf32>, vector<16xi1> -> vector<16xf32>
    %reduce_max3A_183 = vector.extract %reduce_max3A_182[15] : f32 from vector<16xf32>
    %eq3A_184 = vector.broadcast %reduce_max3A_183 : f32 to vector<16xf32>
    %eq3A_185 = arith.cmpf oeq, %scan3A_178#0, %eq3A_184 : vector<16xf32>
    %jit3A_186 = arith.constant 2147483647 : i32
    %broadcast_in_dim3A_187 = vector.broadcast %jit3A_186 : i32 to vector<16xi32>
    %select_n3A_188 = arith.select %eq3A_185, %scan3A_178#1, %broadcast_in_dim3A_187 : vector<16xi1>, vector<16xi32>
    %reduce_min3A_189 = arith.constant true
    %reduce_min3A_190 = vector.broadcast %reduce_min3A_189 : i1 to vector<16xi1>
    %reduce_min3A_191 = arith.constant -2147483648 : i32
    %reduce_min3A_192 = vector.broadcast %reduce_min3A_191 : i32 to vector<16xi32>
    %reduce_min3A_193 = arith.xori %select_n3A_188, %reduce_min3A_192 : vector<16xi32>
    %reduce_min3A_194 = tpu.scan <min>, %reduce_min3A_193 masked %reduce_min3A_190 : vector<16xi32>, vector<16xi1> -> vector<16xi32>
    %reduce_min3A_195 = arith.xori %reduce_min3A_194, %reduce_min3A_192 : vector<16xi32>
    %reduce_min3A_196 = vector.extract %reduce_min3A_195[15] : i32 from vector<16xi32>
    %eq3A_197 = arith.constant 4 : i32
    %eq3A_198 = vector.broadcast %eq3A_197 : i32 to vector<16xi32>
    %eq3A_199 = arith.cmpi eq, %iota3A, %eq3A_198 : vector<16xi32>
    %broadcast_in_dim3A_200 = vector.broadcast %reduce_max3A_183 : f32 to vector<16xf32>
    %select_n3A_201 = arith.select %eq3A_199, %broadcast_in_dim3A_200, %select_n3A_158 : vector<16xi1>, vector<16xf32>
    %eq3A_202 = arith.constant 4 : i32
    %eq3A_203 = vector.broadcast %eq3A_202 : i32 to vector<16xi32>
    %eq3A_204 = arith.cmpi eq, %iota3A, %eq3A_203 : vector<16xi32>
    %broadcast_in_dim3A_205 = vector.broadcast %reduce_min3A_196 : i32 to vector<16xi32>
    %select_n3A_206 = arith.select %eq3A_204, %broadcast_in_dim3A_205, %select_n3A_163 : vector<16xi1>, vector<16xi32>
    %sub3A_207 = arith.subi %reduce_min3A_196, %mul3A_0 : i32
    %broadcast_in_dim3A_208 = vector.broadcast %sub3A_207 : i32 to vector<16xi32>
    %broadcast_in_dim3A_209 = arith.constant 0xFF800000 : f32
    %broadcast_in_dim3A_210 = vector.broadcast %broadcast_in_dim3A_209 : f32 to vector<16xf32>
    %eq3A_211 = arith.constant 0 : i32
    %eq3A_212 = vector.broadcast %eq3A_211 : i32 to vector<16xi32>
    %eq3A_213 = arith.cmpi eq, %iota3A, %eq3A_212 : vector<16xi32>
    tpu.vector_store_idx %arg5[%broadcast_in_dim3A_208], %broadcast_in_dim3A_210 masked %eq3A_213 : memref<4096xf32, #tpu.memory_space<vmem>>[vector<16xi32>], vector<16xf32>, vector<16xi1>
    %broadcast_in_dim3A_214 = arith.constant 0xFF800000 : f32
    %broadcast_in_dim3A_215 = vector.broadcast %broadcast_in_dim3A_214 : f32 to vector<16xf32>
    %broadcast_in_dim3A_216 = vector.broadcast %mul3A_0 : i32 to vector<16xi32>
    %scan3A_217 = arith.constant 0 : i32
    %scan3A_218 = arith.constant 256 : i32
    %scan3A_219 = arith.addi %scan3A_217, %scan3A_218 : i32
    %scan3A_220 = arith.constant 1 : i32
    %scan3A_221:2 = scf.for %scan3A_911 = %scan3A_217 to %scan3A_219 step %scan3A_220 iter_args(%scan3A_912 = %broadcast_in_dim3A_215, %scan3A_913 = %broadcast_in_dim3A_216) -> (vector<16xf32>, vector<16xi32>)  : i32 {
      %mul3A_914 = arith.constant 16 : i32
      %mul3A_915 = arith.muli %scan3A_911, %mul3A_914 : i32
      %get3A = arith.index_cast %mul3A_915 : i32 to index
      %get3A_916 = tpu.vector_load %arg5[%get3A] {strides = array<i32>} : memref<4096xf32, #tpu.memory_space<vmem>>, vector<16xf32>,
      %mul3A_917 = arith.constant 16 : i32
      %mul3A_918 = arith.muli %scan3A_911, %mul3A_917 : i32
      %add3A_919 = arith.addi %mul3A_0, %mul3A_918 : i32
      %add3A_920 = vector.broadcast %add3A_919 : i32 to vector<16xi32>
      %add3A_921 = arith.addi %add3A_920, %iota3A : vector<16xi32>
      %gt3A = arith.cmpf ogt, %get3A_916, %scan3A_912 : vector<16xf32>
      %select_n3A_922 = arith.select %gt3A, %get3A_916, %scan3A_912 : vector<16xi1>, vector<16xf32>
      %select_n3A_923 = arith.select %gt3A, %add3A_921, %scan3A_913 : vector<16xi1>, vector<16xi32>
      scf.yield %select_n3A_922, %select_n3A_923 : vector<16xf32>, vector<16xi32>
    }
    %scan3A_222 = arith.constant 256 : i32
    %reduce_max3A_223 = arith.constant true
    %reduce_max3A_224 = vector.broadcast %reduce_max3A_223 : i1 to vector<16xi1>
    %reduce_max3A_225 = tpu.scan <max>, %scan3A_221#0 masked %reduce_max3A_224 : vector<16xf32>, vector<16xi1> -> vector<16xf32>
    %reduce_max3A_226 = vector.extract %reduce_max3A_225[15] : f32 from vector<16xf32>
    %eq3A_227 = vector.broadcast %reduce_max3A_226 : f32 to vector<16xf32>
    %eq3A_228 = arith.cmpf oeq, %scan3A_221#0, %eq3A_227 : vector<16xf32>
    %jit3A_229 = arith.constant 2147483647 : i32
    %broadcast_in_dim3A_230 = vector.broadcast %jit3A_229 : i32 to vector<16xi32>
    %select_n3A_231 = arith.select %eq3A_228, %scan3A_221#1, %broadcast_in_dim3A_230 : vector<16xi1>, vector<16xi32>
    %reduce_min3A_232 = arith.constant true
    %reduce_min3A_233 = vector.broadcast %reduce_min3A_232 : i1 to vector<16xi1>
    %reduce_min3A_234 = arith.constant -2147483648 : i32
    %reduce_min3A_235 = vector.broadcast %reduce_min3A_234 : i32 to vector<16xi32>
    %reduce_min3A_236 = arith.xori %select_n3A_231, %reduce_min3A_235 : vector<16xi32>
    %reduce_min3A_237 = tpu.scan <min>, %reduce_min3A_236 masked %reduce_min3A_233 : vector<16xi32>, vector<16xi1> -> vector<16xi32>
    %reduce_min3A_238 = arith.xori %reduce_min3A_237, %reduce_min3A_235 : vector<16xi32>
    %reduce_min3A_239 = vector.extract %reduce_min3A_238[15] : i32 from vector<16xi32>
    %eq3A_240 = arith.constant 5 : i32
    %eq3A_241 = vector.broadcast %eq3A_240 : i32 to vector<16xi32>
    %eq3A_242 = arith.cmpi eq, %iota3A, %eq3A_241 : vector<16xi32>
    %broadcast_in_dim3A_243 = vector.broadcast %reduce_max3A_226 : f32 to vector<16xf32>
    %select_n3A_244 = arith.select %eq3A_242, %broadcast_in_dim3A_243, %select_n3A_201 : vector<16xi1>, vector<16xf32>
    %eq3A_245 = arith.constant 5 : i32
    %eq3A_246 = vector.broadcast %eq3A_245 : i32 to vector<16xi32>
    %eq3A_247 = arith.cmpi eq, %iota3A, %eq3A_246 : vector<16xi32>
    %broadcast_in_dim3A_248 = vector.broadcast %reduce_min3A_239 : i32 to vector<16xi32>
    %select_n3A_249 = arith.select %eq3A_247, %broadcast_in_dim3A_248, %select_n3A_206 : vector<16xi1>, vector<16xi32>
    %sub3A_250 = arith.subi %reduce_min3A_239, %mul3A_0 : i32
    %broadcast_in_dim3A_251 = vector.broadcast %sub3A_250 : i32 to vector<16xi32>
    %broadcast_in_dim3A_252 = arith.constant 0xFF800000 : f32
    %broadcast_in_dim3A_253 = vector.broadcast %broadcast_in_dim3A_252 : f32 to vector<16xf32>
    %eq3A_254 = arith.constant 0 : i32
    %eq3A_255 = vector.broadcast %eq3A_254 : i32 to vector<16xi32>
    %eq3A_256 = arith.cmpi eq, %iota3A, %eq3A_255 : vector<16xi32>
    tpu.vector_store_idx %arg5[%broadcast_in_dim3A_251], %broadcast_in_dim3A_253 masked %eq3A_256 : memref<4096xf32, #tpu.memory_space<vmem>>[vector<16xi32>], vector<16xf32>, vector<16xi1>
    %broadcast_in_dim3A_257 = arith.constant 0xFF800000 : f32
    %broadcast_in_dim3A_258 = vector.broadcast %broadcast_in_dim3A_257 : f32 to vector<16xf32>
    %broadcast_in_dim3A_259 = vector.broadcast %mul3A_0 : i32 to vector<16xi32>
    %scan3A_260 = arith.constant 0 : i32
    %scan3A_261 = arith.constant 256 : i32
    %scan3A_262 = arith.addi %scan3A_260, %scan3A_261 : i32
    %scan3A_263 = arith.constant 1 : i32
    %scan3A_264:2 = scf.for %scan3A_911 = %scan3A_260 to %scan3A_262 step %scan3A_263 iter_args(%scan3A_912 = %broadcast_in_dim3A_258, %scan3A_913 = %broadcast_in_dim3A_259) -> (vector<16xf32>, vector<16xi32>)  : i32 {
      %mul3A_914 = arith.constant 16 : i32
      %mul3A_915 = arith.muli %scan3A_911, %mul3A_914 : i32
      %get3A = arith.index_cast %mul3A_915 : i32 to index
      %get3A_916 = tpu.vector_load %arg5[%get3A] {strides = array<i32>} : memref<4096xf32, #tpu.memory_space<vmem>>, vector<16xf32>,
      %mul3A_917 = arith.constant 16 : i32
      %mul3A_918 = arith.muli %scan3A_911, %mul3A_917 : i32
      %add3A_919 = arith.addi %mul3A_0, %mul3A_918 : i32
      %add3A_920 = vector.broadcast %add3A_919 : i32 to vector<16xi32>
      %add3A_921 = arith.addi %add3A_920, %iota3A : vector<16xi32>
      %gt3A = arith.cmpf ogt, %get3A_916, %scan3A_912 : vector<16xf32>
      %select_n3A_922 = arith.select %gt3A, %get3A_916, %scan3A_912 : vector<16xi1>, vector<16xf32>
      %select_n3A_923 = arith.select %gt3A, %add3A_921, %scan3A_913 : vector<16xi1>, vector<16xi32>
      scf.yield %select_n3A_922, %select_n3A_923 : vector<16xf32>, vector<16xi32>
    }
    %scan3A_265 = arith.constant 256 : i32
    %reduce_max3A_266 = arith.constant true
    %reduce_max3A_267 = vector.broadcast %reduce_max3A_266 : i1 to vector<16xi1>
    %reduce_max3A_268 = tpu.scan <max>, %scan3A_264#0 masked %reduce_max3A_267 : vector<16xf32>, vector<16xi1> -> vector<16xf32>
    %reduce_max3A_269 = vector.extract %reduce_max3A_268[15] : f32 from vector<16xf32>
    %eq3A_270 = vector.broadcast %reduce_max3A_269 : f32 to vector<16xf32>
    %eq3A_271 = arith.cmpf oeq, %scan3A_264#0, %eq3A_270 : vector<16xf32>
    %jit3A_272 = arith.constant 2147483647 : i32
    %broadcast_in_dim3A_273 = vector.broadcast %jit3A_272 : i32 to vector<16xi32>
    %select_n3A_274 = arith.select %eq3A_271, %scan3A_264#1, %broadcast_in_dim3A_273 : vector<16xi1>, vector<16xi32>
    %reduce_min3A_275 = arith.constant true
    %reduce_min3A_276 = vector.broadcast %reduce_min3A_275 : i1 to vector<16xi1>
    %reduce_min3A_277 = arith.constant -2147483648 : i32
    %reduce_min3A_278 = vector.broadcast %reduce_min3A_277 : i32 to vector<16xi32>
    %reduce_min3A_279 = arith.xori %select_n3A_274, %reduce_min3A_278 : vector<16xi32>
    %reduce_min3A_280 = tpu.scan <min>, %reduce_min3A_279 masked %reduce_min3A_276 : vector<16xi32>, vector<16xi1> -> vector<16xi32>
    %reduce_min3A_281 = arith.xori %reduce_min3A_280, %reduce_min3A_278 : vector<16xi32>
    %reduce_min3A_282 = vector.extract %reduce_min3A_281[15] : i32 from vector<16xi32>
    %eq3A_283 = arith.constant 6 : i32
    %eq3A_284 = vector.broadcast %eq3A_283 : i32 to vector<16xi32>
    %eq3A_285 = arith.cmpi eq, %iota3A, %eq3A_284 : vector<16xi32>
    %broadcast_in_dim3A_286 = vector.broadcast %reduce_max3A_269 : f32 to vector<16xf32>
    %select_n3A_287 = arith.select %eq3A_285, %broadcast_in_dim3A_286, %select_n3A_244 : vector<16xi1>, vector<16xf32>
    %eq3A_288 = arith.constant 6 : i32
    %eq3A_289 = vector.broadcast %eq3A_288 : i32 to vector<16xi32>
    %eq3A_290 = arith.cmpi eq, %iota3A, %eq3A_289 : vector<16xi32>
    %broadcast_in_dim3A_291 = vector.broadcast %reduce_min3A_282 : i32 to vector<16xi32>
    %select_n3A_292 = arith.select %eq3A_290, %broadcast_in_dim3A_291, %select_n3A_249 : vector<16xi1>, vector<16xi32>
    %sub3A_293 = arith.subi %reduce_min3A_282, %mul3A_0 : i32
    %broadcast_in_dim3A_294 = vector.broadcast %sub3A_293 : i32 to vector<16xi32>
    %broadcast_in_dim3A_295 = arith.constant 0xFF800000 : f32
    %broadcast_in_dim3A_296 = vector.broadcast %broadcast_in_dim3A_295 : f32 to vector<16xf32>
    %eq3A_297 = arith.constant 0 : i32
    %eq3A_298 = vector.broadcast %eq3A_297 : i32 to vector<16xi32>
    %eq3A_299 = arith.cmpi eq, %iota3A, %eq3A_298 : vector<16xi32>
    tpu.vector_store_idx %arg5[%broadcast_in_dim3A_294], %broadcast_in_dim3A_296 masked %eq3A_299 : memref<4096xf32, #tpu.memory_space<vmem>>[vector<16xi32>], vector<16xf32>, vector<16xi1>
    %broadcast_in_dim3A_300 = arith.constant 0xFF800000 : f32
    %broadcast_in_dim3A_301 = vector.broadcast %broadcast_in_dim3A_300 : f32 to vector<16xf32>
    %broadcast_in_dim3A_302 = vector.broadcast %mul3A_0 : i32 to vector<16xi32>
    %scan3A_303 = arith.constant 0 : i32
    %scan3A_304 = arith.constant 256 : i32
    %scan3A_305 = arith.addi %scan3A_303, %scan3A_304 : i32
    %scan3A_306 = arith.constant 1 : i32
    %scan3A_307:2 = scf.for %scan3A_911 = %scan3A_303 to %scan3A_305 step %scan3A_306 iter_args(%scan3A_912 = %broadcast_in_dim3A_301, %scan3A_913 = %broadcast_in_dim3A_302) -> (vector<16xf32>, vector<16xi32>)  : i32 {
      %mul3A_914 = arith.constant 16 : i32
      %mul3A_915 = arith.muli %scan3A_911, %mul3A_914 : i32
      %get3A = arith.index_cast %mul3A_915 : i32 to index
      %get3A_916 = tpu.vector_load %arg5[%get3A] {strides = array<i32>} : memref<4096xf32, #tpu.memory_space<vmem>>, vector<16xf32>,
      %mul3A_917 = arith.constant 16 : i32
      %mul3A_918 = arith.muli %scan3A_911, %mul3A_917 : i32
      %add3A_919 = arith.addi %mul3A_0, %mul3A_918 : i32
      %add3A_920 = vector.broadcast %add3A_919 : i32 to vector<16xi32>
      %add3A_921 = arith.addi %add3A_920, %iota3A : vector<16xi32>
      %gt3A = arith.cmpf ogt, %get3A_916, %scan3A_912 : vector<16xf32>
      %select_n3A_922 = arith.select %gt3A, %get3A_916, %scan3A_912 : vector<16xi1>, vector<16xf32>
      %select_n3A_923 = arith.select %gt3A, %add3A_921, %scan3A_913 : vector<16xi1>, vector<16xi32>
      scf.yield %select_n3A_922, %select_n3A_923 : vector<16xf32>, vector<16xi32>
    }
    %scan3A_308 = arith.constant 256 : i32
    %reduce_max3A_309 = arith.constant true
    %reduce_max3A_310 = vector.broadcast %reduce_max3A_309 : i1 to vector<16xi1>
    %reduce_max3A_311 = tpu.scan <max>, %scan3A_307#0 masked %reduce_max3A_310 : vector<16xf32>, vector<16xi1> -> vector<16xf32>
    %reduce_max3A_312 = vector.extract %reduce_max3A_311[15] : f32 from vector<16xf32>
    %eq3A_313 = vector.broadcast %reduce_max3A_312 : f32 to vector<16xf32>
    %eq3A_314 = arith.cmpf oeq, %scan3A_307#0, %eq3A_313 : vector<16xf32>
    %jit3A_315 = arith.constant 2147483647 : i32
    %broadcast_in_dim3A_316 = vector.broadcast %jit3A_315 : i32 to vector<16xi32>
    %select_n3A_317 = arith.select %eq3A_314, %scan3A_307#1, %broadcast_in_dim3A_316 : vector<16xi1>, vector<16xi32>
    %reduce_min3A_318 = arith.constant true
    %reduce_min3A_319 = vector.broadcast %reduce_min3A_318 : i1 to vector<16xi1>
    %reduce_min3A_320 = arith.constant -2147483648 : i32
    %reduce_min3A_321 = vector.broadcast %reduce_min3A_320 : i32 to vector<16xi32>
    %reduce_min3A_322 = arith.xori %select_n3A_317, %reduce_min3A_321 : vector<16xi32>
    %reduce_min3A_323 = tpu.scan <min>, %reduce_min3A_322 masked %reduce_min3A_319 : vector<16xi32>, vector<16xi1> -> vector<16xi32>
    %reduce_min3A_324 = arith.xori %reduce_min3A_323, %reduce_min3A_321 : vector<16xi32>
    %reduce_min3A_325 = vector.extract %reduce_min3A_324[15] : i32 from vector<16xi32>
    %eq3A_326 = arith.constant 7 : i32
    %eq3A_327 = vector.broadcast %eq3A_326 : i32 to vector<16xi32>
    %eq3A_328 = arith.cmpi eq, %iota3A, %eq3A_327 : vector<16xi32>
    %broadcast_in_dim3A_329 = vector.broadcast %reduce_max3A_312 : f32 to vector<16xf32>
    %select_n3A_330 = arith.select %eq3A_328, %broadcast_in_dim3A_329, %select_n3A_287 : vector<16xi1>, vector<16xf32>
    %eq3A_331 = arith.constant 7 : i32
    %eq3A_332 = vector.broadcast %eq3A_331 : i32 to vector<16xi32>
    %eq3A_333 = arith.cmpi eq, %iota3A, %eq3A_332 : vector<16xi32>
    %broadcast_in_dim3A_334 = vector.broadcast %reduce_min3A_325 : i32 to vector<16xi32>
    %select_n3A_335 = arith.select %eq3A_333, %broadcast_in_dim3A_334, %select_n3A_292 : vector<16xi1>, vector<16xi32>
    %sub3A_336 = arith.subi %reduce_min3A_325, %mul3A_0 : i32
    %broadcast_in_dim3A_337 = vector.broadcast %sub3A_336 : i32 to vector<16xi32>
    %broadcast_in_dim3A_338 = arith.constant 0xFF800000 : f32
    %broadcast_in_dim3A_339 = vector.broadcast %broadcast_in_dim3A_338 : f32 to vector<16xf32>
    %eq3A_340 = arith.constant 0 : i32
    %eq3A_341 = vector.broadcast %eq3A_340 : i32 to vector<16xi32>
    %eq3A_342 = arith.cmpi eq, %iota3A, %eq3A_341 : vector<16xi32>
    tpu.vector_store_idx %arg5[%broadcast_in_dim3A_337], %broadcast_in_dim3A_339 masked %eq3A_342 : memref<4096xf32, #tpu.memory_space<vmem>>[vector<16xi32>], vector<16xf32>, vector<16xi1>
    %broadcast_in_dim3A_343 = arith.constant 0xFF800000 : f32
    %broadcast_in_dim3A_344 = vector.broadcast %broadcast_in_dim3A_343 : f32 to vector<16xf32>
    %broadcast_in_dim3A_345 = vector.broadcast %mul3A_0 : i32 to vector<16xi32>
    %scan3A_346 = arith.constant 0 : i32
    %scan3A_347 = arith.constant 256 : i32
    %scan3A_348 = arith.addi %scan3A_346, %scan3A_347 : i32
    %scan3A_349 = arith.constant 1 : i32
    %scan3A_350:2 = scf.for %scan3A_911 = %scan3A_346 to %scan3A_348 step %scan3A_349 iter_args(%scan3A_912 = %broadcast_in_dim3A_344, %scan3A_913 = %broadcast_in_dim3A_345) -> (vector<16xf32>, vector<16xi32>)  : i32 {
      %mul3A_914 = arith.constant 16 : i32
      %mul3A_915 = arith.muli %scan3A_911, %mul3A_914 : i32
      %get3A = arith.index_cast %mul3A_915 : i32 to index
      %get3A_916 = tpu.vector_load %arg5[%get3A] {strides = array<i32>} : memref<4096xf32, #tpu.memory_space<vmem>>, vector<16xf32>,
      %mul3A_917 = arith.constant 16 : i32
      %mul3A_918 = arith.muli %scan3A_911, %mul3A_917 : i32
      %add3A_919 = arith.addi %mul3A_0, %mul3A_918 : i32
      %add3A_920 = vector.broadcast %add3A_919 : i32 to vector<16xi32>
      %add3A_921 = arith.addi %add3A_920, %iota3A : vector<16xi32>
      %gt3A = arith.cmpf ogt, %get3A_916, %scan3A_912 : vector<16xf32>
      %select_n3A_922 = arith.select %gt3A, %get3A_916, %scan3A_912 : vector<16xi1>, vector<16xf32>
      %select_n3A_923 = arith.select %gt3A, %add3A_921, %scan3A_913 : vector<16xi1>, vector<16xi32>
      scf.yield %select_n3A_922, %select_n3A_923 : vector<16xf32>, vector<16xi32>
    }
    %scan3A_351 = arith.constant 256 : i32
    %reduce_max3A_352 = arith.constant true
    %reduce_max3A_353 = vector.broadcast %reduce_max3A_352 : i1 to vector<16xi1>
    %reduce_max3A_354 = tpu.scan <max>, %scan3A_350#0 masked %reduce_max3A_353 : vector<16xf32>, vector<16xi1> -> vector<16xf32>
    %reduce_max3A_355 = vector.extract %reduce_max3A_354[15] : f32 from vector<16xf32>
    %eq3A_356 = vector.broadcast %reduce_max3A_355 : f32 to vector<16xf32>
    %eq3A_357 = arith.cmpf oeq, %scan3A_350#0, %eq3A_356 : vector<16xf32>
    %jit3A_358 = arith.constant 2147483647 : i32
    %broadcast_in_dim3A_359 = vector.broadcast %jit3A_358 : i32 to vector<16xi32>
    %select_n3A_360 = arith.select %eq3A_357, %scan3A_350#1, %broadcast_in_dim3A_359 : vector<16xi1>, vector<16xi32>
    %reduce_min3A_361 = arith.constant true
    %reduce_min3A_362 = vector.broadcast %reduce_min3A_361 : i1 to vector<16xi1>
    %reduce_min3A_363 = arith.constant -2147483648 : i32
    %reduce_min3A_364 = vector.broadcast %reduce_min3A_363 : i32 to vector<16xi32>
    %reduce_min3A_365 = arith.xori %select_n3A_360, %reduce_min3A_364 : vector<16xi32>
    %reduce_min3A_366 = tpu.scan <min>, %reduce_min3A_365 masked %reduce_min3A_362 : vector<16xi32>, vector<16xi1> -> vector<16xi32>
    %reduce_min3A_367 = arith.xori %reduce_min3A_366, %reduce_min3A_364 : vector<16xi32>
    %reduce_min3A_368 = vector.extract %reduce_min3A_367[15] : i32 from vector<16xi32>
    %eq3A_369 = arith.constant 8 : i32
    %eq3A_370 = vector.broadcast %eq3A_369 : i32 to vector<16xi32>
    %eq3A_371 = arith.cmpi eq, %iota3A, %eq3A_370 : vector<16xi32>
    %broadcast_in_dim3A_372 = vector.broadcast %reduce_max3A_355 : f32 to vector<16xf32>
    %select_n3A_373 = arith.select %eq3A_371, %broadcast_in_dim3A_372, %select_n3A_330 : vector<16xi1>, vector<16xf32>
    %eq3A_374 = arith.constant 8 : i32
    %eq3A_375 = vector.broadcast %eq3A_374 : i32 to vector<16xi32>
    %eq3A_376 = arith.cmpi eq, %iota3A, %eq3A_375 : vector<16xi32>
    %broadcast_in_dim3A_377 = vector.broadcast %reduce_min3A_368 : i32 to vector<16xi32>
    %select_n3A_378 = arith.select %eq3A_376, %broadcast_in_dim3A_377, %select_n3A_335 : vector<16xi1>, vector<16xi32>
    %sub3A_379 = arith.subi %reduce_min3A_368, %mul3A_0 : i32
    %broadcast_in_dim3A_380 = vector.broadcast %sub3A_379 : i32 to vector<16xi32>
    %broadcast_in_dim3A_381 = arith.constant 0xFF800000 : f32
    %broadcast_in_dim3A_382 = vector.broadcast %broadcast_in_dim3A_381 : f32 to vector<16xf32>
    %eq3A_383 = arith.constant 0 : i32
    %eq3A_384 = vector.broadcast %eq3A_383 : i32 to vector<16xi32>
    %eq3A_385 = arith.cmpi eq, %iota3A, %eq3A_384 : vector<16xi32>
    tpu.vector_store_idx %arg5[%broadcast_in_dim3A_380], %broadcast_in_dim3A_382 masked %eq3A_385 : memref<4096xf32, #tpu.memory_space<vmem>>[vector<16xi32>], vector<16xf32>, vector<16xi1>
    %broadcast_in_dim3A_386 = arith.constant 0xFF800000 : f32
    %broadcast_in_dim3A_387 = vector.broadcast %broadcast_in_dim3A_386 : f32 to vector<16xf32>
    %broadcast_in_dim3A_388 = vector.broadcast %mul3A_0 : i32 to vector<16xi32>
    %scan3A_389 = arith.constant 0 : i32
    %scan3A_390 = arith.constant 256 : i32
    %scan3A_391 = arith.addi %scan3A_389, %scan3A_390 : i32
    %scan3A_392 = arith.constant 1 : i32
    %scan3A_393:2 = scf.for %scan3A_911 = %scan3A_389 to %scan3A_391 step %scan3A_392 iter_args(%scan3A_912 = %broadcast_in_dim3A_387, %scan3A_913 = %broadcast_in_dim3A_388) -> (vector<16xf32>, vector<16xi32>)  : i32 {
      %mul3A_914 = arith.constant 16 : i32
      %mul3A_915 = arith.muli %scan3A_911, %mul3A_914 : i32
      %get3A = arith.index_cast %mul3A_915 : i32 to index
      %get3A_916 = tpu.vector_load %arg5[%get3A] {strides = array<i32>} : memref<4096xf32, #tpu.memory_space<vmem>>, vector<16xf32>,
      %mul3A_917 = arith.constant 16 : i32
      %mul3A_918 = arith.muli %scan3A_911, %mul3A_917 : i32
      %add3A_919 = arith.addi %mul3A_0, %mul3A_918 : i32
      %add3A_920 = vector.broadcast %add3A_919 : i32 to vector<16xi32>
      %add3A_921 = arith.addi %add3A_920, %iota3A : vector<16xi32>
      %gt3A = arith.cmpf ogt, %get3A_916, %scan3A_912 : vector<16xf32>
      %select_n3A_922 = arith.select %gt3A, %get3A_916, %scan3A_912 : vector<16xi1>, vector<16xf32>
      %select_n3A_923 = arith.select %gt3A, %add3A_921, %scan3A_913 : vector<16xi1>, vector<16xi32>
      scf.yield %select_n3A_922, %select_n3A_923 : vector<16xf32>, vector<16xi32>
    }
    %scan3A_394 = arith.constant 256 : i32
    %reduce_max3A_395 = arith.constant true
    %reduce_max3A_396 = vector.broadcast %reduce_max3A_395 : i1 to vector<16xi1>
    %reduce_max3A_397 = tpu.scan <max>, %scan3A_393#0 masked %reduce_max3A_396 : vector<16xf32>, vector<16xi1> -> vector<16xf32>
    %reduce_max3A_398 = vector.extract %reduce_max3A_397[15] : f32 from vector<16xf32>
    %eq3A_399 = vector.broadcast %reduce_max3A_398 : f32 to vector<16xf32>
    %eq3A_400 = arith.cmpf oeq, %scan3A_393#0, %eq3A_399 : vector<16xf32>
    %jit3A_401 = arith.constant 2147483647 : i32
    %broadcast_in_dim3A_402 = vector.broadcast %jit3A_401 : i32 to vector<16xi32>
    %select_n3A_403 = arith.select %eq3A_400, %scan3A_393#1, %broadcast_in_dim3A_402 : vector<16xi1>, vector<16xi32>
    %reduce_min3A_404 = arith.constant true
    %reduce_min3A_405 = vector.broadcast %reduce_min3A_404 : i1 to vector<16xi1>
    %reduce_min3A_406 = arith.constant -2147483648 : i32
    %reduce_min3A_407 = vector.broadcast %reduce_min3A_406 : i32 to vector<16xi32>
    %reduce_min3A_408 = arith.xori %select_n3A_403, %reduce_min3A_407 : vector<16xi32>
    %reduce_min3A_409 = tpu.scan <min>, %reduce_min3A_408 masked %reduce_min3A_405 : vector<16xi32>, vector<16xi1> -> vector<16xi32>
    %reduce_min3A_410 = arith.xori %reduce_min3A_409, %reduce_min3A_407 : vector<16xi32>
    %reduce_min3A_411 = vector.extract %reduce_min3A_410[15] : i32 from vector<16xi32>
    %eq3A_412 = arith.constant 9 : i32
    %eq3A_413 = vector.broadcast %eq3A_412 : i32 to vector<16xi32>
    %eq3A_414 = arith.cmpi eq, %iota3A, %eq3A_413 : vector<16xi32>
    %broadcast_in_dim3A_415 = vector.broadcast %reduce_max3A_398 : f32 to vector<16xf32>
    %select_n3A_416 = arith.select %eq3A_414, %broadcast_in_dim3A_415, %select_n3A_373 : vector<16xi1>, vector<16xf32>
    %eq3A_417 = arith.constant 9 : i32
    %eq3A_418 = vector.broadcast %eq3A_417 : i32 to vector<16xi32>
    %eq3A_419 = arith.cmpi eq, %iota3A, %eq3A_418 : vector<16xi32>
    %broadcast_in_dim3A_420 = vector.broadcast %reduce_min3A_411 : i32 to vector<16xi32>
    %select_n3A_421 = arith.select %eq3A_419, %broadcast_in_dim3A_420, %select_n3A_378 : vector<16xi1>, vector<16xi32>
    %sub3A_422 = arith.subi %reduce_min3A_411, %mul3A_0 : i32
    %broadcast_in_dim3A_423 = vector.broadcast %sub3A_422 : i32 to vector<16xi32>
    %broadcast_in_dim3A_424 = arith.constant 0xFF800000 : f32
    %broadcast_in_dim3A_425 = vector.broadcast %broadcast_in_dim3A_424 : f32 to vector<16xf32>
    %eq3A_426 = arith.constant 0 : i32
    %eq3A_427 = vector.broadcast %eq3A_426 : i32 to vector<16xi32>
    %eq3A_428 = arith.cmpi eq, %iota3A, %eq3A_427 : vector<16xi32>
    tpu.vector_store_idx %arg5[%broadcast_in_dim3A_423], %broadcast_in_dim3A_425 masked %eq3A_428 : memref<4096xf32, #tpu.memory_space<vmem>>[vector<16xi32>], vector<16xf32>, vector<16xi1>
    %broadcast_in_dim3A_429 = arith.constant 0xFF800000 : f32
    %broadcast_in_dim3A_430 = vector.broadcast %broadcast_in_dim3A_429 : f32 to vector<16xf32>
    %broadcast_in_dim3A_431 = vector.broadcast %mul3A_0 : i32 to vector<16xi32>
    %scan3A_432 = arith.constant 0 : i32
    %scan3A_433 = arith.constant 256 : i32
    %scan3A_434 = arith.addi %scan3A_432, %scan3A_433 : i32
    %scan3A_435 = arith.constant 1 : i32
    %scan3A_436:2 = scf.for %scan3A_911 = %scan3A_432 to %scan3A_434 step %scan3A_435 iter_args(%scan3A_912 = %broadcast_in_dim3A_430, %scan3A_913 = %broadcast_in_dim3A_431) -> (vector<16xf32>, vector<16xi32>)  : i32 {
      %mul3A_914 = arith.constant 16 : i32
      %mul3A_915 = arith.muli %scan3A_911, %mul3A_914 : i32
      %get3A = arith.index_cast %mul3A_915 : i32 to index
      %get3A_916 = tpu.vector_load %arg5[%get3A] {strides = array<i32>} : memref<4096xf32, #tpu.memory_space<vmem>>, vector<16xf32>,
      %mul3A_917 = arith.constant 16 : i32
      %mul3A_918 = arith.muli %scan3A_911, %mul3A_917 : i32
      %add3A_919 = arith.addi %mul3A_0, %mul3A_918 : i32
      %add3A_920 = vector.broadcast %add3A_919 : i32 to vector<16xi32>
      %add3A_921 = arith.addi %add3A_920, %iota3A : vector<16xi32>
      %gt3A = arith.cmpf ogt, %get3A_916, %scan3A_912 : vector<16xf32>
      %select_n3A_922 = arith.select %gt3A, %get3A_916, %scan3A_912 : vector<16xi1>, vector<16xf32>
      %select_n3A_923 = arith.select %gt3A, %add3A_921, %scan3A_913 : vector<16xi1>, vector<16xi32>
      scf.yield %select_n3A_922, %select_n3A_923 : vector<16xf32>, vector<16xi32>
    }
    %scan3A_437 = arith.constant 256 : i32
    %reduce_max3A_438 = arith.constant true
    %reduce_max3A_439 = vector.broadcast %reduce_max3A_438 : i1 to vector<16xi1>
    %reduce_max3A_440 = tpu.scan <max>, %scan3A_436#0 masked %reduce_max3A_439 : vector<16xf32>, vector<16xi1> -> vector<16xf32>
    %reduce_max3A_441 = vector.extract %reduce_max3A_440[15] : f32 from vector<16xf32>
    %eq3A_442 = vector.broadcast %reduce_max3A_441 : f32 to vector<16xf32>
    %eq3A_443 = arith.cmpf oeq, %scan3A_436#0, %eq3A_442 : vector<16xf32>
    %jit3A_444 = arith.constant 2147483647 : i32
    %broadcast_in_dim3A_445 = vector.broadcast %jit3A_444 : i32 to vector<16xi32>
    %select_n3A_446 = arith.select %eq3A_443, %scan3A_436#1, %broadcast_in_dim3A_445 : vector<16xi1>, vector<16xi32>
    %reduce_min3A_447 = arith.constant true
    %reduce_min3A_448 = vector.broadcast %reduce_min3A_447 : i1 to vector<16xi1>
    %reduce_min3A_449 = arith.constant -2147483648 : i32
    %reduce_min3A_450 = vector.broadcast %reduce_min3A_449 : i32 to vector<16xi32>
    %reduce_min3A_451 = arith.xori %select_n3A_446, %reduce_min3A_450 : vector<16xi32>
    %reduce_min3A_452 = tpu.scan <min>, %reduce_min3A_451 masked %reduce_min3A_448 : vector<16xi32>, vector<16xi1> -> vector<16xi32>
    %reduce_min3A_453 = arith.xori %reduce_min3A_452, %reduce_min3A_450 : vector<16xi32>
    %reduce_min3A_454 = vector.extract %reduce_min3A_453[15] : i32 from vector<16xi32>
    %eq3A_455 = arith.constant 10 : i32
    %eq3A_456 = vector.broadcast %eq3A_455 : i32 to vector<16xi32>
    %eq3A_457 = arith.cmpi eq, %iota3A, %eq3A_456 : vector<16xi32>
    %broadcast_in_dim3A_458 = vector.broadcast %reduce_max3A_441 : f32 to vector<16xf32>
    %select_n3A_459 = arith.select %eq3A_457, %broadcast_in_dim3A_458, %select_n3A_416 : vector<16xi1>, vector<16xf32>
    %eq3A_460 = arith.constant 10 : i32
    %eq3A_461 = vector.broadcast %eq3A_460 : i32 to vector<16xi32>
    %eq3A_462 = arith.cmpi eq, %iota3A, %eq3A_461 : vector<16xi32>
    %broadcast_in_dim3A_463 = vector.broadcast %reduce_min3A_454 : i32 to vector<16xi32>
    %select_n3A_464 = arith.select %eq3A_462, %broadcast_in_dim3A_463, %select_n3A_421 : vector<16xi1>, vector<16xi32>
    %sub3A_465 = arith.subi %reduce_min3A_454, %mul3A_0 : i32
    %broadcast_in_dim3A_466 = vector.broadcast %sub3A_465 : i32 to vector<16xi32>
    %broadcast_in_dim3A_467 = arith.constant 0xFF800000 : f32
    %broadcast_in_dim3A_468 = vector.broadcast %broadcast_in_dim3A_467 : f32 to vector<16xf32>
    %eq3A_469 = arith.constant 0 : i32
    %eq3A_470 = vector.broadcast %eq3A_469 : i32 to vector<16xi32>
    %eq3A_471 = arith.cmpi eq, %iota3A, %eq3A_470 : vector<16xi32>
    tpu.vector_store_idx %arg5[%broadcast_in_dim3A_466], %broadcast_in_dim3A_468 masked %eq3A_471 : memref<4096xf32, #tpu.memory_space<vmem>>[vector<16xi32>], vector<16xf32>, vector<16xi1>
    %broadcast_in_dim3A_472 = arith.constant 0xFF800000 : f32
    %broadcast_in_dim3A_473 = vector.broadcast %broadcast_in_dim3A_472 : f32 to vector<16xf32>
    %broadcast_in_dim3A_474 = vector.broadcast %mul3A_0 : i32 to vector<16xi32>
    %scan3A_475 = arith.constant 0 : i32
    %scan3A_476 = arith.constant 256 : i32
    %scan3A_477 = arith.addi %scan3A_475, %scan3A_476 : i32
    %scan3A_478 = arith.constant 1 : i32
    %scan3A_479:2 = scf.for %scan3A_911 = %scan3A_475 to %scan3A_477 step %scan3A_478 iter_args(%scan3A_912 = %broadcast_in_dim3A_473, %scan3A_913 = %broadcast_in_dim3A_474) -> (vector<16xf32>, vector<16xi32>)  : i32 {
      %mul3A_914 = arith.constant 16 : i32
      %mul3A_915 = arith.muli %scan3A_911, %mul3A_914 : i32
      %get3A = arith.index_cast %mul3A_915 : i32 to index
      %get3A_916 = tpu.vector_load %arg5[%get3A] {strides = array<i32>} : memref<4096xf32, #tpu.memory_space<vmem>>, vector<16xf32>,
      %mul3A_917 = arith.constant 16 : i32
      %mul3A_918 = arith.muli %scan3A_911, %mul3A_917 : i32
      %add3A_919 = arith.addi %mul3A_0, %mul3A_918 : i32
      %add3A_920 = vector.broadcast %add3A_919 : i32 to vector<16xi32>
      %add3A_921 = arith.addi %add3A_920, %iota3A : vector<16xi32>
      %gt3A = arith.cmpf ogt, %get3A_916, %scan3A_912 : vector<16xf32>
      %select_n3A_922 = arith.select %gt3A, %get3A_916, %scan3A_912 : vector<16xi1>, vector<16xf32>
      %select_n3A_923 = arith.select %gt3A, %add3A_921, %scan3A_913 : vector<16xi1>, vector<16xi32>
      scf.yield %select_n3A_922, %select_n3A_923 : vector<16xf32>, vector<16xi32>
    }
    %scan3A_480 = arith.constant 256 : i32
    %reduce_max3A_481 = arith.constant true
    %reduce_max3A_482 = vector.broadcast %reduce_max3A_481 : i1 to vector<16xi1>
    %reduce_max3A_483 = tpu.scan <max>, %scan3A_479#0 masked %reduce_max3A_482 : vector<16xf32>, vector<16xi1> -> vector<16xf32>
    %reduce_max3A_484 = vector.extract %reduce_max3A_483[15] : f32 from vector<16xf32>
    %eq3A_485 = vector.broadcast %reduce_max3A_484 : f32 to vector<16xf32>
    %eq3A_486 = arith.cmpf oeq, %scan3A_479#0, %eq3A_485 : vector<16xf32>
    %jit3A_487 = arith.constant 2147483647 : i32
    %broadcast_in_dim3A_488 = vector.broadcast %jit3A_487 : i32 to vector<16xi32>
    %select_n3A_489 = arith.select %eq3A_486, %scan3A_479#1, %broadcast_in_dim3A_488 : vector<16xi1>, vector<16xi32>
    %reduce_min3A_490 = arith.constant true
    %reduce_min3A_491 = vector.broadcast %reduce_min3A_490 : i1 to vector<16xi1>
    %reduce_min3A_492 = arith.constant -2147483648 : i32
    %reduce_min3A_493 = vector.broadcast %reduce_min3A_492 : i32 to vector<16xi32>
    %reduce_min3A_494 = arith.xori %select_n3A_489, %reduce_min3A_493 : vector<16xi32>
    %reduce_min3A_495 = tpu.scan <min>, %reduce_min3A_494 masked %reduce_min3A_491 : vector<16xi32>, vector<16xi1> -> vector<16xi32>
    %reduce_min3A_496 = arith.xori %reduce_min3A_495, %reduce_min3A_493 : vector<16xi32>
    %reduce_min3A_497 = vector.extract %reduce_min3A_496[15] : i32 from vector<16xi32>
    %eq3A_498 = arith.constant 11 : i32
    %eq3A_499 = vector.broadcast %eq3A_498 : i32 to vector<16xi32>
    %eq3A_500 = arith.cmpi eq, %iota3A, %eq3A_499 : vector<16xi32>
    %broadcast_in_dim3A_501 = vector.broadcast %reduce_max3A_484 : f32 to vector<16xf32>
    %select_n3A_502 = arith.select %eq3A_500, %broadcast_in_dim3A_501, %select_n3A_459 : vector<16xi1>, vector<16xf32>
    %eq3A_503 = arith.constant 11 : i32
    %eq3A_504 = vector.broadcast %eq3A_503 : i32 to vector<16xi32>
    %eq3A_505 = arith.cmpi eq, %iota3A, %eq3A_504 : vector<16xi32>
    %broadcast_in_dim3A_506 = vector.broadcast %reduce_min3A_497 : i32 to vector<16xi32>
    %select_n3A_507 = arith.select %eq3A_505, %broadcast_in_dim3A_506, %select_n3A_464 : vector<16xi1>, vector<16xi32>
    %sub3A_508 = arith.subi %reduce_min3A_497, %mul3A_0 : i32
    %broadcast_in_dim3A_509 = vector.broadcast %sub3A_508 : i32 to vector<16xi32>
    %broadcast_in_dim3A_510 = arith.constant 0xFF800000 : f32
    %broadcast_in_dim3A_511 = vector.broadcast %broadcast_in_dim3A_510 : f32 to vector<16xf32>
    %eq3A_512 = arith.constant 0 : i32
    %eq3A_513 = vector.broadcast %eq3A_512 : i32 to vector<16xi32>
    %eq3A_514 = arith.cmpi eq, %iota3A, %eq3A_513 : vector<16xi32>
    tpu.vector_store_idx %arg5[%broadcast_in_dim3A_509], %broadcast_in_dim3A_511 masked %eq3A_514 : memref<4096xf32, #tpu.memory_space<vmem>>[vector<16xi32>], vector<16xf32>, vector<16xi1>
    %broadcast_in_dim3A_515 = arith.constant 0xFF800000 : f32
    %broadcast_in_dim3A_516 = vector.broadcast %broadcast_in_dim3A_515 : f32 to vector<16xf32>
    %broadcast_in_dim3A_517 = vector.broadcast %mul3A_0 : i32 to vector<16xi32>
    %scan3A_518 = arith.constant 0 : i32
    %scan3A_519 = arith.constant 256 : i32
    %scan3A_520 = arith.addi %scan3A_518, %scan3A_519 : i32
    %scan3A_521 = arith.constant 1 : i32
    %scan3A_522:2 = scf.for %scan3A_911 = %scan3A_518 to %scan3A_520 step %scan3A_521 iter_args(%scan3A_912 = %broadcast_in_dim3A_516, %scan3A_913 = %broadcast_in_dim3A_517) -> (vector<16xf32>, vector<16xi32>)  : i32 {
      %mul3A_914 = arith.constant 16 : i32
      %mul3A_915 = arith.muli %scan3A_911, %mul3A_914 : i32
      %get3A = arith.index_cast %mul3A_915 : i32 to index
      %get3A_916 = tpu.vector_load %arg5[%get3A] {strides = array<i32>} : memref<4096xf32, #tpu.memory_space<vmem>>, vector<16xf32>,
      %mul3A_917 = arith.constant 16 : i32
      %mul3A_918 = arith.muli %scan3A_911, %mul3A_917 : i32
      %add3A_919 = arith.addi %mul3A_0, %mul3A_918 : i32
      %add3A_920 = vector.broadcast %add3A_919 : i32 to vector<16xi32>
      %add3A_921 = arith.addi %add3A_920, %iota3A : vector<16xi32>
      %gt3A = arith.cmpf ogt, %get3A_916, %scan3A_912 : vector<16xf32>
      %select_n3A_922 = arith.select %gt3A, %get3A_916, %scan3A_912 : vector<16xi1>, vector<16xf32>
      %select_n3A_923 = arith.select %gt3A, %add3A_921, %scan3A_913 : vector<16xi1>, vector<16xi32>
      scf.yield %select_n3A_922, %select_n3A_923 : vector<16xf32>, vector<16xi32>
    }
    %scan3A_523 = arith.constant 256 : i32
    %reduce_max3A_524 = arith.constant true
    %reduce_max3A_525 = vector.broadcast %reduce_max3A_524 : i1 to vector<16xi1>
    %reduce_max3A_526 = tpu.scan <max>, %scan3A_522#0 masked %reduce_max3A_525 : vector<16xf32>, vector<16xi1> -> vector<16xf32>
    %reduce_max3A_527 = vector.extract %reduce_max3A_526[15] : f32 from vector<16xf32>
    %eq3A_528 = vector.broadcast %reduce_max3A_527 : f32 to vector<16xf32>
    %eq3A_529 = arith.cmpf oeq, %scan3A_522#0, %eq3A_528 : vector<16xf32>
    %jit3A_530 = arith.constant 2147483647 : i32
    %broadcast_in_dim3A_531 = vector.broadcast %jit3A_530 : i32 to vector<16xi32>
    %select_n3A_532 = arith.select %eq3A_529, %scan3A_522#1, %broadcast_in_dim3A_531 : vector<16xi1>, vector<16xi32>
    %reduce_min3A_533 = arith.constant true
    %reduce_min3A_534 = vector.broadcast %reduce_min3A_533 : i1 to vector<16xi1>
    %reduce_min3A_535 = arith.constant -2147483648 : i32
    %reduce_min3A_536 = vector.broadcast %reduce_min3A_535 : i32 to vector<16xi32>
    %reduce_min3A_537 = arith.xori %select_n3A_532, %reduce_min3A_536 : vector<16xi32>
    %reduce_min3A_538 = tpu.scan <min>, %reduce_min3A_537 masked %reduce_min3A_534 : vector<16xi32>, vector<16xi1> -> vector<16xi32>
    %reduce_min3A_539 = arith.xori %reduce_min3A_538, %reduce_min3A_536 : vector<16xi32>
    %reduce_min3A_540 = vector.extract %reduce_min3A_539[15] : i32 from vector<16xi32>
    %eq3A_541 = arith.constant 12 : i32
    %eq3A_542 = vector.broadcast %eq3A_541 : i32 to vector<16xi32>
    %eq3A_543 = arith.cmpi eq, %iota3A, %eq3A_542 : vector<16xi32>
    %broadcast_in_dim3A_544 = vector.broadcast %reduce_max3A_527 : f32 to vector<16xf32>
    %select_n3A_545 = arith.select %eq3A_543, %broadcast_in_dim3A_544, %select_n3A_502 : vector<16xi1>, vector<16xf32>
    %eq3A_546 = arith.constant 12 : i32
    %eq3A_547 = vector.broadcast %eq3A_546 : i32 to vector<16xi32>
    %eq3A_548 = arith.cmpi eq, %iota3A, %eq3A_547 : vector<16xi32>
    %broadcast_in_dim3A_549 = vector.broadcast %reduce_min3A_540 : i32 to vector<16xi32>
    %select_n3A_550 = arith.select %eq3A_548, %broadcast_in_dim3A_549, %select_n3A_507 : vector<16xi1>, vector<16xi32>
    %sub3A_551 = arith.subi %reduce_min3A_540, %mul3A_0 : i32
    %broadcast_in_dim3A_552 = vector.broadcast %sub3A_551 : i32 to vector<16xi32>
    %broadcast_in_dim3A_553 = arith.constant 0xFF800000 : f32
    %broadcast_in_dim3A_554 = vector.broadcast %broadcast_in_dim3A_553 : f32 to vector<16xf32>
    %eq3A_555 = arith.constant 0 : i32
    %eq3A_556 = vector.broadcast %eq3A_555 : i32 to vector<16xi32>
    %eq3A_557 = arith.cmpi eq, %iota3A, %eq3A_556 : vector<16xi32>
    tpu.vector_store_idx %arg5[%broadcast_in_dim3A_552], %broadcast_in_dim3A_554 masked %eq3A_557 : memref<4096xf32, #tpu.memory_space<vmem>>[vector<16xi32>], vector<16xf32>, vector<16xi1>
    %broadcast_in_dim3A_558 = arith.constant 0xFF800000 : f32
    %broadcast_in_dim3A_559 = vector.broadcast %broadcast_in_dim3A_558 : f32 to vector<16xf32>
    %broadcast_in_dim3A_560 = vector.broadcast %mul3A_0 : i32 to vector<16xi32>
    %scan3A_561 = arith.constant 0 : i32
    %scan3A_562 = arith.constant 256 : i32
    %scan3A_563 = arith.addi %scan3A_561, %scan3A_562 : i32
    %scan3A_564 = arith.constant 1 : i32
    %scan3A_565:2 = scf.for %scan3A_911 = %scan3A_561 to %scan3A_563 step %scan3A_564 iter_args(%scan3A_912 = %broadcast_in_dim3A_559, %scan3A_913 = %broadcast_in_dim3A_560) -> (vector<16xf32>, vector<16xi32>)  : i32 {
      %mul3A_914 = arith.constant 16 : i32
      %mul3A_915 = arith.muli %scan3A_911, %mul3A_914 : i32
      %get3A = arith.index_cast %mul3A_915 : i32 to index
      %get3A_916 = tpu.vector_load %arg5[%get3A] {strides = array<i32>} : memref<4096xf32, #tpu.memory_space<vmem>>, vector<16xf32>,
      %mul3A_917 = arith.constant 16 : i32
      %mul3A_918 = arith.muli %scan3A_911, %mul3A_917 : i32
      %add3A_919 = arith.addi %mul3A_0, %mul3A_918 : i32
      %add3A_920 = vector.broadcast %add3A_919 : i32 to vector<16xi32>
      %add3A_921 = arith.addi %add3A_920, %iota3A : vector<16xi32>
      %gt3A = arith.cmpf ogt, %get3A_916, %scan3A_912 : vector<16xf32>
      %select_n3A_922 = arith.select %gt3A, %get3A_916, %scan3A_912 : vector<16xi1>, vector<16xf32>
      %select_n3A_923 = arith.select %gt3A, %add3A_921, %scan3A_913 : vector<16xi1>, vector<16xi32>
      scf.yield %select_n3A_922, %select_n3A_923 : vector<16xf32>, vector<16xi32>
    }
    %scan3A_566 = arith.constant 256 : i32
    %reduce_max3A_567 = arith.constant true
    %reduce_max3A_568 = vector.broadcast %reduce_max3A_567 : i1 to vector<16xi1>
    %reduce_max3A_569 = tpu.scan <max>, %scan3A_565#0 masked %reduce_max3A_568 : vector<16xf32>, vector<16xi1> -> vector<16xf32>
    %reduce_max3A_570 = vector.extract %reduce_max3A_569[15] : f32 from vector<16xf32>
    %eq3A_571 = vector.broadcast %reduce_max3A_570 : f32 to vector<16xf32>
    %eq3A_572 = arith.cmpf oeq, %scan3A_565#0, %eq3A_571 : vector<16xf32>
    %jit3A_573 = arith.constant 2147483647 : i32
    %broadcast_in_dim3A_574 = vector.broadcast %jit3A_573 : i32 to vector<16xi32>
    %select_n3A_575 = arith.select %eq3A_572, %scan3A_565#1, %broadcast_in_dim3A_574 : vector<16xi1>, vector<16xi32>
    %reduce_min3A_576 = arith.constant true
    %reduce_min3A_577 = vector.broadcast %reduce_min3A_576 : i1 to vector<16xi1>
    %reduce_min3A_578 = arith.constant -2147483648 : i32
    %reduce_min3A_579 = vector.broadcast %reduce_min3A_578 : i32 to vector<16xi32>
    %reduce_min3A_580 = arith.xori %select_n3A_575, %reduce_min3A_579 : vector<16xi32>
    %reduce_min3A_581 = tpu.scan <min>, %reduce_min3A_580 masked %reduce_min3A_577 : vector<16xi32>, vector<16xi1> -> vector<16xi32>
    %reduce_min3A_582 = arith.xori %reduce_min3A_581, %reduce_min3A_579 : vector<16xi32>
    %reduce_min3A_583 = vector.extract %reduce_min3A_582[15] : i32 from vector<16xi32>
    %eq3A_584 = arith.constant 13 : i32
    %eq3A_585 = vector.broadcast %eq3A_584 : i32 to vector<16xi32>
    %eq3A_586 = arith.cmpi eq, %iota3A, %eq3A_585 : vector<16xi32>
    %broadcast_in_dim3A_587 = vector.broadcast %reduce_max3A_570 : f32 to vector<16xf32>
    %select_n3A_588 = arith.select %eq3A_586, %broadcast_in_dim3A_587, %select_n3A_545 : vector<16xi1>, vector<16xf32>
    %eq3A_589 = arith.constant 13 : i32
    %eq3A_590 = vector.broadcast %eq3A_589 : i32 to vector<16xi32>
    %eq3A_591 = arith.cmpi eq, %iota3A, %eq3A_590 : vector<16xi32>
    %broadcast_in_dim3A_592 = vector.broadcast %reduce_min3A_583 : i32 to vector<16xi32>
    %select_n3A_593 = arith.select %eq3A_591, %broadcast_in_dim3A_592, %select_n3A_550 : vector<16xi1>, vector<16xi32>
    %sub3A_594 = arith.subi %reduce_min3A_583, %mul3A_0 : i32
    %broadcast_in_dim3A_595 = vector.broadcast %sub3A_594 : i32 to vector<16xi32>
    %broadcast_in_dim3A_596 = arith.constant 0xFF800000 : f32
    %broadcast_in_dim3A_597 = vector.broadcast %broadcast_in_dim3A_596 : f32 to vector<16xf32>
    %eq3A_598 = arith.constant 0 : i32
    %eq3A_599 = vector.broadcast %eq3A_598 : i32 to vector<16xi32>
    %eq3A_600 = arith.cmpi eq, %iota3A, %eq3A_599 : vector<16xi32>
    tpu.vector_store_idx %arg5[%broadcast_in_dim3A_595], %broadcast_in_dim3A_597 masked %eq3A_600 : memref<4096xf32, #tpu.memory_space<vmem>>[vector<16xi32>], vector<16xf32>, vector<16xi1>
    %broadcast_in_dim3A_601 = arith.constant 0xFF800000 : f32
    %broadcast_in_dim3A_602 = vector.broadcast %broadcast_in_dim3A_601 : f32 to vector<16xf32>
    %broadcast_in_dim3A_603 = vector.broadcast %mul3A_0 : i32 to vector<16xi32>
    %scan3A_604 = arith.constant 0 : i32
    %scan3A_605 = arith.constant 256 : i32
    %scan3A_606 = arith.addi %scan3A_604, %scan3A_605 : i32
    %scan3A_607 = arith.constant 1 : i32
    %scan3A_608:2 = scf.for %scan3A_911 = %scan3A_604 to %scan3A_606 step %scan3A_607 iter_args(%scan3A_912 = %broadcast_in_dim3A_602, %scan3A_913 = %broadcast_in_dim3A_603) -> (vector<16xf32>, vector<16xi32>)  : i32 {
      %mul3A_914 = arith.constant 16 : i32
      %mul3A_915 = arith.muli %scan3A_911, %mul3A_914 : i32
      %get3A = arith.index_cast %mul3A_915 : i32 to index
      %get3A_916 = tpu.vector_load %arg5[%get3A] {strides = array<i32>} : memref<4096xf32, #tpu.memory_space<vmem>>, vector<16xf32>,
      %mul3A_917 = arith.constant 16 : i32
      %mul3A_918 = arith.muli %scan3A_911, %mul3A_917 : i32
      %add3A_919 = arith.addi %mul3A_0, %mul3A_918 : i32
      %add3A_920 = vector.broadcast %add3A_919 : i32 to vector<16xi32>
      %add3A_921 = arith.addi %add3A_920, %iota3A : vector<16xi32>
      %gt3A = arith.cmpf ogt, %get3A_916, %scan3A_912 : vector<16xf32>
      %select_n3A_922 = arith.select %gt3A, %get3A_916, %scan3A_912 : vector<16xi1>, vector<16xf32>
      %select_n3A_923 = arith.select %gt3A, %add3A_921, %scan3A_913 : vector<16xi1>, vector<16xi32>
      scf.yield %select_n3A_922, %select_n3A_923 : vector<16xf32>, vector<16xi32>
    }
    %scan3A_609 = arith.constant 256 : i32
    %reduce_max3A_610 = arith.constant true
    %reduce_max3A_611 = vector.broadcast %reduce_max3A_610 : i1 to vector<16xi1>
    %reduce_max3A_612 = tpu.scan <max>, %scan3A_608#0 masked %reduce_max3A_611 : vector<16xf32>, vector<16xi1> -> vector<16xf32>
    %reduce_max3A_613 = vector.extract %reduce_max3A_612[15] : f32 from vector<16xf32>
    %eq3A_614 = vector.broadcast %reduce_max3A_613 : f32 to vector<16xf32>
    %eq3A_615 = arith.cmpf oeq, %scan3A_608#0, %eq3A_614 : vector<16xf32>
    %jit3A_616 = arith.constant 2147483647 : i32
    %broadcast_in_dim3A_617 = vector.broadcast %jit3A_616 : i32 to vector<16xi32>
    %select_n3A_618 = arith.select %eq3A_615, %scan3A_608#1, %broadcast_in_dim3A_617 : vector<16xi1>, vector<16xi32>
    %reduce_min3A_619 = arith.constant true
    %reduce_min3A_620 = vector.broadcast %reduce_min3A_619 : i1 to vector<16xi1>
    %reduce_min3A_621 = arith.constant -2147483648 : i32
    %reduce_min3A_622 = vector.broadcast %reduce_min3A_621 : i32 to vector<16xi32>
    %reduce_min3A_623 = arith.xori %select_n3A_618, %reduce_min3A_622 : vector<16xi32>
    %reduce_min3A_624 = tpu.scan <min>, %reduce_min3A_623 masked %reduce_min3A_620 : vector<16xi32>, vector<16xi1> -> vector<16xi32>
    %reduce_min3A_625 = arith.xori %reduce_min3A_624, %reduce_min3A_622 : vector<16xi32>
    %reduce_min3A_626 = vector.extract %reduce_min3A_625[15] : i32 from vector<16xi32>
    %eq3A_627 = arith.constant 14 : i32
    %eq3A_628 = vector.broadcast %eq3A_627 : i32 to vector<16xi32>
    %eq3A_629 = arith.cmpi eq, %iota3A, %eq3A_628 : vector<16xi32>
    %broadcast_in_dim3A_630 = vector.broadcast %reduce_max3A_613 : f32 to vector<16xf32>
    %select_n3A_631 = arith.select %eq3A_629, %broadcast_in_dim3A_630, %select_n3A_588 : vector<16xi1>, vector<16xf32>
    %eq3A_632 = arith.constant 14 : i32
    %eq3A_633 = vector.broadcast %eq3A_632 : i32 to vector<16xi32>
    %eq3A_634 = arith.cmpi eq, %iota3A, %eq3A_633 : vector<16xi32>
    %broadcast_in_dim3A_635 = vector.broadcast %reduce_min3A_626 : i32 to vector<16xi32>
    %select_n3A_636 = arith.select %eq3A_634, %broadcast_in_dim3A_635, %select_n3A_593 : vector<16xi1>, vector<16xi32>
    %sub3A_637 = arith.subi %reduce_min3A_626, %mul3A_0 : i32
    %broadcast_in_dim3A_638 = vector.broadcast %sub3A_637 : i32 to vector<16xi32>
    %broadcast_in_dim3A_639 = arith.constant 0xFF800000 : f32
    %broadcast_in_dim3A_640 = vector.broadcast %broadcast_in_dim3A_639 : f32 to vector<16xf32>
    %eq3A_641 = arith.constant 0 : i32
    %eq3A_642 = vector.broadcast %eq3A_641 : i32 to vector<16xi32>
    %eq3A_643 = arith.cmpi eq, %iota3A, %eq3A_642 : vector<16xi32>
    tpu.vector_store_idx %arg5[%broadcast_in_dim3A_638], %broadcast_in_dim3A_640 masked %eq3A_643 : memref<4096xf32, #tpu.memory_space<vmem>>[vector<16xi32>], vector<16xf32>, vector<16xi1>
    %broadcast_in_dim3A_644 = arith.constant 0xFF800000 : f32
    %broadcast_in_dim3A_645 = vector.broadcast %broadcast_in_dim3A_644 : f32 to vector<16xf32>
    %broadcast_in_dim3A_646 = vector.broadcast %mul3A_0 : i32 to vector<16xi32>
    %scan3A_647 = arith.constant 0 : i32
    %scan3A_648 = arith.constant 256 : i32
    %scan3A_649 = arith.addi %scan3A_647, %scan3A_648 : i32
    %scan3A_650 = arith.constant 1 : i32
    %scan3A_651:2 = scf.for %scan3A_911 = %scan3A_647 to %scan3A_649 step %scan3A_650 iter_args(%scan3A_912 = %broadcast_in_dim3A_645, %scan3A_913 = %broadcast_in_dim3A_646) -> (vector<16xf32>, vector<16xi32>)  : i32 {
      %mul3A_914 = arith.constant 16 : i32
      %mul3A_915 = arith.muli %scan3A_911, %mul3A_914 : i32
      %get3A = arith.index_cast %mul3A_915 : i32 to index
      %get3A_916 = tpu.vector_load %arg5[%get3A] {strides = array<i32>} : memref<4096xf32, #tpu.memory_space<vmem>>, vector<16xf32>,
      %mul3A_917 = arith.constant 16 : i32
      %mul3A_918 = arith.muli %scan3A_911, %mul3A_917 : i32
      %add3A_919 = arith.addi %mul3A_0, %mul3A_918 : i32
      %add3A_920 = vector.broadcast %add3A_919 : i32 to vector<16xi32>
      %add3A_921 = arith.addi %add3A_920, %iota3A : vector<16xi32>
      %gt3A = arith.cmpf ogt, %get3A_916, %scan3A_912 : vector<16xf32>
      %select_n3A_922 = arith.select %gt3A, %get3A_916, %scan3A_912 : vector<16xi1>, vector<16xf32>
      %select_n3A_923 = arith.select %gt3A, %add3A_921, %scan3A_913 : vector<16xi1>, vector<16xi32>
      scf.yield %select_n3A_922, %select_n3A_923 : vector<16xf32>, vector<16xi32>
    }
    %scan3A_652 = arith.constant 256 : i32
    %reduce_max3A_653 = arith.constant true
    %reduce_max3A_654 = vector.broadcast %reduce_max3A_653 : i1 to vector<16xi1>
    %reduce_max3A_655 = tpu.scan <max>, %scan3A_651#0 masked %reduce_max3A_654 : vector<16xf32>, vector<16xi1> -> vector<16xf32>
    %reduce_max3A_656 = vector.extract %reduce_max3A_655[15] : f32 from vector<16xf32>
    %eq3A_657 = vector.broadcast %reduce_max3A_656 : f32 to vector<16xf32>
    %eq3A_658 = arith.cmpf oeq, %scan3A_651#0, %eq3A_657 : vector<16xf32>
    %jit3A_659 = arith.constant 2147483647 : i32
    %broadcast_in_dim3A_660 = vector.broadcast %jit3A_659 : i32 to vector<16xi32>
    %select_n3A_661 = arith.select %eq3A_658, %scan3A_651#1, %broadcast_in_dim3A_660 : vector<16xi1>, vector<16xi32>
    %reduce_min3A_662 = arith.constant true
    %reduce_min3A_663 = vector.broadcast %reduce_min3A_662 : i1 to vector<16xi1>
    %reduce_min3A_664 = arith.constant -2147483648 : i32
    %reduce_min3A_665 = vector.broadcast %reduce_min3A_664 : i32 to vector<16xi32>
    %reduce_min3A_666 = arith.xori %select_n3A_661, %reduce_min3A_665 : vector<16xi32>
    %reduce_min3A_667 = tpu.scan <min>, %reduce_min3A_666 masked %reduce_min3A_663 : vector<16xi32>, vector<16xi1> -> vector<16xi32>
    %reduce_min3A_668 = arith.xori %reduce_min3A_667, %reduce_min3A_665 : vector<16xi32>
    %reduce_min3A_669 = vector.extract %reduce_min3A_668[15] : i32 from vector<16xi32>
    %eq3A_670 = arith.constant 15 : i32
    %eq3A_671 = vector.broadcast %eq3A_670 : i32 to vector<16xi32>
    %eq3A_672 = arith.cmpi eq, %iota3A, %eq3A_671 : vector<16xi32>
    %broadcast_in_dim3A_673 = vector.broadcast %reduce_max3A_656 : f32 to vector<16xf32>
    %select_n3A_674 = arith.select %eq3A_672, %broadcast_in_dim3A_673, %select_n3A_631 : vector<16xi1>, vector<16xf32>
    %eq3A_675 = arith.constant 15 : i32
    %eq3A_676 = vector.broadcast %eq3A_675 : i32 to vector<16xi32>
    %eq3A_677 = arith.cmpi eq, %iota3A, %eq3A_676 : vector<16xi32>
    %broadcast_in_dim3A_678 = vector.broadcast %reduce_min3A_669 : i32 to vector<16xi32>
    %select_n3A_679 = arith.select %eq3A_677, %broadcast_in_dim3A_678, %select_n3A_636 : vector<16xi1>, vector<16xi32>
    %sub3A_680 = arith.subi %reduce_min3A_669, %mul3A_0 : i32
    %broadcast_in_dim3A_681 = vector.broadcast %sub3A_680 : i32 to vector<16xi32>
    %broadcast_in_dim3A_682 = arith.constant 0xFF800000 : f32
    %broadcast_in_dim3A_683 = vector.broadcast %broadcast_in_dim3A_682 : f32 to vector<16xf32>
    %eq3A_684 = arith.constant 0 : i32
    %eq3A_685 = vector.broadcast %eq3A_684 : i32 to vector<16xi32>
    %eq3A_686 = arith.cmpi eq, %iota3A, %eq3A_685 : vector<16xi32>
    tpu.vector_store_idx %arg5[%broadcast_in_dim3A_681], %broadcast_in_dim3A_683 masked %eq3A_686 : memref<4096xf32, #tpu.memory_space<vmem>>[vector<16xi32>], vector<16xf32>, vector<16xi1>
    %broadcast_in_dim3A_687 = arith.constant 0xFF800000 : f32
    %broadcast_in_dim3A_688 = vector.broadcast %broadcast_in_dim3A_687 : f32 to vector<16xf32>
    %broadcast_in_dim3A_689 = vector.broadcast %mul3A_0 : i32 to vector<16xi32>
    %scan3A_690 = arith.constant 0 : i32
    %scan3A_691 = arith.constant 256 : i32
    %scan3A_692 = arith.addi %scan3A_690, %scan3A_691 : i32
    %scan3A_693 = arith.constant 1 : i32
    %scan3A_694:2 = scf.for %scan3A_911 = %scan3A_690 to %scan3A_692 step %scan3A_693 iter_args(%scan3A_912 = %broadcast_in_dim3A_688, %scan3A_913 = %broadcast_in_dim3A_689) -> (vector<16xf32>, vector<16xi32>)  : i32 {
      %mul3A_914 = arith.constant 16 : i32
      %mul3A_915 = arith.muli %scan3A_911, %mul3A_914 : i32
      %get3A = arith.index_cast %mul3A_915 : i32 to index
      %get3A_916 = tpu.vector_load %arg5[%get3A] {strides = array<i32>} : memref<4096xf32, #tpu.memory_space<vmem>>, vector<16xf32>,
      %mul3A_917 = arith.constant 16 : i32
      %mul3A_918 = arith.muli %scan3A_911, %mul3A_917 : i32
      %add3A_919 = arith.addi %mul3A_0, %mul3A_918 : i32
      %add3A_920 = vector.broadcast %add3A_919 : i32 to vector<16xi32>
      %add3A_921 = arith.addi %add3A_920, %iota3A : vector<16xi32>
      %gt3A = arith.cmpf ogt, %get3A_916, %scan3A_912 : vector<16xf32>
      %select_n3A_922 = arith.select %gt3A, %get3A_916, %scan3A_912 : vector<16xi1>, vector<16xf32>
      %select_n3A_923 = arith.select %gt3A, %add3A_921, %scan3A_913 : vector<16xi1>, vector<16xi32>
      scf.yield %select_n3A_922, %select_n3A_923 : vector<16xf32>, vector<16xi32>
    }
    %scan3A_695 = arith.constant 256 : i32
    %reduce_max3A_696 = arith.constant true
    %reduce_max3A_697 = vector.broadcast %reduce_max3A_696 : i1 to vector<16xi1>
    %reduce_max3A_698 = tpu.scan <max>, %scan3A_694#0 masked %reduce_max3A_697 : vector<16xf32>, vector<16xi1> -> vector<16xf32>
    %reduce_max3A_699 = vector.extract %reduce_max3A_698[15] : f32 from vector<16xf32>
    %eq3A_700 = vector.broadcast %reduce_max3A_699 : f32 to vector<16xf32>
    %eq3A_701 = arith.cmpf oeq, %scan3A_694#0, %eq3A_700 : vector<16xf32>
    %jit3A_702 = arith.constant 2147483647 : i32
    %broadcast_in_dim3A_703 = vector.broadcast %jit3A_702 : i32 to vector<16xi32>
    %select_n3A_704 = arith.select %eq3A_701, %scan3A_694#1, %broadcast_in_dim3A_703 : vector<16xi1>, vector<16xi32>
    %reduce_min3A_705 = arith.constant true
    %reduce_min3A_706 = vector.broadcast %reduce_min3A_705 : i1 to vector<16xi1>
    %reduce_min3A_707 = arith.constant -2147483648 : i32
    %reduce_min3A_708 = vector.broadcast %reduce_min3A_707 : i32 to vector<16xi32>
    %reduce_min3A_709 = arith.xori %select_n3A_704, %reduce_min3A_708 : vector<16xi32>
    %reduce_min3A_710 = tpu.scan <min>, %reduce_min3A_709 masked %reduce_min3A_706 : vector<16xi32>, vector<16xi1> -> vector<16xi32>
    %reduce_min3A_711 = arith.xori %reduce_min3A_710, %reduce_min3A_708 : vector<16xi32>
    %reduce_min3A_712 = vector.extract %reduce_min3A_711[15] : i32 from vector<16xi32>
    %eq3A_713 = arith.constant 0 : i32
    %eq3A_714 = vector.broadcast %eq3A_713 : i32 to vector<16xi32>
    %eq3A_715 = arith.cmpi eq, %iota3A, %eq3A_714 : vector<16xi32>
    %broadcast_in_dim3A_716 = vector.broadcast %reduce_max3A_699 : f32 to vector<16xf32>
    %select_n3A_717 = arith.select %eq3A_715, %broadcast_in_dim3A_716, %broadcast_in_dim3A_3 : vector<16xi1>, vector<16xf32>
    %eq3A_718 = arith.constant 0 : i32
    %eq3A_719 = vector.broadcast %eq3A_718 : i32 to vector<16xi32>
    %eq3A_720 = arith.cmpi eq, %iota3A, %eq3A_719 : vector<16xi32>
    %broadcast_in_dim3A_721 = vector.broadcast %reduce_min3A_712 : i32 to vector<16xi32>
    %select_n3A_722 = arith.select %eq3A_720, %broadcast_in_dim3A_721, %broadcast_in_dim3A_5 : vector<16xi1>, vector<16xi32>
    %sub3A_723 = arith.subi %reduce_min3A_712, %mul3A_0 : i32
    %broadcast_in_dim3A_724 = vector.broadcast %sub3A_723 : i32 to vector<16xi32>
    %broadcast_in_dim3A_725 = arith.constant 0xFF800000 : f32
    %broadcast_in_dim3A_726 = vector.broadcast %broadcast_in_dim3A_725 : f32 to vector<16xf32>
    %eq3A_727 = arith.constant 0 : i32
    %eq3A_728 = vector.broadcast %eq3A_727 : i32 to vector<16xi32>
    %eq3A_729 = arith.cmpi eq, %iota3A, %eq3A_728 : vector<16xi32>
    tpu.vector_store_idx %arg5[%broadcast_in_dim3A_724], %broadcast_in_dim3A_726 masked %eq3A_729 : memref<4096xf32, #tpu.memory_space<vmem>>[vector<16xi32>], vector<16xf32>, vector<16xi1>
    %broadcast_in_dim3A_730 = arith.constant 0xFF800000 : f32
    %broadcast_in_dim3A_731 = vector.broadcast %broadcast_in_dim3A_730 : f32 to vector<16xf32>
    %broadcast_in_dim3A_732 = vector.broadcast %mul3A_0 : i32 to vector<16xi32>
    %scan3A_733 = arith.constant 0 : i32
    %scan3A_734 = arith.constant 256 : i32
    %scan3A_735 = arith.addi %scan3A_733, %scan3A_734 : i32
    %scan3A_736 = arith.constant 1 : i32
    %scan3A_737:2 = scf.for %scan3A_911 = %scan3A_733 to %scan3A_735 step %scan3A_736 iter_args(%scan3A_912 = %broadcast_in_dim3A_731, %scan3A_913 = %broadcast_in_dim3A_732) -> (vector<16xf32>, vector<16xi32>)  : i32 {
      %mul3A_914 = arith.constant 16 : i32
      %mul3A_915 = arith.muli %scan3A_911, %mul3A_914 : i32
      %get3A = arith.index_cast %mul3A_915 : i32 to index
      %get3A_916 = tpu.vector_load %arg5[%get3A] {strides = array<i32>} : memref<4096xf32, #tpu.memory_space<vmem>>, vector<16xf32>,
      %mul3A_917 = arith.constant 16 : i32
      %mul3A_918 = arith.muli %scan3A_911, %mul3A_917 : i32
      %add3A_919 = arith.addi %mul3A_0, %mul3A_918 : i32
      %add3A_920 = vector.broadcast %add3A_919 : i32 to vector<16xi32>
      %add3A_921 = arith.addi %add3A_920, %iota3A : vector<16xi32>
      %gt3A = arith.cmpf ogt, %get3A_916, %scan3A_912 : vector<16xf32>
      %select_n3A_922 = arith.select %gt3A, %get3A_916, %scan3A_912 : vector<16xi1>, vector<16xf32>
      %select_n3A_923 = arith.select %gt3A, %add3A_921, %scan3A_913 : vector<16xi1>, vector<16xi32>
      scf.yield %select_n3A_922, %select_n3A_923 : vector<16xf32>, vector<16xi32>
    }
    %scan3A_738 = arith.constant 256 : i32
    %reduce_max3A_739 = arith.constant true
    %reduce_max3A_740 = vector.broadcast %reduce_max3A_739 : i1 to vector<16xi1>
    %reduce_max3A_741 = tpu.scan <max>, %scan3A_737#0 masked %reduce_max3A_740 : vector<16xf32>, vector<16xi1> -> vector<16xf32>
    %reduce_max3A_742 = vector.extract %reduce_max3A_741[15] : f32 from vector<16xf32>
    %eq3A_743 = vector.broadcast %reduce_max3A_742 : f32 to vector<16xf32>
    %eq3A_744 = arith.cmpf oeq, %scan3A_737#0, %eq3A_743 : vector<16xf32>
    %jit3A_745 = arith.constant 2147483647 : i32
    %broadcast_in_dim3A_746 = vector.broadcast %jit3A_745 : i32 to vector<16xi32>
    %select_n3A_747 = arith.select %eq3A_744, %scan3A_737#1, %broadcast_in_dim3A_746 : vector<16xi1>, vector<16xi32>
    %reduce_min3A_748 = arith.constant true
    %reduce_min3A_749 = vector.broadcast %reduce_min3A_748 : i1 to vector<16xi1>
    %reduce_min3A_750 = arith.constant -2147483648 : i32
    %reduce_min3A_751 = vector.broadcast %reduce_min3A_750 : i32 to vector<16xi32>
    %reduce_min3A_752 = arith.xori %select_n3A_747, %reduce_min3A_751 : vector<16xi32>
    %reduce_min3A_753 = tpu.scan <min>, %reduce_min3A_752 masked %reduce_min3A_749 : vector<16xi32>, vector<16xi1> -> vector<16xi32>
    %reduce_min3A_754 = arith.xori %reduce_min3A_753, %reduce_min3A_751 : vector<16xi32>
    %reduce_min3A_755 = vector.extract %reduce_min3A_754[15] : i32 from vector<16xi32>
    %eq3A_756 = arith.constant 1 : i32
    %eq3A_757 = vector.broadcast %eq3A_756 : i32 to vector<16xi32>
    %eq3A_758 = arith.cmpi eq, %iota3A, %eq3A_757 : vector<16xi32>
    %broadcast_in_dim3A_759 = vector.broadcast %reduce_max3A_742 : f32 to vector<16xf32>
    %select_n3A_760 = arith.select %eq3A_758, %broadcast_in_dim3A_759, %select_n3A_717 : vector<16xi1>, vector<16xf32>
    %eq3A_761 = arith.constant 1 : i32
    %eq3A_762 = vector.broadcast %eq3A_761 : i32 to vector<16xi32>
    %eq3A_763 = arith.cmpi eq, %iota3A, %eq3A_762 : vector<16xi32>
    %broadcast_in_dim3A_764 = vector.broadcast %reduce_min3A_755 : i32 to vector<16xi32>
    %select_n3A_765 = arith.select %eq3A_763, %broadcast_in_dim3A_764, %select_n3A_722 : vector<16xi1>, vector<16xi32>
    %sub3A_766 = arith.subi %reduce_min3A_755, %mul3A_0 : i32
    %broadcast_in_dim3A_767 = vector.broadcast %sub3A_766 : i32 to vector<16xi32>
    %broadcast_in_dim3A_768 = arith.constant 0xFF800000 : f32
    %broadcast_in_dim3A_769 = vector.broadcast %broadcast_in_dim3A_768 : f32 to vector<16xf32>
    %eq3A_770 = arith.constant 0 : i32
    %eq3A_771 = vector.broadcast %eq3A_770 : i32 to vector<16xi32>
    %eq3A_772 = arith.cmpi eq, %iota3A, %eq3A_771 : vector<16xi32>
    tpu.vector_store_idx %arg5[%broadcast_in_dim3A_767], %broadcast_in_dim3A_769 masked %eq3A_772 : memref<4096xf32, #tpu.memory_space<vmem>>[vector<16xi32>], vector<16xf32>, vector<16xi1>
    %broadcast_in_dim3A_773 = arith.constant 0xFF800000 : f32
    %broadcast_in_dim3A_774 = vector.broadcast %broadcast_in_dim3A_773 : f32 to vector<16xf32>
    %broadcast_in_dim3A_775 = vector.broadcast %mul3A_0 : i32 to vector<16xi32>
    %scan3A_776 = arith.constant 0 : i32
    %scan3A_777 = arith.constant 256 : i32
    %scan3A_778 = arith.addi %scan3A_776, %scan3A_777 : i32
    %scan3A_779 = arith.constant 1 : i32
    %scan3A_780:2 = scf.for %scan3A_911 = %scan3A_776 to %scan3A_778 step %scan3A_779 iter_args(%scan3A_912 = %broadcast_in_dim3A_774, %scan3A_913 = %broadcast_in_dim3A_775) -> (vector<16xf32>, vector<16xi32>)  : i32 {
      %mul3A_914 = arith.constant 16 : i32
      %mul3A_915 = arith.muli %scan3A_911, %mul3A_914 : i32
      %get3A = arith.index_cast %mul3A_915 : i32 to index
      %get3A_916 = tpu.vector_load %arg5[%get3A] {strides = array<i32>} : memref<4096xf32, #tpu.memory_space<vmem>>, vector<16xf32>,
      %mul3A_917 = arith.constant 16 : i32
      %mul3A_918 = arith.muli %scan3A_911, %mul3A_917 : i32
      %add3A_919 = arith.addi %mul3A_0, %mul3A_918 : i32
      %add3A_920 = vector.broadcast %add3A_919 : i32 to vector<16xi32>
      %add3A_921 = arith.addi %add3A_920, %iota3A : vector<16xi32>
      %gt3A = arith.cmpf ogt, %get3A_916, %scan3A_912 : vector<16xf32>
      %select_n3A_922 = arith.select %gt3A, %get3A_916, %scan3A_912 : vector<16xi1>, vector<16xf32>
      %select_n3A_923 = arith.select %gt3A, %add3A_921, %scan3A_913 : vector<16xi1>, vector<16xi32>
      scf.yield %select_n3A_922, %select_n3A_923 : vector<16xf32>, vector<16xi32>
    }
    %scan3A_781 = arith.constant 256 : i32
    %reduce_max3A_782 = arith.constant true
    %reduce_max3A_783 = vector.broadcast %reduce_max3A_782 : i1 to vector<16xi1>
    %reduce_max3A_784 = tpu.scan <max>, %scan3A_780#0 masked %reduce_max3A_783 : vector<16xf32>, vector<16xi1> -> vector<16xf32>
    %reduce_max3A_785 = vector.extract %reduce_max3A_784[15] : f32 from vector<16xf32>
    %eq3A_786 = vector.broadcast %reduce_max3A_785 : f32 to vector<16xf32>
    %eq3A_787 = arith.cmpf oeq, %scan3A_780#0, %eq3A_786 : vector<16xf32>
    %jit3A_788 = arith.constant 2147483647 : i32
    %broadcast_in_dim3A_789 = vector.broadcast %jit3A_788 : i32 to vector<16xi32>
    %select_n3A_790 = arith.select %eq3A_787, %scan3A_780#1, %broadcast_in_dim3A_789 : vector<16xi1>, vector<16xi32>
    %reduce_min3A_791 = arith.constant true
    %reduce_min3A_792 = vector.broadcast %reduce_min3A_791 : i1 to vector<16xi1>
    %reduce_min3A_793 = arith.constant -2147483648 : i32
    %reduce_min3A_794 = vector.broadcast %reduce_min3A_793 : i32 to vector<16xi32>
    %reduce_min3A_795 = arith.xori %select_n3A_790, %reduce_min3A_794 : vector<16xi32>
    %reduce_min3A_796 = tpu.scan <min>, %reduce_min3A_795 masked %reduce_min3A_792 : vector<16xi32>, vector<16xi1> -> vector<16xi32>
    %reduce_min3A_797 = arith.xori %reduce_min3A_796, %reduce_min3A_794 : vector<16xi32>
    %reduce_min3A_798 = vector.extract %reduce_min3A_797[15] : i32 from vector<16xi32>
    %eq3A_799 = arith.constant 2 : i32
    %eq3A_800 = vector.broadcast %eq3A_799 : i32 to vector<16xi32>
    %eq3A_801 = arith.cmpi eq, %iota3A, %eq3A_800 : vector<16xi32>
    %broadcast_in_dim3A_802 = vector.broadcast %reduce_max3A_785 : f32 to vector<16xf32>
    %select_n3A_803 = arith.select %eq3A_801, %broadcast_in_dim3A_802, %select_n3A_760 : vector<16xi1>, vector<16xf32>
    %eq3A_804 = arith.constant 2 : i32
    %eq3A_805 = vector.broadcast %eq3A_804 : i32 to vector<16xi32>
    %eq3A_806 = arith.cmpi eq, %iota3A, %eq3A_805 : vector<16xi32>
    %broadcast_in_dim3A_807 = vector.broadcast %reduce_min3A_798 : i32 to vector<16xi32>
    %select_n3A_808 = arith.select %eq3A_806, %broadcast_in_dim3A_807, %select_n3A_765 : vector<16xi1>, vector<16xi32>
    %sub3A_809 = arith.subi %reduce_min3A_798, %mul3A_0 : i32
    %broadcast_in_dim3A_810 = vector.broadcast %sub3A_809 : i32 to vector<16xi32>
    %broadcast_in_dim3A_811 = arith.constant 0xFF800000 : f32
    %broadcast_in_dim3A_812 = vector.broadcast %broadcast_in_dim3A_811 : f32 to vector<16xf32>
    %eq3A_813 = arith.constant 0 : i32
    %eq3A_814 = vector.broadcast %eq3A_813 : i32 to vector<16xi32>
    %eq3A_815 = arith.cmpi eq, %iota3A, %eq3A_814 : vector<16xi32>
    tpu.vector_store_idx %arg5[%broadcast_in_dim3A_810], %broadcast_in_dim3A_812 masked %eq3A_815 : memref<4096xf32, #tpu.memory_space<vmem>>[vector<16xi32>], vector<16xf32>, vector<16xi1>
    %broadcast_in_dim3A_816 = arith.constant 0xFF800000 : f32
    %broadcast_in_dim3A_817 = vector.broadcast %broadcast_in_dim3A_816 : f32 to vector<16xf32>
    %broadcast_in_dim3A_818 = vector.broadcast %mul3A_0 : i32 to vector<16xi32>
    %scan3A_819 = arith.constant 0 : i32
    %scan3A_820 = arith.constant 256 : i32
    %scan3A_821 = arith.addi %scan3A_819, %scan3A_820 : i32
    %scan3A_822 = arith.constant 1 : i32
    %scan3A_823:2 = scf.for %scan3A_911 = %scan3A_819 to %scan3A_821 step %scan3A_822 iter_args(%scan3A_912 = %broadcast_in_dim3A_817, %scan3A_913 = %broadcast_in_dim3A_818) -> (vector<16xf32>, vector<16xi32>)  : i32 {
      %mul3A_914 = arith.constant 16 : i32
      %mul3A_915 = arith.muli %scan3A_911, %mul3A_914 : i32
      %get3A = arith.index_cast %mul3A_915 : i32 to index
      %get3A_916 = tpu.vector_load %arg5[%get3A] {strides = array<i32>} : memref<4096xf32, #tpu.memory_space<vmem>>, vector<16xf32>,
      %mul3A_917 = arith.constant 16 : i32
      %mul3A_918 = arith.muli %scan3A_911, %mul3A_917 : i32
      %add3A_919 = arith.addi %mul3A_0, %mul3A_918 : i32
      %add3A_920 = vector.broadcast %add3A_919 : i32 to vector<16xi32>
      %add3A_921 = arith.addi %add3A_920, %iota3A : vector<16xi32>
      %gt3A = arith.cmpf ogt, %get3A_916, %scan3A_912 : vector<16xf32>
      %select_n3A_922 = arith.select %gt3A, %get3A_916, %scan3A_912 : vector<16xi1>, vector<16xf32>
      %select_n3A_923 = arith.select %gt3A, %add3A_921, %scan3A_913 : vector<16xi1>, vector<16xi32>
      scf.yield %select_n3A_922, %select_n3A_923 : vector<16xf32>, vector<16xi32>
    }
    %scan3A_824 = arith.constant 256 : i32
    %reduce_max3A_825 = arith.constant true
    %reduce_max3A_826 = vector.broadcast %reduce_max3A_825 : i1 to vector<16xi1>
    %reduce_max3A_827 = tpu.scan <max>, %scan3A_823#0 masked %reduce_max3A_826 : vector<16xf32>, vector<16xi1> -> vector<16xf32>
    %reduce_max3A_828 = vector.extract %reduce_max3A_827[15] : f32 from vector<16xf32>
    %eq3A_829 = vector.broadcast %reduce_max3A_828 : f32 to vector<16xf32>
    %eq3A_830 = arith.cmpf oeq, %scan3A_823#0, %eq3A_829 : vector<16xf32>
    %jit3A_831 = arith.constant 2147483647 : i32
    %broadcast_in_dim3A_832 = vector.broadcast %jit3A_831 : i32 to vector<16xi32>
    %select_n3A_833 = arith.select %eq3A_830, %scan3A_823#1, %broadcast_in_dim3A_832 : vector<16xi1>, vector<16xi32>
    %reduce_min3A_834 = arith.constant true
    %reduce_min3A_835 = vector.broadcast %reduce_min3A_834 : i1 to vector<16xi1>
    %reduce_min3A_836 = arith.constant -2147483648 : i32
    %reduce_min3A_837 = vector.broadcast %reduce_min3A_836 : i32 to vector<16xi32>
    %reduce_min3A_838 = arith.xori %select_n3A_833, %reduce_min3A_837 : vector<16xi32>
    %reduce_min3A_839 = tpu.scan <min>, %reduce_min3A_838 masked %reduce_min3A_835 : vector<16xi32>, vector<16xi1> -> vector<16xi32>
    %reduce_min3A_840 = arith.xori %reduce_min3A_839, %reduce_min3A_837 : vector<16xi32>
    %reduce_min3A_841 = vector.extract %reduce_min3A_840[15] : i32 from vector<16xi32>
    %eq3A_842 = arith.constant 3 : i32
    %eq3A_843 = vector.broadcast %eq3A_842 : i32 to vector<16xi32>
    %eq3A_844 = arith.cmpi eq, %iota3A, %eq3A_843 : vector<16xi32>
    %broadcast_in_dim3A_845 = vector.broadcast %reduce_max3A_828 : f32 to vector<16xf32>
    %select_n3A_846 = arith.select %eq3A_844, %broadcast_in_dim3A_845, %select_n3A_803 : vector<16xi1>, vector<16xf32>
    %eq3A_847 = arith.constant 3 : i32
    %eq3A_848 = vector.broadcast %eq3A_847 : i32 to vector<16xi32>
    %eq3A_849 = arith.cmpi eq, %iota3A, %eq3A_848 : vector<16xi32>
    %broadcast_in_dim3A_850 = vector.broadcast %reduce_min3A_841 : i32 to vector<16xi32>
    %select_n3A_851 = arith.select %eq3A_849, %broadcast_in_dim3A_850, %select_n3A_808 : vector<16xi1>, vector<16xi32>
    %sub3A_852 = arith.subi %reduce_min3A_841, %mul3A_0 : i32
    %broadcast_in_dim3A_853 = vector.broadcast %sub3A_852 : i32 to vector<16xi32>
    %broadcast_in_dim3A_854 = arith.constant 0xFF800000 : f32
    %broadcast_in_dim3A_855 = vector.broadcast %broadcast_in_dim3A_854 : f32 to vector<16xf32>
    %eq3A_856 = arith.constant 0 : i32
    %eq3A_857 = vector.broadcast %eq3A_856 : i32 to vector<16xi32>
    %eq3A_858 = arith.cmpi eq, %iota3A, %eq3A_857 : vector<16xi32>
    tpu.vector_store_idx %arg5[%broadcast_in_dim3A_853], %broadcast_in_dim3A_855 masked %eq3A_858 : memref<4096xf32, #tpu.memory_space<vmem>>[vector<16xi32>], vector<16xf32>, vector<16xi1>
    %swap3A = arith.constant 0 : index
    %swap3A_859 = tpu.vector_load %arg7[%swap3A] {strides = array<i32>} : memref<32xf32, #tpu.memory_space<vmem>>, vector<16xf32>,
    tpu.vector_store %arg7[%swap3A], %select_n3A_674 {strides = array<i32>} : memref<32xf32, #tpu.memory_space<vmem>>, vector<16xf32>,
    %swap3A_860 = arith.constant 16 : index
    %swap3A_861 = tpu.vector_load %arg7[%swap3A_860] {strides = array<i32>} : memref<32xf32, #tpu.memory_space<vmem>>, vector<16xf32>,
    tpu.vector_store %arg7[%swap3A_860], %select_n3A_846 {strides = array<i32>} : memref<32xf32, #tpu.memory_space<vmem>>, vector<16xf32>,
    %swap3A_862 = arith.constant 0 : index
    %swap3A_863 = tpu.vector_load %arg8[%swap3A_862] {strides = array<i32>} : memref<32xi32, #tpu.memory_space<vmem>>, vector<16xi32>,
    tpu.vector_store %arg8[%swap3A_862], %select_n3A_679 {strides = array<i32>} : memref<32xi32, #tpu.memory_space<vmem>>, vector<16xi32>,
    %swap3A_864 = arith.constant 16 : index
    %swap3A_865 = tpu.vector_load %arg8[%swap3A_864] {strides = array<i32>} : memref<32xi32, #tpu.memory_space<vmem>>, vector<16xi32>,
    tpu.vector_store %arg8[%swap3A_864], %select_n3A_851 {strides = array<i32>} : memref<32xi32, #tpu.memory_space<vmem>>, vector<16xi32>,
    %sub3A_866 = vector.broadcast %mul3A_0 : i32 to vector<16xi32>
    %sub3A_867 = arith.subi %select_n3A_679, %sub3A_866 : vector<16xi32>
    %sub3A_868 = vector.broadcast %mul3A_0 : i32 to vector<16xi32>
    %sub3A_869 = arith.subi %select_n3A_851, %sub3A_868 : vector<16xi32>
    %broadcast_in_dim3A_870 = arith.constant 0 : i32
    %broadcast_in_dim3A_871 = vector.broadcast %broadcast_in_dim3A_870 : i32 to vector<16xi32>
    %gather3A = tpu.vector_load_idx %arg6[%broadcast_in_dim3A_871, %sub3A_867] : memref<3x4096xf32, #tpu.memory_space<vmem>>[vector<16xi32>, vector<16xi32>], vector<16xf32>,
    %swap3A_872 = arith.constant 0 : index
    %swap3A_873 = tpu.vector_load %arg9[%swap3A_872] {strides = array<i32>} : memref<96xf32, #tpu.memory_space<vmem>>, vector<16xf32>,
    tpu.vector_store %arg9[%swap3A_872], %gather3A {strides = array<i32>} : memref<96xf32, #tpu.memory_space<vmem>>, vector<16xf32>,
    %gather3A_874 = tpu.vector_load_idx %arg6[%broadcast_in_dim3A_871, %sub3A_869] : memref<3x4096xf32, #tpu.memory_space<vmem>>[vector<16xi32>, vector<16xi32>], vector<16xf32>,
    %swap3A_875 = arith.constant 16 : index
    %swap3A_876 = tpu.vector_load %arg9[%swap3A_875] {strides = array<i32>} : memref<96xf32, #tpu.memory_space<vmem>>, vector<16xf32>,
    tpu.vector_store %arg9[%swap3A_875], %gather3A_874 {strides = array<i32>} : memref<96xf32, #tpu.memory_space<vmem>>, vector<16xf32>,
    %broadcast_in_dim3A_877 = arith.constant 1 : i32
    %broadcast_in_dim3A_878 = vector.broadcast %broadcast_in_dim3A_877 : i32 to vector<16xi32>
    %gather3A_879 = tpu.vector_load_idx %arg6[%broadcast_in_dim3A_878, %sub3A_867] : memref<3x4096xf32, #tpu.memory_space<vmem>>[vector<16xi32>, vector<16xi32>], vector<16xf32>,
    %swap3A_880 = arith.constant 32 : index
    %swap3A_881 = tpu.vector_load %arg9[%swap3A_880] {strides = array<i32>} : memref<96xf32, #tpu.memory_space<vmem>>, vector<16xf32>,
    tpu.vector_store %arg9[%swap3A_880], %gather3A_879 {strides = array<i32>} : memref<96xf32, #tpu.memory_space<vmem>>, vector<16xf32>,
    %gather3A_882 = tpu.vector_load_idx %arg6[%broadcast_in_dim3A_878, %sub3A_869] : memref<3x4096xf32, #tpu.memory_space<vmem>>[vector<16xi32>, vector<16xi32>], vector<16xf32>,
    %swap3A_883 = arith.constant 48 : index
    %swap3A_884 = tpu.vector_load %arg9[%swap3A_883] {strides = array<i32>} : memref<96xf32, #tpu.memory_space<vmem>>, vector<16xf32>,
    tpu.vector_store %arg9[%swap3A_883], %gather3A_882 {strides = array<i32>} : memref<96xf32, #tpu.memory_space<vmem>>, vector<16xf32>,
    %broadcast_in_dim3A_885 = arith.constant 2 : i32
    %broadcast_in_dim3A_886 = vector.broadcast %broadcast_in_dim3A_885 : i32 to vector<16xi32>
    %gather3A_887 = tpu.vector_load_idx %arg6[%broadcast_in_dim3A_886, %sub3A_867] : memref<3x4096xf32, #tpu.memory_space<vmem>>[vector<16xi32>, vector<16xi32>], vector<16xf32>,
    %swap3A_888 = arith.constant 64 : index
    %swap3A_889 = tpu.vector_load %arg9[%swap3A_888] {strides = array<i32>} : memref<96xf32, #tpu.memory_space<vmem>>, vector<16xf32>,
    tpu.vector_store %arg9[%swap3A_888], %gather3A_887 {strides = array<i32>} : memref<96xf32, #tpu.memory_space<vmem>>, vector<16xf32>,
    %gather3A_890 = tpu.vector_load_idx %arg6[%broadcast_in_dim3A_886, %sub3A_869] : memref<3x4096xf32, #tpu.memory_space<vmem>>[vector<16xi32>, vector<16xi32>], vector<16xf32>,
    %swap3A_891 = arith.constant 80 : index
    %swap3A_892 = tpu.vector_load %arg9[%swap3A_891] {strides = array<i32>} : memref<96xf32, #tpu.memory_space<vmem>>, vector<16xf32>,
    tpu.vector_store %arg9[%swap3A_891], %gather3A_890 {strides = array<i32>} : memref<96xf32, #tpu.memory_space<vmem>>, vector<16xf32>,
    %mul3A_893 = arith.constant 32 : i32
    %mul3A_894 = arith.muli %arg1, %mul3A_893 : i32
    "tpu.region"() ({
      %run_scoped3A = tpu.sem_alloc : memref<!tpu.dma_semaphore, #tpu.memory_space<semaphore_mem>>
      %dma_start3A = tpu.memref_slice %arg10[%mul3A_894] : memref<512xf32, #tpu.memory_space<vmem_shared>> -> memref<32xf32, #tpu.memory_space<vmem_shared>>
      %dma_start3A_911 = tpu.memref_slice %arg10[%mul3A_894] : memref<512xf32, #tpu.memory_space<vmem_shared>> -> memref<32xf32, #tpu.memory_space<vmem_shared>>
      tpu.enqueue_dma source(%arg7 : memref<32xf32, #tpu.memory_space<vmem>>) target(%dma_start3A_911 : memref<32xf32, #tpu.memory_space<vmem_shared>>) target_semaphore(%run_scoped3A : memref<!tpu.dma_semaphore, #tpu.memory_space<semaphore_mem>>)
      %dma_wait3A = tpu.memref_slice %arg10[%mul3A_894] : memref<512xf32, #tpu.memory_space<vmem_shared>> -> memref<32xf32, #tpu.memory_space<vmem_shared>>
      %dma_wait3A_912 = tpu.memref_slice %arg10[%mul3A_894] : memref<512xf32, #tpu.memory_space<vmem_shared>> -> memref<32xf32, #tpu.memory_space<vmem_shared>>
      tpu.wait_dma2 semaphore(%run_scoped3A : memref<!tpu.dma_semaphore, #tpu.memory_space<semaphore_mem>>) src(%arg7 : memref<32xf32, #tpu.memory_space<vmem>>) dst(%dma_wait3A_912 : memref<32xf32, #tpu.memory_space<vmem_shared>>)
      tpu.yield
    }) : () -> ()
    %mul3A_895 = arith.constant 32 : i32
    %mul3A_896 = arith.muli %arg1, %mul3A_895 : i32
    "tpu.region"() ({
      %run_scoped3A = tpu.sem_alloc : memref<!tpu.dma_semaphore, #tpu.memory_space<semaphore_mem>>
      %dma_start3A = tpu.memref_slice %arg11[%mul3A_896] : memref<512xi32, #tpu.memory_space<vmem_shared>> -> memref<32xi32, #tpu.memory_space<vmem_shared>>
      %dma_start3A_911 = tpu.memref_slice %arg11[%mul3A_896] : memref<512xi32, #tpu.memory_space<vmem_shared>> -> memref<32xi32, #tpu.memory_space<vmem_shared>>
      tpu.enqueue_dma source(%arg8 : memref<32xi32, #tpu.memory_space<vmem>>) target(%dma_start3A_911 : memref<32xi32, #tpu.memory_space<vmem_shared>>) target_semaphore(%run_scoped3A : memref<!tpu.dma_semaphore, #tpu.memory_space<semaphore_mem>>)
      %dma_wait3A = tpu.memref_slice %arg11[%mul3A_896] : memref<512xi32, #tpu.memory_space<vmem_shared>> -> memref<32xi32, #tpu.memory_space<vmem_shared>>
      %dma_wait3A_912 = tpu.memref_slice %arg11[%mul3A_896] : memref<512xi32, #tpu.memory_space<vmem_shared>> -> memref<32xi32, #tpu.memory_space<vmem_shared>>
      tpu.wait_dma2 semaphore(%run_scoped3A : memref<!tpu.dma_semaphore, #tpu.memory_space<semaphore_mem>>) src(%arg8 : memref<32xi32, #tpu.memory_space<vmem>>) dst(%dma_wait3A_912 : memref<32xi32, #tpu.memory_space<vmem_shared>>)
      tpu.yield
    }) : () -> ()
    %mul3A_897 = arith.constant 32 : i32
    %mul3A_898 = arith.muli %arg1, %mul3A_897 : i32
    %add3A = arith.constant 0 : i32
    %add3A_899 = arith.addi %add3A, %mul3A_898 : i32
    "tpu.region"() ({
      %run_scoped3A = tpu.sem_alloc : memref<!tpu.dma_semaphore, #tpu.memory_space<semaphore_mem>>
      %dma_start3A = arith.constant 0 : i32
      %dma_start3A_911 = tpu.memref_slice %arg9[%dma_start3A] : memref<96xf32, #tpu.memory_space<vmem>> -> memref<32xf32, #tpu.memory_space<vmem>>
      %dma_start3A_912 = tpu.memref_slice %arg12[%add3A_899] : memref<1536xf32, #tpu.memory_space<vmem_shared>> -> memref<32xf32, #tpu.memory_space<vmem_shared>>
      %dma_start3A_913 = tpu.memref_slice %arg12[%add3A_899] : memref<1536xf32, #tpu.memory_space<vmem_shared>> -> memref<32xf32, #tpu.memory_space<vmem_shared>>
      %dma_start3A_914 = arith.constant 0 : i32
      %dma_start3A_915 = tpu.memref_slice %arg9[%dma_start3A_914] : memref<96xf32, #tpu.memory_space<vmem>> -> memref<32xf32, #tpu.memory_space<vmem>>
      tpu.enqueue_dma source(%dma_start3A_915 : memref<32xf32, #tpu.memory_space<vmem>>) target(%dma_start3A_913 : memref<32xf32, #tpu.memory_space<vmem_shared>>) target_semaphore(%run_scoped3A : memref<!tpu.dma_semaphore, #tpu.memory_space<semaphore_mem>>)
      %dma_wait3A = arith.constant 0 : i32
      %dma_wait3A_916 = tpu.memref_slice %arg9[%dma_wait3A] : memref<96xf32, #tpu.memory_space<vmem>> -> memref<32xf32, #tpu.memory_space<vmem>>
      %dma_wait3A_917 = tpu.memref_slice %arg12[%add3A_899] : memref<1536xf32, #tpu.memory_space<vmem_shared>> -> memref<32xf32, #tpu.memory_space<vmem_shared>>
      %dma_wait3A_918 = tpu.memref_slice %arg12[%add3A_899] : memref<1536xf32, #tpu.memory_space<vmem_shared>> -> memref<32xf32, #tpu.memory_space<vmem_shared>>
      %dma_wait3A_919 = arith.constant 0 : i32
      %dma_wait3A_920 = tpu.memref_slice %arg9[%dma_wait3A_919] : memref<96xf32, #tpu.memory_space<vmem>> -> memref<32xf32, #tpu.memory_space<vmem>>
      tpu.wait_dma2 semaphore(%run_scoped3A : memref<!tpu.dma_semaphore, #tpu.memory_space<semaphore_mem>>) src(%dma_wait3A_920 : memref<32xf32, #tpu.memory_space<vmem>>) dst(%dma_wait3A_918 : memref<32xf32, #tpu.memory_space<vmem_shared>>)
      tpu.yield
    }) : () -> ()
    %mul3A_900 = arith.constant 32 : i32
    %mul3A_901 = arith.muli %arg1, %mul3A_900 : i32
    %add3A_902 = arith.constant 512 : i32
    %add3A_903 = arith.addi %add3A_902, %mul3A_901 : i32
    "tpu.region"() ({
      %run_scoped3A = tpu.sem_alloc : memref<!tpu.dma_semaphore, #tpu.memory_space<semaphore_mem>>
      %dma_start3A = arith.constant 32 : i32
      %dma_start3A_911 = tpu.memref_slice %arg9[%dma_start3A] : memref<96xf32, #tpu.memory_space<vmem>> -> memref<32xf32, #tpu.memory_space<vmem>>
      %dma_start3A_912 = tpu.memref_slice %arg12[%add3A_903] : memref<1536xf32, #tpu.memory_space<vmem_shared>> -> memref<32xf32, #tpu.memory_space<vmem_shared>>
      %dma_start3A_913 = tpu.memref_slice %arg12[%add3A_903] : memref<1536xf32, #tpu.memory_space<vmem_shared>> -> memref<32xf32, #tpu.memory_space<vmem_shared>>
      %dma_start3A_914 = arith.constant 32 : i32
      %dma_start3A_915 = tpu.memref_slice %arg9[%dma_start3A_914] : memref<96xf32, #tpu.memory_space<vmem>> -> memref<32xf32, #tpu.memory_space<vmem>>
      tpu.enqueue_dma source(%dma_start3A_915 : memref<32xf32, #tpu.memory_space<vmem>>) target(%dma_start3A_913 : memref<32xf32, #tpu.memory_space<vmem_shared>>) target_semaphore(%run_scoped3A : memref<!tpu.dma_semaphore, #tpu.memory_space<semaphore_mem>>)
      %dma_wait3A = arith.constant 32 : i32
      %dma_wait3A_916 = tpu.memref_slice %arg9[%dma_wait3A] : memref<96xf32, #tpu.memory_space<vmem>> -> memref<32xf32, #tpu.memory_space<vmem>>
      %dma_wait3A_917 = tpu.memref_slice %arg12[%add3A_903] : memref<1536xf32, #tpu.memory_space<vmem_shared>> -> memref<32xf32, #tpu.memory_space<vmem_shared>>
      %dma_wait3A_918 = tpu.memref_slice %arg12[%add3A_903] : memref<1536xf32, #tpu.memory_space<vmem_shared>> -> memref<32xf32, #tpu.memory_space<vmem_shared>>
      %dma_wait3A_919 = arith.constant 32 : i32
      %dma_wait3A_920 = tpu.memref_slice %arg9[%dma_wait3A_919] : memref<96xf32, #tpu.memory_space<vmem>> -> memref<32xf32, #tpu.memory_space<vmem>>
      tpu.wait_dma2 semaphore(%run_scoped3A : memref<!tpu.dma_semaphore, #tpu.memory_space<semaphore_mem>>) src(%dma_wait3A_920 : memref<32xf32, #tpu.memory_space<vmem>>) dst(%dma_wait3A_918 : memref<32xf32, #tpu.memory_space<vmem_shared>>)
      tpu.yield
    }) : () -> ()
    %mul3A_904 = arith.constant 32 : i32
    %mul3A_905 = arith.muli %arg1, %mul3A_904 : i32
    %add3A_906 = arith.constant 1024 : i32
    %add3A_907 = arith.addi %add3A_906, %mul3A_905 : i32
    "tpu.region"() ({
      %run_scoped3A = tpu.sem_alloc : memref<!tpu.dma_semaphore, #tpu.memory_space<semaphore_mem>>
      %dma_start3A = arith.constant 64 : i32
      %dma_start3A_911 = tpu.memref_slice %arg9[%dma_start3A] : memref<96xf32, #tpu.memory_space<vmem>> -> memref<32xf32, #tpu.memory_space<vmem>>
      %dma_start3A_912 = tpu.memref_slice %arg12[%add3A_907] : memref<1536xf32, #tpu.memory_space<vmem_shared>> -> memref<32xf32, #tpu.memory_space<vmem_shared>>
      %dma_start3A_913 = tpu.memref_slice %arg12[%add3A_907] : memref<1536xf32, #tpu.memory_space<vmem_shared>> -> memref<32xf32, #tpu.memory_space<vmem_shared>>
      %dma_start3A_914 = arith.constant 64 : i32
      %dma_start3A_915 = tpu.memref_slice %arg9[%dma_start3A_914] : memref<96xf32, #tpu.memory_space<vmem>> -> memref<32xf32, #tpu.memory_space<vmem>>
      tpu.enqueue_dma source(%dma_start3A_915 : memref<32xf32, #tpu.memory_space<vmem>>) target(%dma_start3A_913 : memref<32xf32, #tpu.memory_space<vmem_shared>>) target_semaphore(%run_scoped3A : memref<!tpu.dma_semaphore, #tpu.memory_space<semaphore_mem>>)
      %dma_wait3A = arith.constant 64 : i32
      %dma_wait3A_916 = tpu.memref_slice %arg9[%dma_wait3A] : memref<96xf32, #tpu.memory_space<vmem>> -> memref<32xf32, #tpu.memory_space<vmem>>
      %dma_wait3A_917 = tpu.memref_slice %arg12[%add3A_907] : memref<1536xf32, #tpu.memory_space<vmem_shared>> -> memref<32xf32, #tpu.memory_space<vmem_shared>>
      %dma_wait3A_918 = tpu.memref_slice %arg12[%add3A_907] : memref<1536xf32, #tpu.memory_space<vmem_shared>> -> memref<32xf32, #tpu.memory_space<vmem_shared>>
      %dma_wait3A_919 = arith.constant 64 : i32
      %dma_wait3A_920 = tpu.memref_slice %arg9[%dma_wait3A_919] : memref<96xf32, #tpu.memory_space<vmem>> -> memref<32xf32, #tpu.memory_space<vmem>>
      tpu.wait_dma2 semaphore(%run_scoped3A : memref<!tpu.dma_semaphore, #tpu.memory_space<semaphore_mem>>) src(%dma_wait3A_920 : memref<32xf32, #tpu.memory_space<vmem>>) dst(%dma_wait3A_918 : memref<32xf32, #tpu.memory_space<vmem_shared>>)
      tpu.yield
    }) : () -> ()
    %barrier3A = arith.constant 0 : index
    tpu.barrier barrier_id(%barrier3A)
    %eq3A_908 = arith.constant 0 : i32
    %eq3A_909 = arith.cmpi eq, %arg1, %eq3A_908 : i32
    %convert_element_type3A = arith.extui %eq3A_909 : i1 to i32
    %cond3A = arith.constant 0 : i32
    %cond3A_910 = arith.cmpi ne, %convert_element_type3A, %cond3A : i32
    scf.if %cond3A_910 {
      "tpu.region"() ({
        %run_scoped3A = tpu.sem_alloc : memref<!tpu.dma_semaphore, #tpu.memory_space<semaphore_mem>>
        tpu.enqueue_dma source(%arg10 : memref<512xf32, #tpu.memory_space<vmem_shared>>) target(%arg13 : memref<512xf32, #tpu.memory_space<vmem>>) target_semaphore(%run_scoped3A : memref<!tpu.dma_semaphore, #tpu.memory_space<semaphore_mem>>)
        tpu.wait_dma2 semaphore(%run_scoped3A : memref<!tpu.dma_semaphore, #tpu.memory_space<semaphore_mem>>) src(%arg10 : memref<512xf32, #tpu.memory_space<vmem_shared>>) dst(%arg13 : memref<512xf32, #tpu.memory_space<vmem>>)
        tpu.yield
      }) : () -> ()
      "tpu.region"() ({
        %run_scoped3A = tpu.sem_alloc : memref<!tpu.dma_semaphore, #tpu.memory_space<semaphore_mem>>
        tpu.enqueue_dma source(%arg11 : memref<512xi32, #tpu.memory_space<vmem_shared>>) target(%arg14 : memref<512xi32, #tpu.memory_space<vmem>>) target_semaphore(%run_scoped3A : memref<!tpu.dma_semaphore, #tpu.memory_space<semaphore_mem>>)
        tpu.wait_dma2 semaphore(%run_scoped3A : memref<!tpu.dma_semaphore, #tpu.memory_space<semaphore_mem>>) src(%arg11 : memref<512xi32, #tpu.memory_space<vmem_shared>>) dst(%arg14 : memref<512xi32, #tpu.memory_space<vmem>>)
        tpu.yield
      }) : () -> ()
      "tpu.region"() ({
        %run_scoped3A = tpu.sem_alloc : memref<!tpu.dma_semaphore, #tpu.memory_space<semaphore_mem>>
        tpu.enqueue_dma source(%arg12 : memref<1536xf32, #tpu.memory_space<vmem_shared>>) target(%arg15 : memref<1536xf32, #tpu.memory_space<vmem>>) target_semaphore(%run_scoped3A : memref<!tpu.dma_semaphore, #tpu.memory_space<semaphore_mem>>)
        tpu.wait_dma2 semaphore(%run_scoped3A : memref<!tpu.dma_semaphore, #tpu.memory_space<semaphore_mem>>) src(%arg12 : memref<1536xf32, #tpu.memory_space<vmem_shared>>) dst(%arg15 : memref<1536xf32, #tpu.memory_space<vmem>>)
        tpu.yield
      }) : () -> ()
      %broadcast_in_dim3A_911 = arith.constant 0 : i32
      %broadcast_in_dim3A_912 = vector.broadcast %broadcast_in_dim3A_911 : i32 to vector<16xi32>
      %broadcast_in_dim3A_913 = arith.constant 0 : i32
      %broadcast_in_dim3A_914 = vector.broadcast %broadcast_in_dim3A_913 : i32 to vector<16xi32>
      %broadcast_in_dim3A_915 = arith.constant 0xFF800000 : f32
      %broadcast_in_dim3A_916 = vector.broadcast %broadcast_in_dim3A_915 : f32 to vector<16xf32>
      %broadcast_in_dim3A_917 = arith.constant 2147483647 : i32
      %broadcast_in_dim3A_918 = vector.broadcast %broadcast_in_dim3A_917 : i32 to vector<16xi32>
      %broadcast_in_dim3A_919 = arith.constant 0 : i32
      %broadcast_in_dim3A_920 = vector.broadcast %broadcast_in_dim3A_919 : i32 to vector<16xi32>
      %scan3A_921 = arith.constant 0 : i32
      %scan3A_922 = arith.constant 32 : i32
      %scan3A_923 = arith.addi %scan3A_921, %scan3A_922 : i32
      %scan3A_924 = arith.constant 1 : i32
      %scan3A_925:3 = scf.for %scan3A_2095 = %scan3A_921 to %scan3A_923 step %scan3A_924 iter_args(%scan3A_2096 = %broadcast_in_dim3A_916, %scan3A_2097 = %broadcast_in_dim3A_918, %scan3A_2098 = %broadcast_in_dim3A_920) -> (vector<16xf32>, vector<16xi32>, vector<16xi32>)  : i32 {
        %mul3A_2099 = arith.constant 16 : i32
        %mul3A_2100 = arith.muli %scan3A_2095, %mul3A_2099 : i32
        %get3A = arith.index_cast %mul3A_2100 : i32 to index
        %get3A_2101 = tpu.vector_load %arg13[%get3A] {strides = array<i32>} : memref<512xf32, #tpu.memory_space<vmem>>, vector<16xf32>,
        %mul3A_2102 = arith.constant 16 : i32
        %mul3A_2103 = arith.muli %scan3A_2095, %mul3A_2102 : i32
        %get3A_2104 = arith.index_cast %mul3A_2103 : i32 to index
        %get3A_2105 = tpu.vector_load %arg14[%get3A_2104] {strides = array<i32>} : memref<512xi32, #tpu.memory_space<vmem>>, vector<16xi32>,
        %mul3A_2106 = arith.constant 16 : i32
        %mul3A_2107 = arith.muli %scan3A_2095, %mul3A_2106 : i32
        %add3A_2108 = vector.broadcast %mul3A_2107 : i32 to vector<16xi32>
        %add3A_2109 = arith.addi %add3A_2108, %iota3A : vector<16xi32>
        %gt3A = arith.cmpf ogt, %get3A_2101, %scan3A_2096 : vector<16xf32>
        %eq3A_2110 = arith.cmpf oeq, %get3A_2101, %scan3A_2096 : vector<16xf32>
        %lt3A_2111 = arith.cmpi slt, %get3A_2105, %scan3A_2097 : vector<16xi32>
        %and3A_2112 = arith.andi %eq3A_2110, %lt3A_2111 : vector<16xi1>
        %or3A = arith.ori %gt3A, %and3A_2112 : vector<16xi1>
        %select_n3A_2113 = arith.select %or3A, %get3A_2101, %scan3A_2096 : vector<16xi1>, vector<16xf32>
        %select_n3A_2114 = arith.select %or3A, %get3A_2105, %scan3A_2097 : vector<16xi1>, vector<16xi32>
        %select_n3A_2115 = arith.select %or3A, %add3A_2109, %scan3A_2098 : vector<16xi1>, vector<16xi32>
        scf.yield %select_n3A_2113, %select_n3A_2114, %select_n3A_2115 : vector<16xf32>, vector<16xi32>, vector<16xi32>
      }
      %scan3A_926 = arith.constant 32 : i32
      %reduce_max3A_927 = arith.constant true
      %reduce_max3A_928 = vector.broadcast %reduce_max3A_927 : i1 to vector<16xi1>
      %reduce_max3A_929 = tpu.scan <max>, %scan3A_925#0 masked %reduce_max3A_928 : vector<16xf32>, vector<16xi1> -> vector<16xf32>
      %reduce_max3A_930 = vector.extract %reduce_max3A_929[15] : f32 from vector<16xf32>
      %eq3A_931 = vector.broadcast %reduce_max3A_930 : f32 to vector<16xf32>
      %eq3A_932 = arith.cmpf oeq, %scan3A_925#0, %eq3A_931 : vector<16xf32>
      %jit3A_933 = arith.constant 2147483647 : i32
      %broadcast_in_dim3A_934 = vector.broadcast %jit3A_933 : i32 to vector<16xi32>
      %select_n3A_935 = arith.select %eq3A_932, %scan3A_925#1, %broadcast_in_dim3A_934 : vector<16xi1>, vector<16xi32>
      %reduce_min3A_936 = arith.constant true
      %reduce_min3A_937 = vector.broadcast %reduce_min3A_936 : i1 to vector<16xi1>
      %reduce_min3A_938 = arith.constant -2147483648 : i32
      %reduce_min3A_939 = vector.broadcast %reduce_min3A_938 : i32 to vector<16xi32>
      %reduce_min3A_940 = arith.xori %select_n3A_935, %reduce_min3A_939 : vector<16xi32>
      %reduce_min3A_941 = tpu.scan <min>, %reduce_min3A_940 masked %reduce_min3A_937 : vector<16xi32>, vector<16xi1> -> vector<16xi32>
      %reduce_min3A_942 = arith.xori %reduce_min3A_941, %reduce_min3A_939 : vector<16xi32>
      %reduce_min3A_943 = vector.extract %reduce_min3A_942[15] : i32 from vector<16xi32>
      %eq3A_944 = vector.broadcast %reduce_min3A_943 : i32 to vector<16xi32>
      %eq3A_945 = arith.cmpi eq, %scan3A_925#1, %eq3A_944 : vector<16xi32>
      %and3A = arith.andi %eq3A_932, %eq3A_945 : vector<16xi1>
      %jit3A_946 = arith.constant 2147483647 : i32
      %broadcast_in_dim3A_947 = vector.broadcast %jit3A_946 : i32 to vector<16xi32>
      %select_n3A_948 = arith.select %and3A, %scan3A_925#2, %broadcast_in_dim3A_947 : vector<16xi1>, vector<16xi32>
      %reduce_min3A_949 = arith.constant true
      %reduce_min3A_950 = vector.broadcast %reduce_min3A_949 : i1 to vector<16xi1>
      %reduce_min3A_951 = arith.constant -2147483648 : i32
      %reduce_min3A_952 = vector.broadcast %reduce_min3A_951 : i32 to vector<16xi32>
      %reduce_min3A_953 = arith.xori %select_n3A_948, %reduce_min3A_952 : vector<16xi32>
      %reduce_min3A_954 = tpu.scan <min>, %reduce_min3A_953 masked %reduce_min3A_950 : vector<16xi32>, vector<16xi1> -> vector<16xi32>
      %reduce_min3A_955 = arith.xori %reduce_min3A_954, %reduce_min3A_952 : vector<16xi32>
      %reduce_min3A_956 = vector.extract %reduce_min3A_955[15] : i32 from vector<16xi32>
      %eq3A_957 = arith.constant 0 : i32
      %eq3A_958 = vector.broadcast %eq3A_957 : i32 to vector<16xi32>
      %eq3A_959 = arith.cmpi eq, %iota3A, %eq3A_958 : vector<16xi32>
      %broadcast_in_dim3A_960 = vector.broadcast %reduce_min3A_956 : i32 to vector<16xi32>
      %select_n3A_961 = arith.select %eq3A_959, %broadcast_in_dim3A_960, %broadcast_in_dim3A_912 : vector<16xi1>, vector<16xi32>
      %broadcast_in_dim3A_962 = vector.broadcast %reduce_min3A_956 : i32 to vector<16xi32>
      %broadcast_in_dim3A_963 = arith.constant 0xFF800000 : f32
      %broadcast_in_dim3A_964 = vector.broadcast %broadcast_in_dim3A_963 : f32 to vector<16xf32>
      %eq3A_965 = arith.constant 0 : i32
      %eq3A_966 = vector.broadcast %eq3A_965 : i32 to vector<16xi32>
      %eq3A_967 = arith.cmpi eq, %iota3A, %eq3A_966 : vector<16xi32>
      tpu.vector_store_idx %arg13[%broadcast_in_dim3A_962], %broadcast_in_dim3A_964 masked %eq3A_967 : memref<512xf32, #tpu.memory_space<vmem>>[vector<16xi32>], vector<16xf32>, vector<16xi1>
      %broadcast_in_dim3A_968 = arith.constant 0xFF800000 : f32
      %broadcast_in_dim3A_969 = vector.broadcast %broadcast_in_dim3A_968 : f32 to vector<16xf32>
      %broadcast_in_dim3A_970 = arith.constant 2147483647 : i32
      %broadcast_in_dim3A_971 = vector.broadcast %broadcast_in_dim3A_970 : i32 to vector<16xi32>
      %broadcast_in_dim3A_972 = arith.constant 0 : i32
      %broadcast_in_dim3A_973 = vector.broadcast %broadcast_in_dim3A_972 : i32 to vector<16xi32>
      %scan3A_974 = arith.constant 0 : i32
      %scan3A_975 = arith.constant 32 : i32
      %scan3A_976 = arith.addi %scan3A_974, %scan3A_975 : i32
      %scan3A_977 = arith.constant 1 : i32
      %scan3A_978:3 = scf.for %scan3A_2095 = %scan3A_974 to %scan3A_976 step %scan3A_977 iter_args(%scan3A_2096 = %broadcast_in_dim3A_969, %scan3A_2097 = %broadcast_in_dim3A_971, %scan3A_2098 = %broadcast_in_dim3A_973) -> (vector<16xf32>, vector<16xi32>, vector<16xi32>)  : i32 {
        %mul3A_2099 = arith.constant 16 : i32
        %mul3A_2100 = arith.muli %scan3A_2095, %mul3A_2099 : i32
        %get3A = arith.index_cast %mul3A_2100 : i32 to index
        %get3A_2101 = tpu.vector_load %arg13[%get3A] {strides = array<i32>} : memref<512xf32, #tpu.memory_space<vmem>>, vector<16xf32>,
        %mul3A_2102 = arith.constant 16 : i32
        %mul3A_2103 = arith.muli %scan3A_2095, %mul3A_2102 : i32
        %get3A_2104 = arith.index_cast %mul3A_2103 : i32 to index
        %get3A_2105 = tpu.vector_load %arg14[%get3A_2104] {strides = array<i32>} : memref<512xi32, #tpu.memory_space<vmem>>, vector<16xi32>,
        %mul3A_2106 = arith.constant 16 : i32
        %mul3A_2107 = arith.muli %scan3A_2095, %mul3A_2106 : i32
        %add3A_2108 = vector.broadcast %mul3A_2107 : i32 to vector<16xi32>
        %add3A_2109 = arith.addi %add3A_2108, %iota3A : vector<16xi32>
        %gt3A = arith.cmpf ogt, %get3A_2101, %scan3A_2096 : vector<16xf32>
        %eq3A_2110 = arith.cmpf oeq, %get3A_2101, %scan3A_2096 : vector<16xf32>
        %lt3A_2111 = arith.cmpi slt, %get3A_2105, %scan3A_2097 : vector<16xi32>
        %and3A_2112 = arith.andi %eq3A_2110, %lt3A_2111 : vector<16xi1>
        %or3A = arith.ori %gt3A, %and3A_2112 : vector<16xi1>
        %select_n3A_2113 = arith.select %or3A, %get3A_2101, %scan3A_2096 : vector<16xi1>, vector<16xf32>
        %select_n3A_2114 = arith.select %or3A, %get3A_2105, %scan3A_2097 : vector<16xi1>, vector<16xi32>
        %select_n3A_2115 = arith.select %or3A, %add3A_2109, %scan3A_2098 : vector<16xi1>, vector<16xi32>
        scf.yield %select_n3A_2113, %select_n3A_2114, %select_n3A_2115 : vector<16xf32>, vector<16xi32>, vector<16xi32>
      }
      %scan3A_979 = arith.constant 32 : i32
      %reduce_max3A_980 = arith.constant true
      %reduce_max3A_981 = vector.broadcast %reduce_max3A_980 : i1 to vector<16xi1>
      %reduce_max3A_982 = tpu.scan <max>, %scan3A_978#0 masked %reduce_max3A_981 : vector<16xf32>, vector<16xi1> -> vector<16xf32>
      %reduce_max3A_983 = vector.extract %reduce_max3A_982[15] : f32 from vector<16xf32>
      %eq3A_984 = vector.broadcast %reduce_max3A_983 : f32 to vector<16xf32>
      %eq3A_985 = arith.cmpf oeq, %scan3A_978#0, %eq3A_984 : vector<16xf32>
      %jit3A_986 = arith.constant 2147483647 : i32
      %broadcast_in_dim3A_987 = vector.broadcast %jit3A_986 : i32 to vector<16xi32>
      %select_n3A_988 = arith.select %eq3A_985, %scan3A_978#1, %broadcast_in_dim3A_987 : vector<16xi1>, vector<16xi32>
      %reduce_min3A_989 = arith.constant true
      %reduce_min3A_990 = vector.broadcast %reduce_min3A_989 : i1 to vector<16xi1>
      %reduce_min3A_991 = arith.constant -2147483648 : i32
      %reduce_min3A_992 = vector.broadcast %reduce_min3A_991 : i32 to vector<16xi32>
      %reduce_min3A_993 = arith.xori %select_n3A_988, %reduce_min3A_992 : vector<16xi32>
      %reduce_min3A_994 = tpu.scan <min>, %reduce_min3A_993 masked %reduce_min3A_990 : vector<16xi32>, vector<16xi1> -> vector<16xi32>
      %reduce_min3A_995 = arith.xori %reduce_min3A_994, %reduce_min3A_992 : vector<16xi32>
      %reduce_min3A_996 = vector.extract %reduce_min3A_995[15] : i32 from vector<16xi32>
      %eq3A_997 = vector.broadcast %reduce_min3A_996 : i32 to vector<16xi32>
      %eq3A_998 = arith.cmpi eq, %scan3A_978#1, %eq3A_997 : vector<16xi32>
      %and3A_999 = arith.andi %eq3A_985, %eq3A_998 : vector<16xi1>
      %jit3A_1000 = arith.constant 2147483647 : i32
      %broadcast_in_dim3A_1001 = vector.broadcast %jit3A_1000 : i32 to vector<16xi32>
      %select_n3A_1002 = arith.select %and3A_999, %scan3A_978#2, %broadcast_in_dim3A_1001 : vector<16xi1>, vector<16xi32>
      %reduce_min3A_1003 = arith.constant true
      %reduce_min3A_1004 = vector.broadcast %reduce_min3A_1003 : i1 to vector<16xi1>
      %reduce_min3A_1005 = arith.constant -2147483648 : i32
      %reduce_min3A_1006 = vector.broadcast %reduce_min3A_1005 : i32 to vector<16xi32>
      %reduce_min3A_1007 = arith.xori %select_n3A_1002, %reduce_min3A_1006 : vector<16xi32>
      %reduce_min3A_1008 = tpu.scan <min>, %reduce_min3A_1007 masked %reduce_min3A_1004 : vector<16xi32>, vector<16xi1> -> vector<16xi32>
      %reduce_min3A_1009 = arith.xori %reduce_min3A_1008, %reduce_min3A_1006 : vector<16xi32>
      %reduce_min3A_1010 = vector.extract %reduce_min3A_1009[15] : i32 from vector<16xi32>
      %eq3A_1011 = arith.constant 1 : i32
      %eq3A_1012 = vector.broadcast %eq3A_1011 : i32 to vector<16xi32>
      %eq3A_1013 = arith.cmpi eq, %iota3A, %eq3A_1012 : vector<16xi32>
      %broadcast_in_dim3A_1014 = vector.broadcast %reduce_min3A_1010 : i32 to vector<16xi32>
      %select_n3A_1015 = arith.select %eq3A_1013, %broadcast_in_dim3A_1014, %select_n3A_961 : vector<16xi1>, vector<16xi32>
      %broadcast_in_dim3A_1016 = vector.broadcast %reduce_min3A_1010 : i32 to vector<16xi32>
      %broadcast_in_dim3A_1017 = arith.constant 0xFF800000 : f32
      %broadcast_in_dim3A_1018 = vector.broadcast %broadcast_in_dim3A_1017 : f32 to vector<16xf32>
      %eq3A_1019 = arith.constant 0 : i32
      %eq3A_1020 = vector.broadcast %eq3A_1019 : i32 to vector<16xi32>
      %eq3A_1021 = arith.cmpi eq, %iota3A, %eq3A_1020 : vector<16xi32>
      tpu.vector_store_idx %arg13[%broadcast_in_dim3A_1016], %broadcast_in_dim3A_1018 masked %eq3A_1021 : memref<512xf32, #tpu.memory_space<vmem>>[vector<16xi32>], vector<16xf32>, vector<16xi1>
      %broadcast_in_dim3A_1022 = arith.constant 0xFF800000 : f32
      %broadcast_in_dim3A_1023 = vector.broadcast %broadcast_in_dim3A_1022 : f32 to vector<16xf32>
      %broadcast_in_dim3A_1024 = arith.constant 2147483647 : i32
      %broadcast_in_dim3A_1025 = vector.broadcast %broadcast_in_dim3A_1024 : i32 to vector<16xi32>
      %broadcast_in_dim3A_1026 = arith.constant 0 : i32
      %broadcast_in_dim3A_1027 = vector.broadcast %broadcast_in_dim3A_1026 : i32 to vector<16xi32>
      %scan3A_1028 = arith.constant 0 : i32
      %scan3A_1029 = arith.constant 32 : i32
      %scan3A_1030 = arith.addi %scan3A_1028, %scan3A_1029 : i32
      %scan3A_1031 = arith.constant 1 : i32
      %scan3A_1032:3 = scf.for %scan3A_2095 = %scan3A_1028 to %scan3A_1030 step %scan3A_1031 iter_args(%scan3A_2096 = %broadcast_in_dim3A_1023, %scan3A_2097 = %broadcast_in_dim3A_1025, %scan3A_2098 = %broadcast_in_dim3A_1027) -> (vector<16xf32>, vector<16xi32>, vector<16xi32>)  : i32 {
        %mul3A_2099 = arith.constant 16 : i32
        %mul3A_2100 = arith.muli %scan3A_2095, %mul3A_2099 : i32
        %get3A = arith.index_cast %mul3A_2100 : i32 to index
        %get3A_2101 = tpu.vector_load %arg13[%get3A] {strides = array<i32>} : memref<512xf32, #tpu.memory_space<vmem>>, vector<16xf32>,
        %mul3A_2102 = arith.constant 16 : i32
        %mul3A_2103 = arith.muli %scan3A_2095, %mul3A_2102 : i32
        %get3A_2104 = arith.index_cast %mul3A_2103 : i32 to index
        %get3A_2105 = tpu.vector_load %arg14[%get3A_2104] {strides = array<i32>} : memref<512xi32, #tpu.memory_space<vmem>>, vector<16xi32>,
        %mul3A_2106 = arith.constant 16 : i32
        %mul3A_2107 = arith.muli %scan3A_2095, %mul3A_2106 : i32
        %add3A_2108 = vector.broadcast %mul3A_2107 : i32 to vector<16xi32>
        %add3A_2109 = arith.addi %add3A_2108, %iota3A : vector<16xi32>
        %gt3A = arith.cmpf ogt, %get3A_2101, %scan3A_2096 : vector<16xf32>
        %eq3A_2110 = arith.cmpf oeq, %get3A_2101, %scan3A_2096 : vector<16xf32>
        %lt3A_2111 = arith.cmpi slt, %get3A_2105, %scan3A_2097 : vector<16xi32>
        %and3A_2112 = arith.andi %eq3A_2110, %lt3A_2111 : vector<16xi1>
        %or3A = arith.ori %gt3A, %and3A_2112 : vector<16xi1>
        %select_n3A_2113 = arith.select %or3A, %get3A_2101, %scan3A_2096 : vector<16xi1>, vector<16xf32>
        %select_n3A_2114 = arith.select %or3A, %get3A_2105, %scan3A_2097 : vector<16xi1>, vector<16xi32>
        %select_n3A_2115 = arith.select %or3A, %add3A_2109, %scan3A_2098 : vector<16xi1>, vector<16xi32>
        scf.yield %select_n3A_2113, %select_n3A_2114, %select_n3A_2115 : vector<16xf32>, vector<16xi32>, vector<16xi32>
      }
      %scan3A_1033 = arith.constant 32 : i32
      %reduce_max3A_1034 = arith.constant true
      %reduce_max3A_1035 = vector.broadcast %reduce_max3A_1034 : i1 to vector<16xi1>
      %reduce_max3A_1036 = tpu.scan <max>, %scan3A_1032#0 masked %reduce_max3A_1035 : vector<16xf32>, vector<16xi1> -> vector<16xf32>
      %reduce_max3A_1037 = vector.extract %reduce_max3A_1036[15] : f32 from vector<16xf32>
      %eq3A_1038 = vector.broadcast %reduce_max3A_1037 : f32 to vector<16xf32>
      %eq3A_1039 = arith.cmpf oeq, %scan3A_1032#0, %eq3A_1038 : vector<16xf32>
      %jit3A_1040 = arith.constant 2147483647 : i32
      %broadcast_in_dim3A_1041 = vector.broadcast %jit3A_1040 : i32 to vector<16xi32>
      %select_n3A_1042 = arith.select %eq3A_1039, %scan3A_1032#1, %broadcast_in_dim3A_1041 : vector<16xi1>, vector<16xi32>
      %reduce_min3A_1043 = arith.constant true
      %reduce_min3A_1044 = vector.broadcast %reduce_min3A_1043 : i1 to vector<16xi1>
      %reduce_min3A_1045 = arith.constant -2147483648 : i32
      %reduce_min3A_1046 = vector.broadcast %reduce_min3A_1045 : i32 to vector<16xi32>
      %reduce_min3A_1047 = arith.xori %select_n3A_1042, %reduce_min3A_1046 : vector<16xi32>
      %reduce_min3A_1048 = tpu.scan <min>, %reduce_min3A_1047 masked %reduce_min3A_1044 : vector<16xi32>, vector<16xi1> -> vector<16xi32>
      %reduce_min3A_1049 = arith.xori %reduce_min3A_1048, %reduce_min3A_1046 : vector<16xi32>
      %reduce_min3A_1050 = vector.extract %reduce_min3A_1049[15] : i32 from vector<16xi32>
      %eq3A_1051 = vector.broadcast %reduce_min3A_1050 : i32 to vector<16xi32>
      %eq3A_1052 = arith.cmpi eq, %scan3A_1032#1, %eq3A_1051 : vector<16xi32>
      %and3A_1053 = arith.andi %eq3A_1039, %eq3A_1052 : vector<16xi1>
      %jit3A_1054 = arith.constant 2147483647 : i32
      %broadcast_in_dim3A_1055 = vector.broadcast %jit3A_1054 : i32 to vector<16xi32>
      %select_n3A_1056 = arith.select %and3A_1053, %scan3A_1032#2, %broadcast_in_dim3A_1055 : vector<16xi1>, vector<16xi32>
      %reduce_min3A_1057 = arith.constant true
      %reduce_min3A_1058 = vector.broadcast %reduce_min3A_1057 : i1 to vector<16xi1>
      %reduce_min3A_1059 = arith.constant -2147483648 : i32
      %reduce_min3A_1060 = vector.broadcast %reduce_min3A_1059 : i32 to vector<16xi32>
      %reduce_min3A_1061 = arith.xori %select_n3A_1056, %reduce_min3A_1060 : vector<16xi32>
      %reduce_min3A_1062 = tpu.scan <min>, %reduce_min3A_1061 masked %reduce_min3A_1058 : vector<16xi32>, vector<16xi1> -> vector<16xi32>
      %reduce_min3A_1063 = arith.xori %reduce_min3A_1062, %reduce_min3A_1060 : vector<16xi32>
      %reduce_min3A_1064 = vector.extract %reduce_min3A_1063[15] : i32 from vector<16xi32>
      %eq3A_1065 = arith.constant 2 : i32
      %eq3A_1066 = vector.broadcast %eq3A_1065 : i32 to vector<16xi32>
      %eq3A_1067 = arith.cmpi eq, %iota3A, %eq3A_1066 : vector<16xi32>
      %broadcast_in_dim3A_1068 = vector.broadcast %reduce_min3A_1064 : i32 to vector<16xi32>
      %select_n3A_1069 = arith.select %eq3A_1067, %broadcast_in_dim3A_1068, %select_n3A_1015 : vector<16xi1>, vector<16xi32>
      %broadcast_in_dim3A_1070 = vector.broadcast %reduce_min3A_1064 : i32 to vector<16xi32>
      %broadcast_in_dim3A_1071 = arith.constant 0xFF800000 : f32
      %broadcast_in_dim3A_1072 = vector.broadcast %broadcast_in_dim3A_1071 : f32 to vector<16xf32>
      %eq3A_1073 = arith.constant 0 : i32
      %eq3A_1074 = vector.broadcast %eq3A_1073 : i32 to vector<16xi32>
      %eq3A_1075 = arith.cmpi eq, %iota3A, %eq3A_1074 : vector<16xi32>
      tpu.vector_store_idx %arg13[%broadcast_in_dim3A_1070], %broadcast_in_dim3A_1072 masked %eq3A_1075 : memref<512xf32, #tpu.memory_space<vmem>>[vector<16xi32>], vector<16xf32>, vector<16xi1>
      %broadcast_in_dim3A_1076 = arith.constant 0xFF800000 : f32
      %broadcast_in_dim3A_1077 = vector.broadcast %broadcast_in_dim3A_1076 : f32 to vector<16xf32>
      %broadcast_in_dim3A_1078 = arith.constant 2147483647 : i32
      %broadcast_in_dim3A_1079 = vector.broadcast %broadcast_in_dim3A_1078 : i32 to vector<16xi32>
      %broadcast_in_dim3A_1080 = arith.constant 0 : i32
      %broadcast_in_dim3A_1081 = vector.broadcast %broadcast_in_dim3A_1080 : i32 to vector<16xi32>
      %scan3A_1082 = arith.constant 0 : i32
      %scan3A_1083 = arith.constant 32 : i32
      %scan3A_1084 = arith.addi %scan3A_1082, %scan3A_1083 : i32
      %scan3A_1085 = arith.constant 1 : i32
      %scan3A_1086:3 = scf.for %scan3A_2095 = %scan3A_1082 to %scan3A_1084 step %scan3A_1085 iter_args(%scan3A_2096 = %broadcast_in_dim3A_1077, %scan3A_2097 = %broadcast_in_dim3A_1079, %scan3A_2098 = %broadcast_in_dim3A_1081) -> (vector<16xf32>, vector<16xi32>, vector<16xi32>)  : i32 {
        %mul3A_2099 = arith.constant 16 : i32
        %mul3A_2100 = arith.muli %scan3A_2095, %mul3A_2099 : i32
        %get3A = arith.index_cast %mul3A_2100 : i32 to index
        %get3A_2101 = tpu.vector_load %arg13[%get3A] {strides = array<i32>} : memref<512xf32, #tpu.memory_space<vmem>>, vector<16xf32>,
        %mul3A_2102 = arith.constant 16 : i32
        %mul3A_2103 = arith.muli %scan3A_2095, %mul3A_2102 : i32
        %get3A_2104 = arith.index_cast %mul3A_2103 : i32 to index
        %get3A_2105 = tpu.vector_load %arg14[%get3A_2104] {strides = array<i32>} : memref<512xi32, #tpu.memory_space<vmem>>, vector<16xi32>,
        %mul3A_2106 = arith.constant 16 : i32
        %mul3A_2107 = arith.muli %scan3A_2095, %mul3A_2106 : i32
        %add3A_2108 = vector.broadcast %mul3A_2107 : i32 to vector<16xi32>
        %add3A_2109 = arith.addi %add3A_2108, %iota3A : vector<16xi32>
        %gt3A = arith.cmpf ogt, %get3A_2101, %scan3A_2096 : vector<16xf32>
        %eq3A_2110 = arith.cmpf oeq, %get3A_2101, %scan3A_2096 : vector<16xf32>
        %lt3A_2111 = arith.cmpi slt, %get3A_2105, %scan3A_2097 : vector<16xi32>
        %and3A_2112 = arith.andi %eq3A_2110, %lt3A_2111 : vector<16xi1>
        %or3A = arith.ori %gt3A, %and3A_2112 : vector<16xi1>
        %select_n3A_2113 = arith.select %or3A, %get3A_2101, %scan3A_2096 : vector<16xi1>, vector<16xf32>
        %select_n3A_2114 = arith.select %or3A, %get3A_2105, %scan3A_2097 : vector<16xi1>, vector<16xi32>
        %select_n3A_2115 = arith.select %or3A, %add3A_2109, %scan3A_2098 : vector<16xi1>, vector<16xi32>
        scf.yield %select_n3A_2113, %select_n3A_2114, %select_n3A_2115 : vector<16xf32>, vector<16xi32>, vector<16xi32>
      }
      %scan3A_1087 = arith.constant 32 : i32
      %reduce_max3A_1088 = arith.constant true
      %reduce_max3A_1089 = vector.broadcast %reduce_max3A_1088 : i1 to vector<16xi1>
      %reduce_max3A_1090 = tpu.scan <max>, %scan3A_1086#0 masked %reduce_max3A_1089 : vector<16xf32>, vector<16xi1> -> vector<16xf32>
      %reduce_max3A_1091 = vector.extract %reduce_max3A_1090[15] : f32 from vector<16xf32>
      %eq3A_1092 = vector.broadcast %reduce_max3A_1091 : f32 to vector<16xf32>
      %eq3A_1093 = arith.cmpf oeq, %scan3A_1086#0, %eq3A_1092 : vector<16xf32>
      %jit3A_1094 = arith.constant 2147483647 : i32
      %broadcast_in_dim3A_1095 = vector.broadcast %jit3A_1094 : i32 to vector<16xi32>
      %select_n3A_1096 = arith.select %eq3A_1093, %scan3A_1086#1, %broadcast_in_dim3A_1095 : vector<16xi1>, vector<16xi32>
      %reduce_min3A_1097 = arith.constant true
      %reduce_min3A_1098 = vector.broadcast %reduce_min3A_1097 : i1 to vector<16xi1>
      %reduce_min3A_1099 = arith.constant -2147483648 : i32
      %reduce_min3A_1100 = vector.broadcast %reduce_min3A_1099 : i32 to vector<16xi32>
      %reduce_min3A_1101 = arith.xori %select_n3A_1096, %reduce_min3A_1100 : vector<16xi32>
      %reduce_min3A_1102 = tpu.scan <min>, %reduce_min3A_1101 masked %reduce_min3A_1098 : vector<16xi32>, vector<16xi1> -> vector<16xi32>
      %reduce_min3A_1103 = arith.xori %reduce_min3A_1102, %reduce_min3A_1100 : vector<16xi32>
      %reduce_min3A_1104 = vector.extract %reduce_min3A_1103[15] : i32 from vector<16xi32>
      %eq3A_1105 = vector.broadcast %reduce_min3A_1104 : i32 to vector<16xi32>
      %eq3A_1106 = arith.cmpi eq, %scan3A_1086#1, %eq3A_1105 : vector<16xi32>
      %and3A_1107 = arith.andi %eq3A_1093, %eq3A_1106 : vector<16xi1>
      %jit3A_1108 = arith.constant 2147483647 : i32
      %broadcast_in_dim3A_1109 = vector.broadcast %jit3A_1108 : i32 to vector<16xi32>
      %select_n3A_1110 = arith.select %and3A_1107, %scan3A_1086#2, %broadcast_in_dim3A_1109 : vector<16xi1>, vector<16xi32>
      %reduce_min3A_1111 = arith.constant true
      %reduce_min3A_1112 = vector.broadcast %reduce_min3A_1111 : i1 to vector<16xi1>
      %reduce_min3A_1113 = arith.constant -2147483648 : i32
      %reduce_min3A_1114 = vector.broadcast %reduce_min3A_1113 : i32 to vector<16xi32>
      %reduce_min3A_1115 = arith.xori %select_n3A_1110, %reduce_min3A_1114 : vector<16xi32>
      %reduce_min3A_1116 = tpu.scan <min>, %reduce_min3A_1115 masked %reduce_min3A_1112 : vector<16xi32>, vector<16xi1> -> vector<16xi32>
      %reduce_min3A_1117 = arith.xori %reduce_min3A_1116, %reduce_min3A_1114 : vector<16xi32>
      %reduce_min3A_1118 = vector.extract %reduce_min3A_1117[15] : i32 from vector<16xi32>
      %eq3A_1119 = arith.constant 3 : i32
      %eq3A_1120 = vector.broadcast %eq3A_1119 : i32 to vector<16xi32>
      %eq3A_1121 = arith.cmpi eq, %iota3A, %eq3A_1120 : vector<16xi32>
      %broadcast_in_dim3A_1122 = vector.broadcast %reduce_min3A_1118 : i32 to vector<16xi32>
      %select_n3A_1123 = arith.select %eq3A_1121, %broadcast_in_dim3A_1122, %select_n3A_1069 : vector<16xi1>, vector<16xi32>
      %broadcast_in_dim3A_1124 = vector.broadcast %reduce_min3A_1118 : i32 to vector<16xi32>
      %broadcast_in_dim3A_1125 = arith.constant 0xFF800000 : f32
      %broadcast_in_dim3A_1126 = vector.broadcast %broadcast_in_dim3A_1125 : f32 to vector<16xf32>
      %eq3A_1127 = arith.constant 0 : i32
      %eq3A_1128 = vector.broadcast %eq3A_1127 : i32 to vector<16xi32>
      %eq3A_1129 = arith.cmpi eq, %iota3A, %eq3A_1128 : vector<16xi32>
      tpu.vector_store_idx %arg13[%broadcast_in_dim3A_1124], %broadcast_in_dim3A_1126 masked %eq3A_1129 : memref<512xf32, #tpu.memory_space<vmem>>[vector<16xi32>], vector<16xf32>, vector<16xi1>
      %broadcast_in_dim3A_1130 = arith.constant 0xFF800000 : f32
      %broadcast_in_dim3A_1131 = vector.broadcast %broadcast_in_dim3A_1130 : f32 to vector<16xf32>
      %broadcast_in_dim3A_1132 = arith.constant 2147483647 : i32
      %broadcast_in_dim3A_1133 = vector.broadcast %broadcast_in_dim3A_1132 : i32 to vector<16xi32>
      %broadcast_in_dim3A_1134 = arith.constant 0 : i32
      %broadcast_in_dim3A_1135 = vector.broadcast %broadcast_in_dim3A_1134 : i32 to vector<16xi32>
      %scan3A_1136 = arith.constant 0 : i32
      %scan3A_1137 = arith.constant 32 : i32
      %scan3A_1138 = arith.addi %scan3A_1136, %scan3A_1137 : i32
      %scan3A_1139 = arith.constant 1 : i32
      %scan3A_1140:3 = scf.for %scan3A_2095 = %scan3A_1136 to %scan3A_1138 step %scan3A_1139 iter_args(%scan3A_2096 = %broadcast_in_dim3A_1131, %scan3A_2097 = %broadcast_in_dim3A_1133, %scan3A_2098 = %broadcast_in_dim3A_1135) -> (vector<16xf32>, vector<16xi32>, vector<16xi32>)  : i32 {
        %mul3A_2099 = arith.constant 16 : i32
        %mul3A_2100 = arith.muli %scan3A_2095, %mul3A_2099 : i32
        %get3A = arith.index_cast %mul3A_2100 : i32 to index
        %get3A_2101 = tpu.vector_load %arg13[%get3A] {strides = array<i32>} : memref<512xf32, #tpu.memory_space<vmem>>, vector<16xf32>,
        %mul3A_2102 = arith.constant 16 : i32
        %mul3A_2103 = arith.muli %scan3A_2095, %mul3A_2102 : i32
        %get3A_2104 = arith.index_cast %mul3A_2103 : i32 to index
        %get3A_2105 = tpu.vector_load %arg14[%get3A_2104] {strides = array<i32>} : memref<512xi32, #tpu.memory_space<vmem>>, vector<16xi32>,
        %mul3A_2106 = arith.constant 16 : i32
        %mul3A_2107 = arith.muli %scan3A_2095, %mul3A_2106 : i32
        %add3A_2108 = vector.broadcast %mul3A_2107 : i32 to vector<16xi32>
        %add3A_2109 = arith.addi %add3A_2108, %iota3A : vector<16xi32>
        %gt3A = arith.cmpf ogt, %get3A_2101, %scan3A_2096 : vector<16xf32>
        %eq3A_2110 = arith.cmpf oeq, %get3A_2101, %scan3A_2096 : vector<16xf32>
        %lt3A_2111 = arith.cmpi slt, %get3A_2105, %scan3A_2097 : vector<16xi32>
        %and3A_2112 = arith.andi %eq3A_2110, %lt3A_2111 : vector<16xi1>
        %or3A = arith.ori %gt3A, %and3A_2112 : vector<16xi1>
        %select_n3A_2113 = arith.select %or3A, %get3A_2101, %scan3A_2096 : vector<16xi1>, vector<16xf32>
        %select_n3A_2114 = arith.select %or3A, %get3A_2105, %scan3A_2097 : vector<16xi1>, vector<16xi32>
        %select_n3A_2115 = arith.select %or3A, %add3A_2109, %scan3A_2098 : vector<16xi1>, vector<16xi32>
        scf.yield %select_n3A_2113, %select_n3A_2114, %select_n3A_2115 : vector<16xf32>, vector<16xi32>, vector<16xi32>
      }
      %scan3A_1141 = arith.constant 32 : i32
      %reduce_max3A_1142 = arith.constant true
      %reduce_max3A_1143 = vector.broadcast %reduce_max3A_1142 : i1 to vector<16xi1>
      %reduce_max3A_1144 = tpu.scan <max>, %scan3A_1140#0 masked %reduce_max3A_1143 : vector<16xf32>, vector<16xi1> -> vector<16xf32>
      %reduce_max3A_1145 = vector.extract %reduce_max3A_1144[15] : f32 from vector<16xf32>
      %eq3A_1146 = vector.broadcast %reduce_max3A_1145 : f32 to vector<16xf32>
      %eq3A_1147 = arith.cmpf oeq, %scan3A_1140#0, %eq3A_1146 : vector<16xf32>
      %jit3A_1148 = arith.constant 2147483647 : i32
      %broadcast_in_dim3A_1149 = vector.broadcast %jit3A_1148 : i32 to vector<16xi32>
      %select_n3A_1150 = arith.select %eq3A_1147, %scan3A_1140#1, %broadcast_in_dim3A_1149 : vector<16xi1>, vector<16xi32>
      %reduce_min3A_1151 = arith.constant true
      %reduce_min3A_1152 = vector.broadcast %reduce_min3A_1151 : i1 to vector<16xi1>
      %reduce_min3A_1153 = arith.constant -2147483648 : i32
      %reduce_min3A_1154 = vector.broadcast %reduce_min3A_1153 : i32 to vector<16xi32>
      %reduce_min3A_1155 = arith.xori %select_n3A_1150, %reduce_min3A_1154 : vector<16xi32>
      %reduce_min3A_1156 = tpu.scan <min>, %reduce_min3A_1155 masked %reduce_min3A_1152 : vector<16xi32>, vector<16xi1> -> vector<16xi32>
      %reduce_min3A_1157 = arith.xori %reduce_min3A_1156, %reduce_min3A_1154 : vector<16xi32>
      %reduce_min3A_1158 = vector.extract %reduce_min3A_1157[15] : i32 from vector<16xi32>
      %eq3A_1159 = vector.broadcast %reduce_min3A_1158 : i32 to vector<16xi32>
      %eq3A_1160 = arith.cmpi eq, %scan3A_1140#1, %eq3A_1159 : vector<16xi32>
      %and3A_1161 = arith.andi %eq3A_1147, %eq3A_1160 : vector<16xi1>
      %jit3A_1162 = arith.constant 2147483647 : i32
      %broadcast_in_dim3A_1163 = vector.broadcast %jit3A_1162 : i32 to vector<16xi32>
      %select_n3A_1164 = arith.select %and3A_1161, %scan3A_1140#2, %broadcast_in_dim3A_1163 : vector<16xi1>, vector<16xi32>
      %reduce_min3A_1165 = arith.constant true
      %reduce_min3A_1166 = vector.broadcast %reduce_min3A_1165 : i1 to vector<16xi1>
      %reduce_min3A_1167 = arith.constant -2147483648 : i32
      %reduce_min3A_1168 = vector.broadcast %reduce_min3A_1167 : i32 to vector<16xi32>
      %reduce_min3A_1169 = arith.xori %select_n3A_1164, %reduce_min3A_1168 : vector<16xi32>
      %reduce_min3A_1170 = tpu.scan <min>, %reduce_min3A_1169 masked %reduce_min3A_1166 : vector<16xi32>, vector<16xi1> -> vector<16xi32>
      %reduce_min3A_1171 = arith.xori %reduce_min3A_1170, %reduce_min3A_1168 : vector<16xi32>
      %reduce_min3A_1172 = vector.extract %reduce_min3A_1171[15] : i32 from vector<16xi32>
      %eq3A_1173 = arith.constant 4 : i32
      %eq3A_1174 = vector.broadcast %eq3A_1173 : i32 to vector<16xi32>
      %eq3A_1175 = arith.cmpi eq, %iota3A, %eq3A_1174 : vector<16xi32>
      %broadcast_in_dim3A_1176 = vector.broadcast %reduce_min3A_1172 : i32 to vector<16xi32>
      %select_n3A_1177 = arith.select %eq3A_1175, %broadcast_in_dim3A_1176, %select_n3A_1123 : vector<16xi1>, vector<16xi32>
      %broadcast_in_dim3A_1178 = vector.broadcast %reduce_min3A_1172 : i32 to vector<16xi32>
      %broadcast_in_dim3A_1179 = arith.constant 0xFF800000 : f32
      %broadcast_in_dim3A_1180 = vector.broadcast %broadcast_in_dim3A_1179 : f32 to vector<16xf32>
      %eq3A_1181 = arith.constant 0 : i32
      %eq3A_1182 = vector.broadcast %eq3A_1181 : i32 to vector<16xi32>
      %eq3A_1183 = arith.cmpi eq, %iota3A, %eq3A_1182 : vector<16xi32>
      tpu.vector_store_idx %arg13[%broadcast_in_dim3A_1178], %broadcast_in_dim3A_1180 masked %eq3A_1183 : memref<512xf32, #tpu.memory_space<vmem>>[vector<16xi32>], vector<16xf32>, vector<16xi1>
      %broadcast_in_dim3A_1184 = arith.constant 0xFF800000 : f32
      %broadcast_in_dim3A_1185 = vector.broadcast %broadcast_in_dim3A_1184 : f32 to vector<16xf32>
      %broadcast_in_dim3A_1186 = arith.constant 2147483647 : i32
      %broadcast_in_dim3A_1187 = vector.broadcast %broadcast_in_dim3A_1186 : i32 to vector<16xi32>
      %broadcast_in_dim3A_1188 = arith.constant 0 : i32
      %broadcast_in_dim3A_1189 = vector.broadcast %broadcast_in_dim3A_1188 : i32 to vector<16xi32>
      %scan3A_1190 = arith.constant 0 : i32
      %scan3A_1191 = arith.constant 32 : i32
      %scan3A_1192 = arith.addi %scan3A_1190, %scan3A_1191 : i32
      %scan3A_1193 = arith.constant 1 : i32
      %scan3A_1194:3 = scf.for %scan3A_2095 = %scan3A_1190 to %scan3A_1192 step %scan3A_1193 iter_args(%scan3A_2096 = %broadcast_in_dim3A_1185, %scan3A_2097 = %broadcast_in_dim3A_1187, %scan3A_2098 = %broadcast_in_dim3A_1189) -> (vector<16xf32>, vector<16xi32>, vector<16xi32>)  : i32 {
        %mul3A_2099 = arith.constant 16 : i32
        %mul3A_2100 = arith.muli %scan3A_2095, %mul3A_2099 : i32
        %get3A = arith.index_cast %mul3A_2100 : i32 to index
        %get3A_2101 = tpu.vector_load %arg13[%get3A] {strides = array<i32>} : memref<512xf32, #tpu.memory_space<vmem>>, vector<16xf32>,
        %mul3A_2102 = arith.constant 16 : i32
        %mul3A_2103 = arith.muli %scan3A_2095, %mul3A_2102 : i32
        %get3A_2104 = arith.index_cast %mul3A_2103 : i32 to index
        %get3A_2105 = tpu.vector_load %arg14[%get3A_2104] {strides = array<i32>} : memref<512xi32, #tpu.memory_space<vmem>>, vector<16xi32>,
        %mul3A_2106 = arith.constant 16 : i32
        %mul3A_2107 = arith.muli %scan3A_2095, %mul3A_2106 : i32
        %add3A_2108 = vector.broadcast %mul3A_2107 : i32 to vector<16xi32>
        %add3A_2109 = arith.addi %add3A_2108, %iota3A : vector<16xi32>
        %gt3A = arith.cmpf ogt, %get3A_2101, %scan3A_2096 : vector<16xf32>
        %eq3A_2110 = arith.cmpf oeq, %get3A_2101, %scan3A_2096 : vector<16xf32>
        %lt3A_2111 = arith.cmpi slt, %get3A_2105, %scan3A_2097 : vector<16xi32>
        %and3A_2112 = arith.andi %eq3A_2110, %lt3A_2111 : vector<16xi1>
        %or3A = arith.ori %gt3A, %and3A_2112 : vector<16xi1>
        %select_n3A_2113 = arith.select %or3A, %get3A_2101, %scan3A_2096 : vector<16xi1>, vector<16xf32>
        %select_n3A_2114 = arith.select %or3A, %get3A_2105, %scan3A_2097 : vector<16xi1>, vector<16xi32>
        %select_n3A_2115 = arith.select %or3A, %add3A_2109, %scan3A_2098 : vector<16xi1>, vector<16xi32>
        scf.yield %select_n3A_2113, %select_n3A_2114, %select_n3A_2115 : vector<16xf32>, vector<16xi32>, vector<16xi32>
      }
      %scan3A_1195 = arith.constant 32 : i32
      %reduce_max3A_1196 = arith.constant true
      %reduce_max3A_1197 = vector.broadcast %reduce_max3A_1196 : i1 to vector<16xi1>
      %reduce_max3A_1198 = tpu.scan <max>, %scan3A_1194#0 masked %reduce_max3A_1197 : vector<16xf32>, vector<16xi1> -> vector<16xf32>
      %reduce_max3A_1199 = vector.extract %reduce_max3A_1198[15] : f32 from vector<16xf32>
      %eq3A_1200 = vector.broadcast %reduce_max3A_1199 : f32 to vector<16xf32>
      %eq3A_1201 = arith.cmpf oeq, %scan3A_1194#0, %eq3A_1200 : vector<16xf32>
      %jit3A_1202 = arith.constant 2147483647 : i32
      %broadcast_in_dim3A_1203 = vector.broadcast %jit3A_1202 : i32 to vector<16xi32>
      %select_n3A_1204 = arith.select %eq3A_1201, %scan3A_1194#1, %broadcast_in_dim3A_1203 : vector<16xi1>, vector<16xi32>
      %reduce_min3A_1205 = arith.constant true
      %reduce_min3A_1206 = vector.broadcast %reduce_min3A_1205 : i1 to vector<16xi1>
      %reduce_min3A_1207 = arith.constant -2147483648 : i32
      %reduce_min3A_1208 = vector.broadcast %reduce_min3A_1207 : i32 to vector<16xi32>
      %reduce_min3A_1209 = arith.xori %select_n3A_1204, %reduce_min3A_1208 : vector<16xi32>
      %reduce_min3A_1210 = tpu.scan <min>, %reduce_min3A_1209 masked %reduce_min3A_1206 : vector<16xi32>, vector<16xi1> -> vector<16xi32>
      %reduce_min3A_1211 = arith.xori %reduce_min3A_1210, %reduce_min3A_1208 : vector<16xi32>
      %reduce_min3A_1212 = vector.extract %reduce_min3A_1211[15] : i32 from vector<16xi32>
      %eq3A_1213 = vector.broadcast %reduce_min3A_1212 : i32 to vector<16xi32>
      %eq3A_1214 = arith.cmpi eq, %scan3A_1194#1, %eq3A_1213 : vector<16xi32>
      %and3A_1215 = arith.andi %eq3A_1201, %eq3A_1214 : vector<16xi1>
      %jit3A_1216 = arith.constant 2147483647 : i32
      %broadcast_in_dim3A_1217 = vector.broadcast %jit3A_1216 : i32 to vector<16xi32>
      %select_n3A_1218 = arith.select %and3A_1215, %scan3A_1194#2, %broadcast_in_dim3A_1217 : vector<16xi1>, vector<16xi32>
      %reduce_min3A_1219 = arith.constant true
      %reduce_min3A_1220 = vector.broadcast %reduce_min3A_1219 : i1 to vector<16xi1>
      %reduce_min3A_1221 = arith.constant -2147483648 : i32
      %reduce_min3A_1222 = vector.broadcast %reduce_min3A_1221 : i32 to vector<16xi32>
      %reduce_min3A_1223 = arith.xori %select_n3A_1218, %reduce_min3A_1222 : vector<16xi32>
      %reduce_min3A_1224 = tpu.scan <min>, %reduce_min3A_1223 masked %reduce_min3A_1220 : vector<16xi32>, vector<16xi1> -> vector<16xi32>
      %reduce_min3A_1225 = arith.xori %reduce_min3A_1224, %reduce_min3A_1222 : vector<16xi32>
      %reduce_min3A_1226 = vector.extract %reduce_min3A_1225[15] : i32 from vector<16xi32>
      %eq3A_1227 = arith.constant 5 : i32
      %eq3A_1228 = vector.broadcast %eq3A_1227 : i32 to vector<16xi32>
      %eq3A_1229 = arith.cmpi eq, %iota3A, %eq3A_1228 : vector<16xi32>
      %broadcast_in_dim3A_1230 = vector.broadcast %reduce_min3A_1226 : i32 to vector<16xi32>
      %select_n3A_1231 = arith.select %eq3A_1229, %broadcast_in_dim3A_1230, %select_n3A_1177 : vector<16xi1>, vector<16xi32>
      %broadcast_in_dim3A_1232 = vector.broadcast %reduce_min3A_1226 : i32 to vector<16xi32>
      %broadcast_in_dim3A_1233 = arith.constant 0xFF800000 : f32
      %broadcast_in_dim3A_1234 = vector.broadcast %broadcast_in_dim3A_1233 : f32 to vector<16xf32>
      %eq3A_1235 = arith.constant 0 : i32
      %eq3A_1236 = vector.broadcast %eq3A_1235 : i32 to vector<16xi32>
      %eq3A_1237 = arith.cmpi eq, %iota3A, %eq3A_1236 : vector<16xi32>
      tpu.vector_store_idx %arg13[%broadcast_in_dim3A_1232], %broadcast_in_dim3A_1234 masked %eq3A_1237 : memref<512xf32, #tpu.memory_space<vmem>>[vector<16xi32>], vector<16xf32>, vector<16xi1>
      %broadcast_in_dim3A_1238 = arith.constant 0xFF800000 : f32
      %broadcast_in_dim3A_1239 = vector.broadcast %broadcast_in_dim3A_1238 : f32 to vector<16xf32>
      %broadcast_in_dim3A_1240 = arith.constant 2147483647 : i32
      %broadcast_in_dim3A_1241 = vector.broadcast %broadcast_in_dim3A_1240 : i32 to vector<16xi32>
      %broadcast_in_dim3A_1242 = arith.constant 0 : i32
      %broadcast_in_dim3A_1243 = vector.broadcast %broadcast_in_dim3A_1242 : i32 to vector<16xi32>
      %scan3A_1244 = arith.constant 0 : i32
      %scan3A_1245 = arith.constant 32 : i32
      %scan3A_1246 = arith.addi %scan3A_1244, %scan3A_1245 : i32
      %scan3A_1247 = arith.constant 1 : i32
      %scan3A_1248:3 = scf.for %scan3A_2095 = %scan3A_1244 to %scan3A_1246 step %scan3A_1247 iter_args(%scan3A_2096 = %broadcast_in_dim3A_1239, %scan3A_2097 = %broadcast_in_dim3A_1241, %scan3A_2098 = %broadcast_in_dim3A_1243) -> (vector<16xf32>, vector<16xi32>, vector<16xi32>)  : i32 {
        %mul3A_2099 = arith.constant 16 : i32
        %mul3A_2100 = arith.muli %scan3A_2095, %mul3A_2099 : i32
        %get3A = arith.index_cast %mul3A_2100 : i32 to index
        %get3A_2101 = tpu.vector_load %arg13[%get3A] {strides = array<i32>} : memref<512xf32, #tpu.memory_space<vmem>>, vector<16xf32>,
        %mul3A_2102 = arith.constant 16 : i32
        %mul3A_2103 = arith.muli %scan3A_2095, %mul3A_2102 : i32
        %get3A_2104 = arith.index_cast %mul3A_2103 : i32 to index
        %get3A_2105 = tpu.vector_load %arg14[%get3A_2104] {strides = array<i32>} : memref<512xi32, #tpu.memory_space<vmem>>, vector<16xi32>,
        %mul3A_2106 = arith.constant 16 : i32
        %mul3A_2107 = arith.muli %scan3A_2095, %mul3A_2106 : i32
        %add3A_2108 = vector.broadcast %mul3A_2107 : i32 to vector<16xi32>
        %add3A_2109 = arith.addi %add3A_2108, %iota3A : vector<16xi32>
        %gt3A = arith.cmpf ogt, %get3A_2101, %scan3A_2096 : vector<16xf32>
        %eq3A_2110 = arith.cmpf oeq, %get3A_2101, %scan3A_2096 : vector<16xf32>
        %lt3A_2111 = arith.cmpi slt, %get3A_2105, %scan3A_2097 : vector<16xi32>
        %and3A_2112 = arith.andi %eq3A_2110, %lt3A_2111 : vector<16xi1>
        %or3A = arith.ori %gt3A, %and3A_2112 : vector<16xi1>
        %select_n3A_2113 = arith.select %or3A, %get3A_2101, %scan3A_2096 : vector<16xi1>, vector<16xf32>
        %select_n3A_2114 = arith.select %or3A, %get3A_2105, %scan3A_2097 : vector<16xi1>, vector<16xi32>
        %select_n3A_2115 = arith.select %or3A, %add3A_2109, %scan3A_2098 : vector<16xi1>, vector<16xi32>
        scf.yield %select_n3A_2113, %select_n3A_2114, %select_n3A_2115 : vector<16xf32>, vector<16xi32>, vector<16xi32>
      }
      %scan3A_1249 = arith.constant 32 : i32
      %reduce_max3A_1250 = arith.constant true
      %reduce_max3A_1251 = vector.broadcast %reduce_max3A_1250 : i1 to vector<16xi1>
      %reduce_max3A_1252 = tpu.scan <max>, %scan3A_1248#0 masked %reduce_max3A_1251 : vector<16xf32>, vector<16xi1> -> vector<16xf32>
      %reduce_max3A_1253 = vector.extract %reduce_max3A_1252[15] : f32 from vector<16xf32>
      %eq3A_1254 = vector.broadcast %reduce_max3A_1253 : f32 to vector<16xf32>
      %eq3A_1255 = arith.cmpf oeq, %scan3A_1248#0, %eq3A_1254 : vector<16xf32>
      %jit3A_1256 = arith.constant 2147483647 : i32
      %broadcast_in_dim3A_1257 = vector.broadcast %jit3A_1256 : i32 to vector<16xi32>
      %select_n3A_1258 = arith.select %eq3A_1255, %scan3A_1248#1, %broadcast_in_dim3A_1257 : vector<16xi1>, vector<16xi32>
      %reduce_min3A_1259 = arith.constant true
      %reduce_min3A_1260 = vector.broadcast %reduce_min3A_1259 : i1 to vector<16xi1>
      %reduce_min3A_1261 = arith.constant -2147483648 : i32
      %reduce_min3A_1262 = vector.broadcast %reduce_min3A_1261 : i32 to vector<16xi32>
      %reduce_min3A_1263 = arith.xori %select_n3A_1258, %reduce_min3A_1262 : vector<16xi32>
      %reduce_min3A_1264 = tpu.scan <min>, %reduce_min3A_1263 masked %reduce_min3A_1260 : vector<16xi32>, vector<16xi1> -> vector<16xi32>
      %reduce_min3A_1265 = arith.xori %reduce_min3A_1264, %reduce_min3A_1262 : vector<16xi32>
      %reduce_min3A_1266 = vector.extract %reduce_min3A_1265[15] : i32 from vector<16xi32>
      %eq3A_1267 = vector.broadcast %reduce_min3A_1266 : i32 to vector<16xi32>
      %eq3A_1268 = arith.cmpi eq, %scan3A_1248#1, %eq3A_1267 : vector<16xi32>
      %and3A_1269 = arith.andi %eq3A_1255, %eq3A_1268 : vector<16xi1>
      %jit3A_1270 = arith.constant 2147483647 : i32
      %broadcast_in_dim3A_1271 = vector.broadcast %jit3A_1270 : i32 to vector<16xi32>
      %select_n3A_1272 = arith.select %and3A_1269, %scan3A_1248#2, %broadcast_in_dim3A_1271 : vector<16xi1>, vector<16xi32>
      %reduce_min3A_1273 = arith.constant true
      %reduce_min3A_1274 = vector.broadcast %reduce_min3A_1273 : i1 to vector<16xi1>
      %reduce_min3A_1275 = arith.constant -2147483648 : i32
      %reduce_min3A_1276 = vector.broadcast %reduce_min3A_1275 : i32 to vector<16xi32>
      %reduce_min3A_1277 = arith.xori %select_n3A_1272, %reduce_min3A_1276 : vector<16xi32>
      %reduce_min3A_1278 = tpu.scan <min>, %reduce_min3A_1277 masked %reduce_min3A_1274 : vector<16xi32>, vector<16xi1> -> vector<16xi32>
      %reduce_min3A_1279 = arith.xori %reduce_min3A_1278, %reduce_min3A_1276 : vector<16xi32>
      %reduce_min3A_1280 = vector.extract %reduce_min3A_1279[15] : i32 from vector<16xi32>
      %eq3A_1281 = arith.constant 6 : i32
      %eq3A_1282 = vector.broadcast %eq3A_1281 : i32 to vector<16xi32>
      %eq3A_1283 = arith.cmpi eq, %iota3A, %eq3A_1282 : vector<16xi32>
      %broadcast_in_dim3A_1284 = vector.broadcast %reduce_min3A_1280 : i32 to vector<16xi32>
      %select_n3A_1285 = arith.select %eq3A_1283, %broadcast_in_dim3A_1284, %select_n3A_1231 : vector<16xi1>, vector<16xi32>
      %broadcast_in_dim3A_1286 = vector.broadcast %reduce_min3A_1280 : i32 to vector<16xi32>
      %broadcast_in_dim3A_1287 = arith.constant 0xFF800000 : f32
      %broadcast_in_dim3A_1288 = vector.broadcast %broadcast_in_dim3A_1287 : f32 to vector<16xf32>
      %eq3A_1289 = arith.constant 0 : i32
      %eq3A_1290 = vector.broadcast %eq3A_1289 : i32 to vector<16xi32>
      %eq3A_1291 = arith.cmpi eq, %iota3A, %eq3A_1290 : vector<16xi32>
      tpu.vector_store_idx %arg13[%broadcast_in_dim3A_1286], %broadcast_in_dim3A_1288 masked %eq3A_1291 : memref<512xf32, #tpu.memory_space<vmem>>[vector<16xi32>], vector<16xf32>, vector<16xi1>
      %broadcast_in_dim3A_1292 = arith.constant 0xFF800000 : f32
      %broadcast_in_dim3A_1293 = vector.broadcast %broadcast_in_dim3A_1292 : f32 to vector<16xf32>
      %broadcast_in_dim3A_1294 = arith.constant 2147483647 : i32
      %broadcast_in_dim3A_1295 = vector.broadcast %broadcast_in_dim3A_1294 : i32 to vector<16xi32>
      %broadcast_in_dim3A_1296 = arith.constant 0 : i32
      %broadcast_in_dim3A_1297 = vector.broadcast %broadcast_in_dim3A_1296 : i32 to vector<16xi32>
      %scan3A_1298 = arith.constant 0 : i32
      %scan3A_1299 = arith.constant 32 : i32
      %scan3A_1300 = arith.addi %scan3A_1298, %scan3A_1299 : i32
      %scan3A_1301 = arith.constant 1 : i32
      %scan3A_1302:3 = scf.for %scan3A_2095 = %scan3A_1298 to %scan3A_1300 step %scan3A_1301 iter_args(%scan3A_2096 = %broadcast_in_dim3A_1293, %scan3A_2097 = %broadcast_in_dim3A_1295, %scan3A_2098 = %broadcast_in_dim3A_1297) -> (vector<16xf32>, vector<16xi32>, vector<16xi32>)  : i32 {
        %mul3A_2099 = arith.constant 16 : i32
        %mul3A_2100 = arith.muli %scan3A_2095, %mul3A_2099 : i32
        %get3A = arith.index_cast %mul3A_2100 : i32 to index
        %get3A_2101 = tpu.vector_load %arg13[%get3A] {strides = array<i32>} : memref<512xf32, #tpu.memory_space<vmem>>, vector<16xf32>,
        %mul3A_2102 = arith.constant 16 : i32
        %mul3A_2103 = arith.muli %scan3A_2095, %mul3A_2102 : i32
        %get3A_2104 = arith.index_cast %mul3A_2103 : i32 to index
        %get3A_2105 = tpu.vector_load %arg14[%get3A_2104] {strides = array<i32>} : memref<512xi32, #tpu.memory_space<vmem>>, vector<16xi32>,
        %mul3A_2106 = arith.constant 16 : i32
        %mul3A_2107 = arith.muli %scan3A_2095, %mul3A_2106 : i32
        %add3A_2108 = vector.broadcast %mul3A_2107 : i32 to vector<16xi32>
        %add3A_2109 = arith.addi %add3A_2108, %iota3A : vector<16xi32>
        %gt3A = arith.cmpf ogt, %get3A_2101, %scan3A_2096 : vector<16xf32>
        %eq3A_2110 = arith.cmpf oeq, %get3A_2101, %scan3A_2096 : vector<16xf32>
        %lt3A_2111 = arith.cmpi slt, %get3A_2105, %scan3A_2097 : vector<16xi32>
        %and3A_2112 = arith.andi %eq3A_2110, %lt3A_2111 : vector<16xi1>
        %or3A = arith.ori %gt3A, %and3A_2112 : vector<16xi1>
        %select_n3A_2113 = arith.select %or3A, %get3A_2101, %scan3A_2096 : vector<16xi1>, vector<16xf32>
        %select_n3A_2114 = arith.select %or3A, %get3A_2105, %scan3A_2097 : vector<16xi1>, vector<16xi32>
        %select_n3A_2115 = arith.select %or3A, %add3A_2109, %scan3A_2098 : vector<16xi1>, vector<16xi32>
        scf.yield %select_n3A_2113, %select_n3A_2114, %select_n3A_2115 : vector<16xf32>, vector<16xi32>, vector<16xi32>
      }
      %scan3A_1303 = arith.constant 32 : i32
      %reduce_max3A_1304 = arith.constant true
      %reduce_max3A_1305 = vector.broadcast %reduce_max3A_1304 : i1 to vector<16xi1>
      %reduce_max3A_1306 = tpu.scan <max>, %scan3A_1302#0 masked %reduce_max3A_1305 : vector<16xf32>, vector<16xi1> -> vector<16xf32>
      %reduce_max3A_1307 = vector.extract %reduce_max3A_1306[15] : f32 from vector<16xf32>
      %eq3A_1308 = vector.broadcast %reduce_max3A_1307 : f32 to vector<16xf32>
      %eq3A_1309 = arith.cmpf oeq, %scan3A_1302#0, %eq3A_1308 : vector<16xf32>
      %jit3A_1310 = arith.constant 2147483647 : i32
      %broadcast_in_dim3A_1311 = vector.broadcast %jit3A_1310 : i32 to vector<16xi32>
      %select_n3A_1312 = arith.select %eq3A_1309, %scan3A_1302#1, %broadcast_in_dim3A_1311 : vector<16xi1>, vector<16xi32>
      %reduce_min3A_1313 = arith.constant true
      %reduce_min3A_1314 = vector.broadcast %reduce_min3A_1313 : i1 to vector<16xi1>
      %reduce_min3A_1315 = arith.constant -2147483648 : i32
      %reduce_min3A_1316 = vector.broadcast %reduce_min3A_1315 : i32 to vector<16xi32>
      %reduce_min3A_1317 = arith.xori %select_n3A_1312, %reduce_min3A_1316 : vector<16xi32>
      %reduce_min3A_1318 = tpu.scan <min>, %reduce_min3A_1317 masked %reduce_min3A_1314 : vector<16xi32>, vector<16xi1> -> vector<16xi32>
      %reduce_min3A_1319 = arith.xori %reduce_min3A_1318, %reduce_min3A_1316 : vector<16xi32>
      %reduce_min3A_1320 = vector.extract %reduce_min3A_1319[15] : i32 from vector<16xi32>
      %eq3A_1321 = vector.broadcast %reduce_min3A_1320 : i32 to vector<16xi32>
      %eq3A_1322 = arith.cmpi eq, %scan3A_1302#1, %eq3A_1321 : vector<16xi32>
      %and3A_1323 = arith.andi %eq3A_1309, %eq3A_1322 : vector<16xi1>
      %jit3A_1324 = arith.constant 2147483647 : i32
      %broadcast_in_dim3A_1325 = vector.broadcast %jit3A_1324 : i32 to vector<16xi32>
      %select_n3A_1326 = arith.select %and3A_1323, %scan3A_1302#2, %broadcast_in_dim3A_1325 : vector<16xi1>, vector<16xi32>
      %reduce_min3A_1327 = arith.constant true
      %reduce_min3A_1328 = vector.broadcast %reduce_min3A_1327 : i1 to vector<16xi1>
      %reduce_min3A_1329 = arith.constant -2147483648 : i32
      %reduce_min3A_1330 = vector.broadcast %reduce_min3A_1329 : i32 to vector<16xi32>
      %reduce_min3A_1331 = arith.xori %select_n3A_1326, %reduce_min3A_1330 : vector<16xi32>
      %reduce_min3A_1332 = tpu.scan <min>, %reduce_min3A_1331 masked %reduce_min3A_1328 : vector<16xi32>, vector<16xi1> -> vector<16xi32>
      %reduce_min3A_1333 = arith.xori %reduce_min3A_1332, %reduce_min3A_1330 : vector<16xi32>
      %reduce_min3A_1334 = vector.extract %reduce_min3A_1333[15] : i32 from vector<16xi32>
      %eq3A_1335 = arith.constant 7 : i32
      %eq3A_1336 = vector.broadcast %eq3A_1335 : i32 to vector<16xi32>
      %eq3A_1337 = arith.cmpi eq, %iota3A, %eq3A_1336 : vector<16xi32>
      %broadcast_in_dim3A_1338 = vector.broadcast %reduce_min3A_1334 : i32 to vector<16xi32>
      %select_n3A_1339 = arith.select %eq3A_1337, %broadcast_in_dim3A_1338, %select_n3A_1285 : vector<16xi1>, vector<16xi32>
      %broadcast_in_dim3A_1340 = vector.broadcast %reduce_min3A_1334 : i32 to vector<16xi32>
      %broadcast_in_dim3A_1341 = arith.constant 0xFF800000 : f32
      %broadcast_in_dim3A_1342 = vector.broadcast %broadcast_in_dim3A_1341 : f32 to vector<16xf32>
      %eq3A_1343 = arith.constant 0 : i32
      %eq3A_1344 = vector.broadcast %eq3A_1343 : i32 to vector<16xi32>
      %eq3A_1345 = arith.cmpi eq, %iota3A, %eq3A_1344 : vector<16xi32>
      tpu.vector_store_idx %arg13[%broadcast_in_dim3A_1340], %broadcast_in_dim3A_1342 masked %eq3A_1345 : memref<512xf32, #tpu.memory_space<vmem>>[vector<16xi32>], vector<16xf32>, vector<16xi1>
      %broadcast_in_dim3A_1346 = arith.constant 0xFF800000 : f32
      %broadcast_in_dim3A_1347 = vector.broadcast %broadcast_in_dim3A_1346 : f32 to vector<16xf32>
      %broadcast_in_dim3A_1348 = arith.constant 2147483647 : i32
      %broadcast_in_dim3A_1349 = vector.broadcast %broadcast_in_dim3A_1348 : i32 to vector<16xi32>
      %broadcast_in_dim3A_1350 = arith.constant 0 : i32
      %broadcast_in_dim3A_1351 = vector.broadcast %broadcast_in_dim3A_1350 : i32 to vector<16xi32>
      %scan3A_1352 = arith.constant 0 : i32
      %scan3A_1353 = arith.constant 32 : i32
      %scan3A_1354 = arith.addi %scan3A_1352, %scan3A_1353 : i32
      %scan3A_1355 = arith.constant 1 : i32
      %scan3A_1356:3 = scf.for %scan3A_2095 = %scan3A_1352 to %scan3A_1354 step %scan3A_1355 iter_args(%scan3A_2096 = %broadcast_in_dim3A_1347, %scan3A_2097 = %broadcast_in_dim3A_1349, %scan3A_2098 = %broadcast_in_dim3A_1351) -> (vector<16xf32>, vector<16xi32>, vector<16xi32>)  : i32 {
        %mul3A_2099 = arith.constant 16 : i32
        %mul3A_2100 = arith.muli %scan3A_2095, %mul3A_2099 : i32
        %get3A = arith.index_cast %mul3A_2100 : i32 to index
        %get3A_2101 = tpu.vector_load %arg13[%get3A] {strides = array<i32>} : memref<512xf32, #tpu.memory_space<vmem>>, vector<16xf32>,
        %mul3A_2102 = arith.constant 16 : i32
        %mul3A_2103 = arith.muli %scan3A_2095, %mul3A_2102 : i32
        %get3A_2104 = arith.index_cast %mul3A_2103 : i32 to index
        %get3A_2105 = tpu.vector_load %arg14[%get3A_2104] {strides = array<i32>} : memref<512xi32, #tpu.memory_space<vmem>>, vector<16xi32>,
        %mul3A_2106 = arith.constant 16 : i32
        %mul3A_2107 = arith.muli %scan3A_2095, %mul3A_2106 : i32
        %add3A_2108 = vector.broadcast %mul3A_2107 : i32 to vector<16xi32>
        %add3A_2109 = arith.addi %add3A_2108, %iota3A : vector<16xi32>
        %gt3A = arith.cmpf ogt, %get3A_2101, %scan3A_2096 : vector<16xf32>
        %eq3A_2110 = arith.cmpf oeq, %get3A_2101, %scan3A_2096 : vector<16xf32>
        %lt3A_2111 = arith.cmpi slt, %get3A_2105, %scan3A_2097 : vector<16xi32>
        %and3A_2112 = arith.andi %eq3A_2110, %lt3A_2111 : vector<16xi1>
        %or3A = arith.ori %gt3A, %and3A_2112 : vector<16xi1>
        %select_n3A_2113 = arith.select %or3A, %get3A_2101, %scan3A_2096 : vector<16xi1>, vector<16xf32>
        %select_n3A_2114 = arith.select %or3A, %get3A_2105, %scan3A_2097 : vector<16xi1>, vector<16xi32>
        %select_n3A_2115 = arith.select %or3A, %add3A_2109, %scan3A_2098 : vector<16xi1>, vector<16xi32>
        scf.yield %select_n3A_2113, %select_n3A_2114, %select_n3A_2115 : vector<16xf32>, vector<16xi32>, vector<16xi32>
      }
      %scan3A_1357 = arith.constant 32 : i32
      %reduce_max3A_1358 = arith.constant true
      %reduce_max3A_1359 = vector.broadcast %reduce_max3A_1358 : i1 to vector<16xi1>
      %reduce_max3A_1360 = tpu.scan <max>, %scan3A_1356#0 masked %reduce_max3A_1359 : vector<16xf32>, vector<16xi1> -> vector<16xf32>
      %reduce_max3A_1361 = vector.extract %reduce_max3A_1360[15] : f32 from vector<16xf32>
      %eq3A_1362 = vector.broadcast %reduce_max3A_1361 : f32 to vector<16xf32>
      %eq3A_1363 = arith.cmpf oeq, %scan3A_1356#0, %eq3A_1362 : vector<16xf32>
      %jit3A_1364 = arith.constant 2147483647 : i32
      %broadcast_in_dim3A_1365 = vector.broadcast %jit3A_1364 : i32 to vector<16xi32>
      %select_n3A_1366 = arith.select %eq3A_1363, %scan3A_1356#1, %broadcast_in_dim3A_1365 : vector<16xi1>, vector<16xi32>
      %reduce_min3A_1367 = arith.constant true
      %reduce_min3A_1368 = vector.broadcast %reduce_min3A_1367 : i1 to vector<16xi1>
      %reduce_min3A_1369 = arith.constant -2147483648 : i32
      %reduce_min3A_1370 = vector.broadcast %reduce_min3A_1369 : i32 to vector<16xi32>
      %reduce_min3A_1371 = arith.xori %select_n3A_1366, %reduce_min3A_1370 : vector<16xi32>
      %reduce_min3A_1372 = tpu.scan <min>, %reduce_min3A_1371 masked %reduce_min3A_1368 : vector<16xi32>, vector<16xi1> -> vector<16xi32>
      %reduce_min3A_1373 = arith.xori %reduce_min3A_1372, %reduce_min3A_1370 : vector<16xi32>
      %reduce_min3A_1374 = vector.extract %reduce_min3A_1373[15] : i32 from vector<16xi32>
      %eq3A_1375 = vector.broadcast %reduce_min3A_1374 : i32 to vector<16xi32>
      %eq3A_1376 = arith.cmpi eq, %scan3A_1356#1, %eq3A_1375 : vector<16xi32>
      %and3A_1377 = arith.andi %eq3A_1363, %eq3A_1376 : vector<16xi1>
      %jit3A_1378 = arith.constant 2147483647 : i32
      %broadcast_in_dim3A_1379 = vector.broadcast %jit3A_1378 : i32 to vector<16xi32>
      %select_n3A_1380 = arith.select %and3A_1377, %scan3A_1356#2, %broadcast_in_dim3A_1379 : vector<16xi1>, vector<16xi32>
      %reduce_min3A_1381 = arith.constant true
      %reduce_min3A_1382 = vector.broadcast %reduce_min3A_1381 : i1 to vector<16xi1>
      %reduce_min3A_1383 = arith.constant -2147483648 : i32
      %reduce_min3A_1384 = vector.broadcast %reduce_min3A_1383 : i32 to vector<16xi32>
      %reduce_min3A_1385 = arith.xori %select_n3A_1380, %reduce_min3A_1384 : vector<16xi32>
      %reduce_min3A_1386 = tpu.scan <min>, %reduce_min3A_1385 masked %reduce_min3A_1382 : vector<16xi32>, vector<16xi1> -> vector<16xi32>
      %reduce_min3A_1387 = arith.xori %reduce_min3A_1386, %reduce_min3A_1384 : vector<16xi32>
      %reduce_min3A_1388 = vector.extract %reduce_min3A_1387[15] : i32 from vector<16xi32>
      %eq3A_1389 = arith.constant 8 : i32
      %eq3A_1390 = vector.broadcast %eq3A_1389 : i32 to vector<16xi32>
      %eq3A_1391 = arith.cmpi eq, %iota3A, %eq3A_1390 : vector<16xi32>
      %broadcast_in_dim3A_1392 = vector.broadcast %reduce_min3A_1388 : i32 to vector<16xi32>
      %select_n3A_1393 = arith.select %eq3A_1391, %broadcast_in_dim3A_1392, %select_n3A_1339 : vector<16xi1>, vector<16xi32>
      %broadcast_in_dim3A_1394 = vector.broadcast %reduce_min3A_1388 : i32 to vector<16xi32>
      %broadcast_in_dim3A_1395 = arith.constant 0xFF800000 : f32
      %broadcast_in_dim3A_1396 = vector.broadcast %broadcast_in_dim3A_1395 : f32 to vector<16xf32>
      %eq3A_1397 = arith.constant 0 : i32
      %eq3A_1398 = vector.broadcast %eq3A_1397 : i32 to vector<16xi32>
      %eq3A_1399 = arith.cmpi eq, %iota3A, %eq3A_1398 : vector<16xi32>
      tpu.vector_store_idx %arg13[%broadcast_in_dim3A_1394], %broadcast_in_dim3A_1396 masked %eq3A_1399 : memref<512xf32, #tpu.memory_space<vmem>>[vector<16xi32>], vector<16xf32>, vector<16xi1>
      %broadcast_in_dim3A_1400 = arith.constant 0xFF800000 : f32
      %broadcast_in_dim3A_1401 = vector.broadcast %broadcast_in_dim3A_1400 : f32 to vector<16xf32>
      %broadcast_in_dim3A_1402 = arith.constant 2147483647 : i32
      %broadcast_in_dim3A_1403 = vector.broadcast %broadcast_in_dim3A_1402 : i32 to vector<16xi32>
      %broadcast_in_dim3A_1404 = arith.constant 0 : i32
      %broadcast_in_dim3A_1405 = vector.broadcast %broadcast_in_dim3A_1404 : i32 to vector<16xi32>
      %scan3A_1406 = arith.constant 0 : i32
      %scan3A_1407 = arith.constant 32 : i32
      %scan3A_1408 = arith.addi %scan3A_1406, %scan3A_1407 : i32
      %scan3A_1409 = arith.constant 1 : i32
      %scan3A_1410:3 = scf.for %scan3A_2095 = %scan3A_1406 to %scan3A_1408 step %scan3A_1409 iter_args(%scan3A_2096 = %broadcast_in_dim3A_1401, %scan3A_2097 = %broadcast_in_dim3A_1403, %scan3A_2098 = %broadcast_in_dim3A_1405) -> (vector<16xf32>, vector<16xi32>, vector<16xi32>)  : i32 {
        %mul3A_2099 = arith.constant 16 : i32
        %mul3A_2100 = arith.muli %scan3A_2095, %mul3A_2099 : i32
        %get3A = arith.index_cast %mul3A_2100 : i32 to index
        %get3A_2101 = tpu.vector_load %arg13[%get3A] {strides = array<i32>} : memref<512xf32, #tpu.memory_space<vmem>>, vector<16xf32>,
        %mul3A_2102 = arith.constant 16 : i32
        %mul3A_2103 = arith.muli %scan3A_2095, %mul3A_2102 : i32
        %get3A_2104 = arith.index_cast %mul3A_2103 : i32 to index
        %get3A_2105 = tpu.vector_load %arg14[%get3A_2104] {strides = array<i32>} : memref<512xi32, #tpu.memory_space<vmem>>, vector<16xi32>,
        %mul3A_2106 = arith.constant 16 : i32
        %mul3A_2107 = arith.muli %scan3A_2095, %mul3A_2106 : i32
        %add3A_2108 = vector.broadcast %mul3A_2107 : i32 to vector<16xi32>
        %add3A_2109 = arith.addi %add3A_2108, %iota3A : vector<16xi32>
        %gt3A = arith.cmpf ogt, %get3A_2101, %scan3A_2096 : vector<16xf32>
        %eq3A_2110 = arith.cmpf oeq, %get3A_2101, %scan3A_2096 : vector<16xf32>
        %lt3A_2111 = arith.cmpi slt, %get3A_2105, %scan3A_2097 : vector<16xi32>
        %and3A_2112 = arith.andi %eq3A_2110, %lt3A_2111 : vector<16xi1>
        %or3A = arith.ori %gt3A, %and3A_2112 : vector<16xi1>
        %select_n3A_2113 = arith.select %or3A, %get3A_2101, %scan3A_2096 : vector<16xi1>, vector<16xf32>
        %select_n3A_2114 = arith.select %or3A, %get3A_2105, %scan3A_2097 : vector<16xi1>, vector<16xi32>
        %select_n3A_2115 = arith.select %or3A, %add3A_2109, %scan3A_2098 : vector<16xi1>, vector<16xi32>
        scf.yield %select_n3A_2113, %select_n3A_2114, %select_n3A_2115 : vector<16xf32>, vector<16xi32>, vector<16xi32>
      }
      %scan3A_1411 = arith.constant 32 : i32
      %reduce_max3A_1412 = arith.constant true
      %reduce_max3A_1413 = vector.broadcast %reduce_max3A_1412 : i1 to vector<16xi1>
      %reduce_max3A_1414 = tpu.scan <max>, %scan3A_1410#0 masked %reduce_max3A_1413 : vector<16xf32>, vector<16xi1> -> vector<16xf32>
      %reduce_max3A_1415 = vector.extract %reduce_max3A_1414[15] : f32 from vector<16xf32>
      %eq3A_1416 = vector.broadcast %reduce_max3A_1415 : f32 to vector<16xf32>
      %eq3A_1417 = arith.cmpf oeq, %scan3A_1410#0, %eq3A_1416 : vector<16xf32>
      %jit3A_1418 = arith.constant 2147483647 : i32
      %broadcast_in_dim3A_1419 = vector.broadcast %jit3A_1418 : i32 to vector<16xi32>
      %select_n3A_1420 = arith.select %eq3A_1417, %scan3A_1410#1, %broadcast_in_dim3A_1419 : vector<16xi1>, vector<16xi32>
      %reduce_min3A_1421 = arith.constant true
      %reduce_min3A_1422 = vector.broadcast %reduce_min3A_1421 : i1 to vector<16xi1>
      %reduce_min3A_1423 = arith.constant -2147483648 : i32
      %reduce_min3A_1424 = vector.broadcast %reduce_min3A_1423 : i32 to vector<16xi32>
      %reduce_min3A_1425 = arith.xori %select_n3A_1420, %reduce_min3A_1424 : vector<16xi32>
      %reduce_min3A_1426 = tpu.scan <min>, %reduce_min3A_1425 masked %reduce_min3A_1422 : vector<16xi32>, vector<16xi1> -> vector<16xi32>
      %reduce_min3A_1427 = arith.xori %reduce_min3A_1426, %reduce_min3A_1424 : vector<16xi32>
      %reduce_min3A_1428 = vector.extract %reduce_min3A_1427[15] : i32 from vector<16xi32>
      %eq3A_1429 = vector.broadcast %reduce_min3A_1428 : i32 to vector<16xi32>
      %eq3A_1430 = arith.cmpi eq, %scan3A_1410#1, %eq3A_1429 : vector<16xi32>
      %and3A_1431 = arith.andi %eq3A_1417, %eq3A_1430 : vector<16xi1>
      %jit3A_1432 = arith.constant 2147483647 : i32
      %broadcast_in_dim3A_1433 = vector.broadcast %jit3A_1432 : i32 to vector<16xi32>
      %select_n3A_1434 = arith.select %and3A_1431, %scan3A_1410#2, %broadcast_in_dim3A_1433 : vector<16xi1>, vector<16xi32>
      %reduce_min3A_1435 = arith.constant true
      %reduce_min3A_1436 = vector.broadcast %reduce_min3A_1435 : i1 to vector<16xi1>
      %reduce_min3A_1437 = arith.constant -2147483648 : i32
      %reduce_min3A_1438 = vector.broadcast %reduce_min3A_1437 : i32 to vector<16xi32>
      %reduce_min3A_1439 = arith.xori %select_n3A_1434, %reduce_min3A_1438 : vector<16xi32>
      %reduce_min3A_1440 = tpu.scan <min>, %reduce_min3A_1439 masked %reduce_min3A_1436 : vector<16xi32>, vector<16xi1> -> vector<16xi32>
      %reduce_min3A_1441 = arith.xori %reduce_min3A_1440, %reduce_min3A_1438 : vector<16xi32>
      %reduce_min3A_1442 = vector.extract %reduce_min3A_1441[15] : i32 from vector<16xi32>
      %eq3A_1443 = arith.constant 9 : i32
      %eq3A_1444 = vector.broadcast %eq3A_1443 : i32 to vector<16xi32>
      %eq3A_1445 = arith.cmpi eq, %iota3A, %eq3A_1444 : vector<16xi32>
      %broadcast_in_dim3A_1446 = vector.broadcast %reduce_min3A_1442 : i32 to vector<16xi32>
      %select_n3A_1447 = arith.select %eq3A_1445, %broadcast_in_dim3A_1446, %select_n3A_1393 : vector<16xi1>, vector<16xi32>
      %broadcast_in_dim3A_1448 = vector.broadcast %reduce_min3A_1442 : i32 to vector<16xi32>
      %broadcast_in_dim3A_1449 = arith.constant 0xFF800000 : f32
      %broadcast_in_dim3A_1450 = vector.broadcast %broadcast_in_dim3A_1449 : f32 to vector<16xf32>
      %eq3A_1451 = arith.constant 0 : i32
      %eq3A_1452 = vector.broadcast %eq3A_1451 : i32 to vector<16xi32>
      %eq3A_1453 = arith.cmpi eq, %iota3A, %eq3A_1452 : vector<16xi32>
      tpu.vector_store_idx %arg13[%broadcast_in_dim3A_1448], %broadcast_in_dim3A_1450 masked %eq3A_1453 : memref<512xf32, #tpu.memory_space<vmem>>[vector<16xi32>], vector<16xf32>, vector<16xi1>
      %broadcast_in_dim3A_1454 = arith.constant 0xFF800000 : f32
      %broadcast_in_dim3A_1455 = vector.broadcast %broadcast_in_dim3A_1454 : f32 to vector<16xf32>
      %broadcast_in_dim3A_1456 = arith.constant 2147483647 : i32
      %broadcast_in_dim3A_1457 = vector.broadcast %broadcast_in_dim3A_1456 : i32 to vector<16xi32>
      %broadcast_in_dim3A_1458 = arith.constant 0 : i32
      %broadcast_in_dim3A_1459 = vector.broadcast %broadcast_in_dim3A_1458 : i32 to vector<16xi32>
      %scan3A_1460 = arith.constant 0 : i32
      %scan3A_1461 = arith.constant 32 : i32
      %scan3A_1462 = arith.addi %scan3A_1460, %scan3A_1461 : i32
      %scan3A_1463 = arith.constant 1 : i32
      %scan3A_1464:3 = scf.for %scan3A_2095 = %scan3A_1460 to %scan3A_1462 step %scan3A_1463 iter_args(%scan3A_2096 = %broadcast_in_dim3A_1455, %scan3A_2097 = %broadcast_in_dim3A_1457, %scan3A_2098 = %broadcast_in_dim3A_1459) -> (vector<16xf32>, vector<16xi32>, vector<16xi32>)  : i32 {
        %mul3A_2099 = arith.constant 16 : i32
        %mul3A_2100 = arith.muli %scan3A_2095, %mul3A_2099 : i32
        %get3A = arith.index_cast %mul3A_2100 : i32 to index
        %get3A_2101 = tpu.vector_load %arg13[%get3A] {strides = array<i32>} : memref<512xf32, #tpu.memory_space<vmem>>, vector<16xf32>,
        %mul3A_2102 = arith.constant 16 : i32
        %mul3A_2103 = arith.muli %scan3A_2095, %mul3A_2102 : i32
        %get3A_2104 = arith.index_cast %mul3A_2103 : i32 to index
        %get3A_2105 = tpu.vector_load %arg14[%get3A_2104] {strides = array<i32>} : memref<512xi32, #tpu.memory_space<vmem>>, vector<16xi32>,
        %mul3A_2106 = arith.constant 16 : i32
        %mul3A_2107 = arith.muli %scan3A_2095, %mul3A_2106 : i32
        %add3A_2108 = vector.broadcast %mul3A_2107 : i32 to vector<16xi32>
        %add3A_2109 = arith.addi %add3A_2108, %iota3A : vector<16xi32>
        %gt3A = arith.cmpf ogt, %get3A_2101, %scan3A_2096 : vector<16xf32>
        %eq3A_2110 = arith.cmpf oeq, %get3A_2101, %scan3A_2096 : vector<16xf32>
        %lt3A_2111 = arith.cmpi slt, %get3A_2105, %scan3A_2097 : vector<16xi32>
        %and3A_2112 = arith.andi %eq3A_2110, %lt3A_2111 : vector<16xi1>
        %or3A = arith.ori %gt3A, %and3A_2112 : vector<16xi1>
        %select_n3A_2113 = arith.select %or3A, %get3A_2101, %scan3A_2096 : vector<16xi1>, vector<16xf32>
        %select_n3A_2114 = arith.select %or3A, %get3A_2105, %scan3A_2097 : vector<16xi1>, vector<16xi32>
        %select_n3A_2115 = arith.select %or3A, %add3A_2109, %scan3A_2098 : vector<16xi1>, vector<16xi32>
        scf.yield %select_n3A_2113, %select_n3A_2114, %select_n3A_2115 : vector<16xf32>, vector<16xi32>, vector<16xi32>
      }
      %scan3A_1465 = arith.constant 32 : i32
      %reduce_max3A_1466 = arith.constant true
      %reduce_max3A_1467 = vector.broadcast %reduce_max3A_1466 : i1 to vector<16xi1>
      %reduce_max3A_1468 = tpu.scan <max>, %scan3A_1464#0 masked %reduce_max3A_1467 : vector<16xf32>, vector<16xi1> -> vector<16xf32>
      %reduce_max3A_1469 = vector.extract %reduce_max3A_1468[15] : f32 from vector<16xf32>
      %eq3A_1470 = vector.broadcast %reduce_max3A_1469 : f32 to vector<16xf32>
      %eq3A_1471 = arith.cmpf oeq, %scan3A_1464#0, %eq3A_1470 : vector<16xf32>
      %jit3A_1472 = arith.constant 2147483647 : i32
      %broadcast_in_dim3A_1473 = vector.broadcast %jit3A_1472 : i32 to vector<16xi32>
      %select_n3A_1474 = arith.select %eq3A_1471, %scan3A_1464#1, %broadcast_in_dim3A_1473 : vector<16xi1>, vector<16xi32>
      %reduce_min3A_1475 = arith.constant true
      %reduce_min3A_1476 = vector.broadcast %reduce_min3A_1475 : i1 to vector<16xi1>
      %reduce_min3A_1477 = arith.constant -2147483648 : i32
      %reduce_min3A_1478 = vector.broadcast %reduce_min3A_1477 : i32 to vector<16xi32>
      %reduce_min3A_1479 = arith.xori %select_n3A_1474, %reduce_min3A_1478 : vector<16xi32>
      %reduce_min3A_1480 = tpu.scan <min>, %reduce_min3A_1479 masked %reduce_min3A_1476 : vector<16xi32>, vector<16xi1> -> vector<16xi32>
      %reduce_min3A_1481 = arith.xori %reduce_min3A_1480, %reduce_min3A_1478 : vector<16xi32>
      %reduce_min3A_1482 = vector.extract %reduce_min3A_1481[15] : i32 from vector<16xi32>
      %eq3A_1483 = vector.broadcast %reduce_min3A_1482 : i32 to vector<16xi32>
      %eq3A_1484 = arith.cmpi eq, %scan3A_1464#1, %eq3A_1483 : vector<16xi32>
      %and3A_1485 = arith.andi %eq3A_1471, %eq3A_1484 : vector<16xi1>
      %jit3A_1486 = arith.constant 2147483647 : i32
      %broadcast_in_dim3A_1487 = vector.broadcast %jit3A_1486 : i32 to vector<16xi32>
      %select_n3A_1488 = arith.select %and3A_1485, %scan3A_1464#2, %broadcast_in_dim3A_1487 : vector<16xi1>, vector<16xi32>
      %reduce_min3A_1489 = arith.constant true
      %reduce_min3A_1490 = vector.broadcast %reduce_min3A_1489 : i1 to vector<16xi1>
      %reduce_min3A_1491 = arith.constant -2147483648 : i32
      %reduce_min3A_1492 = vector.broadcast %reduce_min3A_1491 : i32 to vector<16xi32>
      %reduce_min3A_1493 = arith.xori %select_n3A_1488, %reduce_min3A_1492 : vector<16xi32>
      %reduce_min3A_1494 = tpu.scan <min>, %reduce_min3A_1493 masked %reduce_min3A_1490 : vector<16xi32>, vector<16xi1> -> vector<16xi32>
      %reduce_min3A_1495 = arith.xori %reduce_min3A_1494, %reduce_min3A_1492 : vector<16xi32>
      %reduce_min3A_1496 = vector.extract %reduce_min3A_1495[15] : i32 from vector<16xi32>
      %eq3A_1497 = arith.constant 10 : i32
      %eq3A_1498 = vector.broadcast %eq3A_1497 : i32 to vector<16xi32>
      %eq3A_1499 = arith.cmpi eq, %iota3A, %eq3A_1498 : vector<16xi32>
      %broadcast_in_dim3A_1500 = vector.broadcast %reduce_min3A_1496 : i32 to vector<16xi32>
      %select_n3A_1501 = arith.select %eq3A_1499, %broadcast_in_dim3A_1500, %select_n3A_1447 : vector<16xi1>, vector<16xi32>
      %broadcast_in_dim3A_1502 = vector.broadcast %reduce_min3A_1496 : i32 to vector<16xi32>
      %broadcast_in_dim3A_1503 = arith.constant 0xFF800000 : f32
      %broadcast_in_dim3A_1504 = vector.broadcast %broadcast_in_dim3A_1503 : f32 to vector<16xf32>
      %eq3A_1505 = arith.constant 0 : i32
      %eq3A_1506 = vector.broadcast %eq3A_1505 : i32 to vector<16xi32>
      %eq3A_1507 = arith.cmpi eq, %iota3A, %eq3A_1506 : vector<16xi32>
      tpu.vector_store_idx %arg13[%broadcast_in_dim3A_1502], %broadcast_in_dim3A_1504 masked %eq3A_1507 : memref<512xf32, #tpu.memory_space<vmem>>[vector<16xi32>], vector<16xf32>, vector<16xi1>
      %broadcast_in_dim3A_1508 = arith.constant 0xFF800000 : f32
      %broadcast_in_dim3A_1509 = vector.broadcast %broadcast_in_dim3A_1508 : f32 to vector<16xf32>
      %broadcast_in_dim3A_1510 = arith.constant 2147483647 : i32
      %broadcast_in_dim3A_1511 = vector.broadcast %broadcast_in_dim3A_1510 : i32 to vector<16xi32>
      %broadcast_in_dim3A_1512 = arith.constant 0 : i32
      %broadcast_in_dim3A_1513 = vector.broadcast %broadcast_in_dim3A_1512 : i32 to vector<16xi32>
      %scan3A_1514 = arith.constant 0 : i32
      %scan3A_1515 = arith.constant 32 : i32
      %scan3A_1516 = arith.addi %scan3A_1514, %scan3A_1515 : i32
      %scan3A_1517 = arith.constant 1 : i32
      %scan3A_1518:3 = scf.for %scan3A_2095 = %scan3A_1514 to %scan3A_1516 step %scan3A_1517 iter_args(%scan3A_2096 = %broadcast_in_dim3A_1509, %scan3A_2097 = %broadcast_in_dim3A_1511, %scan3A_2098 = %broadcast_in_dim3A_1513) -> (vector<16xf32>, vector<16xi32>, vector<16xi32>)  : i32 {
        %mul3A_2099 = arith.constant 16 : i32
        %mul3A_2100 = arith.muli %scan3A_2095, %mul3A_2099 : i32
        %get3A = arith.index_cast %mul3A_2100 : i32 to index
        %get3A_2101 = tpu.vector_load %arg13[%get3A] {strides = array<i32>} : memref<512xf32, #tpu.memory_space<vmem>>, vector<16xf32>,
        %mul3A_2102 = arith.constant 16 : i32
        %mul3A_2103 = arith.muli %scan3A_2095, %mul3A_2102 : i32
        %get3A_2104 = arith.index_cast %mul3A_2103 : i32 to index
        %get3A_2105 = tpu.vector_load %arg14[%get3A_2104] {strides = array<i32>} : memref<512xi32, #tpu.memory_space<vmem>>, vector<16xi32>,
        %mul3A_2106 = arith.constant 16 : i32
        %mul3A_2107 = arith.muli %scan3A_2095, %mul3A_2106 : i32
        %add3A_2108 = vector.broadcast %mul3A_2107 : i32 to vector<16xi32>
        %add3A_2109 = arith.addi %add3A_2108, %iota3A : vector<16xi32>
        %gt3A = arith.cmpf ogt, %get3A_2101, %scan3A_2096 : vector<16xf32>
        %eq3A_2110 = arith.cmpf oeq, %get3A_2101, %scan3A_2096 : vector<16xf32>
        %lt3A_2111 = arith.cmpi slt, %get3A_2105, %scan3A_2097 : vector<16xi32>
        %and3A_2112 = arith.andi %eq3A_2110, %lt3A_2111 : vector<16xi1>
        %or3A = arith.ori %gt3A, %and3A_2112 : vector<16xi1>
        %select_n3A_2113 = arith.select %or3A, %get3A_2101, %scan3A_2096 : vector<16xi1>, vector<16xf32>
        %select_n3A_2114 = arith.select %or3A, %get3A_2105, %scan3A_2097 : vector<16xi1>, vector<16xi32>
        %select_n3A_2115 = arith.select %or3A, %add3A_2109, %scan3A_2098 : vector<16xi1>, vector<16xi32>
        scf.yield %select_n3A_2113, %select_n3A_2114, %select_n3A_2115 : vector<16xf32>, vector<16xi32>, vector<16xi32>
      }
      %scan3A_1519 = arith.constant 32 : i32
      %reduce_max3A_1520 = arith.constant true
      %reduce_max3A_1521 = vector.broadcast %reduce_max3A_1520 : i1 to vector<16xi1>
      %reduce_max3A_1522 = tpu.scan <max>, %scan3A_1518#0 masked %reduce_max3A_1521 : vector<16xf32>, vector<16xi1> -> vector<16xf32>
      %reduce_max3A_1523 = vector.extract %reduce_max3A_1522[15] : f32 from vector<16xf32>
      %eq3A_1524 = vector.broadcast %reduce_max3A_1523 : f32 to vector<16xf32>
      %eq3A_1525 = arith.cmpf oeq, %scan3A_1518#0, %eq3A_1524 : vector<16xf32>
      %jit3A_1526 = arith.constant 2147483647 : i32
      %broadcast_in_dim3A_1527 = vector.broadcast %jit3A_1526 : i32 to vector<16xi32>
      %select_n3A_1528 = arith.select %eq3A_1525, %scan3A_1518#1, %broadcast_in_dim3A_1527 : vector<16xi1>, vector<16xi32>
      %reduce_min3A_1529 = arith.constant true
      %reduce_min3A_1530 = vector.broadcast %reduce_min3A_1529 : i1 to vector<16xi1>
      %reduce_min3A_1531 = arith.constant -2147483648 : i32
      %reduce_min3A_1532 = vector.broadcast %reduce_min3A_1531 : i32 to vector<16xi32>
      %reduce_min3A_1533 = arith.xori %select_n3A_1528, %reduce_min3A_1532 : vector<16xi32>
      %reduce_min3A_1534 = tpu.scan <min>, %reduce_min3A_1533 masked %reduce_min3A_1530 : vector<16xi32>, vector<16xi1> -> vector<16xi32>
      %reduce_min3A_1535 = arith.xori %reduce_min3A_1534, %reduce_min3A_1532 : vector<16xi32>
      %reduce_min3A_1536 = vector.extract %reduce_min3A_1535[15] : i32 from vector<16xi32>
      %eq3A_1537 = vector.broadcast %reduce_min3A_1536 : i32 to vector<16xi32>
      %eq3A_1538 = arith.cmpi eq, %scan3A_1518#1, %eq3A_1537 : vector<16xi32>
      %and3A_1539 = arith.andi %eq3A_1525, %eq3A_1538 : vector<16xi1>
      %jit3A_1540 = arith.constant 2147483647 : i32
      %broadcast_in_dim3A_1541 = vector.broadcast %jit3A_1540 : i32 to vector<16xi32>
      %select_n3A_1542 = arith.select %and3A_1539, %scan3A_1518#2, %broadcast_in_dim3A_1541 : vector<16xi1>, vector<16xi32>
      %reduce_min3A_1543 = arith.constant true
      %reduce_min3A_1544 = vector.broadcast %reduce_min3A_1543 : i1 to vector<16xi1>
      %reduce_min3A_1545 = arith.constant -2147483648 : i32
      %reduce_min3A_1546 = vector.broadcast %reduce_min3A_1545 : i32 to vector<16xi32>
      %reduce_min3A_1547 = arith.xori %select_n3A_1542, %reduce_min3A_1546 : vector<16xi32>
      %reduce_min3A_1548 = tpu.scan <min>, %reduce_min3A_1547 masked %reduce_min3A_1544 : vector<16xi32>, vector<16xi1> -> vector<16xi32>
      %reduce_min3A_1549 = arith.xori %reduce_min3A_1548, %reduce_min3A_1546 : vector<16xi32>
      %reduce_min3A_1550 = vector.extract %reduce_min3A_1549[15] : i32 from vector<16xi32>
      %eq3A_1551 = arith.constant 11 : i32
      %eq3A_1552 = vector.broadcast %eq3A_1551 : i32 to vector<16xi32>
      %eq3A_1553 = arith.cmpi eq, %iota3A, %eq3A_1552 : vector<16xi32>
      %broadcast_in_dim3A_1554 = vector.broadcast %reduce_min3A_1550 : i32 to vector<16xi32>
      %select_n3A_1555 = arith.select %eq3A_1553, %broadcast_in_dim3A_1554, %select_n3A_1501 : vector<16xi1>, vector<16xi32>
      %broadcast_in_dim3A_1556 = vector.broadcast %reduce_min3A_1550 : i32 to vector<16xi32>
      %broadcast_in_dim3A_1557 = arith.constant 0xFF800000 : f32
      %broadcast_in_dim3A_1558 = vector.broadcast %broadcast_in_dim3A_1557 : f32 to vector<16xf32>
      %eq3A_1559 = arith.constant 0 : i32
      %eq3A_1560 = vector.broadcast %eq3A_1559 : i32 to vector<16xi32>
      %eq3A_1561 = arith.cmpi eq, %iota3A, %eq3A_1560 : vector<16xi32>
      tpu.vector_store_idx %arg13[%broadcast_in_dim3A_1556], %broadcast_in_dim3A_1558 masked %eq3A_1561 : memref<512xf32, #tpu.memory_space<vmem>>[vector<16xi32>], vector<16xf32>, vector<16xi1>
      %broadcast_in_dim3A_1562 = arith.constant 0xFF800000 : f32
      %broadcast_in_dim3A_1563 = vector.broadcast %broadcast_in_dim3A_1562 : f32 to vector<16xf32>
      %broadcast_in_dim3A_1564 = arith.constant 2147483647 : i32
      %broadcast_in_dim3A_1565 = vector.broadcast %broadcast_in_dim3A_1564 : i32 to vector<16xi32>
      %broadcast_in_dim3A_1566 = arith.constant 0 : i32
      %broadcast_in_dim3A_1567 = vector.broadcast %broadcast_in_dim3A_1566 : i32 to vector<16xi32>
      %scan3A_1568 = arith.constant 0 : i32
      %scan3A_1569 = arith.constant 32 : i32
      %scan3A_1570 = arith.addi %scan3A_1568, %scan3A_1569 : i32
      %scan3A_1571 = arith.constant 1 : i32
      %scan3A_1572:3 = scf.for %scan3A_2095 = %scan3A_1568 to %scan3A_1570 step %scan3A_1571 iter_args(%scan3A_2096 = %broadcast_in_dim3A_1563, %scan3A_2097 = %broadcast_in_dim3A_1565, %scan3A_2098 = %broadcast_in_dim3A_1567) -> (vector<16xf32>, vector<16xi32>, vector<16xi32>)  : i32 {
        %mul3A_2099 = arith.constant 16 : i32
        %mul3A_2100 = arith.muli %scan3A_2095, %mul3A_2099 : i32
        %get3A = arith.index_cast %mul3A_2100 : i32 to index
        %get3A_2101 = tpu.vector_load %arg13[%get3A] {strides = array<i32>} : memref<512xf32, #tpu.memory_space<vmem>>, vector<16xf32>,
        %mul3A_2102 = arith.constant 16 : i32
        %mul3A_2103 = arith.muli %scan3A_2095, %mul3A_2102 : i32
        %get3A_2104 = arith.index_cast %mul3A_2103 : i32 to index
        %get3A_2105 = tpu.vector_load %arg14[%get3A_2104] {strides = array<i32>} : memref<512xi32, #tpu.memory_space<vmem>>, vector<16xi32>,
        %mul3A_2106 = arith.constant 16 : i32
        %mul3A_2107 = arith.muli %scan3A_2095, %mul3A_2106 : i32
        %add3A_2108 = vector.broadcast %mul3A_2107 : i32 to vector<16xi32>
        %add3A_2109 = arith.addi %add3A_2108, %iota3A : vector<16xi32>
        %gt3A = arith.cmpf ogt, %get3A_2101, %scan3A_2096 : vector<16xf32>
        %eq3A_2110 = arith.cmpf oeq, %get3A_2101, %scan3A_2096 : vector<16xf32>
        %lt3A_2111 = arith.cmpi slt, %get3A_2105, %scan3A_2097 : vector<16xi32>
        %and3A_2112 = arith.andi %eq3A_2110, %lt3A_2111 : vector<16xi1>
        %or3A = arith.ori %gt3A, %and3A_2112 : vector<16xi1>
        %select_n3A_2113 = arith.select %or3A, %get3A_2101, %scan3A_2096 : vector<16xi1>, vector<16xf32>
        %select_n3A_2114 = arith.select %or3A, %get3A_2105, %scan3A_2097 : vector<16xi1>, vector<16xi32>
        %select_n3A_2115 = arith.select %or3A, %add3A_2109, %scan3A_2098 : vector<16xi1>, vector<16xi32>
        scf.yield %select_n3A_2113, %select_n3A_2114, %select_n3A_2115 : vector<16xf32>, vector<16xi32>, vector<16xi32>
      }
      %scan3A_1573 = arith.constant 32 : i32
      %reduce_max3A_1574 = arith.constant true
      %reduce_max3A_1575 = vector.broadcast %reduce_max3A_1574 : i1 to vector<16xi1>
      %reduce_max3A_1576 = tpu.scan <max>, %scan3A_1572#0 masked %reduce_max3A_1575 : vector<16xf32>, vector<16xi1> -> vector<16xf32>
      %reduce_max3A_1577 = vector.extract %reduce_max3A_1576[15] : f32 from vector<16xf32>
      %eq3A_1578 = vector.broadcast %reduce_max3A_1577 : f32 to vector<16xf32>
      %eq3A_1579 = arith.cmpf oeq, %scan3A_1572#0, %eq3A_1578 : vector<16xf32>
      %jit3A_1580 = arith.constant 2147483647 : i32
      %broadcast_in_dim3A_1581 = vector.broadcast %jit3A_1580 : i32 to vector<16xi32>
      %select_n3A_1582 = arith.select %eq3A_1579, %scan3A_1572#1, %broadcast_in_dim3A_1581 : vector<16xi1>, vector<16xi32>
      %reduce_min3A_1583 = arith.constant true
      %reduce_min3A_1584 = vector.broadcast %reduce_min3A_1583 : i1 to vector<16xi1>
      %reduce_min3A_1585 = arith.constant -2147483648 : i32
      %reduce_min3A_1586 = vector.broadcast %reduce_min3A_1585 : i32 to vector<16xi32>
      %reduce_min3A_1587 = arith.xori %select_n3A_1582, %reduce_min3A_1586 : vector<16xi32>
      %reduce_min3A_1588 = tpu.scan <min>, %reduce_min3A_1587 masked %reduce_min3A_1584 : vector<16xi32>, vector<16xi1> -> vector<16xi32>
      %reduce_min3A_1589 = arith.xori %reduce_min3A_1588, %reduce_min3A_1586 : vector<16xi32>
      %reduce_min3A_1590 = vector.extract %reduce_min3A_1589[15] : i32 from vector<16xi32>
      %eq3A_1591 = vector.broadcast %reduce_min3A_1590 : i32 to vector<16xi32>
      %eq3A_1592 = arith.cmpi eq, %scan3A_1572#1, %eq3A_1591 : vector<16xi32>
      %and3A_1593 = arith.andi %eq3A_1579, %eq3A_1592 : vector<16xi1>
      %jit3A_1594 = arith.constant 2147483647 : i32
      %broadcast_in_dim3A_1595 = vector.broadcast %jit3A_1594 : i32 to vector<16xi32>
      %select_n3A_1596 = arith.select %and3A_1593, %scan3A_1572#2, %broadcast_in_dim3A_1595 : vector<16xi1>, vector<16xi32>
      %reduce_min3A_1597 = arith.constant true
      %reduce_min3A_1598 = vector.broadcast %reduce_min3A_1597 : i1 to vector<16xi1>
      %reduce_min3A_1599 = arith.constant -2147483648 : i32
      %reduce_min3A_1600 = vector.broadcast %reduce_min3A_1599 : i32 to vector<16xi32>
      %reduce_min3A_1601 = arith.xori %select_n3A_1596, %reduce_min3A_1600 : vector<16xi32>
      %reduce_min3A_1602 = tpu.scan <min>, %reduce_min3A_1601 masked %reduce_min3A_1598 : vector<16xi32>, vector<16xi1> -> vector<16xi32>
      %reduce_min3A_1603 = arith.xori %reduce_min3A_1602, %reduce_min3A_1600 : vector<16xi32>
      %reduce_min3A_1604 = vector.extract %reduce_min3A_1603[15] : i32 from vector<16xi32>
      %eq3A_1605 = arith.constant 12 : i32
      %eq3A_1606 = vector.broadcast %eq3A_1605 : i32 to vector<16xi32>
      %eq3A_1607 = arith.cmpi eq, %iota3A, %eq3A_1606 : vector<16xi32>
      %broadcast_in_dim3A_1608 = vector.broadcast %reduce_min3A_1604 : i32 to vector<16xi32>
      %select_n3A_1609 = arith.select %eq3A_1607, %broadcast_in_dim3A_1608, %select_n3A_1555 : vector<16xi1>, vector<16xi32>
      %broadcast_in_dim3A_1610 = vector.broadcast %reduce_min3A_1604 : i32 to vector<16xi32>
      %broadcast_in_dim3A_1611 = arith.constant 0xFF800000 : f32
      %broadcast_in_dim3A_1612 = vector.broadcast %broadcast_in_dim3A_1611 : f32 to vector<16xf32>
      %eq3A_1613 = arith.constant 0 : i32
      %eq3A_1614 = vector.broadcast %eq3A_1613 : i32 to vector<16xi32>
      %eq3A_1615 = arith.cmpi eq, %iota3A, %eq3A_1614 : vector<16xi32>
      tpu.vector_store_idx %arg13[%broadcast_in_dim3A_1610], %broadcast_in_dim3A_1612 masked %eq3A_1615 : memref<512xf32, #tpu.memory_space<vmem>>[vector<16xi32>], vector<16xf32>, vector<16xi1>
      %broadcast_in_dim3A_1616 = arith.constant 0xFF800000 : f32
      %broadcast_in_dim3A_1617 = vector.broadcast %broadcast_in_dim3A_1616 : f32 to vector<16xf32>
      %broadcast_in_dim3A_1618 = arith.constant 2147483647 : i32
      %broadcast_in_dim3A_1619 = vector.broadcast %broadcast_in_dim3A_1618 : i32 to vector<16xi32>
      %broadcast_in_dim3A_1620 = arith.constant 0 : i32
      %broadcast_in_dim3A_1621 = vector.broadcast %broadcast_in_dim3A_1620 : i32 to vector<16xi32>
      %scan3A_1622 = arith.constant 0 : i32
      %scan3A_1623 = arith.constant 32 : i32
      %scan3A_1624 = arith.addi %scan3A_1622, %scan3A_1623 : i32
      %scan3A_1625 = arith.constant 1 : i32
      %scan3A_1626:3 = scf.for %scan3A_2095 = %scan3A_1622 to %scan3A_1624 step %scan3A_1625 iter_args(%scan3A_2096 = %broadcast_in_dim3A_1617, %scan3A_2097 = %broadcast_in_dim3A_1619, %scan3A_2098 = %broadcast_in_dim3A_1621) -> (vector<16xf32>, vector<16xi32>, vector<16xi32>)  : i32 {
        %mul3A_2099 = arith.constant 16 : i32
        %mul3A_2100 = arith.muli %scan3A_2095, %mul3A_2099 : i32
        %get3A = arith.index_cast %mul3A_2100 : i32 to index
        %get3A_2101 = tpu.vector_load %arg13[%get3A] {strides = array<i32>} : memref<512xf32, #tpu.memory_space<vmem>>, vector<16xf32>,
        %mul3A_2102 = arith.constant 16 : i32
        %mul3A_2103 = arith.muli %scan3A_2095, %mul3A_2102 : i32
        %get3A_2104 = arith.index_cast %mul3A_2103 : i32 to index
        %get3A_2105 = tpu.vector_load %arg14[%get3A_2104] {strides = array<i32>} : memref<512xi32, #tpu.memory_space<vmem>>, vector<16xi32>,
        %mul3A_2106 = arith.constant 16 : i32
        %mul3A_2107 = arith.muli %scan3A_2095, %mul3A_2106 : i32
        %add3A_2108 = vector.broadcast %mul3A_2107 : i32 to vector<16xi32>
        %add3A_2109 = arith.addi %add3A_2108, %iota3A : vector<16xi32>
        %gt3A = arith.cmpf ogt, %get3A_2101, %scan3A_2096 : vector<16xf32>
        %eq3A_2110 = arith.cmpf oeq, %get3A_2101, %scan3A_2096 : vector<16xf32>
        %lt3A_2111 = arith.cmpi slt, %get3A_2105, %scan3A_2097 : vector<16xi32>
        %and3A_2112 = arith.andi %eq3A_2110, %lt3A_2111 : vector<16xi1>
        %or3A = arith.ori %gt3A, %and3A_2112 : vector<16xi1>
        %select_n3A_2113 = arith.select %or3A, %get3A_2101, %scan3A_2096 : vector<16xi1>, vector<16xf32>
        %select_n3A_2114 = arith.select %or3A, %get3A_2105, %scan3A_2097 : vector<16xi1>, vector<16xi32>
        %select_n3A_2115 = arith.select %or3A, %add3A_2109, %scan3A_2098 : vector<16xi1>, vector<16xi32>
        scf.yield %select_n3A_2113, %select_n3A_2114, %select_n3A_2115 : vector<16xf32>, vector<16xi32>, vector<16xi32>
      }
      %scan3A_1627 = arith.constant 32 : i32
      %reduce_max3A_1628 = arith.constant true
      %reduce_max3A_1629 = vector.broadcast %reduce_max3A_1628 : i1 to vector<16xi1>
      %reduce_max3A_1630 = tpu.scan <max>, %scan3A_1626#0 masked %reduce_max3A_1629 : vector<16xf32>, vector<16xi1> -> vector<16xf32>
      %reduce_max3A_1631 = vector.extract %reduce_max3A_1630[15] : f32 from vector<16xf32>
      %eq3A_1632 = vector.broadcast %reduce_max3A_1631 : f32 to vector<16xf32>
      %eq3A_1633 = arith.cmpf oeq, %scan3A_1626#0, %eq3A_1632 : vector<16xf32>
      %jit3A_1634 = arith.constant 2147483647 : i32
      %broadcast_in_dim3A_1635 = vector.broadcast %jit3A_1634 : i32 to vector<16xi32>
      %select_n3A_1636 = arith.select %eq3A_1633, %scan3A_1626#1, %broadcast_in_dim3A_1635 : vector<16xi1>, vector<16xi32>
      %reduce_min3A_1637 = arith.constant true
      %reduce_min3A_1638 = vector.broadcast %reduce_min3A_1637 : i1 to vector<16xi1>
      %reduce_min3A_1639 = arith.constant -2147483648 : i32
      %reduce_min3A_1640 = vector.broadcast %reduce_min3A_1639 : i32 to vector<16xi32>
      %reduce_min3A_1641 = arith.xori %select_n3A_1636, %reduce_min3A_1640 : vector<16xi32>
      %reduce_min3A_1642 = tpu.scan <min>, %reduce_min3A_1641 masked %reduce_min3A_1638 : vector<16xi32>, vector<16xi1> -> vector<16xi32>
      %reduce_min3A_1643 = arith.xori %reduce_min3A_1642, %reduce_min3A_1640 : vector<16xi32>
      %reduce_min3A_1644 = vector.extract %reduce_min3A_1643[15] : i32 from vector<16xi32>
      %eq3A_1645 = vector.broadcast %reduce_min3A_1644 : i32 to vector<16xi32>
      %eq3A_1646 = arith.cmpi eq, %scan3A_1626#1, %eq3A_1645 : vector<16xi32>
      %and3A_1647 = arith.andi %eq3A_1633, %eq3A_1646 : vector<16xi1>
      %jit3A_1648 = arith.constant 2147483647 : i32
      %broadcast_in_dim3A_1649 = vector.broadcast %jit3A_1648 : i32 to vector<16xi32>
      %select_n3A_1650 = arith.select %and3A_1647, %scan3A_1626#2, %broadcast_in_dim3A_1649 : vector<16xi1>, vector<16xi32>
      %reduce_min3A_1651 = arith.constant true
      %reduce_min3A_1652 = vector.broadcast %reduce_min3A_1651 : i1 to vector<16xi1>
      %reduce_min3A_1653 = arith.constant -2147483648 : i32
      %reduce_min3A_1654 = vector.broadcast %reduce_min3A_1653 : i32 to vector<16xi32>
      %reduce_min3A_1655 = arith.xori %select_n3A_1650, %reduce_min3A_1654 : vector<16xi32>
      %reduce_min3A_1656 = tpu.scan <min>, %reduce_min3A_1655 masked %reduce_min3A_1652 : vector<16xi32>, vector<16xi1> -> vector<16xi32>
      %reduce_min3A_1657 = arith.xori %reduce_min3A_1656, %reduce_min3A_1654 : vector<16xi32>
      %reduce_min3A_1658 = vector.extract %reduce_min3A_1657[15] : i32 from vector<16xi32>
      %eq3A_1659 = arith.constant 13 : i32
      %eq3A_1660 = vector.broadcast %eq3A_1659 : i32 to vector<16xi32>
      %eq3A_1661 = arith.cmpi eq, %iota3A, %eq3A_1660 : vector<16xi32>
      %broadcast_in_dim3A_1662 = vector.broadcast %reduce_min3A_1658 : i32 to vector<16xi32>
      %select_n3A_1663 = arith.select %eq3A_1661, %broadcast_in_dim3A_1662, %select_n3A_1609 : vector<16xi1>, vector<16xi32>
      %broadcast_in_dim3A_1664 = vector.broadcast %reduce_min3A_1658 : i32 to vector<16xi32>
      %broadcast_in_dim3A_1665 = arith.constant 0xFF800000 : f32
      %broadcast_in_dim3A_1666 = vector.broadcast %broadcast_in_dim3A_1665 : f32 to vector<16xf32>
      %eq3A_1667 = arith.constant 0 : i32
      %eq3A_1668 = vector.broadcast %eq3A_1667 : i32 to vector<16xi32>
      %eq3A_1669 = arith.cmpi eq, %iota3A, %eq3A_1668 : vector<16xi32>
      tpu.vector_store_idx %arg13[%broadcast_in_dim3A_1664], %broadcast_in_dim3A_1666 masked %eq3A_1669 : memref<512xf32, #tpu.memory_space<vmem>>[vector<16xi32>], vector<16xf32>, vector<16xi1>
      %broadcast_in_dim3A_1670 = arith.constant 0xFF800000 : f32
      %broadcast_in_dim3A_1671 = vector.broadcast %broadcast_in_dim3A_1670 : f32 to vector<16xf32>
      %broadcast_in_dim3A_1672 = arith.constant 2147483647 : i32
      %broadcast_in_dim3A_1673 = vector.broadcast %broadcast_in_dim3A_1672 : i32 to vector<16xi32>
      %broadcast_in_dim3A_1674 = arith.constant 0 : i32
      %broadcast_in_dim3A_1675 = vector.broadcast %broadcast_in_dim3A_1674 : i32 to vector<16xi32>
      %scan3A_1676 = arith.constant 0 : i32
      %scan3A_1677 = arith.constant 32 : i32
      %scan3A_1678 = arith.addi %scan3A_1676, %scan3A_1677 : i32
      %scan3A_1679 = arith.constant 1 : i32
      %scan3A_1680:3 = scf.for %scan3A_2095 = %scan3A_1676 to %scan3A_1678 step %scan3A_1679 iter_args(%scan3A_2096 = %broadcast_in_dim3A_1671, %scan3A_2097 = %broadcast_in_dim3A_1673, %scan3A_2098 = %broadcast_in_dim3A_1675) -> (vector<16xf32>, vector<16xi32>, vector<16xi32>)  : i32 {
        %mul3A_2099 = arith.constant 16 : i32
        %mul3A_2100 = arith.muli %scan3A_2095, %mul3A_2099 : i32
        %get3A = arith.index_cast %mul3A_2100 : i32 to index
        %get3A_2101 = tpu.vector_load %arg13[%get3A] {strides = array<i32>} : memref<512xf32, #tpu.memory_space<vmem>>, vector<16xf32>,
        %mul3A_2102 = arith.constant 16 : i32
        %mul3A_2103 = arith.muli %scan3A_2095, %mul3A_2102 : i32
        %get3A_2104 = arith.index_cast %mul3A_2103 : i32 to index
        %get3A_2105 = tpu.vector_load %arg14[%get3A_2104] {strides = array<i32>} : memref<512xi32, #tpu.memory_space<vmem>>, vector<16xi32>,
        %mul3A_2106 = arith.constant 16 : i32
        %mul3A_2107 = arith.muli %scan3A_2095, %mul3A_2106 : i32
        %add3A_2108 = vector.broadcast %mul3A_2107 : i32 to vector<16xi32>
        %add3A_2109 = arith.addi %add3A_2108, %iota3A : vector<16xi32>
        %gt3A = arith.cmpf ogt, %get3A_2101, %scan3A_2096 : vector<16xf32>
        %eq3A_2110 = arith.cmpf oeq, %get3A_2101, %scan3A_2096 : vector<16xf32>
        %lt3A_2111 = arith.cmpi slt, %get3A_2105, %scan3A_2097 : vector<16xi32>
        %and3A_2112 = arith.andi %eq3A_2110, %lt3A_2111 : vector<16xi1>
        %or3A = arith.ori %gt3A, %and3A_2112 : vector<16xi1>
        %select_n3A_2113 = arith.select %or3A, %get3A_2101, %scan3A_2096 : vector<16xi1>, vector<16xf32>
        %select_n3A_2114 = arith.select %or3A, %get3A_2105, %scan3A_2097 : vector<16xi1>, vector<16xi32>
        %select_n3A_2115 = arith.select %or3A, %add3A_2109, %scan3A_2098 : vector<16xi1>, vector<16xi32>
        scf.yield %select_n3A_2113, %select_n3A_2114, %select_n3A_2115 : vector<16xf32>, vector<16xi32>, vector<16xi32>
      }
      %scan3A_1681 = arith.constant 32 : i32
      %reduce_max3A_1682 = arith.constant true
      %reduce_max3A_1683 = vector.broadcast %reduce_max3A_1682 : i1 to vector<16xi1>
      %reduce_max3A_1684 = tpu.scan <max>, %scan3A_1680#0 masked %reduce_max3A_1683 : vector<16xf32>, vector<16xi1> -> vector<16xf32>
      %reduce_max3A_1685 = vector.extract %reduce_max3A_1684[15] : f32 from vector<16xf32>
      %eq3A_1686 = vector.broadcast %reduce_max3A_1685 : f32 to vector<16xf32>
      %eq3A_1687 = arith.cmpf oeq, %scan3A_1680#0, %eq3A_1686 : vector<16xf32>
      %jit3A_1688 = arith.constant 2147483647 : i32
      %broadcast_in_dim3A_1689 = vector.broadcast %jit3A_1688 : i32 to vector<16xi32>
      %select_n3A_1690 = arith.select %eq3A_1687, %scan3A_1680#1, %broadcast_in_dim3A_1689 : vector<16xi1>, vector<16xi32>
      %reduce_min3A_1691 = arith.constant true
      %reduce_min3A_1692 = vector.broadcast %reduce_min3A_1691 : i1 to vector<16xi1>
      %reduce_min3A_1693 = arith.constant -2147483648 : i32
      %reduce_min3A_1694 = vector.broadcast %reduce_min3A_1693 : i32 to vector<16xi32>
      %reduce_min3A_1695 = arith.xori %select_n3A_1690, %reduce_min3A_1694 : vector<16xi32>
      %reduce_min3A_1696 = tpu.scan <min>, %reduce_min3A_1695 masked %reduce_min3A_1692 : vector<16xi32>, vector<16xi1> -> vector<16xi32>
      %reduce_min3A_1697 = arith.xori %reduce_min3A_1696, %reduce_min3A_1694 : vector<16xi32>
      %reduce_min3A_1698 = vector.extract %reduce_min3A_1697[15] : i32 from vector<16xi32>
      %eq3A_1699 = vector.broadcast %reduce_min3A_1698 : i32 to vector<16xi32>
      %eq3A_1700 = arith.cmpi eq, %scan3A_1680#1, %eq3A_1699 : vector<16xi32>
      %and3A_1701 = arith.andi %eq3A_1687, %eq3A_1700 : vector<16xi1>
      %jit3A_1702 = arith.constant 2147483647 : i32
      %broadcast_in_dim3A_1703 = vector.broadcast %jit3A_1702 : i32 to vector<16xi32>
      %select_n3A_1704 = arith.select %and3A_1701, %scan3A_1680#2, %broadcast_in_dim3A_1703 : vector<16xi1>, vector<16xi32>
      %reduce_min3A_1705 = arith.constant true
      %reduce_min3A_1706 = vector.broadcast %reduce_min3A_1705 : i1 to vector<16xi1>
      %reduce_min3A_1707 = arith.constant -2147483648 : i32
      %reduce_min3A_1708 = vector.broadcast %reduce_min3A_1707 : i32 to vector<16xi32>
      %reduce_min3A_1709 = arith.xori %select_n3A_1704, %reduce_min3A_1708 : vector<16xi32>
      %reduce_min3A_1710 = tpu.scan <min>, %reduce_min3A_1709 masked %reduce_min3A_1706 : vector<16xi32>, vector<16xi1> -> vector<16xi32>
      %reduce_min3A_1711 = arith.xori %reduce_min3A_1710, %reduce_min3A_1708 : vector<16xi32>
      %reduce_min3A_1712 = vector.extract %reduce_min3A_1711[15] : i32 from vector<16xi32>
      %eq3A_1713 = arith.constant 14 : i32
      %eq3A_1714 = vector.broadcast %eq3A_1713 : i32 to vector<16xi32>
      %eq3A_1715 = arith.cmpi eq, %iota3A, %eq3A_1714 : vector<16xi32>
      %broadcast_in_dim3A_1716 = vector.broadcast %reduce_min3A_1712 : i32 to vector<16xi32>
      %select_n3A_1717 = arith.select %eq3A_1715, %broadcast_in_dim3A_1716, %select_n3A_1663 : vector<16xi1>, vector<16xi32>
      %broadcast_in_dim3A_1718 = vector.broadcast %reduce_min3A_1712 : i32 to vector<16xi32>
      %broadcast_in_dim3A_1719 = arith.constant 0xFF800000 : f32
      %broadcast_in_dim3A_1720 = vector.broadcast %broadcast_in_dim3A_1719 : f32 to vector<16xf32>
      %eq3A_1721 = arith.constant 0 : i32
      %eq3A_1722 = vector.broadcast %eq3A_1721 : i32 to vector<16xi32>
      %eq3A_1723 = arith.cmpi eq, %iota3A, %eq3A_1722 : vector<16xi32>
      tpu.vector_store_idx %arg13[%broadcast_in_dim3A_1718], %broadcast_in_dim3A_1720 masked %eq3A_1723 : memref<512xf32, #tpu.memory_space<vmem>>[vector<16xi32>], vector<16xf32>, vector<16xi1>
      %broadcast_in_dim3A_1724 = arith.constant 0xFF800000 : f32
      %broadcast_in_dim3A_1725 = vector.broadcast %broadcast_in_dim3A_1724 : f32 to vector<16xf32>
      %broadcast_in_dim3A_1726 = arith.constant 2147483647 : i32
      %broadcast_in_dim3A_1727 = vector.broadcast %broadcast_in_dim3A_1726 : i32 to vector<16xi32>
      %broadcast_in_dim3A_1728 = arith.constant 0 : i32
      %broadcast_in_dim3A_1729 = vector.broadcast %broadcast_in_dim3A_1728 : i32 to vector<16xi32>
      %scan3A_1730 = arith.constant 0 : i32
      %scan3A_1731 = arith.constant 32 : i32
      %scan3A_1732 = arith.addi %scan3A_1730, %scan3A_1731 : i32
      %scan3A_1733 = arith.constant 1 : i32
      %scan3A_1734:3 = scf.for %scan3A_2095 = %scan3A_1730 to %scan3A_1732 step %scan3A_1733 iter_args(%scan3A_2096 = %broadcast_in_dim3A_1725, %scan3A_2097 = %broadcast_in_dim3A_1727, %scan3A_2098 = %broadcast_in_dim3A_1729) -> (vector<16xf32>, vector<16xi32>, vector<16xi32>)  : i32 {
        %mul3A_2099 = arith.constant 16 : i32
        %mul3A_2100 = arith.muli %scan3A_2095, %mul3A_2099 : i32
        %get3A = arith.index_cast %mul3A_2100 : i32 to index
        %get3A_2101 = tpu.vector_load %arg13[%get3A] {strides = array<i32>} : memref<512xf32, #tpu.memory_space<vmem>>, vector<16xf32>,
        %mul3A_2102 = arith.constant 16 : i32
        %mul3A_2103 = arith.muli %scan3A_2095, %mul3A_2102 : i32
        %get3A_2104 = arith.index_cast %mul3A_2103 : i32 to index
        %get3A_2105 = tpu.vector_load %arg14[%get3A_2104] {strides = array<i32>} : memref<512xi32, #tpu.memory_space<vmem>>, vector<16xi32>,
        %mul3A_2106 = arith.constant 16 : i32
        %mul3A_2107 = arith.muli %scan3A_2095, %mul3A_2106 : i32
        %add3A_2108 = vector.broadcast %mul3A_2107 : i32 to vector<16xi32>
        %add3A_2109 = arith.addi %add3A_2108, %iota3A : vector<16xi32>
        %gt3A = arith.cmpf ogt, %get3A_2101, %scan3A_2096 : vector<16xf32>
        %eq3A_2110 = arith.cmpf oeq, %get3A_2101, %scan3A_2096 : vector<16xf32>
        %lt3A_2111 = arith.cmpi slt, %get3A_2105, %scan3A_2097 : vector<16xi32>
        %and3A_2112 = arith.andi %eq3A_2110, %lt3A_2111 : vector<16xi1>
        %or3A = arith.ori %gt3A, %and3A_2112 : vector<16xi1>
        %select_n3A_2113 = arith.select %or3A, %get3A_2101, %scan3A_2096 : vector<16xi1>, vector<16xf32>
        %select_n3A_2114 = arith.select %or3A, %get3A_2105, %scan3A_2097 : vector<16xi1>, vector<16xi32>
        %select_n3A_2115 = arith.select %or3A, %add3A_2109, %scan3A_2098 : vector<16xi1>, vector<16xi32>
        scf.yield %select_n3A_2113, %select_n3A_2114, %select_n3A_2115 : vector<16xf32>, vector<16xi32>, vector<16xi32>
      }
      %scan3A_1735 = arith.constant 32 : i32
      %reduce_max3A_1736 = arith.constant true
      %reduce_max3A_1737 = vector.broadcast %reduce_max3A_1736 : i1 to vector<16xi1>
      %reduce_max3A_1738 = tpu.scan <max>, %scan3A_1734#0 masked %reduce_max3A_1737 : vector<16xf32>, vector<16xi1> -> vector<16xf32>
      %reduce_max3A_1739 = vector.extract %reduce_max3A_1738[15] : f32 from vector<16xf32>
      %eq3A_1740 = vector.broadcast %reduce_max3A_1739 : f32 to vector<16xf32>
      %eq3A_1741 = arith.cmpf oeq, %scan3A_1734#0, %eq3A_1740 : vector<16xf32>
      %jit3A_1742 = arith.constant 2147483647 : i32
      %broadcast_in_dim3A_1743 = vector.broadcast %jit3A_1742 : i32 to vector<16xi32>
      %select_n3A_1744 = arith.select %eq3A_1741, %scan3A_1734#1, %broadcast_in_dim3A_1743 : vector<16xi1>, vector<16xi32>
      %reduce_min3A_1745 = arith.constant true
      %reduce_min3A_1746 = vector.broadcast %reduce_min3A_1745 : i1 to vector<16xi1>
      %reduce_min3A_1747 = arith.constant -2147483648 : i32
      %reduce_min3A_1748 = vector.broadcast %reduce_min3A_1747 : i32 to vector<16xi32>
      %reduce_min3A_1749 = arith.xori %select_n3A_1744, %reduce_min3A_1748 : vector<16xi32>
      %reduce_min3A_1750 = tpu.scan <min>, %reduce_min3A_1749 masked %reduce_min3A_1746 : vector<16xi32>, vector<16xi1> -> vector<16xi32>
      %reduce_min3A_1751 = arith.xori %reduce_min3A_1750, %reduce_min3A_1748 : vector<16xi32>
      %reduce_min3A_1752 = vector.extract %reduce_min3A_1751[15] : i32 from vector<16xi32>
      %eq3A_1753 = vector.broadcast %reduce_min3A_1752 : i32 to vector<16xi32>
      %eq3A_1754 = arith.cmpi eq, %scan3A_1734#1, %eq3A_1753 : vector<16xi32>
      %and3A_1755 = arith.andi %eq3A_1741, %eq3A_1754 : vector<16xi1>
      %jit3A_1756 = arith.constant 2147483647 : i32
      %broadcast_in_dim3A_1757 = vector.broadcast %jit3A_1756 : i32 to vector<16xi32>
      %select_n3A_1758 = arith.select %and3A_1755, %scan3A_1734#2, %broadcast_in_dim3A_1757 : vector<16xi1>, vector<16xi32>
      %reduce_min3A_1759 = arith.constant true
      %reduce_min3A_1760 = vector.broadcast %reduce_min3A_1759 : i1 to vector<16xi1>
      %reduce_min3A_1761 = arith.constant -2147483648 : i32
      %reduce_min3A_1762 = vector.broadcast %reduce_min3A_1761 : i32 to vector<16xi32>
      %reduce_min3A_1763 = arith.xori %select_n3A_1758, %reduce_min3A_1762 : vector<16xi32>
      %reduce_min3A_1764 = tpu.scan <min>, %reduce_min3A_1763 masked %reduce_min3A_1760 : vector<16xi32>, vector<16xi1> -> vector<16xi32>
      %reduce_min3A_1765 = arith.xori %reduce_min3A_1764, %reduce_min3A_1762 : vector<16xi32>
      %reduce_min3A_1766 = vector.extract %reduce_min3A_1765[15] : i32 from vector<16xi32>
      %eq3A_1767 = arith.constant 15 : i32
      %eq3A_1768 = vector.broadcast %eq3A_1767 : i32 to vector<16xi32>
      %eq3A_1769 = arith.cmpi eq, %iota3A, %eq3A_1768 : vector<16xi32>
      %broadcast_in_dim3A_1770 = vector.broadcast %reduce_min3A_1766 : i32 to vector<16xi32>
      %select_n3A_1771 = arith.select %eq3A_1769, %broadcast_in_dim3A_1770, %select_n3A_1717 : vector<16xi1>, vector<16xi32>
      %broadcast_in_dim3A_1772 = vector.broadcast %reduce_min3A_1766 : i32 to vector<16xi32>
      %broadcast_in_dim3A_1773 = arith.constant 0xFF800000 : f32
      %broadcast_in_dim3A_1774 = vector.broadcast %broadcast_in_dim3A_1773 : f32 to vector<16xf32>
      %eq3A_1775 = arith.constant 0 : i32
      %eq3A_1776 = vector.broadcast %eq3A_1775 : i32 to vector<16xi32>
      %eq3A_1777 = arith.cmpi eq, %iota3A, %eq3A_1776 : vector<16xi32>
      tpu.vector_store_idx %arg13[%broadcast_in_dim3A_1772], %broadcast_in_dim3A_1774 masked %eq3A_1777 : memref<512xf32, #tpu.memory_space<vmem>>[vector<16xi32>], vector<16xf32>, vector<16xi1>
      %broadcast_in_dim3A_1778 = arith.constant 0xFF800000 : f32
      %broadcast_in_dim3A_1779 = vector.broadcast %broadcast_in_dim3A_1778 : f32 to vector<16xf32>
      %broadcast_in_dim3A_1780 = arith.constant 2147483647 : i32
      %broadcast_in_dim3A_1781 = vector.broadcast %broadcast_in_dim3A_1780 : i32 to vector<16xi32>
      %broadcast_in_dim3A_1782 = arith.constant 0 : i32
      %broadcast_in_dim3A_1783 = vector.broadcast %broadcast_in_dim3A_1782 : i32 to vector<16xi32>
      %scan3A_1784 = arith.constant 0 : i32
      %scan3A_1785 = arith.constant 32 : i32
      %scan3A_1786 = arith.addi %scan3A_1784, %scan3A_1785 : i32
      %scan3A_1787 = arith.constant 1 : i32
      %scan3A_1788:3 = scf.for %scan3A_2095 = %scan3A_1784 to %scan3A_1786 step %scan3A_1787 iter_args(%scan3A_2096 = %broadcast_in_dim3A_1779, %scan3A_2097 = %broadcast_in_dim3A_1781, %scan3A_2098 = %broadcast_in_dim3A_1783) -> (vector<16xf32>, vector<16xi32>, vector<16xi32>)  : i32 {
        %mul3A_2099 = arith.constant 16 : i32
        %mul3A_2100 = arith.muli %scan3A_2095, %mul3A_2099 : i32
        %get3A = arith.index_cast %mul3A_2100 : i32 to index
        %get3A_2101 = tpu.vector_load %arg13[%get3A] {strides = array<i32>} : memref<512xf32, #tpu.memory_space<vmem>>, vector<16xf32>,
        %mul3A_2102 = arith.constant 16 : i32
        %mul3A_2103 = arith.muli %scan3A_2095, %mul3A_2102 : i32
        %get3A_2104 = arith.index_cast %mul3A_2103 : i32 to index
        %get3A_2105 = tpu.vector_load %arg14[%get3A_2104] {strides = array<i32>} : memref<512xi32, #tpu.memory_space<vmem>>, vector<16xi32>,
        %mul3A_2106 = arith.constant 16 : i32
        %mul3A_2107 = arith.muli %scan3A_2095, %mul3A_2106 : i32
        %add3A_2108 = vector.broadcast %mul3A_2107 : i32 to vector<16xi32>
        %add3A_2109 = arith.addi %add3A_2108, %iota3A : vector<16xi32>
        %gt3A = arith.cmpf ogt, %get3A_2101, %scan3A_2096 : vector<16xf32>
        %eq3A_2110 = arith.cmpf oeq, %get3A_2101, %scan3A_2096 : vector<16xf32>
        %lt3A_2111 = arith.cmpi slt, %get3A_2105, %scan3A_2097 : vector<16xi32>
        %and3A_2112 = arith.andi %eq3A_2110, %lt3A_2111 : vector<16xi1>
        %or3A = arith.ori %gt3A, %and3A_2112 : vector<16xi1>
        %select_n3A_2113 = arith.select %or3A, %get3A_2101, %scan3A_2096 : vector<16xi1>, vector<16xf32>
        %select_n3A_2114 = arith.select %or3A, %get3A_2105, %scan3A_2097 : vector<16xi1>, vector<16xi32>
        %select_n3A_2115 = arith.select %or3A, %add3A_2109, %scan3A_2098 : vector<16xi1>, vector<16xi32>
        scf.yield %select_n3A_2113, %select_n3A_2114, %select_n3A_2115 : vector<16xf32>, vector<16xi32>, vector<16xi32>
      }
      %scan3A_1789 = arith.constant 32 : i32
      %reduce_max3A_1790 = arith.constant true
      %reduce_max3A_1791 = vector.broadcast %reduce_max3A_1790 : i1 to vector<16xi1>
      %reduce_max3A_1792 = tpu.scan <max>, %scan3A_1788#0 masked %reduce_max3A_1791 : vector<16xf32>, vector<16xi1> -> vector<16xf32>
      %reduce_max3A_1793 = vector.extract %reduce_max3A_1792[15] : f32 from vector<16xf32>
      %eq3A_1794 = vector.broadcast %reduce_max3A_1793 : f32 to vector<16xf32>
      %eq3A_1795 = arith.cmpf oeq, %scan3A_1788#0, %eq3A_1794 : vector<16xf32>
      %jit3A_1796 = arith.constant 2147483647 : i32
      %broadcast_in_dim3A_1797 = vector.broadcast %jit3A_1796 : i32 to vector<16xi32>
      %select_n3A_1798 = arith.select %eq3A_1795, %scan3A_1788#1, %broadcast_in_dim3A_1797 : vector<16xi1>, vector<16xi32>
      %reduce_min3A_1799 = arith.constant true
      %reduce_min3A_1800 = vector.broadcast %reduce_min3A_1799 : i1 to vector<16xi1>
      %reduce_min3A_1801 = arith.constant -2147483648 : i32
      %reduce_min3A_1802 = vector.broadcast %reduce_min3A_1801 : i32 to vector<16xi32>
      %reduce_min3A_1803 = arith.xori %select_n3A_1798, %reduce_min3A_1802 : vector<16xi32>
      %reduce_min3A_1804 = tpu.scan <min>, %reduce_min3A_1803 masked %reduce_min3A_1800 : vector<16xi32>, vector<16xi1> -> vector<16xi32>
      %reduce_min3A_1805 = arith.xori %reduce_min3A_1804, %reduce_min3A_1802 : vector<16xi32>
      %reduce_min3A_1806 = vector.extract %reduce_min3A_1805[15] : i32 from vector<16xi32>
      %eq3A_1807 = vector.broadcast %reduce_min3A_1806 : i32 to vector<16xi32>
      %eq3A_1808 = arith.cmpi eq, %scan3A_1788#1, %eq3A_1807 : vector<16xi32>
      %and3A_1809 = arith.andi %eq3A_1795, %eq3A_1808 : vector<16xi1>
      %jit3A_1810 = arith.constant 2147483647 : i32
      %broadcast_in_dim3A_1811 = vector.broadcast %jit3A_1810 : i32 to vector<16xi32>
      %select_n3A_1812 = arith.select %and3A_1809, %scan3A_1788#2, %broadcast_in_dim3A_1811 : vector<16xi1>, vector<16xi32>
      %reduce_min3A_1813 = arith.constant true
      %reduce_min3A_1814 = vector.broadcast %reduce_min3A_1813 : i1 to vector<16xi1>
      %reduce_min3A_1815 = arith.constant -2147483648 : i32
      %reduce_min3A_1816 = vector.broadcast %reduce_min3A_1815 : i32 to vector<16xi32>
      %reduce_min3A_1817 = arith.xori %select_n3A_1812, %reduce_min3A_1816 : vector<16xi32>
      %reduce_min3A_1818 = tpu.scan <min>, %reduce_min3A_1817 masked %reduce_min3A_1814 : vector<16xi32>, vector<16xi1> -> vector<16xi32>
      %reduce_min3A_1819 = arith.xori %reduce_min3A_1818, %reduce_min3A_1816 : vector<16xi32>
      %reduce_min3A_1820 = vector.extract %reduce_min3A_1819[15] : i32 from vector<16xi32>
      %eq3A_1821 = arith.constant 0 : i32
      %eq3A_1822 = vector.broadcast %eq3A_1821 : i32 to vector<16xi32>
      %eq3A_1823 = arith.cmpi eq, %iota3A, %eq3A_1822 : vector<16xi32>
      %broadcast_in_dim3A_1824 = vector.broadcast %reduce_min3A_1820 : i32 to vector<16xi32>
      %select_n3A_1825 = arith.select %eq3A_1823, %broadcast_in_dim3A_1824, %broadcast_in_dim3A_914 : vector<16xi1>, vector<16xi32>
      %broadcast_in_dim3A_1826 = vector.broadcast %reduce_min3A_1820 : i32 to vector<16xi32>
      %broadcast_in_dim3A_1827 = arith.constant 0xFF800000 : f32
      %broadcast_in_dim3A_1828 = vector.broadcast %broadcast_in_dim3A_1827 : f32 to vector<16xf32>
      %eq3A_1829 = arith.constant 0 : i32
      %eq3A_1830 = vector.broadcast %eq3A_1829 : i32 to vector<16xi32>
      %eq3A_1831 = arith.cmpi eq, %iota3A, %eq3A_1830 : vector<16xi32>
      tpu.vector_store_idx %arg13[%broadcast_in_dim3A_1826], %broadcast_in_dim3A_1828 masked %eq3A_1831 : memref<512xf32, #tpu.memory_space<vmem>>[vector<16xi32>], vector<16xf32>, vector<16xi1>
      %broadcast_in_dim3A_1832 = arith.constant 0xFF800000 : f32
      %broadcast_in_dim3A_1833 = vector.broadcast %broadcast_in_dim3A_1832 : f32 to vector<16xf32>
      %broadcast_in_dim3A_1834 = arith.constant 2147483647 : i32
      %broadcast_in_dim3A_1835 = vector.broadcast %broadcast_in_dim3A_1834 : i32 to vector<16xi32>
      %broadcast_in_dim3A_1836 = arith.constant 0 : i32
      %broadcast_in_dim3A_1837 = vector.broadcast %broadcast_in_dim3A_1836 : i32 to vector<16xi32>
      %scan3A_1838 = arith.constant 0 : i32
      %scan3A_1839 = arith.constant 32 : i32
      %scan3A_1840 = arith.addi %scan3A_1838, %scan3A_1839 : i32
      %scan3A_1841 = arith.constant 1 : i32
      %scan3A_1842:3 = scf.for %scan3A_2095 = %scan3A_1838 to %scan3A_1840 step %scan3A_1841 iter_args(%scan3A_2096 = %broadcast_in_dim3A_1833, %scan3A_2097 = %broadcast_in_dim3A_1835, %scan3A_2098 = %broadcast_in_dim3A_1837) -> (vector<16xf32>, vector<16xi32>, vector<16xi32>)  : i32 {
        %mul3A_2099 = arith.constant 16 : i32
        %mul3A_2100 = arith.muli %scan3A_2095, %mul3A_2099 : i32
        %get3A = arith.index_cast %mul3A_2100 : i32 to index
        %get3A_2101 = tpu.vector_load %arg13[%get3A] {strides = array<i32>} : memref<512xf32, #tpu.memory_space<vmem>>, vector<16xf32>,
        %mul3A_2102 = arith.constant 16 : i32
        %mul3A_2103 = arith.muli %scan3A_2095, %mul3A_2102 : i32
        %get3A_2104 = arith.index_cast %mul3A_2103 : i32 to index
        %get3A_2105 = tpu.vector_load %arg14[%get3A_2104] {strides = array<i32>} : memref<512xi32, #tpu.memory_space<vmem>>, vector<16xi32>,
        %mul3A_2106 = arith.constant 16 : i32
        %mul3A_2107 = arith.muli %scan3A_2095, %mul3A_2106 : i32
        %add3A_2108 = vector.broadcast %mul3A_2107 : i32 to vector<16xi32>
        %add3A_2109 = arith.addi %add3A_2108, %iota3A : vector<16xi32>
        %gt3A = arith.cmpf ogt, %get3A_2101, %scan3A_2096 : vector<16xf32>
        %eq3A_2110 = arith.cmpf oeq, %get3A_2101, %scan3A_2096 : vector<16xf32>
        %lt3A_2111 = arith.cmpi slt, %get3A_2105, %scan3A_2097 : vector<16xi32>
        %and3A_2112 = arith.andi %eq3A_2110, %lt3A_2111 : vector<16xi1>
        %or3A = arith.ori %gt3A, %and3A_2112 : vector<16xi1>
        %select_n3A_2113 = arith.select %or3A, %get3A_2101, %scan3A_2096 : vector<16xi1>, vector<16xf32>
        %select_n3A_2114 = arith.select %or3A, %get3A_2105, %scan3A_2097 : vector<16xi1>, vector<16xi32>
        %select_n3A_2115 = arith.select %or3A, %add3A_2109, %scan3A_2098 : vector<16xi1>, vector<16xi32>
        scf.yield %select_n3A_2113, %select_n3A_2114, %select_n3A_2115 : vector<16xf32>, vector<16xi32>, vector<16xi32>
      }
      %scan3A_1843 = arith.constant 32 : i32
      %reduce_max3A_1844 = arith.constant true
      %reduce_max3A_1845 = vector.broadcast %reduce_max3A_1844 : i1 to vector<16xi1>
      %reduce_max3A_1846 = tpu.scan <max>, %scan3A_1842#0 masked %reduce_max3A_1845 : vector<16xf32>, vector<16xi1> -> vector<16xf32>
      %reduce_max3A_1847 = vector.extract %reduce_max3A_1846[15] : f32 from vector<16xf32>
      %eq3A_1848 = vector.broadcast %reduce_max3A_1847 : f32 to vector<16xf32>
      %eq3A_1849 = arith.cmpf oeq, %scan3A_1842#0, %eq3A_1848 : vector<16xf32>
      %jit3A_1850 = arith.constant 2147483647 : i32
      %broadcast_in_dim3A_1851 = vector.broadcast %jit3A_1850 : i32 to vector<16xi32>
      %select_n3A_1852 = arith.select %eq3A_1849, %scan3A_1842#1, %broadcast_in_dim3A_1851 : vector<16xi1>, vector<16xi32>
      %reduce_min3A_1853 = arith.constant true
      %reduce_min3A_1854 = vector.broadcast %reduce_min3A_1853 : i1 to vector<16xi1>
      %reduce_min3A_1855 = arith.constant -2147483648 : i32
      %reduce_min3A_1856 = vector.broadcast %reduce_min3A_1855 : i32 to vector<16xi32>
      %reduce_min3A_1857 = arith.xori %select_n3A_1852, %reduce_min3A_1856 : vector<16xi32>
      %reduce_min3A_1858 = tpu.scan <min>, %reduce_min3A_1857 masked %reduce_min3A_1854 : vector<16xi32>, vector<16xi1> -> vector<16xi32>
      %reduce_min3A_1859 = arith.xori %reduce_min3A_1858, %reduce_min3A_1856 : vector<16xi32>
      %reduce_min3A_1860 = vector.extract %reduce_min3A_1859[15] : i32 from vector<16xi32>
      %eq3A_1861 = vector.broadcast %reduce_min3A_1860 : i32 to vector<16xi32>
      %eq3A_1862 = arith.cmpi eq, %scan3A_1842#1, %eq3A_1861 : vector<16xi32>
      %and3A_1863 = arith.andi %eq3A_1849, %eq3A_1862 : vector<16xi1>
      %jit3A_1864 = arith.constant 2147483647 : i32
      %broadcast_in_dim3A_1865 = vector.broadcast %jit3A_1864 : i32 to vector<16xi32>
      %select_n3A_1866 = arith.select %and3A_1863, %scan3A_1842#2, %broadcast_in_dim3A_1865 : vector<16xi1>, vector<16xi32>
      %reduce_min3A_1867 = arith.constant true
      %reduce_min3A_1868 = vector.broadcast %reduce_min3A_1867 : i1 to vector<16xi1>
      %reduce_min3A_1869 = arith.constant -2147483648 : i32
      %reduce_min3A_1870 = vector.broadcast %reduce_min3A_1869 : i32 to vector<16xi32>
      %reduce_min3A_1871 = arith.xori %select_n3A_1866, %reduce_min3A_1870 : vector<16xi32>
      %reduce_min3A_1872 = tpu.scan <min>, %reduce_min3A_1871 masked %reduce_min3A_1868 : vector<16xi32>, vector<16xi1> -> vector<16xi32>
      %reduce_min3A_1873 = arith.xori %reduce_min3A_1872, %reduce_min3A_1870 : vector<16xi32>
      %reduce_min3A_1874 = vector.extract %reduce_min3A_1873[15] : i32 from vector<16xi32>
      %eq3A_1875 = arith.constant 1 : i32
      %eq3A_1876 = vector.broadcast %eq3A_1875 : i32 to vector<16xi32>
      %eq3A_1877 = arith.cmpi eq, %iota3A, %eq3A_1876 : vector<16xi32>
      %broadcast_in_dim3A_1878 = vector.broadcast %reduce_min3A_1874 : i32 to vector<16xi32>
      %select_n3A_1879 = arith.select %eq3A_1877, %broadcast_in_dim3A_1878, %select_n3A_1825 : vector<16xi1>, vector<16xi32>
      %broadcast_in_dim3A_1880 = vector.broadcast %reduce_min3A_1874 : i32 to vector<16xi32>
      %broadcast_in_dim3A_1881 = arith.constant 0xFF800000 : f32
      %broadcast_in_dim3A_1882 = vector.broadcast %broadcast_in_dim3A_1881 : f32 to vector<16xf32>
      %eq3A_1883 = arith.constant 0 : i32
      %eq3A_1884 = vector.broadcast %eq3A_1883 : i32 to vector<16xi32>
      %eq3A_1885 = arith.cmpi eq, %iota3A, %eq3A_1884 : vector<16xi32>
      tpu.vector_store_idx %arg13[%broadcast_in_dim3A_1880], %broadcast_in_dim3A_1882 masked %eq3A_1885 : memref<512xf32, #tpu.memory_space<vmem>>[vector<16xi32>], vector<16xf32>, vector<16xi1>
      %broadcast_in_dim3A_1886 = arith.constant 0xFF800000 : f32
      %broadcast_in_dim3A_1887 = vector.broadcast %broadcast_in_dim3A_1886 : f32 to vector<16xf32>
      %broadcast_in_dim3A_1888 = arith.constant 2147483647 : i32
      %broadcast_in_dim3A_1889 = vector.broadcast %broadcast_in_dim3A_1888 : i32 to vector<16xi32>
      %broadcast_in_dim3A_1890 = arith.constant 0 : i32
      %broadcast_in_dim3A_1891 = vector.broadcast %broadcast_in_dim3A_1890 : i32 to vector<16xi32>
      %scan3A_1892 = arith.constant 0 : i32
      %scan3A_1893 = arith.constant 32 : i32
      %scan3A_1894 = arith.addi %scan3A_1892, %scan3A_1893 : i32
      %scan3A_1895 = arith.constant 1 : i32
      %scan3A_1896:3 = scf.for %scan3A_2095 = %scan3A_1892 to %scan3A_1894 step %scan3A_1895 iter_args(%scan3A_2096 = %broadcast_in_dim3A_1887, %scan3A_2097 = %broadcast_in_dim3A_1889, %scan3A_2098 = %broadcast_in_dim3A_1891) -> (vector<16xf32>, vector<16xi32>, vector<16xi32>)  : i32 {
        %mul3A_2099 = arith.constant 16 : i32
        %mul3A_2100 = arith.muli %scan3A_2095, %mul3A_2099 : i32
        %get3A = arith.index_cast %mul3A_2100 : i32 to index
        %get3A_2101 = tpu.vector_load %arg13[%get3A] {strides = array<i32>} : memref<512xf32, #tpu.memory_space<vmem>>, vector<16xf32>,
        %mul3A_2102 = arith.constant 16 : i32
        %mul3A_2103 = arith.muli %scan3A_2095, %mul3A_2102 : i32
        %get3A_2104 = arith.index_cast %mul3A_2103 : i32 to index
        %get3A_2105 = tpu.vector_load %arg14[%get3A_2104] {strides = array<i32>} : memref<512xi32, #tpu.memory_space<vmem>>, vector<16xi32>,
        %mul3A_2106 = arith.constant 16 : i32
        %mul3A_2107 = arith.muli %scan3A_2095, %mul3A_2106 : i32
        %add3A_2108 = vector.broadcast %mul3A_2107 : i32 to vector<16xi32>
        %add3A_2109 = arith.addi %add3A_2108, %iota3A : vector<16xi32>
        %gt3A = arith.cmpf ogt, %get3A_2101, %scan3A_2096 : vector<16xf32>
        %eq3A_2110 = arith.cmpf oeq, %get3A_2101, %scan3A_2096 : vector<16xf32>
        %lt3A_2111 = arith.cmpi slt, %get3A_2105, %scan3A_2097 : vector<16xi32>
        %and3A_2112 = arith.andi %eq3A_2110, %lt3A_2111 : vector<16xi1>
        %or3A = arith.ori %gt3A, %and3A_2112 : vector<16xi1>
        %select_n3A_2113 = arith.select %or3A, %get3A_2101, %scan3A_2096 : vector<16xi1>, vector<16xf32>
        %select_n3A_2114 = arith.select %or3A, %get3A_2105, %scan3A_2097 : vector<16xi1>, vector<16xi32>
        %select_n3A_2115 = arith.select %or3A, %add3A_2109, %scan3A_2098 : vector<16xi1>, vector<16xi32>
        scf.yield %select_n3A_2113, %select_n3A_2114, %select_n3A_2115 : vector<16xf32>, vector<16xi32>, vector<16xi32>
      }
      %scan3A_1897 = arith.constant 32 : i32
      %reduce_max3A_1898 = arith.constant true
      %reduce_max3A_1899 = vector.broadcast %reduce_max3A_1898 : i1 to vector<16xi1>
      %reduce_max3A_1900 = tpu.scan <max>, %scan3A_1896#0 masked %reduce_max3A_1899 : vector<16xf32>, vector<16xi1> -> vector<16xf32>
      %reduce_max3A_1901 = vector.extract %reduce_max3A_1900[15] : f32 from vector<16xf32>
      %eq3A_1902 = vector.broadcast %reduce_max3A_1901 : f32 to vector<16xf32>
      %eq3A_1903 = arith.cmpf oeq, %scan3A_1896#0, %eq3A_1902 : vector<16xf32>
      %jit3A_1904 = arith.constant 2147483647 : i32
      %broadcast_in_dim3A_1905 = vector.broadcast %jit3A_1904 : i32 to vector<16xi32>
      %select_n3A_1906 = arith.select %eq3A_1903, %scan3A_1896#1, %broadcast_in_dim3A_1905 : vector<16xi1>, vector<16xi32>
      %reduce_min3A_1907 = arith.constant true
      %reduce_min3A_1908 = vector.broadcast %reduce_min3A_1907 : i1 to vector<16xi1>
      %reduce_min3A_1909 = arith.constant -2147483648 : i32
      %reduce_min3A_1910 = vector.broadcast %reduce_min3A_1909 : i32 to vector<16xi32>
      %reduce_min3A_1911 = arith.xori %select_n3A_1906, %reduce_min3A_1910 : vector<16xi32>
      %reduce_min3A_1912 = tpu.scan <min>, %reduce_min3A_1911 masked %reduce_min3A_1908 : vector<16xi32>, vector<16xi1> -> vector<16xi32>
      %reduce_min3A_1913 = arith.xori %reduce_min3A_1912, %reduce_min3A_1910 : vector<16xi32>
      %reduce_min3A_1914 = vector.extract %reduce_min3A_1913[15] : i32 from vector<16xi32>
      %eq3A_1915 = vector.broadcast %reduce_min3A_1914 : i32 to vector<16xi32>
      %eq3A_1916 = arith.cmpi eq, %scan3A_1896#1, %eq3A_1915 : vector<16xi32>
      %and3A_1917 = arith.andi %eq3A_1903, %eq3A_1916 : vector<16xi1>
      %jit3A_1918 = arith.constant 2147483647 : i32
      %broadcast_in_dim3A_1919 = vector.broadcast %jit3A_1918 : i32 to vector<16xi32>
      %select_n3A_1920 = arith.select %and3A_1917, %scan3A_1896#2, %broadcast_in_dim3A_1919 : vector<16xi1>, vector<16xi32>
      %reduce_min3A_1921 = arith.constant true
      %reduce_min3A_1922 = vector.broadcast %reduce_min3A_1921 : i1 to vector<16xi1>
      %reduce_min3A_1923 = arith.constant -2147483648 : i32
      %reduce_min3A_1924 = vector.broadcast %reduce_min3A_1923 : i32 to vector<16xi32>
      %reduce_min3A_1925 = arith.xori %select_n3A_1920, %reduce_min3A_1924 : vector<16xi32>
      %reduce_min3A_1926 = tpu.scan <min>, %reduce_min3A_1925 masked %reduce_min3A_1922 : vector<16xi32>, vector<16xi1> -> vector<16xi32>
      %reduce_min3A_1927 = arith.xori %reduce_min3A_1926, %reduce_min3A_1924 : vector<16xi32>
      %reduce_min3A_1928 = vector.extract %reduce_min3A_1927[15] : i32 from vector<16xi32>
      %eq3A_1929 = arith.constant 2 : i32
      %eq3A_1930 = vector.broadcast %eq3A_1929 : i32 to vector<16xi32>
      %eq3A_1931 = arith.cmpi eq, %iota3A, %eq3A_1930 : vector<16xi32>
      %broadcast_in_dim3A_1932 = vector.broadcast %reduce_min3A_1928 : i32 to vector<16xi32>
      %select_n3A_1933 = arith.select %eq3A_1931, %broadcast_in_dim3A_1932, %select_n3A_1879 : vector<16xi1>, vector<16xi32>
      %broadcast_in_dim3A_1934 = vector.broadcast %reduce_min3A_1928 : i32 to vector<16xi32>
      %broadcast_in_dim3A_1935 = arith.constant 0xFF800000 : f32
      %broadcast_in_dim3A_1936 = vector.broadcast %broadcast_in_dim3A_1935 : f32 to vector<16xf32>
      %eq3A_1937 = arith.constant 0 : i32
      %eq3A_1938 = vector.broadcast %eq3A_1937 : i32 to vector<16xi32>
      %eq3A_1939 = arith.cmpi eq, %iota3A, %eq3A_1938 : vector<16xi32>
      tpu.vector_store_idx %arg13[%broadcast_in_dim3A_1934], %broadcast_in_dim3A_1936 masked %eq3A_1939 : memref<512xf32, #tpu.memory_space<vmem>>[vector<16xi32>], vector<16xf32>, vector<16xi1>
      %broadcast_in_dim3A_1940 = arith.constant 0xFF800000 : f32
      %broadcast_in_dim3A_1941 = vector.broadcast %broadcast_in_dim3A_1940 : f32 to vector<16xf32>
      %broadcast_in_dim3A_1942 = arith.constant 2147483647 : i32
      %broadcast_in_dim3A_1943 = vector.broadcast %broadcast_in_dim3A_1942 : i32 to vector<16xi32>
      %broadcast_in_dim3A_1944 = arith.constant 0 : i32
      %broadcast_in_dim3A_1945 = vector.broadcast %broadcast_in_dim3A_1944 : i32 to vector<16xi32>
      %scan3A_1946 = arith.constant 0 : i32
      %scan3A_1947 = arith.constant 32 : i32
      %scan3A_1948 = arith.addi %scan3A_1946, %scan3A_1947 : i32
      %scan3A_1949 = arith.constant 1 : i32
      %scan3A_1950:3 = scf.for %scan3A_2095 = %scan3A_1946 to %scan3A_1948 step %scan3A_1949 iter_args(%scan3A_2096 = %broadcast_in_dim3A_1941, %scan3A_2097 = %broadcast_in_dim3A_1943, %scan3A_2098 = %broadcast_in_dim3A_1945) -> (vector<16xf32>, vector<16xi32>, vector<16xi32>)  : i32 {
        %mul3A_2099 = arith.constant 16 : i32
        %mul3A_2100 = arith.muli %scan3A_2095, %mul3A_2099 : i32
        %get3A = arith.index_cast %mul3A_2100 : i32 to index
        %get3A_2101 = tpu.vector_load %arg13[%get3A] {strides = array<i32>} : memref<512xf32, #tpu.memory_space<vmem>>, vector<16xf32>,
        %mul3A_2102 = arith.constant 16 : i32
        %mul3A_2103 = arith.muli %scan3A_2095, %mul3A_2102 : i32
        %get3A_2104 = arith.index_cast %mul3A_2103 : i32 to index
        %get3A_2105 = tpu.vector_load %arg14[%get3A_2104] {strides = array<i32>} : memref<512xi32, #tpu.memory_space<vmem>>, vector<16xi32>,
        %mul3A_2106 = arith.constant 16 : i32
        %mul3A_2107 = arith.muli %scan3A_2095, %mul3A_2106 : i32
        %add3A_2108 = vector.broadcast %mul3A_2107 : i32 to vector<16xi32>
        %add3A_2109 = arith.addi %add3A_2108, %iota3A : vector<16xi32>
        %gt3A = arith.cmpf ogt, %get3A_2101, %scan3A_2096 : vector<16xf32>
        %eq3A_2110 = arith.cmpf oeq, %get3A_2101, %scan3A_2096 : vector<16xf32>
        %lt3A_2111 = arith.cmpi slt, %get3A_2105, %scan3A_2097 : vector<16xi32>
        %and3A_2112 = arith.andi %eq3A_2110, %lt3A_2111 : vector<16xi1>
        %or3A = arith.ori %gt3A, %and3A_2112 : vector<16xi1>
        %select_n3A_2113 = arith.select %or3A, %get3A_2101, %scan3A_2096 : vector<16xi1>, vector<16xf32>
        %select_n3A_2114 = arith.select %or3A, %get3A_2105, %scan3A_2097 : vector<16xi1>, vector<16xi32>
        %select_n3A_2115 = arith.select %or3A, %add3A_2109, %scan3A_2098 : vector<16xi1>, vector<16xi32>
        scf.yield %select_n3A_2113, %select_n3A_2114, %select_n3A_2115 : vector<16xf32>, vector<16xi32>, vector<16xi32>
      }
      %scan3A_1951 = arith.constant 32 : i32
      %reduce_max3A_1952 = arith.constant true
      %reduce_max3A_1953 = vector.broadcast %reduce_max3A_1952 : i1 to vector<16xi1>
      %reduce_max3A_1954 = tpu.scan <max>, %scan3A_1950#0 masked %reduce_max3A_1953 : vector<16xf32>, vector<16xi1> -> vector<16xf32>
      %reduce_max3A_1955 = vector.extract %reduce_max3A_1954[15] : f32 from vector<16xf32>
      %eq3A_1956 = vector.broadcast %reduce_max3A_1955 : f32 to vector<16xf32>
      %eq3A_1957 = arith.cmpf oeq, %scan3A_1950#0, %eq3A_1956 : vector<16xf32>
      %jit3A_1958 = arith.constant 2147483647 : i32
      %broadcast_in_dim3A_1959 = vector.broadcast %jit3A_1958 : i32 to vector<16xi32>
      %select_n3A_1960 = arith.select %eq3A_1957, %scan3A_1950#1, %broadcast_in_dim3A_1959 : vector<16xi1>, vector<16xi32>
      %reduce_min3A_1961 = arith.constant true
      %reduce_min3A_1962 = vector.broadcast %reduce_min3A_1961 : i1 to vector<16xi1>
      %reduce_min3A_1963 = arith.constant -2147483648 : i32
      %reduce_min3A_1964 = vector.broadcast %reduce_min3A_1963 : i32 to vector<16xi32>
      %reduce_min3A_1965 = arith.xori %select_n3A_1960, %reduce_min3A_1964 : vector<16xi32>
      %reduce_min3A_1966 = tpu.scan <min>, %reduce_min3A_1965 masked %reduce_min3A_1962 : vector<16xi32>, vector<16xi1> -> vector<16xi32>
      %reduce_min3A_1967 = arith.xori %reduce_min3A_1966, %reduce_min3A_1964 : vector<16xi32>
      %reduce_min3A_1968 = vector.extract %reduce_min3A_1967[15] : i32 from vector<16xi32>
      %eq3A_1969 = vector.broadcast %reduce_min3A_1968 : i32 to vector<16xi32>
      %eq3A_1970 = arith.cmpi eq, %scan3A_1950#1, %eq3A_1969 : vector<16xi32>
      %and3A_1971 = arith.andi %eq3A_1957, %eq3A_1970 : vector<16xi1>
      %jit3A_1972 = arith.constant 2147483647 : i32
      %broadcast_in_dim3A_1973 = vector.broadcast %jit3A_1972 : i32 to vector<16xi32>
      %select_n3A_1974 = arith.select %and3A_1971, %scan3A_1950#2, %broadcast_in_dim3A_1973 : vector<16xi1>, vector<16xi32>
      %reduce_min3A_1975 = arith.constant true
      %reduce_min3A_1976 = vector.broadcast %reduce_min3A_1975 : i1 to vector<16xi1>
      %reduce_min3A_1977 = arith.constant -2147483648 : i32
      %reduce_min3A_1978 = vector.broadcast %reduce_min3A_1977 : i32 to vector<16xi32>
      %reduce_min3A_1979 = arith.xori %select_n3A_1974, %reduce_min3A_1978 : vector<16xi32>
      %reduce_min3A_1980 = tpu.scan <min>, %reduce_min3A_1979 masked %reduce_min3A_1976 : vector<16xi32>, vector<16xi1> -> vector<16xi32>
      %reduce_min3A_1981 = arith.xori %reduce_min3A_1980, %reduce_min3A_1978 : vector<16xi32>
      %reduce_min3A_1982 = vector.extract %reduce_min3A_1981[15] : i32 from vector<16xi32>
      %eq3A_1983 = arith.constant 3 : i32
      %eq3A_1984 = vector.broadcast %eq3A_1983 : i32 to vector<16xi32>
      %eq3A_1985 = arith.cmpi eq, %iota3A, %eq3A_1984 : vector<16xi32>
      %broadcast_in_dim3A_1986 = vector.broadcast %reduce_min3A_1982 : i32 to vector<16xi32>
      %select_n3A_1987 = arith.select %eq3A_1985, %broadcast_in_dim3A_1986, %select_n3A_1933 : vector<16xi1>, vector<16xi32>
      %broadcast_in_dim3A_1988 = vector.broadcast %reduce_min3A_1982 : i32 to vector<16xi32>
      %broadcast_in_dim3A_1989 = arith.constant 0xFF800000 : f32
      %broadcast_in_dim3A_1990 = vector.broadcast %broadcast_in_dim3A_1989 : f32 to vector<16xf32>
      %eq3A_1991 = arith.constant 0 : i32
      %eq3A_1992 = vector.broadcast %eq3A_1991 : i32 to vector<16xi32>
      %eq3A_1993 = arith.cmpi eq, %iota3A, %eq3A_1992 : vector<16xi32>
      tpu.vector_store_idx %arg13[%broadcast_in_dim3A_1988], %broadcast_in_dim3A_1990 masked %eq3A_1993 : memref<512xf32, #tpu.memory_space<vmem>>[vector<16xi32>], vector<16xf32>, vector<16xi1>
      %lt3A = arith.constant 4 : i32
      %lt3A_1994 = vector.broadcast %lt3A : i32 to vector<16xi32>
      %lt3A_1995 = arith.cmpi slt, %iota3A, %lt3A_1994 : vector<16xi32>
      %broadcast_in_dim3A_1996 = arith.constant 0.000000e+00 : f32
      %broadcast_in_dim3A_1997 = vector.broadcast %broadcast_in_dim3A_1996 : f32 to vector<16xf32>
      %add3A_1998 = arith.constant 0 : i32
      %add3A_1999 = vector.broadcast %add3A_1998 : i32 to vector<16xi32>
      %add3A_2000 = arith.addi %add3A_1999, %select_n3A_1771 : vector<16xi32>
      %gather3A_2001 = tpu.vector_load_idx %arg15[%add3A_2000] : memref<1536xf32, #tpu.memory_space<vmem>>[vector<16xi32>], vector<16xf32>,
      %add3A_2002 = arith.constant 0 : i32
      %add3A_2003 = vector.broadcast %add3A_2002 : i32 to vector<16xi32>
      %add3A_2004 = arith.addi %add3A_2003, %select_n3A_1987 : vector<16xi32>
      %gather3A_2005 = tpu.vector_load_idx %arg15[%add3A_2004] : memref<1536xf32, #tpu.memory_space<vmem>>[vector<16xi32>], vector<16xf32>,
      %jit3A_2006 = arith.constant 0.000000e+00 : f32
      %broadcast_in_dim3A_2007 = vector.broadcast %jit3A_2006 : f32 to vector<16xf32>
      %select_n3A_2008 = arith.select %lt3A_1995, %gather3A_2005, %broadcast_in_dim3A_2007 : vector<16xi1>, vector<16xf32>
      %add3A_2009 = arith.addf %gather3A_2001, %select_n3A_2008 : vector<16xf32>
      %mul3A_2010 = arith.mulf %gather3A_2001, %gather3A_2001 : vector<16xf32>
      %mul3A_2011 = arith.mulf %select_n3A_2008, %select_n3A_2008 : vector<16xf32>
      %add3A_2012 = arith.addf %mul3A_2010, %mul3A_2011 : vector<16xf32>
      %reduce_sum3A = arith.constant true
      %reduce_sum3A_2013 = vector.broadcast %reduce_sum3A : i1 to vector<16xi1>
      %reduce_sum3A_2014 = tpu.scan <sum>, %add3A_2009 masked %reduce_sum3A_2013 : vector<16xf32>, vector<16xi1> -> vector<16xf32>
      %reduce_sum3A_2015 = vector.extract %reduce_sum3A_2014[15] : f32 from vector<16xf32>
      %broadcast_in_dim3A_2016 = vector.broadcast %reduce_sum3A_2015 : f32 to vector<16xf32>
      %reduce_sum3A_2017 = arith.constant true
      %reduce_sum3A_2018 = vector.broadcast %reduce_sum3A_2017 : i1 to vector<16xi1>
      %reduce_sum3A_2019 = tpu.scan <sum>, %add3A_2012 masked %reduce_sum3A_2018 : vector<16xf32>, vector<16xi1> -> vector<16xf32>
      %reduce_sum3A_2020 = vector.extract %reduce_sum3A_2019[15] : f32 from vector<16xf32>
      %broadcast_in_dim3A_2021 = vector.broadcast %reduce_sum3A_2020 : f32 to vector<16xf32>
      %mul3A_2022 = arith.mulf %broadcast_in_dim3A_2016, %broadcast_in_dim3A_2016 : vector<16xf32>
      %mul3A_2023 = arith.constant 5.000000e-02 : f32
      %mul3A_2024 = vector.broadcast %mul3A_2023 : f32 to vector<16xf32>
      %mul3A_2025 = arith.mulf %mul3A_2022, %mul3A_2024 : vector<16xf32>
      %sub3A_2026 = arith.subf %broadcast_in_dim3A_2021, %mul3A_2025 : vector<16xf32>
      %add3A_2027 = arith.addf %broadcast_in_dim3A_1997, %sub3A_2026 : vector<16xf32>
      %add3A_2028 = arith.constant 512 : i32
      %add3A_2029 = vector.broadcast %add3A_2028 : i32 to vector<16xi32>
      %add3A_2030 = arith.addi %add3A_2029, %select_n3A_1771 : vector<16xi32>
      %gather3A_2031 = tpu.vector_load_idx %arg15[%add3A_2030] : memref<1536xf32, #tpu.memory_space<vmem>>[vector<16xi32>], vector<16xf32>,
      %add3A_2032 = arith.constant 512 : i32
      %add3A_2033 = vector.broadcast %add3A_2032 : i32 to vector<16xi32>
      %add3A_2034 = arith.addi %add3A_2033, %select_n3A_1987 : vector<16xi32>
      %gather3A_2035 = tpu.vector_load_idx %arg15[%add3A_2034] : memref<1536xf32, #tpu.memory_space<vmem>>[vector<16xi32>], vector<16xf32>,
      %jit3A_2036 = arith.constant 0.000000e+00 : f32
      %broadcast_in_dim3A_2037 = vector.broadcast %jit3A_2036 : f32 to vector<16xf32>
      %select_n3A_2038 = arith.select %lt3A_1995, %gather3A_2035, %broadcast_in_dim3A_2037 : vector<16xi1>, vector<16xf32>
      %add3A_2039 = arith.addf %gather3A_2031, %select_n3A_2038 : vector<16xf32>
      %mul3A_2040 = arith.mulf %gather3A_2031, %gather3A_2031 : vector<16xf32>
      %mul3A_2041 = arith.mulf %select_n3A_2038, %select_n3A_2038 : vector<16xf32>
      %add3A_2042 = arith.addf %mul3A_2040, %mul3A_2041 : vector<16xf32>
      %reduce_sum3A_2043 = arith.constant true
      %reduce_sum3A_2044 = vector.broadcast %reduce_sum3A_2043 : i1 to vector<16xi1>
      %reduce_sum3A_2045 = tpu.scan <sum>, %add3A_2039 masked %reduce_sum3A_2044 : vector<16xf32>, vector<16xi1> -> vector<16xf32>
      %reduce_sum3A_2046 = vector.extract %reduce_sum3A_2045[15] : f32 from vector<16xf32>
      %broadcast_in_dim3A_2047 = vector.broadcast %reduce_sum3A_2046 : f32 to vector<16xf32>
      %reduce_sum3A_2048 = arith.constant true
      %reduce_sum3A_2049 = vector.broadcast %reduce_sum3A_2048 : i1 to vector<16xi1>
      %reduce_sum3A_2050 = tpu.scan <sum>, %add3A_2042 masked %reduce_sum3A_2049 : vector<16xf32>, vector<16xi1> -> vector<16xf32>
      %reduce_sum3A_2051 = vector.extract %reduce_sum3A_2050[15] : f32 from vector<16xf32>
      %broadcast_in_dim3A_2052 = vector.broadcast %reduce_sum3A_2051 : f32 to vector<16xf32>
      %mul3A_2053 = arith.mulf %broadcast_in_dim3A_2047, %broadcast_in_dim3A_2047 : vector<16xf32>
      %mul3A_2054 = arith.constant 5.000000e-02 : f32
      %mul3A_2055 = vector.broadcast %mul3A_2054 : f32 to vector<16xf32>
      %mul3A_2056 = arith.mulf %mul3A_2053, %mul3A_2055 : vector<16xf32>
      %sub3A_2057 = arith.subf %broadcast_in_dim3A_2052, %mul3A_2056 : vector<16xf32>
      %add3A_2058 = arith.addf %add3A_2027, %sub3A_2057 : vector<16xf32>
      %add3A_2059 = arith.constant 1024 : i32
      %add3A_2060 = vector.broadcast %add3A_2059 : i32 to vector<16xi32>
      %add3A_2061 = arith.addi %add3A_2060, %select_n3A_1771 : vector<16xi32>
      %gather3A_2062 = tpu.vector_load_idx %arg15[%add3A_2061] : memref<1536xf32, #tpu.memory_space<vmem>>[vector<16xi32>], vector<16xf32>,
      %add3A_2063 = arith.constant 1024 : i32
      %add3A_2064 = vector.broadcast %add3A_2063 : i32 to vector<16xi32>
      %add3A_2065 = arith.addi %add3A_2064, %select_n3A_1987 : vector<16xi32>
      %gather3A_2066 = tpu.vector_load_idx %arg15[%add3A_2065] : memref<1536xf32, #tpu.memory_space<vmem>>[vector<16xi32>], vector<16xf32>,
      %jit3A_2067 = arith.constant 0.000000e+00 : f32
      %broadcast_in_dim3A_2068 = vector.broadcast %jit3A_2067 : f32 to vector<16xf32>
      %select_n3A_2069 = arith.select %lt3A_1995, %gather3A_2066, %broadcast_in_dim3A_2068 : vector<16xi1>, vector<16xf32>
      %add3A_2070 = arith.addf %gather3A_2062, %select_n3A_2069 : vector<16xf32>
      %mul3A_2071 = arith.mulf %gather3A_2062, %gather3A_2062 : vector<16xf32>
      %mul3A_2072 = arith.mulf %select_n3A_2069, %select_n3A_2069 : vector<16xf32>
      %add3A_2073 = arith.addf %mul3A_2071, %mul3A_2072 : vector<16xf32>
      %reduce_sum3A_2074 = arith.constant true
      %reduce_sum3A_2075 = vector.broadcast %reduce_sum3A_2074 : i1 to vector<16xi1>
      %reduce_sum3A_2076 = tpu.scan <sum>, %add3A_2070 masked %reduce_sum3A_2075 : vector<16xf32>, vector<16xi1> -> vector<16xf32>
      %reduce_sum3A_2077 = vector.extract %reduce_sum3A_2076[15] : f32 from vector<16xf32>
      %broadcast_in_dim3A_2078 = vector.broadcast %reduce_sum3A_2077 : f32 to vector<16xf32>
      %reduce_sum3A_2079 = arith.constant true
      %reduce_sum3A_2080 = vector.broadcast %reduce_sum3A_2079 : i1 to vector<16xi1>
      %reduce_sum3A_2081 = tpu.scan <sum>, %add3A_2073 masked %reduce_sum3A_2080 : vector<16xf32>, vector<16xi1> -> vector<16xf32>
      %reduce_sum3A_2082 = vector.extract %reduce_sum3A_2081[15] : f32 from vector<16xf32>
      %broadcast_in_dim3A_2083 = vector.broadcast %reduce_sum3A_2082 : f32 to vector<16xf32>
      %mul3A_2084 = arith.mulf %broadcast_in_dim3A_2078, %broadcast_in_dim3A_2078 : vector<16xf32>
      %mul3A_2085 = arith.constant 5.000000e-02 : f32
      %mul3A_2086 = vector.broadcast %mul3A_2085 : f32 to vector<16xf32>
      %mul3A_2087 = arith.mulf %mul3A_2084, %mul3A_2086 : vector<16xf32>
      %sub3A_2088 = arith.subf %broadcast_in_dim3A_2083, %mul3A_2087 : vector<16xf32>
      %add3A_2089 = arith.addf %add3A_2058, %sub3A_2088 : vector<16xf32>
      %mul3A_2090 = arith.constant 0.00105263153 : f32
      %mul3A_2091 = vector.broadcast %mul3A_2090 : f32 to vector<16xf32>
      %mul3A_2092 = arith.mulf %add3A_2089, %mul3A_2091 : vector<16xf32>
      %swap3A_2093 = arith.constant 0 : index
      %swap3A_2094 = tpu.vector_load %arg16[%swap3A_2093] {strides = array<i32>} : memref<16xf32, #tpu.memory_space<vmem>>, vector<16xf32>,
      tpu.vector_store %arg16[%swap3A_2093], %mul3A_2092 {strides = array<i32>} : memref<16xf32, #tpu.memory_space<vmem>>, vector<16xf32>,
      "tpu.region"() ({
        %run_scoped3A = tpu.sem_alloc : memref<!tpu.dma_semaphore, #tpu.memory_space<semaphore_mem>>
        tpu.enqueue_dma source(%arg16 : memref<16xf32, #tpu.memory_space<vmem>>) target(%arg4 : memref<16xf32, #tpu.memory_space<hbm>>) target_semaphore(%run_scoped3A : memref<!tpu.dma_semaphore, #tpu.memory_space<semaphore_mem>>)
        tpu.wait_dma2 semaphore(%run_scoped3A : memref<!tpu.dma_semaphore, #tpu.memory_space<semaphore_mem>>) src(%arg16 : memref<16xf32, #tpu.memory_space<vmem>>) dst(%arg4 : memref<16xf32, #tpu.memory_space<hbm>>)
        tpu.yield
      }) : () -> ()
    } else {
    }
    return
  }
}

module attributes {stable_mosaic.version = 14 : i64} {
  func.func @_l1_body(%arg0: i32, %arg1: memref<512x2048xf32, #tpu.memory_space<vmem>>, %arg2: memref<512x2048xf32, #tpu.memory_space<vmem>>, %arg3: memref<1x1xf32, #tpu.memory_space<vmem>>) attributes {dimension_semantics = [#tpu.dimension_semantics<arbitrary>], iteration_bounds = array<i64: 32>, scalar_prefetch = 0 : i64, scratch_operands = 0 : i64, tpu.core_type = #tpu.core_type<tc>, window_params = [{transform_indices = @transform_0, window_bounds = array<i64: 512, 2048>}, {transform_indices = @transform_1, window_bounds = array<i64: 512, 2048>}, {pipeline_mode = #tpu.pipeline_mode<synchronous>, transform_indices = @transform_2, window_bounds = array<i64: 1, 1>}]} {
    %eq3A = arith.constant 0 : i32
    %eq3A_0 = arith.cmpi eq, %arg0, %eq3A : i32
    %convert_element_type3A = arith.extui %eq3A_0 : i1 to i32
    %cond3A = arith.constant 0 : i32
    %cond3A_1 = arith.cmpi ne, %convert_element_type3A, %cond3A : i32
    scf.if %cond3A_1 {
      %broadcast_in_dim3A = arith.constant 0.000000e+00 : f32
      %broadcast_in_dim3A_21 = vector.broadcast %broadcast_in_dim3A : f32 to vector<1x1xf32>
      %swap3A_22 = arith.constant 0 : index
      %swap3A_23 = arith.constant 0 : index
      %swap3A_24 = vector.load %arg3[%swap3A_22, %swap3A_23] : memref<1x1xf32, #tpu.memory_space<vmem>>, vector<1x1xf32>
      tpu.vector_store %arg3[%swap3A_22, %swap3A_23], %broadcast_in_dim3A_21 {strides = array<i32>} : memref<1x1xf32, #tpu.memory_space<vmem>>, vector<1x1xf32>,
    } else {
    }
    %get3A = arith.constant 0 : index
    %get3A_2 = arith.constant 0 : index
    %get3A_3 = vector.load %arg3[%get3A, %get3A_2] : memref<1x1xf32, #tpu.memory_space<vmem>>, vector<1x1xf32>
    %get3A_4 = arith.constant 0 : index
    %get3A_5 = arith.constant 0 : index
    %get3A_6 = vector.load %arg1[%get3A_4, %get3A_5] : memref<512x2048xf32, #tpu.memory_space<vmem>>, vector<512x2048xf32>
    %get3A_7 = arith.constant 0 : index
    %get3A_8 = arith.constant 0 : index
    %get3A_9 = vector.load %arg2[%get3A_7, %get3A_8] : memref<512x2048xf32, #tpu.memory_space<vmem>>, vector<512x2048xf32>
    %sub3A = arith.subf %get3A_6, %get3A_9 : vector<512x2048xf32>
    %abs3A = math.absf %sub3A : vector<512x2048xf32>
    %reduce_sum3A = vector.shape_cast %abs3A : vector<512x2048xf32> to vector<1x512x2048xf32>
    %reduce_sum3A_10 = arith.constant dense<0.000000e+00> : vector<1xf32>
    %reduce_sum3A_11 = vector.multi_reduction <add>, %reduce_sum3A, %reduce_sum3A_10 [1, 2] : vector<1x512x2048xf32> to vector<1xf32>
    %reduce_sum3A_12 = vector.shape_cast %reduce_sum3A_11 : vector<1xf32> to vector<1x1x1xf32>
    %reduce_sum3A_13 = vector.extract %reduce_sum3A_12[0, 0, 0] : f32 from vector<1x1x1xf32>
    %reshape3A = vector.broadcast %reduce_sum3A_13 : f32 to vector<1x1xf32>
    %add3A = arith.addf %get3A_3, %reshape3A : vector<1x1xf32>
    %swap3A = arith.constant 0 : index
    %swap3A_14 = arith.constant 0 : index
    %swap3A_15 = vector.load %arg3[%swap3A, %swap3A_14] : memref<1x1xf32, #tpu.memory_space<vmem>>, vector<1x1xf32>
    tpu.vector_store %arg3[%swap3A, %swap3A_14], %add3A {strides = array<i32>} : memref<1x1xf32, #tpu.memory_space<vmem>>, vector<1x1xf32>,
    %eq3A_16 = arith.constant 31 : i32
    %eq3A_17 = arith.cmpi eq, %arg0, %eq3A_16 : i32
    %convert_element_type3A_18 = arith.extui %eq3A_17 : i1 to i32
    %cond3A_19 = arith.constant 0 : i32
    %cond3A_20 = arith.cmpi ne, %convert_element_type3A_18, %cond3A_19 : i32
    scf.if %cond3A_20 {
      %get3A_21 = arith.constant 0 : index
      %get3A_22 = arith.constant 0 : index
      %get3A_23 = vector.load %arg3[%get3A_21, %get3A_22] : memref<1x1xf32, #tpu.memory_space<vmem>>, vector<1x1xf32>
      %mul3A = arith.constant 2.98023224E-8 : f32
      %mul3A_24 = vector.broadcast %mul3A : f32 to vector<1x1xf32>
      %mul3A_25 = arith.mulf %get3A_23, %mul3A_24 : vector<1x1xf32>
      %swap3A_26 = arith.constant 0 : index
      %swap3A_27 = arith.constant 0 : index
      %swap3A_28 = vector.load %arg3[%swap3A_26, %swap3A_27] : memref<1x1xf32, #tpu.memory_space<vmem>>, vector<1x1xf32>
      tpu.vector_store %arg3[%swap3A_26, %swap3A_27], %mul3A_25 {strides = array<i32>} : memref<1x1xf32, #tpu.memory_space<vmem>>, vector<1x1xf32>,
    } else {
    }
    return
  }
  func.func @transform_0(%arg0: i32) -> (i32, i32) {
    %c0_i32 = arith.constant 0 : i32
    %c0_i32_0 = arith.constant 0 : i32
    return %arg0, %c0_i32 : i32, i32
  }
  func.func @transform_1(%arg0: i32) -> (i32, i32) {
    %c0_i32 = arith.constant 0 : i32
    %c0_i32_0 = arith.constant 0 : i32
    return %arg0, %c0_i32 : i32, i32
  }
  func.func @transform_2(%arg0: i32) -> (i32, i32) {
    %c0_i32 = arith.constant 0 : i32
    %c0_i32_0 = arith.constant 0 : i32
    %c0_i32_1 = arith.constant 0 : i32
    return %c0_i32, %c0_i32_0 : i32, i32
  }
}

</mosaic_0001>

<sc_bundles>
// kernel: kernel.4.cloned.1.call-start
scs
__scs_entry_jumppad:
0x0: {  	(pc) =	sbr.rel $0x88, $3  }
0x1: {  	(tag) =	ssettag $0x0;
	lr =	simm.s32 $0x1  }
0x2: {  	[smem:$0x3F9D] =	sst lr;
	_ =	strace $0xD0000000  }
0x3: {  	_ = 	snop  }
0x4: {  	_ = 	snop  }
0x5: {  	_ = 	snop  }
0x6: {  	_ = 	snop  }
0x7: {  	_ = 	snop  }
__scs_overlays_trampoline_lowered:
0x8: {  	[smem:$0x3FAC] =	sst s0  }
0x9: {  	[smem:$0x3FAD] =	sst s1  }
0xa: {  	[smem:$0x3FAE] =	sst s2  }
0xb: {  	[smem:$0x3FAF] =	sst s3  }
0xc: {  	[smem:$0x3FB0] =	sst s4  }
0xd: {  	[smem:$0x3FB1] =	sst s5  }
0xe: {  	[smem:$0x3FB2] =	sst s6  }
0xf: {  	[smem:$0x3FB3] =	sst s7  }
0x10: {  	[smem:$0x3FB4] =	sst s8  }
0x11: {  	[smem:$0x3FB5] =	sst s9;
	s0 =	simm.s32 @!p0 $0x0  }
0x12: {  	s1 =	sld [smem:$0x3F9B];
	s0 =	simm.s32 @p0 $0x1  }
0x13: {  	[smem:$0x3FB6] =	sst s0;
	s0 =	simm.s32 @!p1 $0x0  }
0x14: {  	s2 =	sld [smem:$0x3F9A];
	s0 =	simm.s32 @p1 $0x1  }
0x15: {  	[smem:$0x3FB7] =	sst s0;
	s0 =	simm.s32 @!p2 $0x0  }
0x16: {  	s3 =	sld [smem:$0x3FDB];
	s0 =	simm.s32 @p2 $0x1  }
0x17: {  	s4 =	simm.s32 $0x1BF5;
	[smem:$0x3FB9] =	sst s0  }
0x18: {  	s0 =	sld [smem:$0x3F9C];
	_ =	swait.ge [sflag:s4], $0x0  }
0x19: {  	s7 =	sld [smem:$0x3F9D]  }
0x1a: {  	s8 =	sadd.s32 $0xFFFFE003, lr  }
0x1b: {  	s9 =	sadd.s32 $0xFFFFFEF7, lr;
	s5 =	simm.s32 $0xFFFFFFFF;
	p2 =	slt.u32 s8, $0xFFFFF086  }
0x1c: {  	p1 =	slt.u32 s9, $0xF7A;
	s5 =	simm.s32 @!p2 $0x0  }
0x1d: {  	s5 =	simm.s32 @p1 $0x1;
	p0 =	seq.s32 s7, s2  }
0x1e: {  	s7 =	smul.u32 @!p0 $0xF7A, s2;
	p2 =	seq.s32 @!p0 s5, $0x0  }
0x1f: {  	s9 =	smul.u32 $0xF7A, s1;
	s8 =	simm.s32 @!p0 $0x1BF5;
	p2 =	por !p2, p0  }
0x20: {  	[sflag:s8] =	ssyncset.s32 @!p0 $0xFFFFF086;
	s6 =	sadd.s32 @!p0 s3, s7;
	s7 =	simm.s32 @!p0 $0x108  }
0x21: {  	s3 =	sadd.s32 s3, s9;
	s6 =	sadd.s32 @!p0 $0x88, s6;
	s7 =	simm.s32 @p2 $0x1082  }
0x22: {  	[simem:s7], [sflag:s8] =	dma.local @!p0 [hbm:s6], $0xF7A  }
0x23: {  	s9 =	sor.u32 $0xD0000000, s2;
	s6 =	simm.s32 $0x108;
	_ =	swait.ge @!p0 [sflag:s8], $0x0  }
0x24: {  	s3 =	sadd.s32 $0x88, s3;
	s6 =	simm.s32 @!p1 $0x1082;
	[sflag:s4] =	ssyncset.s32 $0xFFFFF086  }
0x25: {  	[simem:s6], [sflag:s4] =	dma.local [hbm:s3], $0xF7A  }
0x26: {  	[smem:$0x3F9D] =	sst s1;
	(tag) =	ssettag s2;
	_ =	strace s9  }
0x27: {  	s1 =	sld [smem:$0x3FAD]  }
0x28: {  	s2 =	sld [smem:$0x3FAE]  }
0x29: {  	s4 =	sld [smem:$0x3FB0]  }
0x2a: {  	p0 =	seq.s32 s5, $0x0;
	s5 =	sld [smem:$0x3FB1]  }
0x2b: {  	s6 =	sld [smem:$0x3FB2]  }
0x2c: {  	s7 =	sld [smem:$0x3FB3]  }
0x2d: {  	s3 =	simm.s32 $0x108;
	s8 =	sld [smem:$0x3FB4]  }
0x2e: {  	s3 =	simm.s32 @!p0 $0x1082;
	s9 =	sld [smem:$0x3FB5]  }
0x2f: {  	lr =	sadd.s32 s0, s3;
	s0 =	sld [smem:$0x3FAC]  }
0x30: {  	s3 =	sld [smem:$0x3FAF]  }
0x31: {  	[smem:$0x3FB8] =	sst s10  }
0x32: {  	s10 =	sld [smem:$0x3FB6];
	_ =	sdelay $0x3  }
0x33: {  	p0 =	seq.s32 s10, $0x1;
	s10 =	sld [smem:$0x3FB8];
	_ =	sdelay $0x3  }
0x34: {  	[smem:$0x3FB8] =	sst s10  }
0x35: {  	s10 =	sld [smem:$0x3FB7];
	_ =	sdelay $0x3  }
0x36: {  	p1 =	seq.s32 s10, $0x1;
	s10 =	sld [smem:$0x3FB8];
	_ =	sdelay $0x3  }
0x37: {  	[smem:$0x3FB8] =	sst s10  }
0x38: {  	s10 =	sld [smem:$0x3FB9]  }
0x39: {  	_ = 	snop;
	(pc) =	sbr.ind lr, $3  }
0x3a: {  	_ = 	snop  }
0x3b: {  	_ = 	snop  }
0x3c: {  	p2 =	seq.s32 s10, $0x1;
	s10 =	sld [smem:$0x3FB8]  }
0x3d: {  	_ =	shalt  }
0x3e: {  	_ =	shalt  }
0x3f: {  	_ =	shalt  }
0x40: {  	_ =	shalt  }
0x41: {  	_ =	shalt  }
0x42: {  	_ =	shalt  }
0x43: {  	_ =	shalt  }
0x44: {  	_ =	shalt  }
0x45: {  	_ =	shalt  }
0x46: {  	_ =	shalt  }
0x47: {  	_ =	shalt  }
0x48: {  	_ =	shalt  }
0x49: {  	_ =	shalt  }
0x4a: {  	_ =	shalt  }
0x4b: {  	_ =	shalt  }
0x4c: {  	_ =	shalt  }
0x4d: {  	_ =	shalt  }
0x4e: {  	_ =	shalt  }
0x4f: {  	_ =	shalt  }
0x50: {  	_ =	shalt  }
0x51: {  	_ =	shalt  }
0x52: {  	_ =	shalt  }
0x53: {  	_ =	shalt  }
0x54: {  	_ =	shalt  }
0x55: {  	_ =	shalt  }
0x56: {  	_ =	shalt  }
0x57: {  	_ =	shalt  }
0x58: {  	_ =	shalt  }
0x59: {  	_ =	shalt  }
0x5a: {  	_ =	shalt  }
0x5b: {  	_ =	shalt  }
0x5c: {  	_ =	shalt  }
0x5d: {  	_ =	shalt  }
0x5e: {  	_ =	shalt  }
0x5f: {  	_ =	shalt  }
0x60: {  	_ =	shalt  }
0x61: {  	_ =	shalt  }
0x62: {  	_ =	shalt  }
0x63: {  	_ =	shalt  }
0x64: {  	_ =	shalt  }
0x65: {  	_ =	shalt  }
0x66: {  	_ =	shalt  }
0x67: {  	_ =	shalt  }
0x68: {  	_ =	shalt  }
0x69: {  	_ =	shalt  }
0x6a: {  	_ =	shalt  }
0x6b: {  	_ =	shalt  }
0x6c: {  	_ =	shalt  }
0x6d: {  	_ =	shalt  }
0x6e: {  	_ =	shalt  }
0x6f: {  	_ =	shalt  }
0x70: {  	_ =	shalt  }
0x71: {  	_ =	shalt  }
0x72: {  	_ =	shalt  }
0x73: {  	_ =	shalt  }
0x74: {  	_ =	shalt  }
0x75: {  	_ =	shalt  }
0x76: {  	_ =	shalt  }
0x77: {  	_ =	shalt  }
0x78: {  	_ =	shalt  }
0x79: {  	_ =	shalt  }
0x7a: {  	_ =	shalt  }
0x7b: {  	_ =	shalt  }
0x7c: {  	_ =	shalt  }
0x7d: {  	_ =	shalt  }
0x7e: {  	_ =	shalt  }
0x7f: {  	_ =	shalt  }
0x80: {  	_ =	shalt  }
0x81: {  	_ =	shalt  }
0x82: {  	_ =	shalt  }
0x83: {  	_ =	shalt  }
0x84: {  	_ =	shalt  }
0x85: {  	_ =	shalt  }
0x86: {  	_ =	shalt  }
0x87: {  	_ =	shalt  }
.Lfunc_end0:
.L_simem_size_0:
called_computation_lowered:
.L_overlay_start_0:
0x88: {  	s0 =	sld [smem:$0x3FD9]  }
0x89: {  	s1 =	sld [smem:$0x3FFE];
	_ =	sdelay $0x3  }
0x8a: {  	s0 =	sadd.s32 s1, s0  }
0x8b: {  	[smem:$0x3FC4] =	sst s0  }
0x8c: {  	_ = 	snop  }
0x8d: {  	s0 =	sld [smem:$0x3FD0];
	_ =	sdelay $0x1  }
0x8e: {  	s14 =	sld [smem:$0x3FC7]  }
0x8f: {  	s3 =	simm.s32 $0xA;
	s4 =	simm.s32 $0x10;
	s2 =	sld [smem:$0x3FC6]  }
0x90: {  	[smem:s4], [sflag:s3] =	dma.local [hbm:s0], $0x1  }
0x91: {  	_ =	swait.eq [sflag:s3], $0x1  }
0x92: {  	[sflag:s3] =	ssyncset.done $0x0  }
0x93: {  	[sflag:s3] =	ssyncadd.s32 $0xFFFFFFFF  }
0x94: {  	s15 =	sld [smem:$0x12];
	(tm) =	ssettm $0x1  }
0x95: {  	s16 =	sld [smem:$0x3FFB];
	_ =	sdelay $0x3  }
0x96: {  	_ =	strace s16  }
0x97: {  	s3 =	sld [smem:$0x3FFC];
	_ =	sdelay $0x3  }
0x98: {  	_ =	strace s3  }
0x99: {  	s3 =	sld [smem:$0x3FFD];
	_ =	sdelay $0x3  }
0x9a: {  	_ =	strace s3  }
0x9b: {  	_ =	strace $0x8FFFFFFF  }
0x9c: {  	s17 =	sld [smem:$0x3FDB];
	_ =	sdelay $0x1  }
0x9d: {  	s18 =	simm.s32 $_scs_section_size  }
0x9e: {  	s5 =	simm.s32 $_size__tile_overlayer_lowered;
	s6 =	simm.s32 $_tile_overlayer_lowered  }
0x9f: {  	s21 =	simm.s32 $0x1BFF;
	s20 =	sshll.u32 s6, $0x1;
	s3 =	sadd.s32 s18, s17  }
0xa0: {  	s7 =	simm.s32 $0x0;
	s19 =	sshll.u32 s5, $0x1;
	s5 =	sadd.s32 s20, s3  }
0xa1: {  	[timem:s7], [sflag:s21] =	dma.local [hbm:s5], s19  }
0xa2: {  	_ =	swait.ge [sflag:s21], s19  }
0xa3: {  	s4 =	ssub.s32 $0x0, s19;
	[sflag:s21] =	ssyncset.done $0x0  }
0xa4: {  	[sflag:s21] =	ssyncadd.s32 s4;
	_ =	sdelay $0x1  }
0xa5: {  	s22 =	simm.s32 $0x1B8B  }
0xa6: {  	_ =	swait.ge [sflag:s22], $0x1  }
0xa7: {  	[sflag:s22] =	ssyncset.done $0x0  }
0xa8: {  	s23 =	simm.s32 $0x1B8E;
	[sflag:s22] =	ssyncadd.s32 $0xFFFFFFFF  }
0xa9: {  	s24 =	simm.s32 $execute0_lowered;
	[smem:$0x3FD2] =	sst s23  }
0xaa: {  	s4 =	sshll.u32 s24, $0x1;
	_ =	strace $0x80000046;
	[dreg:$0x1] =	wrdreg $0xFFFFFFFF  }
0xab: {  	s25 =	simm.s32 $_size_execute0_lowered;
	s3 =	sadd.s32 s3, s4;
	[dreg:$0x0] =	wrdreg $0x0  }
0xac: {  	s4 =	sshll.u32 s25, $0x1;
	[dreg:$0x2] =	wrdreg s3  }
0xad: {  	[dreg:$0x3] =	wrdreg s4  }
0xae: {  	[dreg:$0x4] =	wrdreg $0xC0  }
0xaf: {  	_ =	task [dreg:s7], $0x5FFFF  }
0xb0: {  	[dreg:$0x1] =	wrdreg $0xFFFFFFFF  }
0xb1: {  	[dreg:$0x0] =	wrdreg $0x60  }
0xb2: {  	[dreg:$0x2] =	wrdreg s14  }
0xb3: {  	[dreg:$0x3] =	wrdreg s2  }
0xb4: {  	[dreg:$0x4] =	wrdreg s15  }
0xb5: {  	[dreg:$0x5] =	wrdreg $0x51800  }
0xb6: {  	[dreg:$0x6] =	wrdreg $0x51A00  }
0xb7: {  	[dreg:$0x7] =	wrdreg $0x51C00  }
0xb8: {  	[dreg:$0x8] =	wrdreg $0x9  }
0xb9: {  	_ =	task.clear_ibuf [dreg:s7], $0x9FFFF;
	_ =	strace $0x90000046  }
0xba: {  	s26 =	simm.s32 $0x9;
	_ =	strace $0x80000048  }
0xbb: {  	_ =	swait.ge [sflag:s26], $0x1  }
0xbc: {  	[sflag:s26] =	ssyncadd.s32 $0xFFFFFFFF  }
0xbd: {  	_ =	strace $0x90000048  }
0xbe: {  	_ =	sfence  }
0xbf: {  	s28 =	sld [smem:$0x0];
	_ =	sdelay $0x1  }
0xc0: {  	s29 =	srdreg.scid  }
0xc1: {  	s30 =	sshll.u32 s29, $0xD;
	s31 =	sshrl.u32 s29, $0x2  }
0xc2: {  	s1 =	sand.u32 $0x1, s29;
	s2 =	sand.u32 $0x4000, s30;
	s0 =	sadd.s32 s31, s28  }
0xc3: {  	s1 =	sor.u32 s2, s1;
	s0 =	sshll.u32 s0, $0x11  }
0xc4: {  	s0 =	sor.u32 s0, s1  }
0xc5: {  	s0 =	sadd.s32 $0x8F2B, s0  }
0xc6: {  	[sflag:s0] =	ssyncadd.remote.s32 $0x1  }
0xc7: {  	_ =	sfence.sel $0xFFFF  }
0xc8: {  	[dreg:$0x0] =	wrdreg $0xFFFFFFFF;
	(pc) =	sbr.abs _section_cstart, $3  }
0xc9: {  	[dreg:$0x1] =	wrdreg $0xFFFFFFFF  }
0xca: {  	_ =	task.clear_ibuf [dreg:s7], $0x2FFFF;
	_ =	strace $0x9FFFFFFF  }
0xcb: {  	(tm) =	ssettm $0x7FFFFFFF  }
tec
execute0_lowered:
.L_overlay_start_1:
0x0: {  	(tag) =	ssettag $0x1  }
0x1: {  	s6 =	rddreg [dreg:$0x0]  }
0x2: {  	s7 =	rddreg [dreg:$0x1]  }
0x3: {  	s1 =	rddreg [dreg:$0x2]  }
0x4: {  	s4 =	rddreg [dreg:$0x3]  }
0x5: {  	s3 =	rddreg [dreg:$0x4]  }
0x6: {  	s2 =	rddreg [dreg:$0x5]  }
0x7: {  	s0 =	rddreg [dreg:$0x6];
	s8 =	simm.s32 $0x0;
	s5 =	stileid.u32  }
0x8: {  	[smem:$0x7FF] =	sst s8;
	s9 =	sshll.u32 s5, $0x9  }
0x9: {  	s28 =	simm.s32 $0x1;
	_ =	strace $0x80000047;
	s6 =	sadd.s32 s6, s9  }
0xa: {  	[tilespmem:s8], [sflag:$0x1] =	stream.linear.gather [hbm4b:s6+s8], $0x1000, $0x38;
	[tilespmem:$0x5CA0] =	vst v63  }
0xb: {  	_ =	swait.ge [sflag:s28], $0x1000  }
0xc: {  	s29 =	sshll.u32 s5, $0xB;
	[sflag:s28] =	ssyncset.done $0x0  }
0xd: {  	s30 =	simm.s32 $0x1000;
	s6 =	sadd.s32 s7, s29;
	[sflag:s28] =	ssyncadd.s32 $0xFFFFF000  }
0xe: {  	[tilespmem:s30], [sflag:$0x1] =	stream.linear.gather [hbm4b:s6+s8], $0x4000, $0x38;
	[tilespmem:$0x5CA0] =	vst v63  }
0xf: {  	_ =	swait.ge [sflag:s28], $0x4000  }
0x10: {  	[sflag:s28] =	ssyncset.done $0x0  }
0x11: {  	s31 =	simm.s32 $0x0;
	[sflag:s28] =	ssyncadd.s32 $0xFFFFC000  }
0x12: {  	v4 =	vld [tilespmem:s31+$0x0];
	_ =	sdelay $0x1  }
0x13: {  	s6 =	sshll.u32 s5, $0xC  }
0x14: {  	v0 =	vmov s6  }
0x15: {  	v2 =	vimm.f32 $-Inf;
	v1 =	vlaneseq.u32;
	s8 =	simm.s32 $0x40;
	s7 =	smov.u32 s6;
	v3 =	vmov v0  }
.LBB2_1:
0x16: {  	s9 =	sshra.s32 s8, $0x2;
	p0 =	sne.s32 s8, $0x3FC0;
	s8 =	sadd.s32 $0x40, s8;
	v5 =	vor.u32 s7, v1;
	vm0 =	vgt.f32 v4, v2  }
.Ltmp0:
0x17: {  	v2 =	vsel vm0, v4, v2;
	v4 =	vld [tilespmem:s9+$0x0];
	v3 =	vsel vm0, v5, v3;
	(pc) =	sbr.rel @p0 .LBB2_1-.Ltmp0, $2  }
0x18: {  	_ =	sdelay $0x2  }
0x19: {  	s7 =	sadd.s32 $0x10, s7  }
0x1a: {  	vm0 =	vgt.f32 v4, v2  }
0x1b: {  	v2 =	vsel vm0, v4, v2  }
0x1c: {  	(xrf0) =	vmax.scan.msk.f32 $0xffff, v2;
	_ =	sdelay $0x5  }
0x1d: {  	v4, _, _ =	vpop (xrf0)  }
0x1e: {  	v5 =	vor.u32 s7, v1;
	v1 =	vbroadcast v4, $0xF  }
0x1f: {  	v3 =	vsel vm0, v5, v3  }
0x20: {  	vm15 =	veq.f32 v2, v1;
	v2 =	vxor.u32 $0x80000000, v3  }
0x21: {  	v2 =	vnsel vm15, $0xFFFFFFFF, v2  }
0x22: {  	(xrf0) =	vmin.scan.msk.u32 $0xffff, v2;
	_ =	sdelay $0x5  }
0x23: {  	v2, _, _ =	vpop (xrf0)  }
0x24: {  	(v2sf) =	vpush v2, $0xF;
	_ =	sdelay $0xe  }
0x25: {  	s29 =	spop (v2sf)  }
0x26: {  	s7 =	sxor.u32 $0x80000000, s29  }
0x27: {  	s8 =	ssub.s32 s7, s6  }
0x28: {  	v3 =	vmov s8;
	_ =	sdelay $0x3  }
0x29: {  	s30 =	simm.s32 $0x0;
	v2 =	vimm.f32 $-Inf  }
0x2a: {  	s31 =	simm.s32 $0x0;
	[tilespmem:v3+s30+$0x0] =	vst.idx.msk $0x1, v2  }
0x2b: {  	v5 =	vld [tilespmem:s31+$0x0];
	_ =	sdelay $0x3  }
0x2c: {  	s9 =	simm.s32 $0x40;
	v4 =	vmov v0;
	s8 =	smov.u32 s6;
	v3 =	vlaneseq.u32  }
.LBB2_3:
0x2d: {  	s10 =	sshra.s32 s9, $0x2;
	p0 =	sne.s32 s9, $0x3FC0;
	s9 =	sadd.s32 $0x40, s9;
	v6 =	vor.u32 s8, v3;
	vm0 =	vgt.f32 v5, v2  }
.Ltmp1:
0x2e: {  	v2 =	vsel vm0, v5, v2;
	v5 =	vld [tilespmem:s10+$0x0];
	v4 =	vsel vm0, v6, v4;
	(pc) =	sbr.rel @p0 .LBB2_3-.Ltmp1, $2  }
0x2f: {  	_ =	sdelay $0x2  }
0x30: {  	s8 =	sadd.s32 $0x10, s8  }
0x31: {  	vm0 =	vgt.f32 v5, v2  }
0x32: {  	v5 =	vsel vm0, v5, v2  }
0x33: {  	(xrf0) =	vmax.scan.msk.f32 $0xffff, v5;
	_ =	sdelay $0x5  }
0x34: {  	v2, _, _ =	vpop (xrf0)  }
0x35: {  	v3 =	vor.u32 s8, v3;
	v2 =	vbroadcast v2, $0xF  }
0x36: {  	v3 =	vsel vm0, v3, v4  }
0x37: {  	v3 =	vxor.u32 $0x80000000, v3;
	vm15 =	veq.f32 v5, v2  }
0x38: {  	v3 =	vnsel vm15, $0xFFFFFFFF, v3  }
0x39: {  	(xrf0) =	vmin.scan.msk.u32 $0xffff, v3;
	_ =	sdelay $0x5  }
0x3a: {  	v3, _, _ =	vpop (xrf0)  }
0x3b: {  	(v2sf) =	vpush v3, $0xF;
	_ =	sdelay $0xe  }
0x3c: {  	s29 =	spop (v2sf)  }
0x3d: {  	s8 =	sxor.u32 $0x80000000, s29  }
0x3e: {  	s9 =	ssub.s32 s8, s6  }
0x3f: {  	v4 =	vmov s9;
	_ =	sdelay $0x3  }
0x40: {  	s30 =	simm.s32 $0x0;
	v3 =	vimm.f32 $-Inf  }
0x41: {  	s31 =	simm.s32 $0x0;
	[tilespmem:v4+s30+$0x0] =	vst.idx.msk $0x1, v3  }
0x42: {  	v6 =	vld [tilespmem:s31+$0x0];
	_ =	sdelay $0x3  }
0x43: {  	s10 =	simm.s32 $0x40;
	v5 =	vmov v0;
	s9 =	smov.u32 s6;
	v4 =	vlaneseq.u32  }
.LBB2_5:
0x44: {  	s11 =	sshra.s32 s10, $0x2;
	p0 =	sne.s32 s10, $0x3FC0;
	s10 =	sadd.s32 $0x40, s10;
	v7 =	vor.u32 s9, v4;
	vm0 =	vgt.f32 v6, v3  }
.Ltmp2:
0x45: {  	v3 =	vsel vm0, v6, v3;
	v6 =	vld [tilespmem:s11+$0x0];
	v5 =	vsel vm0, v7, v5;
	(pc) =	sbr.rel @p0 .LBB2_5-.Ltmp2, $2  }
0x46: {  	_ =	sdelay $0x2  }
0x47: {  	s9 =	sadd.s32 $0x10, s9  }
0x48: {  	vm0 =	vgt.f32 v6, v3  }
0x49: {  	v6 =	vsel vm0, v6, v3  }
0x4a: {  	(xrf0) =	vmax.scan.msk.f32 $0xffff, v6;
	_ =	sdelay $0x5  }
0x4b: {  	v3, _, _ =	vpop (xrf0)  }
0x4c: {  	v4 =	vor.u32 s9, v4;
	v3 =	vbroadcast v3, $0xF  }
0x4d: {  	v4 =	vsel vm0, v4, v5  }
0x4e: {  	v4 =	vxor.u32 $0x80000000, v4;
	vm15 =	veq.f32 v6, v3  }
0x4f: {  	v4 =	vnsel vm15, $0xFFFFFFFF, v4  }
0x50: {  	(xrf0) =	vmin.scan.msk.u32 $0xffff, v4;
	_ =	sdelay $0x5  }
0x51: {  	v4, _, _ =	vpop (xrf0)  }
0x52: {  	(v2sf) =	vpush v4, $0xF;
	_ =	sdelay $0xe  }
0x53: {  	s29 =	spop (v2sf)  }
0x54: {  	s9 =	sxor.u32 $0x80000000, s29  }
0x55: {  	s10 =	ssub.s32 s9, s6  }
0x56: {  	v5 =	vmov s10;
	_ =	sdelay $0x3  }
0x57: {  	s30 =	simm.s32 $0x0;
	v4 =	vimm.f32 $-Inf  }
0x58: {  	s31 =	simm.s32 $0x0;
	[tilespmem:v5+s30+$0x0] =	vst.idx.msk $0x1, v4  }
0x59: {  	v7 =	vld [tilespmem:s31+$0x0];
	_ =	sdelay $0x3  }
0x5a: {  	s11 =	simm.s32 $0x40;
	v6 =	vmov v0;
	s10 =	smov.u32 s6;
	v5 =	vlaneseq.u32  }
.LBB2_7:
0x5b: {  	s12 =	sshra.s32 s11, $0x2;
	p0 =	sne.s32 s11, $0x3FC0;
	s11 =	sadd.s32 $0x40, s11;
	v8 =	vor.u32 s10, v5;
	vm0 =	vgt.f32 v7, v4  }
.Ltmp3:
0x5c: {  	v4 =	vsel vm0, v7, v4;
	v7 =	vld [tilespmem:s12+$0x0];
	v6 =	vsel vm0, v8, v6;
	(pc) =	sbr.rel @p0 .LBB2_7-.Ltmp3, $2  }
0x5d: {  	_ =	sdelay $0x2  }
0x5e: {  	s10 =	sadd.s32 $0x10, s10  }
0x5f: {  	vm0 =	vgt.f32 v7, v4  }
0x60: {  	v7 =	vsel vm0, v7, v4  }
0x61: {  	(xrf0) =	vmax.scan.msk.f32 $0xffff, v7;
	_ =	sdelay $0x5  }
0x62: {  	v4, _, _ =	vpop (xrf0)  }
0x63: {  	v5 =	vor.u32 s10, v5;
	v4 =	vbroadcast v4, $0xF  }
0x64: {  	v5 =	vsel vm0, v5, v6  }
0x65: {  	v5 =	vxor.u32 $0x80000000, v5;
	vm15 =	veq.f32 v7, v4  }
0x66: {  	v5 =	vnsel vm15, $0xFFFFFFFF, v5  }
0x67: {  	(xrf0) =	vmin.scan.msk.u32 $0xffff, v5;
	_ =	sdelay $0x5  }
0x68: {  	v5, _, _ =	vpop (xrf0)  }
0x69: {  	(v2sf) =	vpush v5, $0xF;
	_ =	sdelay $0xe  }
0x6a: {  	s29 =	spop (v2sf)  }
0x6b: {  	s10 =	sxor.u32 $0x80000000, s29  }
0x6c: {  	s11 =	ssub.s32 s10, s6  }
0x6d: {  	v6 =	vmov s11;
	_ =	sdelay $0x3  }
0x6e: {  	s30 =	simm.s32 $0x0;
	v5 =	vimm.f32 $-Inf  }
0x6f: {  	s31 =	simm.s32 $0x0;
	[tilespmem:v6+s30+$0x0] =	vst.idx.msk $0x1, v5  }
0x70: {  	v8 =	vld [tilespmem:s31+$0x0];
	_ =	sdelay $0x3  }
0x71: {  	s12 =	simm.s32 $0x40;
	v7 =	vmov v0;
	s11 =	smov.u32 s6;
	v6 =	vlaneseq.u32  }
.LBB2_9:
0x72: {  	s13 =	sshra.s32 s12, $0x2;
	p0 =	sne.s32 s12, $0x3FC0;
	s12 =	sadd.s32 $0x40, s12;
	v9 =	vor.u32 s11, v6;
	vm0 =	vgt.f32 v8, v5  }
.Ltmp4:
0x73: {  	v5 =	vsel vm0, v8, v5;
	v8 =	vld [tilespmem:s13+$0x0];
	v7 =	vsel vm0, v9, v7;
	(pc) =	sbr.rel @p0 .LBB2_9-.Ltmp4, $2  }
0x74: {  	_ =	sdelay $0x2  }
0x75: {  	s11 =	sadd.s32 $0x10, s11  }
0x76: {  	vm0 =	vgt.f32 v8, v5  }
0x77: {  	v8 =	vsel vm0, v8, v5  }
0x78: {  	(xrf0) =	vmax.scan.msk.f32 $0xffff, v8;
	_ =	sdelay $0x5  }
0x79: {  	v5, _, _ =	vpop (xrf0)  }
0x7a: {  	v6 =	vor.u32 s11, v6;
	v5 =	vbroadcast v5, $0xF  }
0x7b: {  	v6 =	vsel vm0, v6, v7  }
0x7c: {  	v6 =	vxor.u32 $0x80000000, v6;
	vm15 =	veq.f32 v8, v5  }
0x7d: {  	v6 =	vnsel vm15, $0xFFFFFFFF, v6  }
0x7e: {  	(xrf0) =	vmin.scan.msk.u32 $0xffff, v6;
	_ =	sdelay $0x5  }
0x7f: {  	v6, _, _ =	vpop (xrf0)  }
0x80: {  	(v2sf) =	vpush v6, $0xF;
	_ =	sdelay $0xe  }
0x81: {  	s29 =	spop (v2sf)  }
0x82: {  	s11 =	sxor.u32 $0x80000000, s29  }
0x83: {  	s12 =	ssub.s32 s11, s6  }
0x84: {  	v7 =	vmov s12;
	_ =	sdelay $0x3  }
0x85: {  	s30 =	simm.s32 $0x0;
	v6 =	vimm.f32 $-Inf  }
0x86: {  	s31 =	simm.s32 $0x0;
	[tilespmem:v7+s30+$0x0] =	vst.idx.msk $0x1, v6  }
0x87: {  	v9 =	vld [tilespmem:s31+$0x0];
	_ =	sdelay $0x3  }
0x88: {  	s13 =	simm.s32 $0x40;
	v8 =	vmov v0;
	s12 =	smov.u32 s6;
	v7 =	vlaneseq.u32  }
.LBB2_11:
0x89: {  	s14 =	sshra.s32 s13, $0x2;
	p0 =	sne.s32 s13, $0x3FC0;
	s13 =	sadd.s32 $0x40, s13;
	v10 =	vor.u32 s12, v7;
	vm0 =	vgt.f32 v9, v6  }
.Ltmp5:
0x8a: {  	v6 =	vsel vm0, v9, v6;
	v9 =	vld [tilespmem:s14+$0x0];
	v8 =	vsel vm0, v10, v8;
	(pc) =	sbr.rel @p0 .LBB2_11-.Ltmp5, $2  }
0x8b: {  	_ =	sdelay $0x2  }
0x8c: {  	s12 =	sadd.s32 $0x10, s12  }
0x8d: {  	vm0 =	vgt.f32 v9, v6  }
0x8e: {  	v9 =	vsel vm0, v9, v6  }
0x8f: {  	(xrf0) =	vmax.scan.msk.f32 $0xffff, v9;
	_ =	sdelay $0x5  }
0x90: {  	v6, _, _ =	vpop (xrf0)  }
0x91: {  	v7 =	vor.u32 s12, v7;
	v6 =	vbroadcast v6, $0xF  }
0x92: {  	v7 =	vsel vm0, v7, v8  }
0x93: {  	v7 =	vxor.u32 $0x80000000, v7;
	vm15 =	veq.f32 v9, v6  }
0x94: {  	v7 =	vnsel vm15, $0xFFFFFFFF, v7  }
0x95: {  	(xrf0) =	vmin.scan.msk.u32 $0xffff, v7;
	_ =	sdelay $0x5  }
0x96: {  	v7, _, _ =	vpop (xrf0)  }
0x97: {  	(v2sf) =	vpush v7, $0xF;
	_ =	sdelay $0xe  }
0x98: {  	s29 =	spop (v2sf)  }
0x99: {  	s12 =	sxor.u32 $0x80000000, s29  }
0x9a: {  	s13 =	ssub.s32 s12, s6  }
0x9b: {  	v8 =	vmov s13;
	_ =	sdelay $0x3  }
0x9c: {  	s30 =	simm.s32 $0x0;
	v7 =	vimm.f32 $-Inf  }
0x9d: {  	s31 =	simm.s32 $0x0;
	[tilespmem:v8+s30+$0x0] =	vst.idx.msk $0x1, v7  }
0x9e: {  	v10 =	vld [tilespmem:s31+$0x0];
	_ =	sdelay $0x3  }
0x9f: {  	s14 =	simm.s32 $0x40;
	v9 =	vmov v0;
	s13 =	smov.u32 s6;
	v8 =	vlaneseq.u32  }
.LBB2_13:
0xa0: {  	s15 =	sshra.s32 s14, $0x2;
	p0 =	sne.s32 s14, $0x3FC0;
	s14 =	sadd.s32 $0x40, s14;
	v11 =	vor.u32 s13, v8;
	vm0 =	vgt.f32 v10, v7  }
.Ltmp6:
0xa1: {  	v7 =	vsel vm0, v10, v7;
	v10 =	vld [tilespmem:s15+$0x0];
	v9 =	vsel vm0, v11, v9;
	(pc) =	sbr.rel @p0 .LBB2_13-.Ltmp6, $2  }
0xa2: {  	_ =	sdelay $0x2  }
0xa3: {  	s13 =	sadd.s32 $0x10, s13  }
0xa4: {  	vm0 =	vgt.f32 v10, v7  }
0xa5: {  	v10 =	vsel vm0, v10, v7  }
0xa6: {  	(xrf0) =	vmax.scan.msk.f32 $0xffff, v10;
	_ =	sdelay $0x5  }
0xa7: {  	v7, _, _ =	vpop (xrf0)  }
0xa8: {  	v8 =	vor.u32 s13, v8;
	v7 =	vbroadcast v7, $0xF  }
0xa9: {  	v8 =	vsel vm0, v8, v9  }
0xaa: {  	v8 =	vxor.u32 $0x80000000, v8;
	vm15 =	veq.f32 v10, v7  }
0xab: {  	v8 =	vnsel vm15, $0xFFFFFFFF, v8  }
0xac: {  	(xrf0) =	vmin.scan.msk.u32 $0xffff, v8;
	_ =	sdelay $0x5  }
0xad: {  	v8, _, _ =	vpop (xrf0)  }
0xae: {  	(v2sf) =	vpush v8, $0xF;
	_ =	sdelay $0xe  }
0xaf: {  	s29 =	spop (v2sf)  }
0xb0: {  	s13 =	sxor.u32 $0x80000000, s29  }
0xb1: {  	s14 =	ssub.s32 s13, s6  }
0xb2: {  	v9 =	vmov s14;
	_ =	sdelay $0x3  }
0xb3: {  	s30 =	simm.s32 $0x0;
	v8 =	vimm.f32 $-Inf  }
0xb4: {  	s31 =	simm.s32 $0x0;
	[tilespmem:v9+s30+$0x0] =	vst.idx.msk $0x1, v8  }
0xb5: {  	v11 =	vld [tilespmem:s31+$0x0];
	_ =	sdelay $0x3  }
0xb6: {  	s15 =	simm.s32 $0x40;
	v10 =	vmov v0;
	s14 =	smov.u32 s6;
	v9 =	vlaneseq.u32  }
.LBB2_15:
0xb7: {  	s16 =	sshra.s32 s15, $0x2;
	p0 =	sne.s32 s15, $0x3FC0;
	s15 =	sadd.s32 $0x40, s15;
	v12 =	vor.u32 s14, v9;
	vm0 =	vgt.f32 v11, v8  }
.Ltmp7:
0xb8: {  	v8 =	vsel vm0, v11, v8;
	v11 =	vld [tilespmem:s16+$0x0];
	v10 =	vsel vm0, v12, v10;
	(pc) =	sbr.rel @p0 .LBB2_15-.Ltmp7, $2  }
0xb9: {  	_ =	sdelay $0x2  }
0xba: {  	s14 =	sadd.s32 $0x10, s14  }
0xbb: {  	vm0 =	vgt.f32 v11, v8  }
0xbc: {  	v11 =	vsel vm0, v11, v8  }
0xbd: {  	(xrf0) =	vmax.scan.msk.f32 $0xffff, v11;
	_ =	sdelay $0x5  }
0xbe: {  	v8, _, _ =	vpop (xrf0)  }
0xbf: {  	v9 =	vor.u32 s14, v9;
	v8 =	vbroadcast v8, $0xF  }
0xc0: {  	v9 =	vsel vm0, v9, v10  }
0xc1: {  	v9 =	vxor.u32 $0x80000000, v9;
	vm15 =	veq.f32 v11, v8  }
0xc2: {  	v9 =	vnsel vm15, $0xFFFFFFFF, v9  }
0xc3: {  	(xrf0) =	vmin.scan.msk.u32 $0xffff, v9;
	_ =	sdelay $0x5  }
0xc4: {  	v9, _, _ =	vpop (xrf0)  }
0xc5: {  	(v2sf) =	vpush v9, $0xF;
	_ =	sdelay $0xe  }
0xc6: {  	s29 =	spop (v2sf)  }
0xc7: {  	s14 =	sxor.u32 $0x80000000, s29  }
0xc8: {  	s15 =	ssub.s32 s14, s6  }
0xc9: {  	v10 =	vmov s15;
	_ =	sdelay $0x3  }
0xca: {  	s30 =	simm.s32 $0x0;
	v9 =	vimm.f32 $-Inf  }
0xcb: {  	s31 =	simm.s32 $0x0;
	[tilespmem:v10+s30+$0x0] =	vst.idx.msk $0x1, v9  }
0xcc: {  	v12 =	vld [tilespmem:s31+$0x0];
	_ =	sdelay $0x3  }
0xcd: {  	s16 =	simm.s32 $0x40;
	v11 =	vmov v0;
	s15 =	smov.u32 s6;
	v10 =	vlaneseq.u32  }
.LBB2_17:
0xce: {  	s17 =	sshra.s32 s16, $0x2;
	p0 =	sne.s32 s16, $0x3FC0;
	s16 =	sadd.s32 $0x40, s16;
	v13 =	vor.u32 s15, v10;
	vm0 =	vgt.f32 v12, v9  }
.Ltmp8:
0xcf: {  	v9 =	vsel vm0, v12, v9;
	v12 =	vld [tilespmem:s17+$0x0];
	v11 =	vsel vm0, v13, v11;
	(pc) =	sbr.rel @p0 .LBB2_17-.Ltmp8, $2  }
0xd0: {  	_ =	sdelay $0x2  }
0xd1: {  	s15 =	sadd.s32 $0x10, s15  }
0xd2: {  	vm0 =	vgt.f32 v12, v9  }
0xd3: {  	v12 =	vsel vm0, v12, v9  }
0xd4: {  	(xrf0) =	vmax.scan.msk.f32 $0xffff, v12;
	_ =	sdelay $0x5  }
0xd5: {  	v9, _, _ =	vpop (xrf0)  }
0xd6: {  	v10 =	vor.u32 s15, v10;
	v9 =	vbroadcast v9, $0xF  }
0xd7: {  	v10 =	vsel vm0, v10, v11  }
0xd8: {  	v10 =	vxor.u32 $0x80000000, v10;
	vm15 =	veq.f32 v12, v9  }
0xd9: {  	v10 =	vnsel vm15, $0xFFFFFFFF, v10  }
0xda: {  	(xrf0) =	vmin.scan.msk.u32 $0xffff, v10;
	_ =	sdelay $0x5  }
0xdb: {  	v10, _, _ =	vpop (xrf0)  }
0xdc: {  	(v2sf) =	vpush v10, $0xF;
	_ =	sdelay $0xe  }
0xdd: {  	s29 =	spop (v2sf)  }
0xde: {  	s15 =	sxor.u32 $0x80000000, s29  }
0xdf: {  	s16 =	ssub.s32 s15, s6  }
0xe0: {  	v11 =	vmov s16;
	_ =	sdelay $0x3  }
0xe1: {  	s30 =	simm.s32 $0x0;
	v10 =	vimm.f32 $-Inf  }
0xe2: {  	s31 =	simm.s32 $0x0;
	[tilespmem:v11+s30+$0x0] =	vst.idx.msk $0x1, v10  }
0xe3: {  	v13 =	vld [tilespmem:s31+$0x0];
	_ =	sdelay $0x3  }
0xe4: {  	s17 =	simm.s32 $0x40;
	v12 =	vmov v0;
	s16 =	smov.u32 s6;
	v11 =	vlaneseq.u32  }
.LBB2_19:
0xe5: {  	s18 =	sshra.s32 s17, $0x2;
	p0 =	sne.s32 s17, $0x3FC0;
	s17 =	sadd.s32 $0x40, s17;
	v14 =	vor.u32 s16, v11;
	vm0 =	vgt.f32 v13, v10  }
.Ltmp9:
0xe6: {  	v10 =	vsel vm0, v13, v10;
	v13 =	vld [tilespmem:s18+$0x0];
	v12 =	vsel vm0, v14, v12;
	(pc) =	sbr.rel @p0 .LBB2_19-.Ltmp9, $2  }
0xe7: {  	_ =	sdelay $0x2  }
0xe8: {  	s16 =	sadd.s32 $0x10, s16  }
0xe9: {  	vm0 =	vgt.f32 v13, v10  }
0xea: {  	v13 =	vsel vm0, v13, v10  }
0xeb: {  	(xrf0) =	vmax.scan.msk.f32 $0xffff, v13;
	_ =	sdelay $0x5  }
0xec: {  	v10, _, _ =	vpop (xrf0)  }
0xed: {  	v11 =	vor.u32 s16, v11;
	v10 =	vbroadcast v10, $0xF  }
0xee: {  	v11 =	vsel vm0, v11, v12  }
0xef: {  	v11 =	vxor.u32 $0x80000000, v11;
	vm15 =	veq.f32 v13, v10  }
0xf0: {  	v11 =	vnsel vm15, $0xFFFFFFFF, v11  }
0xf1: {  	(xrf0) =	vmin.scan.msk.u32 $0xffff, v11;
	_ =	sdelay $0x5  }
0xf2: {  	v11, _, _ =	vpop (xrf0)  }
0xf3: {  	(v2sf) =	vpush v11, $0xF;
	_ =	sdelay $0xe  }
0xf4: {  	s29 =	spop (v2sf)  }
0xf5: {  	s16 =	sxor.u32 $0x80000000, s29  }
0xf6: {  	s17 =	ssub.s32 s16, s6  }
0xf7: {  	v12 =	vmov s17;
	_ =	sdelay $0x3  }
0xf8: {  	s30 =	simm.s32 $0x0;
	v11 =	vimm.f32 $-Inf  }
0xf9: {  	s31 =	simm.s32 $0x0;
	[tilespmem:v12+s30+$0x0] =	vst.idx.msk $0x1, v11  }
0xfa: {  	v14 =	vld [tilespmem:s31+$0x0];
	_ =	sdelay $0x3  }
0xfb: {  	s18 =	simm.s32 $0x40;
	v13 =	vmov v0;
	s17 =	smov.u32 s6;
	v12 =	vlaneseq.u32  }
.LBB2_21:
0xfc: {  	s19 =	sshra.s32 s18, $0x2;
	p0 =	sne.s32 s18, $0x3FC0;
	s18 =	sadd.s32 $0x40, s18;
	v15 =	vor.u32 s17, v12;
	vm0 =	vgt.f32 v14, v11  }
.Ltmp10:
0xfd: {  	v11 =	vsel vm0, v14, v11;
	v14 =	vld [tilespmem:s19+$0x0];
	v13 =	vsel vm0, v15, v13;
	(pc) =	sbr.rel @p0 .LBB2_21-.Ltmp10, $2  }
0xfe: {  	_ =	sdelay $0x2  }
0xff: {  	s17 =	sadd.s32 $0x10, s17  }
0x100: {  	vm0 =	vgt.f32 v14, v11  }
0x101: {  	v14 =	vsel vm0, v14, v11  }
0x102: {  	(xrf0) =	vmax.scan.msk.f32 $0xffff, v14;
	_ =	sdelay $0x5  }
0x103: {  	v11, _, _ =	vpop (xrf0)  }
0x104: {  	v12 =	vor.u32 s17, v12;
	v11 =	vbroadcast v11, $0xF  }
0x105: {  	v12 =	vsel vm0, v12, v13  }
0x106: {  	v12 =	vxor.u32 $0x80000000, v12;
	vm15 =	veq.f32 v14, v11  }
0x107: {  	v12 =	vnsel vm15, $0xFFFFFFFF, v12  }
0x108: {  	(xrf0) =	vmin.scan.msk.u32 $0xffff, v12;
	_ =	sdelay $0x5  }
0x109: {  	v12, _, _ =	vpop (xrf0)  }
0x10a: {  	(v2sf) =	vpush v12, $0xF;
	_ =	sdelay $0xe  }
0x10b: {  	s29 =	spop (v2sf)  }
0x10c: {  	s17 =	sxor.u32 $0x80000000, s29  }
0x10d: {  	s18 =	ssub.s32 s17, s6  }
0x10e: {  	v13 =	vmov s18;
	_ =	sdelay $0x3  }
0x10f: {  	s30 =	simm.s32 $0x0;
	v12 =	vimm.f32 $-Inf  }
0x110: {  	s31 =	simm.s32 $0x0;
	[tilespmem:v13+s30+$0x0] =	vst.idx.msk $0x1, v12  }
0x111: {  	v15 =	vld [tilespmem:s31+$0x0];
	_ =	sdelay $0x3  }
0x112: {  	s19 =	simm.s32 $0x40;
	v14 =	vmov v0;
	s18 =	smov.u32 s6;
	v13 =	vlaneseq.u32  }
.LBB2_23:
0x113: {  	s20 =	sshra.s32 s19, $0x2;
	p0 =	sne.s32 s19, $0x3FC0;
	s19 =	sadd.s32 $0x40, s19;
	v16 =	vor.u32 s18, v13;
	vm0 =	vgt.f32 v15, v12  }
.Ltmp11:
0x114: {  	v12 =	vsel vm0, v15, v12;
	v15 =	vld [tilespmem:s20+$0x0];
	v14 =	vsel vm0, v16, v14;
	(pc) =	sbr.rel @p0 .LBB2_23-.Ltmp11, $2  }
0x115: {  	_ =	sdelay $0x2  }
0x116: {  	s18 =	sadd.s32 $0x10, s18  }
0x117: {  	vm0 =	vgt.f32 v15, v12  }
0x118: {  	v15 =	vsel vm0, v15, v12  }
0x119: {  	(xrf0) =	vmax.scan.msk.f32 $0xffff, v15;
	_ =	sdelay $0x5  }
0x11a: {  	v12, _, _ =	vpop (xrf0)  }
0x11b: {  	v13 =	vor.u32 s18, v13;
	v12 =	vbroadcast v12, $0xF  }
0x11c: {  	v13 =	vsel vm0, v13, v14  }
0x11d: {  	v13 =	vxor.u32 $0x80000000, v13;
	vm15 =	veq.f32 v15, v12  }
0x11e: {  	v13 =	vnsel vm15, $0xFFFFFFFF, v13  }
0x11f: {  	(xrf0) =	vmin.scan.msk.u32 $0xffff, v13;
	_ =	sdelay $0x5  }
0x120: {  	v13, _, _ =	vpop (xrf0)  }
0x121: {  	(v2sf) =	vpush v13, $0xF;
	_ =	sdelay $0xe  }
0x122: {  	s29 =	spop (v2sf)  }
0x123: {  	s18 =	sxor.u32 $0x80000000, s29  }
0x124: {  	s19 =	ssub.s32 s18, s6  }
0x125: {  	v14 =	vmov s19;
	_ =	sdelay $0x3  }
0x126: {  	s30 =	simm.s32 $0x0;
	v13 =	vimm.f32 $-Inf  }
0x127: {  	s31 =	simm.s32 $0x0;
	[tilespmem:v14+s30+$0x0] =	vst.idx.msk $0x1, v13  }
0x128: {  	v16 =	vld [tilespmem:s31+$0x0];
	_ =	sdelay $0x3  }
0x129: {  	s20 =	simm.s32 $0x40;
	v15 =	vmov v0;
	s19 =	smov.u32 s6;
	v14 =	vlaneseq.u32  }
.LBB2_25:
0x12a: {  	s21 =	sshra.s32 s20, $0x2;
	p0 =	sne.s32 s20, $0x3FC0;
	s20 =	sadd.s32 $0x40, s20;
	v17 =	vor.u32 s19, v14;
	vm0 =	vgt.f32 v16, v13  }
.Ltmp12:
0x12b: {  	v13 =	vsel vm0, v16, v13;
	v16 =	vld [tilespmem:s21+$0x0];
	v15 =	vsel vm0, v17, v15;
	(pc) =	sbr.rel @p0 .LBB2_25-.Ltmp12, $2  }
0x12c: {  	_ =	sdelay $0x2  }
0x12d: {  	s19 =	sadd.s32 $0x10, s19  }
0x12e: {  	vm0 =	vgt.f32 v16, v13  }
0x12f: {  	v16 =	vsel vm0, v16, v13  }
0x130: {  	(xrf0) =	vmax.scan.msk.f32 $0xffff, v16;
	_ =	sdelay $0x5  }
0x131: {  	v13, _, _ =	vpop (xrf0)  }
0x132: {  	v14 =	vor.u32 s19, v14;
	v13 =	vbroadcast v13, $0xF  }
0x133: {  	v14 =	vsel vm0, v14, v15  }
0x134: {  	v14 =	vxor.u32 $0x80000000, v14;
	vm15 =	veq.f32 v16, v13  }
0x135: {  	v14 =	vnsel vm15, $0xFFFFFFFF, v14  }
0x136: {  	(xrf0) =	vmin.scan.msk.u32 $0xffff, v14;
	_ =	sdelay $0x5  }
0x137: {  	v14, _, _ =	vpop (xrf0)  }
0x138: {  	(v2sf) =	vpush v14, $0xF;
	_ =	sdelay $0xe  }
0x139: {  	s29 =	spop (v2sf)  }
0x13a: {  	s19 =	sxor.u32 $0x80000000, s29  }
0x13b: {  	s20 =	ssub.s32 s19, s6  }
0x13c: {  	v15 =	vmov s20;
	_ =	sdelay $0x3  }
0x13d: {  	s30 =	simm.s32 $0x0;
	v14 =	vimm.f32 $-Inf  }
0x13e: {  	s31 =	simm.s32 $0x0;
	[tilespmem:v15+s30+$0x0] =	vst.idx.msk $0x1, v14  }
0x13f: {  	v17 =	vld [tilespmem:s31+$0x0];
	_ =	sdelay $0x3  }
0x140: {  	s21 =	simm.s32 $0x40;
	v16 =	vmov v0;
	s20 =	smov.u32 s6;
	v15 =	vlaneseq.u32  }
.LBB2_27:
0x141: {  	s22 =	sshra.s32 s21, $0x2;
	p0 =	sne.s32 s21, $0x3FC0;
	s21 =	sadd.s32 $0x40, s21;
	v18 =	vor.u32 s20, v15;
	vm0 =	vgt.f32 v17, v14  }
.Ltmp13:
0x142: {  	v14 =	vsel vm0, v17, v14;
	v17 =	vld [tilespmem:s22+$0x0];
	v16 =	vsel vm0, v18, v16;
	(pc) =	sbr.rel @p0 .LBB2_27-.Ltmp13, $2  }
0x143: {  	_ =	sdelay $0x2  }
0x144: {  	s20 =	sadd.s32 $0x10, s20  }
0x145: {  	vm0 =	vgt.f32 v17, v14  }
0x146: {  	v17 =	vsel vm0, v17, v14  }
0x147: {  	(xrf0) =	vmax.scan.msk.f32 $0xffff, v17;
	_ =	sdelay $0x5  }
0x148: {  	v14, _, _ =	vpop (xrf0)  }
0x149: {  	v15 =	vor.u32 s20, v15;
	v14 =	vbroadcast v14, $0xF  }
0x14a: {  	v15 =	vsel vm0, v15, v16  }
0x14b: {  	v15 =	vxor.u32 $0x80000000, v15;
	vm15 =	veq.f32 v17, v14  }
0x14c: {  	v15 =	vnsel vm15, $0xFFFFFFFF, v15  }
0x14d: {  	(xrf0) =	vmin.scan.msk.u32 $0xffff, v15;
	_ =	sdelay $0x5  }
0x14e: {  	v15, _, _ =	vpop (xrf0)  }
0x14f: {  	(v2sf) =	vpush v15, $0xF;
	_ =	sdelay $0xe  }
0x150: {  	s29 =	spop (v2sf)  }
0x151: {  	s20 =	sxor.u32 $0x80000000, s29  }
0x152: {  	s21 =	ssub.s32 s20, s6  }
0x153: {  	v16 =	vmov s21;
	_ =	sdelay $0x3  }
0x154: {  	s30 =	simm.s32 $0x0;
	v15 =	vimm.f32 $-Inf  }
0x155: {  	s31 =	simm.s32 $0x0;
	[tilespmem:v16+s30+$0x0] =	vst.idx.msk $0x1, v15  }
0x156: {  	v18 =	vld [tilespmem:s31+$0x0];
	_ =	sdelay $0x3  }
0x157: {  	s22 =	simm.s32 $0x40;
	v17 =	vmov v0;
	s21 =	smov.u32 s6;
	v16 =	vlaneseq.u32  }
.LBB2_29:
0x158: {  	s23 =	sshra.s32 s22, $0x2;
	p0 =	sne.s32 s22, $0x3FC0;
	s22 =	sadd.s32 $0x40, s22;
	v19 =	vor.u32 s21, v16;
	vm0 =	vgt.f32 v18, v15  }
.Ltmp14:
0x159: {  	v15 =	vsel vm0, v18, v15;
	v18 =	vld [tilespmem:s23+$0x0];
	v17 =	vsel vm0, v19, v17;
	(pc) =	sbr.rel @p0 .LBB2_29-.Ltmp14, $2  }
0x15a: {  	_ =	sdelay $0x2  }
0x15b: {  	s21 =	sadd.s32 $0x10, s21  }
0x15c: {  	vm0 =	vgt.f32 v18, v15  }
0x15d: {  	v18 =	vsel vm0, v18, v15  }
0x15e: {  	(xrf0) =	vmax.scan.msk.f32 $0xffff, v18;
	_ =	sdelay $0x5  }
0x15f: {  	v15, _, _ =	vpop (xrf0)  }
0x160: {  	v16 =	vor.u32 s21, v16;
	v15 =	vbroadcast v15, $0xF  }
0x161: {  	v16 =	vsel vm0, v16, v17  }
0x162: {  	v16 =	vxor.u32 $0x80000000, v16;
	vm15 =	veq.f32 v18, v15  }
0x163: {  	v16 =	vnsel vm15, $0xFFFFFFFF, v16  }
0x164: {  	(xrf0) =	vmin.scan.msk.u32 $0xffff, v16;
	_ =	sdelay $0x5  }
0x165: {  	v16, _, _ =	vpop (xrf0)  }
0x166: {  	(v2sf) =	vpush v16, $0xF;
	_ =	sdelay $0xe  }
0x167: {  	s29 =	spop (v2sf)  }
0x168: {  	s21 =	sxor.u32 $0x80000000, s29  }
0x169: {  	s22 =	ssub.s32 s21, s6  }
0x16a: {  	v17 =	vmov s22;
	_ =	sdelay $0x3  }
0x16b: {  	s30 =	simm.s32 $0x0;
	v16 =	vimm.f32 $-Inf  }
0x16c: {  	s31 =	simm.s32 $0x0;
	[tilespmem:v17+s30+$0x0] =	vst.idx.msk $0x1, v16  }
0x16d: {  	v19 =	vld [tilespmem:s31+$0x0];
	_ =	sdelay $0x3  }
0x16e: {  	s23 =	simm.s32 $0x40;
	v18 =	vmov v0;
	s22 =	smov.u32 s6;
	v17 =	vlaneseq.u32  }
.LBB2_31:
0x16f: {  	s24 =	sshra.s32 s23, $0x2;
	p0 =	sne.s32 s23, $0x3FC0;
	s23 =	sadd.s32 $0x40, s23;
	v20 =	vor.u32 s22, v17;
	vm0 =	vgt.f32 v19, v16  }
.Ltmp15:
0x170: {  	v16 =	vsel vm0, v19, v16;
	v19 =	vld [tilespmem:s24+$0x0];
	v18 =	vsel vm0, v20, v18;
	(pc) =	sbr.rel @p0 .LBB2_31-.Ltmp15, $2  }
0x171: {  	_ =	sdelay $0x2  }
0x172: {  	s22 =	sadd.s32 $0x10, s22  }
0x173: {  	vm0 =	vgt.f32 v19, v16  }
0x174: {  	v19 =	vsel vm0, v19, v16  }
0x175: {  	(xrf0) =	vmax.scan.msk.f32 $0xffff, v19;
	_ =	sdelay $0x5  }
0x176: {  	v16, _, _ =	vpop (xrf0)  }
0x177: {  	v17 =	vor.u32 s22, v17;
	v20 =	vbroadcast v16, $0xF  }
0x178: {  	v17 =	vsel vm0, v17, v18  }
0x179: {  	v17 =	vxor.u32 $0x80000000, v17;
	vm15 =	veq.f32 v19, v20  }
0x17a: {  	v17 =	vnsel vm15, $0xFFFFFFFF, v17  }
0x17b: {  	(xrf0) =	vmin.scan.msk.u32 $0xffff, v17;
	_ =	sdelay $0x5  }
0x17c: {  	v17, _, _ =	vpop (xrf0)  }
0x17d: {  	(v2sf) =	vpush v17, $0xF;
	_ =	sdelay $0xe  }
0x17e: {  	s29 =	spop (v2sf)  }
0x17f: {  	s23 =	sxor.u32 $0x80000000, s29  }
0x180: {  	s22 =	ssub.s32 s23, s6  }
0x181: {  	v18 =	vmov s22;
	_ =	sdelay $0x3  }
0x182: {  	s30 =	simm.s32 $0x0;
	v17 =	vimm.f32 $-Inf  }
0x183: {  	s31 =	simm.s32 $0x0;
	[tilespmem:v18+s30+$0x0] =	vst.idx.msk $0x1, v17  }
0x184: {  	v20 =	vld [tilespmem:s31+$0x0];
	_ =	sdelay $0x3  }
0x185: {  	s24 =	simm.s32 $0x40;
	v19 =	vmov v0;
	s22 =	smov.u32 s6;
	v18 =	vlaneseq.u32  }
.LBB2_33:
0x186: {  	s25 =	sshra.s32 s24, $0x2;
	p0 =	sne.s32 s24, $0x3FC0;
	s24 =	sadd.s32 $0x40, s24;
	v21 =	vor.u32 s22, v18;
	vm0 =	vgt.f32 v20, v17  }
.Ltmp16:
0x187: {  	v17 =	vsel vm0, v20, v17;
	v20 =	vld [tilespmem:s25+$0x0];
	v19 =	vsel vm0, v21, v19;
	(pc) =	sbr.rel @p0 .LBB2_33-.Ltmp16, $2  }
0x188: {  	_ =	sdelay $0x2  }
0x189: {  	s22 =	sadd.s32 $0x10, s22  }
0x18a: {  	vm0 =	vgt.f32 v20, v17  }
0x18b: {  	v20 =	vsel vm0, v20, v17  }
0x18c: {  	(xrf0) =	vmax.scan.msk.f32 $0xffff, v20;
	_ =	sdelay $0x5  }
0x18d: {  	v17, _, _ =	vpop (xrf0)  }
0x18e: {  	v18 =	vor.u32 s22, v18;
	v17 =	vbroadcast v17, $0xF  }
0x18f: {  	v18 =	vsel vm0, v18, v19  }
0x190: {  	v18 =	vxor.u32 $0x80000000, v18;
	vm15 =	veq.f32 v20, v17  }
0x191: {  	v18 =	vnsel vm15, $0xFFFFFFFF, v18  }
0x192: {  	(xrf0) =	vmin.scan.msk.u32 $0xffff, v18;
	_ =	sdelay $0x5  }
0x193: {  	v18, _, _ =	vpop (xrf0)  }
0x194: {  	(v2sf) =	vpush v18, $0xF;
	_ =	sdelay $0xe  }
0x195: {  	s29 =	spop (v2sf)  }
0x196: {  	s22 =	sxor.u32 $0x80000000, s29  }
0x197: {  	s24 =	ssub.s32 s22, s6  }
0x198: {  	v19 =	vmov s24;
	_ =	sdelay $0x3  }
0x199: {  	s30 =	simm.s32 $0x0;
	v18 =	vimm.f32 $-Inf  }
0x19a: {  	s31 =	simm.s32 $0x0;
	[tilespmem:v19+s30+$0x0] =	vst.idx.msk $0x1, v18  }
0x19b: {  	v21 =	vld [tilespmem:s31+$0x0];
	_ =	sdelay $0x3  }
0x19c: {  	s25 =	simm.s32 $0x40;
	v20 =	vmov v0;
	s24 =	smov.u32 s6;
	v19 =	vlaneseq.u32  }
.LBB2_35:
0x19d: {  	s26 =	sshra.s32 s25, $0x2;
	p0 =	sne.s32 s25, $0x3FC0;
	s25 =	sadd.s32 $0x40, s25;
	v22 =	vor.u32 s24, v19;
	vm0 =	vgt.f32 v21, v18  }
.Ltmp17:
0x19e: {  	v18 =	vsel vm0, v21, v18;
	v21 =	vld [tilespmem:s26+$0x0];
	v20 =	vsel vm0, v22, v20;
	(pc) =	sbr.rel @p0 .LBB2_35-.Ltmp17, $2  }
0x19f: {  	_ =	sdelay $0x2  }
0x1a0: {  	s24 =	sadd.s32 $0x10, s24  }
0x1a1: {  	vm0 =	vgt.f32 v21, v18  }
0x1a2: {  	v21 =	vsel vm0, v21, v18  }
0x1a3: {  	(xrf0) =	vmax.scan.msk.f32 $0xffff, v21;
	_ =	sdelay $0x5  }
0x1a4: {  	v18, _, _ =	vpop (xrf0)  }
0x1a5: {  	v19 =	vor.u32 s24, v19;
	v18 =	vbroadcast v18, $0xF  }
0x1a6: {  	v19 =	vsel vm0, v19, v20  }
0x1a7: {  	v19 =	vxor.u32 $0x80000000, v19;
	vm15 =	veq.f32 v21, v18  }
0x1a8: {  	v19 =	vnsel vm15, $0xFFFFFFFF, v19  }
0x1a9: {  	(xrf0) =	vmin.scan.msk.u32 $0xffff, v19;
	_ =	sdelay $0x5  }
0x1aa: {  	v19, _, _ =	vpop (xrf0)  }
0x1ab: {  	(v2sf) =	vpush v19, $0xF;
	_ =	sdelay $0xe  }
0x1ac: {  	s29 =	spop (v2sf)  }
0x1ad: {  	s24 =	sxor.u32 $0x80000000, s29  }
0x1ae: {  	s25 =	ssub.s32 s24, s6  }
0x1af: {  	v20 =	vmov s25;
	_ =	sdelay $0x3  }
0x1b0: {  	s30 =	simm.s32 $0x0;
	v19 =	vimm.f32 $-Inf  }
0x1b1: {  	s31 =	simm.s32 $0x0;
	[tilespmem:v20+s30+$0x0] =	vst.idx.msk $0x1, v19  }
0x1b2: {  	v22 =	vld [tilespmem:s31+$0x0];
	_ =	sdelay $0x3  }
0x1b3: {  	s26 =	simm.s32 $0x40;
	v21 =	vmov v0;
	s25 =	smov.u32 s6;
	v20 =	vlaneseq.u32  }
.LBB2_37:
0x1b4: {  	s28 =	sshra.s32 s26, $0x2;
	p0 =	sne.s32 s26, $0x3FC0;
	s26 =	sadd.s32 $0x40, s26;
	v23 =	vor.u32 s25, v20;
	vm0 =	vgt.f32 v22, v19  }
.Ltmp18:
0x1b5: {  	v19 =	vsel vm0, v22, v19;
	v22 =	vld [tilespmem:s28+$0x0];
	v21 =	vsel vm0, v23, v21;
	(pc) =	sbr.rel @p0 .LBB2_37-.Ltmp18, $2  }
0x1b6: {  	_ =	sdelay $0x2  }
0x1b7: {  	s25 =	sadd.s32 $0x10, s25  }
0x1b8: {  	vm0 =	vgt.f32 v22, v19  }
0x1b9: {  	v22 =	vsel vm0, v22, v19  }
0x1ba: {  	(xrf0) =	vmax.scan.msk.f32 $0xffff, v22;
	_ =	sdelay $0x5  }
0x1bb: {  	v19, _, _ =	vpop (xrf0)  }
0x1bc: {  	v20 =	vor.u32 s25, v20;
	v19 =	vbroadcast v19, $0xF  }
0x1bd: {  	v20 =	vsel vm0, v20, v21  }
0x1be: {  	v20 =	vxor.u32 $0x80000000, v20;
	vm15 =	veq.f32 v22, v19  }
0x1bf: {  	v20 =	vnsel vm15, $0xFFFFFFFF, v20  }
0x1c0: {  	(xrf0) =	vmin.scan.msk.u32 $0xffff, v20;
	_ =	sdelay $0x5  }
0x1c1: {  	v20, _, _ =	vpop (xrf0)  }
0x1c2: {  	(v2sf) =	vpush v20, $0xF;
	_ =	sdelay $0xe  }
0x1c3: {  	s29 =	spop (v2sf)  }
0x1c4: {  	s25 =	sxor.u32 $0x80000000, s29  }
0x1c5: {  	s26 =	ssub.s32 s25, s6  }
0x1c6: {  	v21 =	vmov s26;
	_ =	sdelay $0x3  }
0x1c7: {  	s30 =	simm.s32 $0x0;
	v20 =	vimm.f32 $-Inf  }
0x1c8: {  	s31 =	simm.s32 $0x0;
	[tilespmem:v21+s30+$0x0] =	vst.idx.msk $0x1, v20  }
0x1c9: {  	v23 =	vld [tilespmem:s31+$0x0];
	_ =	sdelay $0x3  }
0x1ca: {  	s28 =	simm.s32 $0x40;
	v22 =	vmov v0;
	s26 =	smov.u32 s6;
	v21 =	vlaneseq.u32  }
.LBB2_39:
0x1cb: {  	s29 =	sshra.s32 s28, $0x2;
	p0 =	sne.s32 s28, $0x3FC0;
	s28 =	sadd.s32 $0x40, s28;
	v24 =	vor.u32 s26, v21;
	vm0 =	vgt.f32 v23, v20  }
.Ltmp19:
0x1cc: {  	v20 =	vsel vm0, v23, v20;
	v23 =	vld [tilespmem:s29+$0x0];
	v22 =	vsel vm0, v24, v22;
	(pc) =	sbr.rel @p0 .LBB2_39-.Ltmp19, $2  }
0x1cd: {  	_ =	sdelay $0x2  }
0x1ce: {  	s26 =	sadd.s32 $0x10, s26  }
0x1cf: {  	vm0 =	vgt.f32 v23, v20  }
0x1d0: {  	v20 =	vsel vm0, v23, v20  }
0x1d1: {  	(xrf0) =	vmax.scan.msk.f32 $0xffff, v20;
	_ =	sdelay $0x5  }
0x1d2: {  	v49, _, _ =	vpop (xrf0)  }
0x1d3: {  	v21 =	vor.u32 s26, v21;
	v23 =	vbroadcast v49, $0xF  }
0x1d4: {  	v21 =	vsel vm0, v21, v22  }
0x1d5: {  	v50 =	vxor.u32 $0x80000000, v21;
	vm0 =	veq.f32 v20, v23  }
0x1d6: {  	v20 =	vnsel vm0, $0xFFFFFFFF, v50  }
0x1d7: {  	(xrf0) =	vmin.scan.msk.u32 $0xffff, v20;
	_ =	sdelay $0x3  }
0x1d8: {  	v51 =	vmov s23;
	vm1 =	vmmov $0x1;
	vm2 =	vmmov $0x3  }
0x1d9: {  	vm3 =	vmmov $0x7;
	vm4 =	vmmov $0x1f;
	vm5 =	vcmask $0x2724  }
0x1da: {  	vm6 =	vmmov $0x7f;
	vm7 =	vcmask $0x2B28;
	vm0 =	vcmask $0x300;
	v52, _, _ =	vpop (xrf0)  }
0x1db: {  	v20 =	vsel vm0, s7, v51;
	vm0 =	vcmask $0x704;
	(v2sf) =	vpush v52, $0xF  }
0x1dc: {  	vm8 =	vmmov $0x1ff;
	v20 =	vsel vm0, s8, v20;
	vm0 =	vcmask $0xB08  }
0x1dd: {  	vm9 =	vcmask $0x2F2C;
	v20 =	vsel vm0, s9, v20;
	vm0 =	vcmask $0xF0C  }
0x1de: {  	vm10 =	vmmov $0x7ff;
	v20 =	vsel vm0, s10, v20;
	vm0 =	vcmask $0x1310  }
0x1df: {  	vm11 =	vcmask $0x3330;
	v20 =	vsel vm0, s11, v20;
	vm0 =	vcmask $0x1714  }
0x1e0: {  	vm12 =	vcmask $0x3734;
	v20 =	vsel vm0, s12, v20;
	vm0 =	vcmask $0x1B18  }
0x1e1: {  	v1 =	vsel vm1, v1, v2;
	v20 =	vsel vm0, s13, v20;
	vm0 =	vcmask $0x1F1C  }
0x1e2: {  	v1 =	vsel vm2, v1, v3;
	v20 =	vsel vm0, s14, v20;
	vm0 =	vcmask $0x2320  }
0x1e3: {  	v1 =	vsel vm3, v1, v4;
	v2 =	vsel vm0, s15, v20;
	vm0 =	vmmov $0xf  }
0x1e4: {  	vm13 =	vmmov $0x3fff;
	vm14 =	vmmov $0x7fff;
	v1 =	vsel vm0, v1, v5  }
0x1e5: {  	v2 =	vsel vm5, s16, v2;
	vm5 =	vmmov $0x3f;
	v1 =	vsel vm4, v1, v6  }
0x1e6: {  	v54 =	vnsel vm1, $0xFF800000, v17;
	v2 =	vsel vm7, s17, v2;
	v1 =	vsel vm5, v1, v7  }
0x1e7: {  	vm7 =	vmmov $0xff;
	v2 =	vsel vm9, s18, v2;
	v1 =	vsel vm6, v1, v8  }
0x1e8: {  	vm9 =	vmmov $0x3ff;
	v2 =	vsel vm11, s19, v2;
	v1 =	vsel vm7, v1, v9  }
0x1e9: {  	v2 =	vsel vm12, s20, v2;
	vm12 =	vcmask $0x3B38;
	v1 =	vsel vm8, v1, v10  }
0x1ea: {  	vm11 =	vmmov $0xfff;
	v3 =	vsel vm12, s21, v2;
	v1 =	vsel vm9, v1, v11;
	s20 =	spop (v2sf)  }
0x1eb: {  	vm12 =	vmmov $0x1fff;
	v57 =	vsub.s32 v3, v0;
	v1 =	vsel vm10, v1, v12;
	s7 =	sxor.u32 $0x80000000, s20  }
0x1ec: {  	v58 =	vand.u32 $0x7F, v3;
	v8 =	vshll.u32 v57, $0x2;
	v1 =	vsel vm11, v1, v13;
	s6 =	ssub.s32 s7, s6  }
0x1ed: {  	v2 =	vsel vm12, v1, v14;
	v1 =	vlaneseq.u32;
	v53 =	vmov s6  }
0x1ee: {  	v8 =	vand.u32 $0xFFFFFE00, v8;
	v2 =	vsel vm13, v2, v15;
	vm15 =	veq.s32 v1, $0x0  }
0x1ef: {  	vm1 =	veq.s32 v1, $0x1;
	v55 =	vsel vm14, v2, v16;
	v2 =	vsel vm15, s22, v0  }
0x1f0: {  	v59 =	vor.u32 v58, v8;
	v56 =	vsel vm1, s24, v2;
	vm1 =	vcmask $0x310  }
0x1f1: {  	v2 =	vimm.f32 $-Inf;
	v5 =	vsel vm1, v54, v18;
	vm1 =	vcmask $0x710;
	s6 =	simm.s32 $0x0  }
0x1f2: {  	vm15 =	vcmask $0xB10;
	v5 =	vsel vm1, v5, v19;
	vm1 =	veq.s32 v1, $0x2;
	[tilespmem:v53+s6+$0x0] =	vst.idx.msk $0x1, v2  }
0x1f3: {  	v7 =	vsel vm1, s25, v56;
	v5 =	vsel vm15, v5, v23;
	vm1 =	veq.s32 v1, $0x3;
	[tilespmem:$0x5000] =	vst v55  }
0x1f4: {  	v60 =	vsel vm1, s7, v7;
	[tilespmem:$0x5010] =	vst v5  }
0x1f5: {  	v0 =	vsub.s32 v60, v0;
	[tilespmem:$0x5080] =	vst v3  }
0x1f6: {  	s21 =	simm.s32 $0x1000;
	v0 =	vshll.u32 v0, $0x2;
	[tilespmem:$0x5090] =	vst v60  }
0x1f7: {  	v61 =	vand.u32 $0x7F, v60;
	v0 =	vand.u32 $0xFFFFFE00, v0;
	v3 =	vld.idx.msk [tilespmem:v59+s21+$0x0], $0xffff  }
0x1f8: {  	v0 =	vor.u32 v61, v0;
	_ =	sdelay $0x3  }
0x1f9: {  	[tilespmem:$0x5100] =	vst v3  }
0x1fa: {  	v3 =	vld.idx.msk [tilespmem:v0+s21+$0x0], $0xffff  }
0x1fb: {  	v62 =	vor.u32 $0x80, v59;
	_ =	sdelay $0x3  }
0x1fc: {  	[tilespmem:$0x5110] =	vst v3  }
0x1fd: {  	v3 =	vld.idx.msk [tilespmem:v62+s21+$0x0], $0xffff  }
0x1fe: {  	v63 =	vor.u32 $0x80, v0;
	_ =	sdelay $0x3  }
0x1ff: {  	[tilespmem:$0x5120] =	vst v3  }
0x200: {  	v3 =	vld.idx.msk [tilespmem:v63+s21+$0x0], $0xffff  }
0x201: {  	v4 =	vor.u32 $0x100, v59;
	_ =	sdelay $0x3  }
0x202: {  	[tilespmem:$0x5130] =	vst v3  }
0x203: {  	v3 =	vld.idx.msk [tilespmem:v4+s21+$0x0], $0xffff  }
0x204: {  	v0 =	vor.u32 $0x100, v0;
	_ =	sdelay $0x3  }
0x205: {  	[tilespmem:$0x5140] =	vst v3  }
0x206: {  	v0 =	vld.idx.msk [tilespmem:v0+s21+$0x0], $0xffff;
	_ =	sdelay $0x3  }
0x207: {  	s22 =	sshll.u32 s5, $0x5  }
0x208: {  	s23 =	sadd.s32 s22, s4;
	s24 =	simm.s32 $0x5000;
	s7 =	simm.s32 $0x1;
	[tilespmem:$0x5150] =	vst v0  }
0x209: {  	[spmem:s23] =	stream.linear.scatter [tilespmem:s24], [sflag:$0x1], $0x20, $0x38;
	[tilespmem:$0x5CA0] =	vst v63  }
0x20a: {  	_ =	swait.ge [sflag:s7], $0x20  }
0x20b: {  	[sflag:s7] =	ssyncset.done $0x0  }
0x20c: {  	s26 =	simm.s32 $0x5080;
	s25 =	sadd.s32 s22, s3;
	[sflag:s7] =	ssyncadd.s32 $0xFFFFFFE0  }
0x20d: {  	[spmem:s25] =	stream.linear.scatter [tilespmem:s26], [sflag:$0x1], $0x20, $0x38;
	[tilespmem:$0x5CA0] =	vst v63  }
0x20e: {  	_ =	swait.ge [sflag:s7], $0x20  }
0x20f: {  	[sflag:s7] =	ssyncset.done $0x0  }
0x210: {  	s28 =	simm.s32 $0x5100;
	s8 =	sadd.s32 s22, s2;
	[sflag:s7] =	ssyncadd.s32 $0xFFFFFFE0  }
0x211: {  	[spmem:s8] =	stream.linear.scatter [tilespmem:s28], [sflag:$0x1], $0x20, $0x38;
	[tilespmem:$0x5CA0] =	vst v63  }
0x212: {  	_ =	swait.ge [sflag:s7], $0x20  }
0x213: {  	[sflag:s7] =	ssyncset.done $0x0  }
0x214: {  	s30 =	simm.s32 $0x5120;
	s29 =	sadd.s32 $0x200, s8;
	[sflag:s7] =	ssyncadd.s32 $0xFFFFFFE0  }
0x215: {  	[spmem:s29] =	stream.linear.scatter [tilespmem:s30], [sflag:$0x1], $0x20, $0x38;
	[tilespmem:$0x5CA0] =	vst v63  }
0x216: {  	_ =	swait.ge [sflag:s7], $0x20  }
0x217: {  	[sflag:s7] =	ssyncset.done $0x0  }
0x218: {  	s31 =	simm.s32 $0x5140;
	s8 =	sadd.s32 $0x400, s8;
	[sflag:s7] =	ssyncadd.s32 $0xFFFFFFE0  }
0x219: {  	[spmem:s8] =	stream.linear.scatter [tilespmem:s31], [sflag:$0x1], $0x20, $0x38;
	[tilespmem:$0x5CA0] =	vst v63  }
0x21a: {  	_ =	swait.ge [sflag:s7], $0x20  }
0x21b: {  	[sflag:s7] =	ssyncset.done $0x0  }
0x21c: {  	[sflag:s7] =	ssyncadd.s32 $0xFFFFFFE0  }
0x21d: {  	p0 =	sne.s32 s5, $0x0;
	[bflag:$0x0] =	sbarrier.arrive $0xFFFF  }
0x21e: {  	_ =	sfence.sel @p0 $0x180000  }
0x21f: {  	[bflag:$0x0] =	sbarrier.arrive @p0 $0xFFFF  }
0x220: {  	_ =	strace @p0 $0x90000047  }
0x221: {  	[bflag:$0x2] =	sbarrier.arrive @p0 $0xFFFF  }
0x222: {  	_ =	shalt @p0  }
.LBB2_41:
0x223: {  	v0 =	vimm.s32 $0x0;
	s5 =	simm.s32 $0x5220  }
0x224: {  	v0 =	vsel vm2, $0xFFFFFFFF, v0;
	[tilespmem:s5], [sflag:$0x1] =	stream.linear.gather [spmem:s4], $0x200, $0x38;
	[tilespmem:$0x5CA0] =	vst v63  }
0x225: {  	[tilespmem:$0x1FFF0] =	vst v0  }
0x226: {  	_ =	swait.ge [sflag:s7], $0x200  }
0x227: {  	[sflag:s7] =	ssyncset.done $0x0  }
0x228: {  	s4 =	simm.s32 $0x5420;
	[sflag:s7] =	ssyncadd.s32 $0xFFFFFE00  }
0x229: {  	[tilespmem:s4], [sflag:$0x1] =	stream.linear.gather [spmem:s3], $0x200, $0x38;
	[tilespmem:$0x5CA0] =	vst v63  }
0x22a: {  	_ =	swait.ge [sflag:s7], $0x200  }
0x22b: {  	[sflag:s7] =	ssyncset.done $0x0  }
0x22c: {  	s31 =	simm.s32 $0x5620;
	[sflag:s7] =	ssyncadd.s32 $0xFFFFFE00  }
0x22d: {  	[tilespmem:s31], [sflag:$0x1] =	stream.linear.gather [spmem:s2], $0x600, $0x38;
	[tilespmem:$0x5CA0] =	vst v63  }
0x22e: {  	_ =	swait.ge [sflag:s7], $0x600  }
0x22f: {  	[sflag:s7] =	ssyncset.done $0x0  }
0x230: {  	[sflag:s7] =	ssyncadd.s32 $0xFFFFFA00  }
0x231: {  	v5 =	vld [tilespmem:s5+$0x0]  }
0x232: {  	v4 =	vld [tilespmem:s4+$0x0];
	_ =	sdelay $0x3  }
0x233: {  	v3 =	vimm.s32 $0x7FFFFFFF;
	v0 =	vimm.s32 $0x0;
	s3 =	simm.s32 $0x5230;
	s2 =	simm.s32 $0x10  }
.LBB2_42:
0x234: {  	v6 =	vld [tilespmem:s3+$0x0];
	vm1 =	veq.f32 v5, v2;
	vm15 =	vlt.s32 v4, v3;
	s4 =	sadd.s32 $0x10, s4;
	v7 =	vmov v4;
	s5 =	smov.u32 s2;
	p0 =	sne.s32 s2, $0x1F0  }
.Ltmp20:
0x235: {  	s2 =	sadd.s32 $0x10, s2;
	vm2 =	vgt.f32 v5, v2;
	v4 =	vld [tilespmem:s4+$0x0];
	vm1 =	vmand vm1, vm15;
	(pc) =	sbr.rel @p0 .LBB2_42-.Ltmp20, $3  }
0x236: {  	v8 =	vor.u32 s6, v1;
	s6 =	smov.u32 s5;
	vm1 =	vmor vm2, vm1  }
0x237: {  	v2 =	vsel vm1, v5, v2;
	v3 =	vsel vm1, v7, v3;
	v0 =	vsel vm1, v8, v0;
	_ =	sdelay $0x1  }
0x238: {  	s3 =	sadd.s32 $0x10, s3;
	v5 =	vmov v6  }
0x239: {  	vm1 =	veq.f32 v5, v2;
	vm2 =	vlt.s32 v4, v3  }
0x23a: {  	vm15 =	vgt.f32 v5, v2;
	vm1 =	vmand vm1, vm2  }
0x23b: {  	vm1 =	vmor vm15, vm1  }
0x23c: {  	v2 =	vsel vm1, v5, v2  }
0x23d: {  	(xrf0) =	vmax.scan.msk.f32 $0xffff, v2;
	_ =	sdelay $0x5  }
0x23e: {  	v5, _, _ =	vpop (xrf0)  }
0x23f: {  	v5 =	vbroadcast v5, $0xF  }
0x240: {  	v3 =	vsel vm1, v4, v3  }
0x241: {  	vm2 =	veq.f32 v2, v5;
	v2 =	vxor.u32 $0x80000000, v3  }
0x242: {  	v2 =	vnsel vm2, $0xFFFFFFFF, v2  }
0x243: {  	(xrf0) =	vmin.scan.msk.u32 $0xffff, v2;
	_ =	sdelay $0x5  }
0x244: {  	v2, _, _ =	vpop (xrf0)  }
0x245: {  	(v2sf) =	vpush v2, $0xF;
	_ =	sdelay $0xe  }
0x246: {  	s2 =	spop (v2sf)  }
0x247: {  	v1 =	vor.u32 s6, v1;
	s2 =	sxor.u32 $0x80000000, s2  }
0x248: {  	v0 =	vsel vm1, v1, v0;
	vm1 =	veq.s32 v3, s2  }
0x249: {  	v0 =	vxor.u32 $0x80000000, v0;
	vm1 =	vmand vm2, vm1  }
0x24a: {  	v0 =	vnsel vm1, $0xFFFFFFFF, v0  }
0x24b: {  	(xrf0) =	vmin.scan.msk.u32 $0xffff, v0;
	_ =	sdelay $0x5  }
0x24c: {  	v0, _, _ =	vpop (xrf0)  }
0x24d: {  	(v2sf) =	vpush v0, $0xF;
	_ =	sdelay $0xe  }
0x24e: {  	s31 =	spop (v2sf)  }
0x24f: {  	s2 =	sxor.u32 $0x80000000, s31  }
0x250: {  	v0 =	vmov s2;
	_ =	sdelay $0x3  }
0x251: {  	s3 =	simm.s32 $0x5220;
	v2 =	vimm.f32 $-Inf  }
0x252: {  	[tilespmem:v0+s3+$0x0] =	vst.idx.msk $0x1, v2  }
0x253: {  	s4 =	simm.s32 $0x5420;
	v5 =	vld [tilespmem:s3+$0x0]  }
0x254: {  	v4 =	vld [tilespmem:s4+$0x0];
	_ =	sdelay $0x3  }
0x255: {  	s5 =	simm.s32 $0x10;
	s6 =	simm.s32 $0x5230;
	v1 =	vlaneseq.u32;
	v3 =	vimm.s32 $0x7FFFFFFF;
	v0 =	vimm.s32 $0x0;
	s3 =	simm.s32 $0x0  }
.LBB2_44:
0x256: {  	v6 =	vld [tilespmem:s6+$0x0];
	vm1 =	veq.f32 v5, v2;
	vm2 =	vlt.s32 v4, v3;
	s4 =	sadd.s32 $0x10, s4;
	v7 =	vmov v4;
	s7 =	smov.u32 s5;
	p0 =	sne.s32 s5, $0x1F0  }
.Ltmp21:
0x257: {  	s5 =	sadd.s32 $0x10, s5;
	vm15 =	vgt.f32 v5, v2;
	v4 =	vld [tilespmem:s4+$0x0];
	vm1 =	vmand vm1, vm2;
	(pc) =	sbr.rel @p0 .LBB2_44-.Ltmp21, $3  }
0x258: {  	v8 =	vor.u32 s3, v1;
	s3 =	smov.u32 s7;
	vm1 =	vmor vm15, vm1  }
0x259: {  	v2 =	vsel vm1, v5, v2;
	v3 =	vsel vm1, v7, v3;
	v0 =	vsel vm1, v8, v0;
	_ =	sdelay $0x1  }
0x25a: {  	s6 =	sadd.s32 $0x10, s6;
	v5 =	vmov v6  }
0x25b: {  	vm1 =	veq.f32 v5, v2;
	vm2 =	vlt.s32 v4, v3  }
0x25c: {  	vm15 =	vgt.f32 v5, v2;
	vm1 =	vmand vm1, vm2  }
0x25d: {  	vm1 =	vmor vm15, vm1  }
0x25e: {  	v2 =	vsel vm1, v5, v2  }
0x25f: {  	(xrf0) =	vmax.scan.msk.f32 $0xffff, v2;
	_ =	sdelay $0x5  }
0x260: {  	v5, _, _ =	vpop (xrf0)  }
0x261: {  	v5 =	vbroadcast v5, $0xF  }
0x262: {  	v3 =	vsel vm1, v4, v3  }
0x263: {  	vm2 =	veq.f32 v2, v5;
	v2 =	vxor.u32 $0x80000000, v3  }
0x264: {  	v2 =	vnsel vm2, $0xFFFFFFFF, v2  }
0x265: {  	(xrf0) =	vmin.scan.msk.u32 $0xffff, v2;
	_ =	sdelay $0x5  }
0x266: {  	v2, _, _ =	vpop (xrf0)  }
0x267: {  	(v2sf) =	vpush v2, $0xF;
	_ =	sdelay $0xe  }
0x268: {  	s4 =	spop (v2sf)  }
0x269: {  	v1 =	vor.u32 s3, v1;
	s29 =	sxor.u32 $0x80000000, s4  }
0x26a: {  	v0 =	vsel vm1, v1, v0;
	vm1 =	veq.s32 v3, s29  }
0x26b: {  	v0 =	vxor.u32 $0x80000000, v0;
	vm1 =	vmand vm2, vm1  }
0x26c: {  	v0 =	vnsel vm1, $0xFFFFFFFF, v0  }
0x26d: {  	(xrf0) =	vmin.scan.msk.u32 $0xffff, v0;
	_ =	sdelay $0x5  }
0x26e: {  	v0, _, _ =	vpop (xrf0)  }
0x26f: {  	(v2sf) =	vpush v0, $0xF;
	_ =	sdelay $0xe  }
0x270: {  	s30 =	spop (v2sf)  }
0x271: {  	s3 =	sxor.u32 $0x80000000, s30  }
0x272: {  	v0 =	vmov s3;
	_ =	sdelay $0x3  }
0x273: {  	s31 =	simm.s32 $0x5220;
	v3 =	vimm.f32 $-Inf  }
0x274: {  	[tilespmem:v0+s31+$0x0] =	vst.idx.msk $0x1, v3  }
0x275: {  	s4 =	simm.s32 $0x5420;
	v6 =	vld [tilespmem:s31+$0x0]  }
0x276: {  	v5 =	vld [tilespmem:s4+$0x0];
	_ =	sdelay $0x3  }
0x277: {  	s5 =	simm.s32 $0x10;
	s6 =	simm.s32 $0x5230;
	v4 =	vimm.s32 $0x7FFFFFFF;
	v1 =	vimm.s32 $0x0;
	v2 =	vlaneseq.u32;
	s3 =	simm.s32 $0x0  }
.LBB2_46:
0x278: {  	v7 =	vld [tilespmem:s6+$0x0];
	vm1 =	veq.f32 v6, v3;
	vm2 =	vlt.s32 v5, v4;
	s4 =	sadd.s32 $0x10, s4;
	v8 =	vmov v5;
	s7 =	smov.u32 s5;
	p0 =	sne.s32 s5, $0x1F0  }
.Ltmp22:
0x279: {  	s5 =	sadd.s32 $0x10, s5;
	vm15 =	vgt.f32 v6, v3;
	v5 =	vld [tilespmem:s4+$0x0];
	vm1 =	vmand vm1, vm2;
	(pc) =	sbr.rel @p0 .LBB2_46-.Ltmp22, $3  }
0x27a: {  	v9 =	vor.u32 s3, v2;
	s3 =	smov.u32 s7;
	vm1 =	vmor vm15, vm1  }
0x27b: {  	v3 =	vsel vm1, v6, v3;
	v4 =	vsel vm1, v8, v4;
	v1 =	vsel vm1, v9, v1;
	_ =	sdelay $0x1  }
0x27c: {  	s6 =	sadd.s32 $0x10, s6;
	v6 =	vmov v7  }
0x27d: {  	vm1 =	veq.f32 v6, v3;
	vm2 =	vlt.s32 v5, v4  }
0x27e: {  	vm15 =	vgt.f32 v6, v3;
	vm1 =	vmand vm1, vm2  }
0x27f: {  	vm1 =	vmor vm15, vm1  }
0x280: {  	v3 =	vsel vm1, v6, v3  }
0x281: {  	(xrf0) =	vmax.scan.msk.f32 $0xffff, v3;
	_ =	sdelay $0x5  }
0x282: {  	v6, _, _ =	vpop (xrf0)  }
0x283: {  	v6 =	vbroadcast v6, $0xF  }
0x284: {  	v4 =	vsel vm1, v5, v4  }
0x285: {  	vm2 =	veq.f32 v3, v6;
	v3 =	vxor.u32 $0x80000000, v4  }
0x286: {  	v3 =	vnsel vm2, $0xFFFFFFFF, v3  }
0x287: {  	(xrf0) =	vmin.scan.msk.u32 $0xffff, v3;
	_ =	sdelay $0x5  }
0x288: {  	v3, _, _ =	vpop (xrf0)  }
0x289: {  	(v2sf) =	vpush v3, $0xF;
	_ =	sdelay $0xe  }
0x28a: {  	s4 =	spop (v2sf)  }
0x28b: {  	v2 =	vor.u32 s3, v2;
	s29 =	sxor.u32 $0x80000000, s4  }
0x28c: {  	v1 =	vsel vm1, v2, v1;
	vm1 =	veq.s32 v4, s29  }
0x28d: {  	v1 =	vxor.u32 $0x80000000, v1;
	vm1 =	vmand vm2, vm1  }
0x28e: {  	v1 =	vnsel vm1, $0xFFFFFFFF, v1  }
0x28f: {  	(xrf0) =	vmin.scan.msk.u32 $0xffff, v1;
	_ =	sdelay $0x5  }
0x290: {  	v1, _, _ =	vpop (xrf0)  }
0x291: {  	(v2sf) =	vpush v1, $0xF;
	_ =	sdelay $0xe  }
0x292: {  	s30 =	spop (v2sf)  }
0x293: {  	s3 =	sxor.u32 $0x80000000, s30  }
0x294: {  	v1 =	vmov s3;
	_ =	sdelay $0x3  }
0x295: {  	s31 =	simm.s32 $0x5220;
	v4 =	vimm.f32 $-Inf  }
0x296: {  	[tilespmem:v1+s31+$0x0] =	vst.idx.msk $0x1, v4  }
0x297: {  	s4 =	simm.s32 $0x5420;
	v7 =	vld [tilespmem:s31+$0x0]  }
0x298: {  	v6 =	vld [tilespmem:s4+$0x0];
	_ =	sdelay $0x3  }
0x299: {  	s5 =	simm.s32 $0x10;
	s6 =	simm.s32 $0x5230;
	v5 =	vimm.s32 $0x7FFFFFFF;
	v2 =	vimm.s32 $0x0;
	v3 =	vlaneseq.u32;
	s3 =	simm.s32 $0x0  }
.LBB2_48:
0x29a: {  	v8 =	vld [tilespmem:s6+$0x0];
	vm1 =	veq.f32 v7, v4;
	vm2 =	vlt.s32 v6, v5;
	s4 =	sadd.s32 $0x10, s4;
	v9 =	vmov v6;
	s7 =	smov.u32 s5;
	p0 =	sne.s32 s5, $0x1F0  }
.Ltmp23:
0x29b: {  	s5 =	sadd.s32 $0x10, s5;
	vm15 =	vgt.f32 v7, v4;
	v6 =	vld [tilespmem:s4+$0x0];
	vm1 =	vmand vm1, vm2;
	(pc) =	sbr.rel @p0 .LBB2_48-.Ltmp23, $3  }
0x29c: {  	v10 =	vor.u32 s3, v3;
	s3 =	smov.u32 s7;
	vm1 =	vmor vm15, vm1  }
0x29d: {  	v4 =	vsel vm1, v7, v4;
	v5 =	vsel vm1, v9, v5;
	v2 =	vsel vm1, v10, v2;
	_ =	sdelay $0x1  }
0x29e: {  	s6 =	sadd.s32 $0x10, s6;
	v7 =	vmov v8  }
0x29f: {  	vm1 =	veq.f32 v7, v4;
	vm2 =	vlt.s32 v6, v5  }
0x2a0: {  	vm15 =	vgt.f32 v7, v4;
	vm1 =	vmand vm1, vm2  }
0x2a1: {  	vm1 =	vmor vm15, vm1  }
0x2a2: {  	v4 =	vsel vm1, v7, v4  }
0x2a3: {  	(xrf0) =	vmax.scan.msk.f32 $0xffff, v4;
	_ =	sdelay $0x5  }
0x2a4: {  	v7, _, _ =	vpop (xrf0)  }
0x2a5: {  	v7 =	vbroadcast v7, $0xF  }
0x2a6: {  	v5 =	vsel vm1, v6, v5  }
0x2a7: {  	vm2 =	veq.f32 v4, v7;
	v4 =	vxor.u32 $0x80000000, v5  }
0x2a8: {  	v4 =	vnsel vm2, $0xFFFFFFFF, v4  }
0x2a9: {  	(xrf0) =	vmin.scan.msk.u32 $0xffff, v4;
	_ =	sdelay $0x5  }
0x2aa: {  	v4, _, _ =	vpop (xrf0)  }
0x2ab: {  	(v2sf) =	vpush v4, $0xF;
	_ =	sdelay $0xe  }
0x2ac: {  	s4 =	spop (v2sf)  }
0x2ad: {  	v3 =	vor.u32 s3, v3;
	s29 =	sxor.u32 $0x80000000, s4  }
0x2ae: {  	v2 =	vsel vm1, v3, v2;
	vm1 =	veq.s32 v5, s29  }
0x2af: {  	v2 =	vxor.u32 $0x80000000, v2;
	vm1 =	vmand vm2, vm1  }
0x2b0: {  	v2 =	vnsel vm1, $0xFFFFFFFF, v2  }
0x2b1: {  	(xrf0) =	vmin.scan.msk.u32 $0xffff, v2;
	_ =	sdelay $0x5  }
0x2b2: {  	v2, _, _ =	vpop (xrf0)  }
0x2b3: {  	(v2sf) =	vpush v2, $0xF;
	_ =	sdelay $0xe  }
0x2b4: {  	s30 =	spop (v2sf)  }
0x2b5: {  	s3 =	sxor.u32 $0x80000000, s30  }
0x2b6: {  	v2 =	vmov s3;
	_ =	sdelay $0x3  }
0x2b7: {  	s31 =	simm.s32 $0x5220;
	v5 =	vimm.f32 $-Inf  }
0x2b8: {  	[tilespmem:v2+s31+$0x0] =	vst.idx.msk $0x1, v5  }
0x2b9: {  	s4 =	simm.s32 $0x5420;
	v8 =	vld [tilespmem:s31+$0x0]  }
0x2ba: {  	v7 =	vld [tilespmem:s4+$0x0];
	_ =	sdelay $0x3  }
0x2bb: {  	s5 =	simm.s32 $0x10;
	s6 =	simm.s32 $0x5230;
	v6 =	vimm.s32 $0x7FFFFFFF;
	v3 =	vimm.s32 $0x0;
	v4 =	vlaneseq.u32;
	s3 =	simm.s32 $0x0  }
.LBB2_50:
0x2bc: {  	v9 =	vld [tilespmem:s6+$0x0];
	vm1 =	veq.f32 v8, v5;
	vm2 =	vlt.s32 v7, v6;
	s4 =	sadd.s32 $0x10, s4;
	v10 =	vmov v7;
	s7 =	smov.u32 s5;
	p0 =	sne.s32 s5, $0x1F0  }
.Ltmp24:
0x2bd: {  	s5 =	sadd.s32 $0x10, s5;
	vm15 =	vgt.f32 v8, v5;
	v7 =	vld [tilespmem:s4+$0x0];
	vm1 =	vmand vm1, vm2;
	(pc) =	sbr.rel @p0 .LBB2_50-.Ltmp24, $3  }
0x2be: {  	v11 =	vor.u32 s3, v4;
	s3 =	smov.u32 s7;
	vm1 =	vmor vm15, vm1  }
0x2bf: {  	v5 =	vsel vm1, v8, v5;
	v6 =	vsel vm1, v10, v6;
	v3 =	vsel vm1, v11, v3;
	_ =	sdelay $0x1  }
0x2c0: {  	s6 =	sadd.s32 $0x10, s6;
	v8 =	vmov v9  }
0x2c1: {  	vm1 =	veq.f32 v8, v5;
	vm2 =	vlt.s32 v7, v6  }
0x2c2: {  	vm15 =	vgt.f32 v8, v5;
	vm1 =	vmand vm1, vm2  }
0x2c3: {  	vm1 =	vmor vm15, vm1  }
0x2c4: {  	v5 =	vsel vm1, v8, v5  }
0x2c5: {  	(xrf0) =	vmax.scan.msk.f32 $0xffff, v5;
	_ =	sdelay $0x5  }
0x2c6: {  	v8, _, _ =	vpop (xrf0)  }
0x2c7: {  	v8 =	vbroadcast v8, $0xF  }
0x2c8: {  	v6 =	vsel vm1, v7, v6  }
0x2c9: {  	vm2 =	veq.f32 v5, v8;
	v5 =	vxor.u32 $0x80000000, v6  }
0x2ca: {  	v5 =	vnsel vm2, $0xFFFFFFFF, v5  }
0x2cb: {  	(xrf0) =	vmin.scan.msk.u32 $0xffff, v5;
	_ =	sdelay $0x5  }
0x2cc: {  	v5, _, _ =	vpop (xrf0)  }
0x2cd: {  	(v2sf) =	vpush v5, $0xF;
	_ =	sdelay $0xe  }
0x2ce: {  	s4 =	spop (v2sf)  }
0x2cf: {  	v4 =	vor.u32 s3, v4;
	s29 =	sxor.u32 $0x80000000, s4  }
0x2d0: {  	v3 =	vsel vm1, v4, v3;
	vm1 =	veq.s32 v6, s29  }
0x2d1: {  	v3 =	vxor.u32 $0x80000000, v3;
	vm1 =	vmand vm2, vm1  }
0x2d2: {  	v3 =	vnsel vm1, $0xFFFFFFFF, v3  }
0x2d3: {  	(xrf0) =	vmin.scan.msk.u32 $0xffff, v3;
	_ =	sdelay $0x5  }
0x2d4: {  	v3, _, _ =	vpop (xrf0)  }
0x2d5: {  	(v2sf) =	vpush v3, $0xF;
	_ =	sdelay $0xe  }
0x2d6: {  	s30 =	spop (v2sf)  }
0x2d7: {  	s3 =	sxor.u32 $0x80000000, s30  }
0x2d8: {  	v3 =	vmov s3;
	_ =	sdelay $0x3  }
0x2d9: {  	s31 =	simm.s32 $0x5220;
	v6 =	vimm.f32 $-Inf  }
0x2da: {  	[tilespmem:v3+s31+$0x0] =	vst.idx.msk $0x1, v6  }
0x2db: {  	s4 =	simm.s32 $0x5420;
	v9 =	vld [tilespmem:s31+$0x0]  }
0x2dc: {  	v8 =	vld [tilespmem:s4+$0x0];
	_ =	sdelay $0x3  }
0x2dd: {  	s5 =	simm.s32 $0x10;
	s6 =	simm.s32 $0x5230;
	v7 =	vimm.s32 $0x7FFFFFFF;
	v4 =	vimm.s32 $0x0;
	v5 =	vlaneseq.u32;
	s3 =	simm.s32 $0x0  }
.LBB2_52:
0x2de: {  	v10 =	vld [tilespmem:s6+$0x0];
	vm1 =	veq.f32 v9, v6;
	vm2 =	vlt.s32 v8, v7;
	s4 =	sadd.s32 $0x10, s4;
	v11 =	vmov v8;
	s7 =	smov.u32 s5;
	p0 =	sne.s32 s5, $0x1F0  }
.Ltmp25:
0x2df: {  	s5 =	sadd.s32 $0x10, s5;
	vm15 =	vgt.f32 v9, v6;
	v8 =	vld [tilespmem:s4+$0x0];
	vm1 =	vmand vm1, vm2;
	(pc) =	sbr.rel @p0 .LBB2_52-.Ltmp25, $3  }
0x2e0: {  	v12 =	vor.u32 s3, v5;
	s3 =	smov.u32 s7;
	vm1 =	vmor vm15, vm1  }
0x2e1: {  	v6 =	vsel vm1, v9, v6;
	v7 =	vsel vm1, v11, v7;
	v4 =	vsel vm1, v12, v4;
	_ =	sdelay $0x1  }
0x2e2: {  	s6 =	sadd.s32 $0x10, s6;
	v9 =	vmov v10  }
0x2e3: {  	vm1 =	veq.f32 v9, v6;
	vm2 =	vlt.s32 v8, v7  }
0x2e4: {  	vm15 =	vgt.f32 v9, v6;
	vm1 =	vmand vm1, vm2  }
0x2e5: {  	vm1 =	vmor vm15, vm1  }
0x2e6: {  	v6 =	vsel vm1, v9, v6  }
0x2e7: {  	(xrf0) =	vmax.scan.msk.f32 $0xffff, v6;
	_ =	sdelay $0x5  }
0x2e8: {  	v9, _, _ =	vpop (xrf0)  }
0x2e9: {  	v9 =	vbroadcast v9, $0xF  }
0x2ea: {  	v7 =	vsel vm1, v8, v7  }
0x2eb: {  	vm2 =	veq.f32 v6, v9;
	v6 =	vxor.u32 $0x80000000, v7  }
0x2ec: {  	v6 =	vnsel vm2, $0xFFFFFFFF, v6  }
0x2ed: {  	(xrf0) =	vmin.scan.msk.u32 $0xffff, v6;
	_ =	sdelay $0x5  }
0x2ee: {  	v6, _, _ =	vpop (xrf0)  }
0x2ef: {  	(v2sf) =	vpush v6, $0xF;
	_ =	sdelay $0xe  }
0x2f0: {  	s4 =	spop (v2sf)  }
0x2f1: {  	v5 =	vor.u32 s3, v5;
	s29 =	sxor.u32 $0x80000000, s4  }
0x2f2: {  	v4 =	vsel vm1, v5, v4;
	vm1 =	veq.s32 v7, s29  }
0x2f3: {  	v4 =	vxor.u32 $0x80000000, v4;
	vm1 =	vmand vm2, vm1  }
0x2f4: {  	v4 =	vnsel vm1, $0xFFFFFFFF, v4  }
0x2f5: {  	(xrf0) =	vmin.scan.msk.u32 $0xffff, v4;
	_ =	sdelay $0x5  }
0x2f6: {  	v4, _, _ =	vpop (xrf0)  }
0x2f7: {  	(v2sf) =	vpush v4, $0xF;
	_ =	sdelay $0xe  }
0x2f8: {  	s30 =	spop (v2sf)  }
0x2f9: {  	s3 =	sxor.u32 $0x80000000, s30  }
0x2fa: {  	v4 =	vmov s3;
	_ =	sdelay $0x3  }
0x2fb: {  	s31 =	simm.s32 $0x5220;
	v7 =	vimm.f32 $-Inf  }
0x2fc: {  	[tilespmem:v4+s31+$0x0] =	vst.idx.msk $0x1, v7  }
0x2fd: {  	s4 =	simm.s32 $0x5420;
	v10 =	vld [tilespmem:s31+$0x0]  }
0x2fe: {  	v9 =	vld [tilespmem:s4+$0x0];
	_ =	sdelay $0x3  }
0x2ff: {  	s5 =	simm.s32 $0x10;
	s6 =	simm.s32 $0x5230;
	v8 =	vimm.s32 $0x7FFFFFFF;
	v5 =	vimm.s32 $0x0;
	v6 =	vlaneseq.u32;
	s3 =	simm.s32 $0x0  }
.LBB2_54:
0x300: {  	v11 =	vld [tilespmem:s6+$0x0];
	vm1 =	veq.f32 v10, v7;
	vm2 =	vlt.s32 v9, v8;
	s4 =	sadd.s32 $0x10, s4;
	v12 =	vmov v9;
	s7 =	smov.u32 s5;
	p0 =	sne.s32 s5, $0x1F0  }
.Ltmp26:
0x301: {  	s5 =	sadd.s32 $0x10, s5;
	vm15 =	vgt.f32 v10, v7;
	v9 =	vld [tilespmem:s4+$0x0];
	vm1 =	vmand vm1, vm2;
	(pc) =	sbr.rel @p0 .LBB2_54-.Ltmp26, $3  }
0x302: {  	v13 =	vor.u32 s3, v6;
	s3 =	smov.u32 s7;
	vm1 =	vmor vm15, vm1  }
0x303: {  	v7 =	vsel vm1, v10, v7;
	v8 =	vsel vm1, v12, v8;
	v5 =	vsel vm1, v13, v5;
	_ =	sdelay $0x1  }
0x304: {  	s6 =	sadd.s32 $0x10, s6;
	v10 =	vmov v11  }
0x305: {  	vm1 =	veq.f32 v10, v7;
	vm2 =	vlt.s32 v9, v8  }
0x306: {  	vm15 =	vgt.f32 v10, v7;
	vm1 =	vmand vm1, vm2  }
0x307: {  	vm1 =	vmor vm15, vm1  }
0x308: {  	v7 =	vsel vm1, v10, v7  }
0x309: {  	(xrf0) =	vmax.scan.msk.f32 $0xffff, v7;
	_ =	sdelay $0x5  }
0x30a: {  	v10, _, _ =	vpop (xrf0)  }
0x30b: {  	v10 =	vbroadcast v10, $0xF  }
0x30c: {  	v8 =	vsel vm1, v9, v8  }
0x30d: {  	vm2 =	veq.f32 v7, v10;
	v7 =	vxor.u32 $0x80000000, v8  }
0x30e: {  	v7 =	vnsel vm2, $0xFFFFFFFF, v7  }
0x30f: {  	(xrf0) =	vmin.scan.msk.u32 $0xffff, v7;
	_ =	sdelay $0x5  }
0x310: {  	v7, _, _ =	vpop (xrf0)  }
0x311: {  	(v2sf) =	vpush v7, $0xF;
	_ =	sdelay $0xe  }
0x312: {  	s4 =	spop (v2sf)  }
0x313: {  	v6 =	vor.u32 s3, v6;
	s29 =	sxor.u32 $0x80000000, s4  }
0x314: {  	v5 =	vsel vm1, v6, v5;
	vm1 =	veq.s32 v8, s29  }
0x315: {  	v5 =	vxor.u32 $0x80000000, v5;
	vm1 =	vmand vm2, vm1  }
0x316: {  	v5 =	vnsel vm1, $0xFFFFFFFF, v5  }
0x317: {  	(xrf0) =	vmin.scan.msk.u32 $0xffff, v5;
	_ =	sdelay $0x5  }
0x318: {  	v5, _, _ =	vpop (xrf0)  }
0x319: {  	(v2sf) =	vpush v5, $0xF;
	_ =	sdelay $0xe  }
0x31a: {  	s30 =	spop (v2sf)  }
0x31b: {  	s3 =	sxor.u32 $0x80000000, s30  }
0x31c: {  	v5 =	vmov s3;
	_ =	sdelay $0x3  }
0x31d: {  	s31 =	simm.s32 $0x5220;
	v8 =	vimm.f32 $-Inf  }
0x31e: {  	[tilespmem:v5+s31+$0x0] =	vst.idx.msk $0x1, v8  }
0x31f: {  	s4 =	simm.s32 $0x5420;
	v11 =	vld [tilespmem:s31+$0x0]  }
0x320: {  	v10 =	vld [tilespmem:s4+$0x0];
	_ =	sdelay $0x3  }
0x321: {  	s5 =	simm.s32 $0x10;
	s6 =	simm.s32 $0x5230;
	v9 =	vimm.s32 $0x7FFFFFFF;
	v6 =	vimm.s32 $0x0;
	v7 =	vlaneseq.u32;
	s3 =	simm.s32 $0x0  }
.LBB2_56:
0x322: {  	v12 =	vld [tilespmem:s6+$0x0];
	vm1 =	veq.f32 v11, v8;
	vm2 =	vlt.s32 v10, v9;
	s4 =	sadd.s32 $0x10, s4;
	v13 =	vmov v10;
	s7 =	smov.u32 s5;
	p0 =	sne.s32 s5, $0x1F0  }
.Ltmp27:
0x323: {  	s5 =	sadd.s32 $0x10, s5;
	vm15 =	vgt.f32 v11, v8;
	v10 =	vld [tilespmem:s4+$0x0];
	vm1 =	vmand vm1, vm2;
	(pc) =	sbr.rel @p0 .LBB2_56-.Ltmp27, $3  }
0x324: {  	v14 =	vor.u32 s3, v7;
	s3 =	smov.u32 s7;
	vm1 =	vmor vm15, vm1  }
0x325: {  	v8 =	vsel vm1, v11, v8;
	v9 =	vsel vm1, v13, v9;
	v6 =	vsel vm1, v14, v6;
	_ =	sdelay $0x1  }
0x326: {  	s6 =	sadd.s32 $0x10, s6;
	v11 =	vmov v12  }
0x327: {  	vm1 =	veq.f32 v11, v8;
	vm2 =	vlt.s32 v10, v9  }
0x328: {  	vm15 =	vgt.f32 v11, v8;
	vm1 =	vmand vm1, vm2  }
0x329: {  	vm1 =	vmor vm15, vm1  }
0x32a: {  	v8 =	vsel vm1, v11, v8  }
0x32b: {  	(xrf0) =	vmax.scan.msk.f32 $0xffff, v8;
	_ =	sdelay $0x5  }
0x32c: {  	v11, _, _ =	vpop (xrf0)  }
0x32d: {  	v11 =	vbroadcast v11, $0xF  }
0x32e: {  	v9 =	vsel vm1, v10, v9  }
0x32f: {  	vm2 =	veq.f32 v8, v11;
	v8 =	vxor.u32 $0x80000000, v9  }
0x330: {  	v8 =	vnsel vm2, $0xFFFFFFFF, v8  }
0x331: {  	(xrf0) =	vmin.scan.msk.u32 $0xffff, v8;
	_ =	sdelay $0x5  }
0x332: {  	v8, _, _ =	vpop (xrf0)  }
0x333: {  	(v2sf) =	vpush v8, $0xF;
	_ =	sdelay $0xe  }
0x334: {  	s4 =	spop (v2sf)  }
0x335: {  	v7 =	vor.u32 s3, v7;
	s29 =	sxor.u32 $0x80000000, s4  }
0x336: {  	v6 =	vsel vm1, v7, v6;
	vm1 =	veq.s32 v9, s29  }
0x337: {  	v6 =	vxor.u32 $0x80000000, v6;
	vm1 =	vmand vm2, vm1  }
0x338: {  	v6 =	vnsel vm1, $0xFFFFFFFF, v6  }
0x339: {  	(xrf0) =	vmin.scan.msk.u32 $0xffff, v6;
	_ =	sdelay $0x5  }
0x33a: {  	v6, _, _ =	vpop (xrf0)  }
0x33b: {  	(v2sf) =	vpush v6, $0xF;
	_ =	sdelay $0xe  }
0x33c: {  	s30 =	spop (v2sf)  }
0x33d: {  	s3 =	sxor.u32 $0x80000000, s30  }
0x33e: {  	v6 =	vmov s3;
	_ =	sdelay $0x3  }
0x33f: {  	s31 =	simm.s32 $0x5220;
	v9 =	vimm.f32 $-Inf  }
0x340: {  	[tilespmem:v6+s31+$0x0] =	vst.idx.msk $0x1, v9  }
0x341: {  	s4 =	simm.s32 $0x5420;
	v12 =	vld [tilespmem:s31+$0x0]  }
0x342: {  	v11 =	vld [tilespmem:s4+$0x0];
	_ =	sdelay $0x3  }
0x343: {  	s5 =	simm.s32 $0x10;
	s6 =	simm.s32 $0x5230;
	v10 =	vimm.s32 $0x7FFFFFFF;
	v7 =	vimm.s32 $0x0;
	v8 =	vlaneseq.u32;
	s3 =	simm.s32 $0x0  }
.LBB2_58:
0x344: {  	v13 =	vld [tilespmem:s6+$0x0];
	vm1 =	veq.f32 v12, v9;
	vm2 =	vlt.s32 v11, v10;
	s4 =	sadd.s32 $0x10, s4;
	v14 =	vmov v11;
	s7 =	smov.u32 s5;
	p0 =	sne.s32 s5, $0x1F0  }
.Ltmp28:
0x345: {  	s5 =	sadd.s32 $0x10, s5;
	vm15 =	vgt.f32 v12, v9;
	v11 =	vld [tilespmem:s4+$0x0];
	vm1 =	vmand vm1, vm2;
	(pc) =	sbr.rel @p0 .LBB2_58-.Ltmp28, $3  }
0x346: {  	v15 =	vor.u32 s3, v8;
	s3 =	smov.u32 s7;
	vm1 =	vmor vm15, vm1  }
0x347: {  	v9 =	vsel vm1, v12, v9;
	v10 =	vsel vm1, v14, v10;
	v7 =	vsel vm1, v15, v7;
	_ =	sdelay $0x1  }
0x348: {  	s6 =	sadd.s32 $0x10, s6;
	v12 =	vmov v13  }
0x349: {  	vm1 =	veq.f32 v12, v9;
	vm2 =	vlt.s32 v11, v10  }
0x34a: {  	vm15 =	vgt.f32 v12, v9;
	vm1 =	vmand vm1, vm2  }
0x34b: {  	vm1 =	vmor vm15, vm1  }
0x34c: {  	v9 =	vsel vm1, v12, v9  }
0x34d: {  	(xrf0) =	vmax.scan.msk.f32 $0xffff, v9;
	_ =	sdelay $0x5  }
0x34e: {  	v12, _, _ =	vpop (xrf0)  }
0x34f: {  	v12 =	vbroadcast v12, $0xF  }
0x350: {  	v10 =	vsel vm1, v11, v10  }
0x351: {  	vm2 =	veq.f32 v9, v12;
	v9 =	vxor.u32 $0x80000000, v10  }
0x352: {  	v9 =	vnsel vm2, $0xFFFFFFFF, v9  }
0x353: {  	(xrf0) =	vmin.scan.msk.u32 $0xffff, v9;
	_ =	sdelay $0x5  }
0x354: {  	v9, _, _ =	vpop (xrf0)  }
0x355: {  	(v2sf) =	vpush v9, $0xF;
	_ =	sdelay $0xe  }
0x356: {  	s4 =	spop (v2sf)  }
0x357: {  	v8 =	vor.u32 s3, v8;
	s29 =	sxor.u32 $0x80000000, s4  }
0x358: {  	v7 =	vsel vm1, v8, v7;
	vm1 =	veq.s32 v10, s29  }
0x359: {  	v7 =	vxor.u32 $0x80000000, v7;
	vm1 =	vmand vm2, vm1  }
0x35a: {  	v7 =	vnsel vm1, $0xFFFFFFFF, v7  }
0x35b: {  	(xrf0) =	vmin.scan.msk.u32 $0xffff, v7;
	_ =	sdelay $0x5  }
0x35c: {  	v7, _, _ =	vpop (xrf0)  }
0x35d: {  	(v2sf) =	vpush v7, $0xF;
	_ =	sdelay $0xe  }
0x35e: {  	s30 =	spop (v2sf)  }
0x35f: {  	s3 =	sxor.u32 $0x80000000, s30  }
0x360: {  	v7 =	vmov s3;
	_ =	sdelay $0x3  }
0x361: {  	s31 =	simm.s32 $0x5220;
	v10 =	vimm.f32 $-Inf  }
0x362: {  	[tilespmem:v7+s31+$0x0] =	vst.idx.msk $0x1, v10  }
0x363: {  	s4 =	simm.s32 $0x5420;
	v13 =	vld [tilespmem:s31+$0x0]  }
0x364: {  	v12 =	vld [tilespmem:s4+$0x0];
	_ =	sdelay $0x3  }
0x365: {  	s5 =	simm.s32 $0x10;
	s6 =	simm.s32 $0x5230;
	v11 =	vimm.s32 $0x7FFFFFFF;
	v8 =	vimm.s32 $0x0;
	v9 =	vlaneseq.u32;
	s3 =	simm.s32 $0x0  }
.LBB2_60:
0x366: {  	v14 =	vld [tilespmem:s6+$0x0];
	vm1 =	veq.f32 v13, v10;
	vm2 =	vlt.s32 v12, v11;
	s4 =	sadd.s32 $0x10, s4;
	v15 =	vmov v12;
	s7 =	smov.u32 s5;
	p0 =	sne.s32 s5, $0x1F0  }
.Ltmp29:
0x367: {  	s5 =	sadd.s32 $0x10, s5;
	vm15 =	vgt.f32 v13, v10;
	v12 =	vld [tilespmem:s4+$0x0];
	vm1 =	vmand vm1, vm2;
	(pc) =	sbr.rel @p0 .LBB2_60-.Ltmp29, $3  }
0x368: {  	v16 =	vor.u32 s3, v9;
	s3 =	smov.u32 s7;
	vm1 =	vmor vm15, vm1  }
0x369: {  	v10 =	vsel vm1, v13, v10;
	v11 =	vsel vm1, v15, v11;
	v8 =	vsel vm1, v16, v8;
	_ =	sdelay $0x1  }
0x36a: {  	s6 =	sadd.s32 $0x10, s6;
	v13 =	vmov v14  }
0x36b: {  	vm1 =	veq.f32 v13, v10;
	vm2 =	vlt.s32 v12, v11  }
0x36c: {  	vm15 =	vgt.f32 v13, v10;
	vm1 =	vmand vm1, vm2  }
0x36d: {  	vm1 =	vmor vm15, vm1  }
0x36e: {  	v10 =	vsel vm1, v13, v10  }
0x36f: {  	(xrf0) =	vmax.scan.msk.f32 $0xffff, v10;
	_ =	sdelay $0x5  }
0x370: {  	v13, _, _ =	vpop (xrf0)  }
0x371: {  	v13 =	vbroadcast v13, $0xF  }
0x372: {  	v11 =	vsel vm1, v12, v11  }
0x373: {  	vm2 =	veq.f32 v10, v13;
	v10 =	vxor.u32 $0x80000000, v11  }
0x374: {  	v10 =	vnsel vm2, $0xFFFFFFFF, v10  }
0x375: {  	(xrf0) =	vmin.scan.msk.u32 $0xffff, v10;
	_ =	sdelay $0x5  }
0x376: {  	v10, _, _ =	vpop (xrf0)  }
0x377: {  	(v2sf) =	vpush v10, $0xF;
	_ =	sdelay $0xe  }
0x378: {  	s4 =	spop (v2sf)  }
0x379: {  	v9 =	vor.u32 s3, v9;
	s29 =	sxor.u32 $0x80000000, s4  }
0x37a: {  	v8 =	vsel vm1, v9, v8;
	vm1 =	veq.s32 v11, s29  }
0x37b: {  	v8 =	vxor.u32 $0x80000000, v8;
	vm1 =	vmand vm2, vm1  }
0x37c: {  	v8 =	vnsel vm1, $0xFFFFFFFF, v8  }
0x37d: {  	(xrf0) =	vmin.scan.msk.u32 $0xffff, v8;
	_ =	sdelay $0x5  }
0x37e: {  	v8, _, _ =	vpop (xrf0)  }
0x37f: {  	(v2sf) =	vpush v8, $0xF;
	_ =	sdelay $0xe  }
0x380: {  	s30 =	spop (v2sf)  }
0x381: {  	s3 =	sxor.u32 $0x80000000, s30  }
0x382: {  	v8 =	vmov s3;
	_ =	sdelay $0x3  }
0x383: {  	s31 =	simm.s32 $0x5220;
	v11 =	vimm.f32 $-Inf  }
0x384: {  	[tilespmem:v8+s31+$0x0] =	vst.idx.msk $0x1, v11  }
0x385: {  	s4 =	simm.s32 $0x5420;
	v14 =	vld [tilespmem:s31+$0x0]  }
0x386: {  	v13 =	vld [tilespmem:s4+$0x0];
	_ =	sdelay $0x3  }
0x387: {  	s5 =	simm.s32 $0x10;
	s6 =	simm.s32 $0x5230;
	v12 =	vimm.s32 $0x7FFFFFFF;
	v9 =	vimm.s32 $0x0;
	v10 =	vlaneseq.u32;
	s3 =	simm.s32 $0x0  }
.LBB2_62:
0x388: {  	v15 =	vld [tilespmem:s6+$0x0];
	vm1 =	veq.f32 v14, v11;
	vm2 =	vlt.s32 v13, v12;
	s4 =	sadd.s32 $0x10, s4;
	v16 =	vmov v13;
	s7 =	smov.u32 s5;
	p0 =	sne.s32 s5, $0x1F0  }
.Ltmp30:
0x389: {  	s5 =	sadd.s32 $0x10, s5;
	vm15 =	vgt.f32 v14, v11;
	v13 =	vld [tilespmem:s4+$0x0];
	vm1 =	vmand vm1, vm2;
	(pc) =	sbr.rel @p0 .LBB2_62-.Ltmp30, $3  }
0x38a: {  	v17 =	vor.u32 s3, v10;
	s3 =	smov.u32 s7;
	vm1 =	vmor vm15, vm1  }
0x38b: {  	v11 =	vsel vm1, v14, v11;
	v12 =	vsel vm1, v16, v12;
	v9 =	vsel vm1, v17, v9;
	_ =	sdelay $0x1  }
0x38c: {  	s6 =	sadd.s32 $0x10, s6;
	v14 =	vmov v15  }
0x38d: {  	vm1 =	veq.f32 v14, v11;
	vm2 =	vlt.s32 v13, v12  }
0x38e: {  	vm15 =	vgt.f32 v14, v11;
	vm1 =	vmand vm1, vm2  }
0x38f: {  	vm1 =	vmor vm15, vm1  }
0x390: {  	v11 =	vsel vm1, v14, v11  }
0x391: {  	(xrf0) =	vmax.scan.msk.f32 $0xffff, v11;
	_ =	sdelay $0x5  }
0x392: {  	v14, _, _ =	vpop (xrf0)  }
0x393: {  	v14 =	vbroadcast v14, $0xF  }
0x394: {  	v12 =	vsel vm1, v13, v12  }
0x395: {  	vm2 =	veq.f32 v11, v14;
	v11 =	vxor.u32 $0x80000000, v12  }
0x396: {  	v11 =	vnsel vm2, $0xFFFFFFFF, v11  }
0x397: {  	(xrf0) =	vmin.scan.msk.u32 $0xffff, v11;
	_ =	sdelay $0x5  }
0x398: {  	v11, _, _ =	vpop (xrf0)  }
0x399: {  	(v2sf) =	vpush v11, $0xF;
	_ =	sdelay $0xe  }
0x39a: {  	s4 =	spop (v2sf)  }
0x39b: {  	v10 =	vor.u32 s3, v10;
	s29 =	sxor.u32 $0x80000000, s4  }
0x39c: {  	v9 =	vsel vm1, v10, v9;
	vm1 =	veq.s32 v12, s29  }
0x39d: {  	v9 =	vxor.u32 $0x80000000, v9;
	vm1 =	vmand vm2, vm1  }
0x39e: {  	v9 =	vnsel vm1, $0xFFFFFFFF, v9  }
0x39f: {  	(xrf0) =	vmin.scan.msk.u32 $0xffff, v9;
	_ =	sdelay $0x5  }
0x3a0: {  	v9, _, _ =	vpop (xrf0)  }
0x3a1: {  	(v2sf) =	vpush v9, $0xF;
	_ =	sdelay $0xe  }
0x3a2: {  	s30 =	spop (v2sf)  }
0x3a3: {  	s3 =	sxor.u32 $0x80000000, s30  }
0x3a4: {  	v9 =	vmov s3;
	_ =	sdelay $0x3  }
0x3a5: {  	s31 =	simm.s32 $0x5220;
	v12 =	vimm.f32 $-Inf  }
0x3a6: {  	[tilespmem:v9+s31+$0x0] =	vst.idx.msk $0x1, v12  }
0x3a7: {  	s4 =	simm.s32 $0x5420;
	v15 =	vld [tilespmem:s31+$0x0]  }
0x3a8: {  	v14 =	vld [tilespmem:s4+$0x0];
	_ =	sdelay $0x3  }
0x3a9: {  	s5 =	simm.s32 $0x10;
	s6 =	simm.s32 $0x5230;
	v13 =	vimm.s32 $0x7FFFFFFF;
	v10 =	vimm.s32 $0x0;
	v11 =	vlaneseq.u32;
	s3 =	simm.s32 $0x0  }
.LBB2_64:
0x3aa: {  	v16 =	vld [tilespmem:s6+$0x0];
	vm1 =	veq.f32 v15, v12;
	vm2 =	vlt.s32 v14, v13;
	s4 =	sadd.s32 $0x10, s4;
	v17 =	vmov v14;
	s7 =	smov.u32 s5;
	p0 =	sne.s32 s5, $0x1F0  }
.Ltmp31:
0x3ab: {  	s5 =	sadd.s32 $0x10, s5;
	vm15 =	vgt.f32 v15, v12;
	v14 =	vld [tilespmem:s4+$0x0];
	vm1 =	vmand vm1, vm2;
	(pc) =	sbr.rel @p0 .LBB2_64-.Ltmp31, $3  }
0x3ac: {  	v18 =	vor.u32 s3, v11;
	s3 =	smov.u32 s7;
	vm1 =	vmor vm15, vm1  }
0x3ad: {  	v12 =	vsel vm1, v15, v12;
	v13 =	vsel vm1, v17, v13;
	v10 =	vsel vm1, v18, v10;
	_ =	sdelay $0x1  }
0x3ae: {  	s6 =	sadd.s32 $0x10, s6;
	v15 =	vmov v16  }
0x3af: {  	vm1 =	veq.f32 v15, v12;
	vm2 =	vlt.s32 v14, v13  }
0x3b0: {  	vm15 =	vgt.f32 v15, v12;
	vm1 =	vmand vm1, vm2  }
0x3b1: {  	vm1 =	vmor vm15, vm1  }
0x3b2: {  	v12 =	vsel vm1, v15, v12  }
0x3b3: {  	(xrf0) =	vmax.scan.msk.f32 $0xffff, v12;
	_ =	sdelay $0x5  }
0x3b4: {  	v15, _, _ =	vpop (xrf0)  }
0x3b5: {  	v15 =	vbroadcast v15, $0xF  }
0x3b6: {  	v13 =	vsel vm1, v14, v13  }
0x3b7: {  	vm2 =	veq.f32 v12, v15;
	v12 =	vxor.u32 $0x80000000, v13  }
0x3b8: {  	v12 =	vnsel vm2, $0xFFFFFFFF, v12  }
0x3b9: {  	(xrf0) =	vmin.scan.msk.u32 $0xffff, v12;
	_ =	sdelay $0x5  }
0x3ba: {  	v12, _, _ =	vpop (xrf0)  }
0x3bb: {  	(v2sf) =	vpush v12, $0xF;
	_ =	sdelay $0xe  }
0x3bc: {  	s4 =	spop (v2sf)  }
0x3bd: {  	v11 =	vor.u32 s3, v11;
	s29 =	sxor.u32 $0x80000000, s4  }
0x3be: {  	v10 =	vsel vm1, v11, v10;
	vm1 =	veq.s32 v13, s29  }
0x3bf: {  	v10 =	vxor.u32 $0x80000000, v10;
	vm1 =	vmand vm2, vm1  }
0x3c0: {  	v10 =	vnsel vm1, $0xFFFFFFFF, v10  }
0x3c1: {  	(xrf0) =	vmin.scan.msk.u32 $0xffff, v10;
	_ =	sdelay $0x5  }
0x3c2: {  	v10, _, _ =	vpop (xrf0)  }
0x3c3: {  	(v2sf) =	vpush v10, $0xF;
	_ =	sdelay $0xe  }
0x3c4: {  	s30 =	spop (v2sf)  }
0x3c5: {  	s3 =	sxor.u32 $0x80000000, s30  }
0x3c6: {  	v10 =	vmov s3;
	_ =	sdelay $0x3  }
0x3c7: {  	s31 =	simm.s32 $0x5220;
	v13 =	vimm.f32 $-Inf  }
0x3c8: {  	[tilespmem:v10+s31+$0x0] =	vst.idx.msk $0x1, v13  }
0x3c9: {  	s4 =	simm.s32 $0x5420;
	v16 =	vld [tilespmem:s31+$0x0]  }
0x3ca: {  	v15 =	vld [tilespmem:s4+$0x0];
	_ =	sdelay $0x3  }
0x3cb: {  	s5 =	simm.s32 $0x10;
	s6 =	simm.s32 $0x5230;
	v14 =	vimm.s32 $0x7FFFFFFF;
	v11 =	vimm.s32 $0x0;
	v12 =	vlaneseq.u32;
	s3 =	simm.s32 $0x0  }
.LBB2_66:
0x3cc: {  	v17 =	vld [tilespmem:s6+$0x0];
	vm1 =	veq.f32 v16, v13;
	vm2 =	vlt.s32 v15, v14;
	s4 =	sadd.s32 $0x10, s4;
	v18 =	vmov v15;
	s7 =	smov.u32 s5;
	p0 =	sne.s32 s5, $0x1F0  }
.Ltmp32:
0x3cd: {  	s5 =	sadd.s32 $0x10, s5;
	vm15 =	vgt.f32 v16, v13;
	v15 =	vld [tilespmem:s4+$0x0];
	vm1 =	vmand vm1, vm2;
	(pc) =	sbr.rel @p0 .LBB2_66-.Ltmp32, $3  }
0x3ce: {  	v19 =	vor.u32 s3, v12;
	s3 =	smov.u32 s7;
	vm1 =	vmor vm15, vm1  }
0x3cf: {  	v13 =	vsel vm1, v16, v13;
	v14 =	vsel vm1, v18, v14;
	v11 =	vsel vm1, v19, v11;
	_ =	sdelay $0x1  }
0x3d0: {  	s6 =	sadd.s32 $0x10, s6;
	v16 =	vmov v17  }
0x3d1: {  	vm1 =	veq.f32 v16, v13;
	vm2 =	vlt.s32 v15, v14  }
0x3d2: {  	vm15 =	vgt.f32 v16, v13;
	vm1 =	vmand vm1, vm2  }
0x3d3: {  	vm1 =	vmor vm15, vm1  }
0x3d4: {  	v13 =	vsel vm1, v16, v13  }
0x3d5: {  	(xrf0) =	vmax.scan.msk.f32 $0xffff, v13;
	_ =	sdelay $0x5  }
0x3d6: {  	v16, _, _ =	vpop (xrf0)  }
0x3d7: {  	v16 =	vbroadcast v16, $0xF  }
0x3d8: {  	v14 =	vsel vm1, v15, v14  }
0x3d9: {  	vm2 =	veq.f32 v13, v16;
	v13 =	vxor.u32 $0x80000000, v14  }
0x3da: {  	v13 =	vnsel vm2, $0xFFFFFFFF, v13  }
0x3db: {  	(xrf0) =	vmin.scan.msk.u32 $0xffff, v13;
	_ =	sdelay $0x5  }
0x3dc: {  	v13, _, _ =	vpop (xrf0)  }
0x3dd: {  	(v2sf) =	vpush v13, $0xF;
	_ =	sdelay $0xe  }
0x3de: {  	s4 =	spop (v2sf)  }
0x3df: {  	v12 =	vor.u32 s3, v12;
	s29 =	sxor.u32 $0x80000000, s4  }
0x3e0: {  	v11 =	vsel vm1, v12, v11;
	vm1 =	veq.s32 v14, s29  }
0x3e1: {  	v11 =	vxor.u32 $0x80000000, v11;
	vm1 =	vmand vm2, vm1  }
0x3e2: {  	v11 =	vnsel vm1, $0xFFFFFFFF, v11  }
0x3e3: {  	(xrf0) =	vmin.scan.msk.u32 $0xffff, v11;
	_ =	sdelay $0x5  }
0x3e4: {  	v11, _, _ =	vpop (xrf0)  }
0x3e5: {  	(v2sf) =	vpush v11, $0xF;
	_ =	sdelay $0xe  }
0x3e6: {  	s30 =	spop (v2sf)  }
0x3e7: {  	s3 =	sxor.u32 $0x80000000, s30  }
0x3e8: {  	v11 =	vmov s3;
	_ =	sdelay $0x3  }
0x3e9: {  	s31 =	simm.s32 $0x5220;
	v14 =	vimm.f32 $-Inf  }
0x3ea: {  	[tilespmem:v11+s31+$0x0] =	vst.idx.msk $0x1, v14  }
0x3eb: {  	s4 =	simm.s32 $0x5420;
	v17 =	vld [tilespmem:s31+$0x0]  }
0x3ec: {  	v16 =	vld [tilespmem:s4+$0x0];
	_ =	sdelay $0x3  }
0x3ed: {  	s5 =	simm.s32 $0x10;
	s6 =	simm.s32 $0x5230;
	v15 =	vimm.s32 $0x7FFFFFFF;
	v12 =	vimm.s32 $0x0;
	v13 =	vlaneseq.u32;
	s3 =	simm.s32 $0x0  }
.LBB2_68:
0x3ee: {  	v18 =	vld [tilespmem:s6+$0x0];
	vm1 =	veq.f32 v17, v14;
	vm2 =	vlt.s32 v16, v15;
	s4 =	sadd.s32 $0x10, s4;
	v19 =	vmov v16;
	s7 =	smov.u32 s5;
	p0 =	sne.s32 s5, $0x1F0  }
.Ltmp33:
0x3ef: {  	s5 =	sadd.s32 $0x10, s5;
	vm15 =	vgt.f32 v17, v14;
	v16 =	vld [tilespmem:s4+$0x0];
	vm1 =	vmand vm1, vm2;
	(pc) =	sbr.rel @p0 .LBB2_68-.Ltmp33, $3  }
0x3f0: {  	v20 =	vor.u32 s3, v13;
	s3 =	smov.u32 s7;
	vm1 =	vmor vm15, vm1  }
0x3f1: {  	v14 =	vsel vm1, v17, v14;
	v15 =	vsel vm1, v19, v15;
	v12 =	vsel vm1, v20, v12;
	_ =	sdelay $0x1  }
0x3f2: {  	s6 =	sadd.s32 $0x10, s6;
	v17 =	vmov v18  }
0x3f3: {  	vm1 =	veq.f32 v17, v14;
	vm2 =	vlt.s32 v16, v15  }
0x3f4: {  	vm15 =	vgt.f32 v17, v14;
	vm1 =	vmand vm1, vm2  }
0x3f5: {  	vm1 =	vmor vm15, vm1  }
0x3f6: {  	v14 =	vsel vm1, v17, v14  }
0x3f7: {  	(xrf0) =	vmax.scan.msk.f32 $0xffff, v14;
	_ =	sdelay $0x5  }
0x3f8: {  	v17, _, _ =	vpop (xrf0)  }
0x3f9: {  	v17 =	vbroadcast v17, $0xF  }
0x3fa: {  	v15 =	vsel vm1, v16, v15  }
0x3fb: {  	vm2 =	veq.f32 v14, v17;
	v14 =	vxor.u32 $0x80000000, v15  }
0x3fc: {  	v14 =	vnsel vm2, $0xFFFFFFFF, v14  }
0x3fd: {  	(xrf0) =	vmin.scan.msk.u32 $0xffff, v14;
	_ =	sdelay $0x5  }
0x3fe: {  	v14, _, _ =	vpop (xrf0)  }
0x3ff: {  	(v2sf) =	vpush v14, $0xF;
	_ =	sdelay $0xe  }
0x400: {  	s4 =	spop (v2sf)  }
0x401: {  	v13 =	vor.u32 s3, v13;
	s29 =	sxor.u32 $0x80000000, s4  }
0x402: {  	v12 =	vsel vm1, v13, v12;
	vm1 =	veq.s32 v15, s29  }
0x403: {  	v12 =	vxor.u32 $0x80000000, v12;
	vm1 =	vmand vm2, vm1  }
0x404: {  	v12 =	vnsel vm1, $0xFFFFFFFF, v12  }
0x405: {  	(xrf0) =	vmin.scan.msk.u32 $0xffff, v12;
	_ =	sdelay $0x5  }
0x406: {  	v12, _, _ =	vpop (xrf0)  }
0x407: {  	(v2sf) =	vpush v12, $0xF;
	_ =	sdelay $0xe  }
0x408: {  	s30 =	spop (v2sf)  }
0x409: {  	s3 =	sxor.u32 $0x80000000, s30  }
0x40a: {  	v12 =	vmov s3;
	_ =	sdelay $0x3  }
0x40b: {  	s31 =	simm.s32 $0x5220;
	v15 =	vimm.f32 $-Inf  }
0x40c: {  	[tilespmem:v12+s31+$0x0] =	vst.idx.msk $0x1, v15  }
0x40d: {  	s4 =	simm.s32 $0x5420;
	v18 =	vld [tilespmem:s31+$0x0]  }
0x40e: {  	v17 =	vld [tilespmem:s4+$0x0];
	_ =	sdelay $0x3  }
0x40f: {  	s5 =	simm.s32 $0x10;
	s6 =	simm.s32 $0x5230;
	v16 =	vimm.s32 $0x7FFFFFFF;
	v13 =	vimm.s32 $0x0;
	v14 =	vlaneseq.u32;
	s3 =	simm.s32 $0x0  }
.LBB2_70:
0x410: {  	v19 =	vld [tilespmem:s6+$0x0];
	vm1 =	veq.f32 v18, v15;
	vm2 =	vlt.s32 v17, v16;
	s4 =	sadd.s32 $0x10, s4;
	v20 =	vmov v17;
	s7 =	smov.u32 s5;
	p0 =	sne.s32 s5, $0x1F0  }
.Ltmp34:
0x411: {  	s5 =	sadd.s32 $0x10, s5;
	vm15 =	vgt.f32 v18, v15;
	v17 =	vld [tilespmem:s4+$0x0];
	vm1 =	vmand vm1, vm2;
	(pc) =	sbr.rel @p0 .LBB2_70-.Ltmp34, $3  }
0x412: {  	v21 =	vor.u32 s3, v14;
	s3 =	smov.u32 s7;
	vm1 =	vmor vm15, vm1  }
0x413: {  	v15 =	vsel vm1, v18, v15;
	v16 =	vsel vm1, v20, v16;
	v13 =	vsel vm1, v21, v13;
	_ =	sdelay $0x1  }
0x414: {  	s6 =	sadd.s32 $0x10, s6;
	v18 =	vmov v19  }
0x415: {  	vm1 =	veq.f32 v18, v15;
	vm2 =	vlt.s32 v17, v16  }
0x416: {  	vm15 =	vgt.f32 v18, v15;
	vm1 =	vmand vm1, vm2  }
0x417: {  	vm1 =	vmor vm15, vm1  }
0x418: {  	v15 =	vsel vm1, v18, v15  }
0x419: {  	(xrf0) =	vmax.scan.msk.f32 $0xffff, v15;
	_ =	sdelay $0x5  }
0x41a: {  	v18, _, _ =	vpop (xrf0)  }
0x41b: {  	v18 =	vbroadcast v18, $0xF  }
0x41c: {  	v16 =	vsel vm1, v17, v16  }
0x41d: {  	vm2 =	veq.f32 v15, v18;
	v15 =	vxor.u32 $0x80000000, v16  }
0x41e: {  	v15 =	vnsel vm2, $0xFFFFFFFF, v15  }
0x41f: {  	(xrf0) =	vmin.scan.msk.u32 $0xffff, v15;
	_ =	sdelay $0x5  }
0x420: {  	v15, _, _ =	vpop (xrf0)  }
0x421: {  	(v2sf) =	vpush v15, $0xF;
	_ =	sdelay $0xe  }
0x422: {  	s4 =	spop (v2sf)  }
0x423: {  	v14 =	vor.u32 s3, v14;
	s29 =	sxor.u32 $0x80000000, s4  }
0x424: {  	v13 =	vsel vm1, v14, v13;
	vm1 =	veq.s32 v16, s29  }
0x425: {  	v13 =	vxor.u32 $0x80000000, v13;
	vm1 =	vmand vm2, vm1  }
0x426: {  	v13 =	vnsel vm1, $0xFFFFFFFF, v13  }
0x427: {  	(xrf0) =	vmin.scan.msk.u32 $0xffff, v13;
	_ =	sdelay $0x5  }
0x428: {  	v13, _, _ =	vpop (xrf0)  }
0x429: {  	(v2sf) =	vpush v13, $0xF;
	_ =	sdelay $0xe  }
0x42a: {  	s30 =	spop (v2sf)  }
0x42b: {  	s3 =	sxor.u32 $0x80000000, s30  }
0x42c: {  	v13 =	vmov s3;
	_ =	sdelay $0x3  }
0x42d: {  	s31 =	simm.s32 $0x5220;
	v16 =	vimm.f32 $-Inf  }
0x42e: {  	[tilespmem:v13+s31+$0x0] =	vst.idx.msk $0x1, v16  }
0x42f: {  	s4 =	simm.s32 $0x5420;
	v19 =	vld [tilespmem:s31+$0x0]  }
0x430: {  	v18 =	vld [tilespmem:s4+$0x0];
	_ =	sdelay $0x3  }
0x431: {  	s5 =	simm.s32 $0x10;
	s6 =	simm.s32 $0x5230;
	v17 =	vimm.s32 $0x7FFFFFFF;
	v14 =	vimm.s32 $0x0;
	v15 =	vlaneseq.u32;
	s3 =	simm.s32 $0x0  }
.LBB2_72:
0x432: {  	v20 =	vld [tilespmem:s6+$0x0];
	vm1 =	veq.f32 v19, v16;
	vm2 =	vlt.s32 v18, v17;
	s4 =	sadd.s32 $0x10, s4;
	v21 =	vmov v18;
	s7 =	smov.u32 s5;
	p0 =	sne.s32 s5, $0x1F0  }
.Ltmp35:
0x433: {  	s5 =	sadd.s32 $0x10, s5;
	vm15 =	vgt.f32 v19, v16;
	v18 =	vld [tilespmem:s4+$0x0];
	vm1 =	vmand vm1, vm2;
	(pc) =	sbr.rel @p0 .LBB2_72-.Ltmp35, $3  }
0x434: {  	v22 =	vor.u32 s3, v15;
	s3 =	smov.u32 s7;
	vm1 =	vmor vm15, vm1  }
0x435: {  	v16 =	vsel vm1, v19, v16;
	v17 =	vsel vm1, v21, v17;
	v14 =	vsel vm1, v22, v14;
	_ =	sdelay $0x1  }
0x436: {  	s6 =	sadd.s32 $0x10, s6;
	v19 =	vmov v20  }
0x437: {  	vm1 =	veq.f32 v19, v16;
	vm2 =	vlt.s32 v18, v17  }
0x438: {  	vm15 =	vgt.f32 v19, v16;
	vm1 =	vmand vm1, vm2  }
0x439: {  	vm1 =	vmor vm15, vm1  }
0x43a: {  	v16 =	vsel vm1, v19, v16  }
0x43b: {  	(xrf0) =	vmax.scan.msk.f32 $0xffff, v16;
	_ =	sdelay $0x5  }
0x43c: {  	v19, _, _ =	vpop (xrf0)  }
0x43d: {  	v19 =	vbroadcast v19, $0xF  }
0x43e: {  	v17 =	vsel vm1, v18, v17  }
0x43f: {  	vm2 =	veq.f32 v16, v19;
	v16 =	vxor.u32 $0x80000000, v17  }
0x440: {  	v16 =	vnsel vm2, $0xFFFFFFFF, v16  }
0x441: {  	(xrf0) =	vmin.scan.msk.u32 $0xffff, v16;
	_ =	sdelay $0x5  }
0x442: {  	v16, _, _ =	vpop (xrf0)  }
0x443: {  	(v2sf) =	vpush v16, $0xF;
	_ =	sdelay $0xe  }
0x444: {  	s4 =	spop (v2sf)  }
0x445: {  	v15 =	vor.u32 s3, v15;
	s29 =	sxor.u32 $0x80000000, s4  }
0x446: {  	v14 =	vsel vm1, v15, v14;
	vm1 =	veq.s32 v17, s29  }
0x447: {  	v14 =	vxor.u32 $0x80000000, v14;
	vm1 =	vmand vm2, vm1  }
0x448: {  	v14 =	vnsel vm1, $0xFFFFFFFF, v14  }
0x449: {  	(xrf0) =	vmin.scan.msk.u32 $0xffff, v14;
	_ =	sdelay $0x5  }
0x44a: {  	v14, _, _ =	vpop (xrf0)  }
0x44b: {  	(v2sf) =	vpush v14, $0xF;
	_ =	sdelay $0xe  }
0x44c: {  	s30 =	spop (v2sf)  }
0x44d: {  	s3 =	sxor.u32 $0x80000000, s30  }
0x44e: {  	v14 =	vmov s3;
	_ =	sdelay $0x3  }
0x44f: {  	s31 =	simm.s32 $0x5220;
	v17 =	vimm.f32 $-Inf  }
0x450: {  	[tilespmem:v14+s31+$0x0] =	vst.idx.msk $0x1, v17  }
0x451: {  	s4 =	simm.s32 $0x5420;
	v20 =	vld [tilespmem:s31+$0x0]  }
0x452: {  	v19 =	vld [tilespmem:s4+$0x0];
	_ =	sdelay $0x3  }
0x453: {  	s5 =	simm.s32 $0x10;
	s6 =	simm.s32 $0x5230;
	v18 =	vimm.s32 $0x7FFFFFFF;
	v15 =	vimm.s32 $0x0;
	v16 =	vlaneseq.u32;
	s3 =	simm.s32 $0x0  }
.LBB2_74:
0x454: {  	v21 =	vld [tilespmem:s6+$0x0];
	vm1 =	veq.f32 v20, v17;
	vm2 =	vlt.s32 v19, v18;
	s4 =	sadd.s32 $0x10, s4;
	v22 =	vmov v19;
	s7 =	smov.u32 s5;
	p0 =	sne.s32 s5, $0x1F0  }
.Ltmp36:
0x455: {  	s5 =	sadd.s32 $0x10, s5;
	vm15 =	vgt.f32 v20, v17;
	v19 =	vld [tilespmem:s4+$0x0];
	vm1 =	vmand vm1, vm2;
	(pc) =	sbr.rel @p0 .LBB2_74-.Ltmp36, $3  }
0x456: {  	v23 =	vor.u32 s3, v16;
	s3 =	smov.u32 s7;
	vm1 =	vmor vm15, vm1  }
0x457: {  	v17 =	vsel vm1, v20, v17;
	v18 =	vsel vm1, v22, v18;
	v15 =	vsel vm1, v23, v15;
	_ =	sdelay $0x1  }
0x458: {  	s6 =	sadd.s32 $0x10, s6;
	v20 =	vmov v21  }
0x459: {  	vm1 =	veq.f32 v20, v17;
	vm2 =	vlt.s32 v19, v18  }
0x45a: {  	vm15 =	vgt.f32 v20, v17;
	vm1 =	vmand vm1, vm2  }
0x45b: {  	vm1 =	vmor vm15, vm1  }
0x45c: {  	v17 =	vsel vm1, v20, v17  }
0x45d: {  	(xrf0) =	vmax.scan.msk.f32 $0xffff, v17;
	_ =	sdelay $0x5  }
0x45e: {  	v20, _, _ =	vpop (xrf0)  }
0x45f: {  	v20 =	vbroadcast v20, $0xF  }
0x460: {  	v18 =	vsel vm1, v19, v18  }
0x461: {  	vm2 =	veq.f32 v17, v20;
	v17 =	vxor.u32 $0x80000000, v18  }
0x462: {  	v17 =	vnsel vm2, $0xFFFFFFFF, v17  }
0x463: {  	(xrf0) =	vmin.scan.msk.u32 $0xffff, v17;
	_ =	sdelay $0x5  }
0x464: {  	v17, _, _ =	vpop (xrf0)  }
0x465: {  	(v2sf) =	vpush v17, $0xF;
	_ =	sdelay $0xe  }
0x466: {  	s4 =	spop (v2sf)  }
0x467: {  	v16 =	vor.u32 s3, v16;
	s29 =	sxor.u32 $0x80000000, s4  }
0x468: {  	v15 =	vsel vm1, v16, v15;
	vm1 =	veq.s32 v18, s29  }
0x469: {  	v15 =	vxor.u32 $0x80000000, v15;
	vm1 =	vmand vm2, vm1  }
0x46a: {  	v15 =	vnsel vm1, $0xFFFFFFFF, v15  }
0x46b: {  	(xrf0) =	vmin.scan.msk.u32 $0xffff, v15;
	_ =	sdelay $0x5  }
0x46c: {  	v15, _, _ =	vpop (xrf0)  }
0x46d: {  	(v2sf) =	vpush v15, $0xF;
	_ =	sdelay $0xe  }
0x46e: {  	s30 =	spop (v2sf)  }
0x46f: {  	s3 =	sxor.u32 $0x80000000, s30  }
0x470: {  	v15 =	vmov s3;
	_ =	sdelay $0x3  }
0x471: {  	s31 =	simm.s32 $0x5220;
	v18 =	vimm.f32 $-Inf  }
0x472: {  	[tilespmem:v15+s31+$0x0] =	vst.idx.msk $0x1, v18  }
0x473: {  	s4 =	simm.s32 $0x5420;
	v21 =	vld [tilespmem:s31+$0x0]  }
0x474: {  	v20 =	vld [tilespmem:s4+$0x0];
	_ =	sdelay $0x3  }
0x475: {  	s5 =	simm.s32 $0x10;
	s6 =	simm.s32 $0x5230;
	v19 =	vimm.s32 $0x7FFFFFFF;
	v16 =	vimm.s32 $0x0;
	v17 =	vlaneseq.u32;
	s3 =	simm.s32 $0x0  }
.LBB2_76:
0x476: {  	v22 =	vld [tilespmem:s6+$0x0];
	vm1 =	veq.f32 v21, v18;
	vm2 =	vlt.s32 v20, v19;
	s4 =	sadd.s32 $0x10, s4;
	v23 =	vmov v20;
	s7 =	smov.u32 s5;
	p0 =	sne.s32 s5, $0x1F0  }
.Ltmp37:
0x477: {  	s5 =	sadd.s32 $0x10, s5;
	vm15 =	vgt.f32 v21, v18;
	v20 =	vld [tilespmem:s4+$0x0];
	vm1 =	vmand vm1, vm2;
	(pc) =	sbr.rel @p0 .LBB2_76-.Ltmp37, $3  }
0x478: {  	v24 =	vor.u32 s3, v17;
	s3 =	smov.u32 s7;
	vm1 =	vmor vm15, vm1  }
0x479: {  	v18 =	vsel vm1, v21, v18;
	v19 =	vsel vm1, v23, v19;
	v16 =	vsel vm1, v24, v16;
	_ =	sdelay $0x1  }
0x47a: {  	s6 =	sadd.s32 $0x10, s6;
	v21 =	vmov v22  }
0x47b: {  	vm1 =	veq.f32 v21, v18;
	vm2 =	vlt.s32 v20, v19  }
0x47c: {  	vm15 =	vgt.f32 v21, v18;
	vm1 =	vmand vm1, vm2  }
0x47d: {  	vm1 =	vmor vm15, vm1  }
0x47e: {  	v18 =	vsel vm1, v21, v18  }
0x47f: {  	(xrf0) =	vmax.scan.msk.f32 $0xffff, v18;
	_ =	sdelay $0x5  }
0x480: {  	v21, _, _ =	vpop (xrf0)  }
0x481: {  	v21 =	vbroadcast v21, $0xF  }
0x482: {  	v19 =	vsel vm1, v20, v19  }
0x483: {  	vm2 =	veq.f32 v18, v21;
	v18 =	vxor.u32 $0x80000000, v19  }
0x484: {  	v18 =	vnsel vm2, $0xFFFFFFFF, v18  }
0x485: {  	(xrf0) =	vmin.scan.msk.u32 $0xffff, v18;
	_ =	sdelay $0x5  }
0x486: {  	v18, _, _ =	vpop (xrf0)  }
0x487: {  	(v2sf) =	vpush v18, $0xF;
	_ =	sdelay $0xe  }
0x488: {  	s4 =	spop (v2sf)  }
0x489: {  	v17 =	vor.u32 s3, v17;
	s29 =	sxor.u32 $0x80000000, s4  }
0x48a: {  	v16 =	vsel vm1, v17, v16;
	vm1 =	veq.s32 v19, s29  }
0x48b: {  	v16 =	vxor.u32 $0x80000000, v16;
	vm1 =	vmand vm2, vm1  }
0x48c: {  	v16 =	vnsel vm1, $0xFFFFFFFF, v16  }
0x48d: {  	(xrf0) =	vmin.scan.msk.u32 $0xffff, v16;
	_ =	sdelay $0x5  }
0x48e: {  	v16, _, _ =	vpop (xrf0)  }
0x48f: {  	(v2sf) =	vpush v16, $0xF;
	_ =	sdelay $0xe  }
0x490: {  	s30 =	spop (v2sf)  }
0x491: {  	s3 =	sxor.u32 $0x80000000, s30  }
0x492: {  	v16 =	vmov s3;
	_ =	sdelay $0x3  }
0x493: {  	s31 =	simm.s32 $0x5220;
	v19 =	vimm.f32 $-Inf  }
0x494: {  	[tilespmem:v16+s31+$0x0] =	vst.idx.msk $0x1, v19  }
0x495: {  	s4 =	simm.s32 $0x5420;
	v22 =	vld [tilespmem:s31+$0x0]  }
0x496: {  	v21 =	vld [tilespmem:s4+$0x0];
	_ =	sdelay $0x3  }
0x497: {  	s5 =	simm.s32 $0x10;
	s6 =	simm.s32 $0x5230;
	v20 =	vimm.s32 $0x7FFFFFFF;
	v17 =	vimm.s32 $0x0;
	v18 =	vlaneseq.u32;
	s3 =	simm.s32 $0x0  }
.LBB2_78:
0x498: {  	v23 =	vld [tilespmem:s6+$0x0];
	vm1 =	veq.f32 v22, v19;
	vm2 =	vlt.s32 v21, v20;
	s4 =	sadd.s32 $0x10, s4;
	v24 =	vmov v21;
	s7 =	smov.u32 s5;
	p0 =	sne.s32 s5, $0x1F0  }
.Ltmp38:
0x499: {  	s5 =	sadd.s32 $0x10, s5;
	vm15 =	vgt.f32 v22, v19;
	v21 =	vld [tilespmem:s4+$0x0];
	vm1 =	vmand vm1, vm2;
	(pc) =	sbr.rel @p0 .LBB2_78-.Ltmp38, $3  }
0x49a: {  	v25 =	vor.u32 s3, v18;
	s3 =	smov.u32 s7;
	vm1 =	vmor vm15, vm1  }
0x49b: {  	v19 =	vsel vm1, v22, v19;
	v20 =	vsel vm1, v24, v20;
	v17 =	vsel vm1, v25, v17;
	_ =	sdelay $0x1  }
0x49c: {  	s6 =	sadd.s32 $0x10, s6;
	v22 =	vmov v23  }
0x49d: {  	vm1 =	veq.f32 v22, v19;
	vm2 =	vlt.s32 v21, v20  }
0x49e: {  	vm15 =	vgt.f32 v22, v19;
	vm1 =	vmand vm1, vm2  }
0x49f: {  	vm1 =	vmor vm15, vm1  }
0x4a0: {  	v19 =	vsel vm1, v22, v19  }
0x4a1: {  	(xrf0) =	vmax.scan.msk.f32 $0xffff, v19;
	_ =	sdelay $0x5  }
0x4a2: {  	v22, _, _ =	vpop (xrf0)  }
0x4a3: {  	v22 =	vbroadcast v22, $0xF  }
0x4a4: {  	v20 =	vsel vm1, v21, v20  }
0x4a5: {  	vm2 =	veq.f32 v19, v22;
	v19 =	vxor.u32 $0x80000000, v20  }
0x4a6: {  	v19 =	vnsel vm2, $0xFFFFFFFF, v19  }
0x4a7: {  	(xrf0) =	vmin.scan.msk.u32 $0xffff, v19;
	_ =	sdelay $0x5  }
0x4a8: {  	v19, _, _ =	vpop (xrf0)  }
0x4a9: {  	(v2sf) =	vpush v19, $0xF;
	_ =	sdelay $0xe  }
0x4aa: {  	s4 =	spop (v2sf)  }
0x4ab: {  	v18 =	vor.u32 s3, v18;
	s29 =	sxor.u32 $0x80000000, s4  }
0x4ac: {  	v17 =	vsel vm1, v18, v17;
	vm1 =	veq.s32 v20, s29  }
0x4ad: {  	v17 =	vxor.u32 $0x80000000, v17;
	vm1 =	vmand vm2, vm1  }
0x4ae: {  	v17 =	vnsel vm1, $0xFFFFFFFF, v17  }
0x4af: {  	(xrf0) =	vmin.scan.msk.u32 $0xffff, v17;
	_ =	sdelay $0x5  }
0x4b0: {  	v17, _, _ =	vpop (xrf0)  }
0x4b1: {  	(v2sf) =	vpush v17, $0xF;
	_ =	sdelay $0xe  }
0x4b2: {  	s30 =	spop (v2sf)  }
0x4b3: {  	s3 =	sxor.u32 $0x80000000, s30  }
0x4b4: {  	v17 =	vmov s3;
	_ =	sdelay $0x3  }
0x4b5: {  	s31 =	simm.s32 $0x5220;
	v20 =	vimm.f32 $-Inf  }
0x4b6: {  	[tilespmem:v17+s31+$0x0] =	vst.idx.msk $0x1, v20  }
0x4b7: {  	s4 =	simm.s32 $0x5420;
	v23 =	vld [tilespmem:s31+$0x0]  }
0x4b8: {  	v22 =	vld [tilespmem:s4+$0x0];
	_ =	sdelay $0x3  }
0x4b9: {  	s5 =	simm.s32 $0x10;
	s6 =	simm.s32 $0x5230;
	v21 =	vimm.s32 $0x7FFFFFFF;
	v18 =	vimm.s32 $0x0;
	v19 =	vlaneseq.u32;
	s3 =	simm.s32 $0x0  }
.LBB2_80:
0x4ba: {  	v24 =	vld [tilespmem:s6+$0x0];
	vm1 =	veq.f32 v23, v20;
	vm2 =	vlt.s32 v22, v21;
	s4 =	sadd.s32 $0x10, s4;
	v25 =	vmov v22;
	s7 =	smov.u32 s5;
	p0 =	sne.s32 s5, $0x1F0  }
.Ltmp39:
0x4bb: {  	s5 =	sadd.s32 $0x10, s5;
	vm15 =	vgt.f32 v23, v20;
	v22 =	vld [tilespmem:s4+$0x0];
	vm1 =	vmand vm1, vm2;
	(pc) =	sbr.rel @p0 .LBB2_80-.Ltmp39, $3  }
0x4bc: {  	v26 =	vor.u32 s3, v19;
	s3 =	smov.u32 s7;
	vm1 =	vmor vm15, vm1  }
0x4bd: {  	v20 =	vsel vm1, v23, v20;
	v21 =	vsel vm1, v25, v21;
	v18 =	vsel vm1, v26, v18;
	_ =	sdelay $0x1  }
0x4be: {  	s6 =	sadd.s32 $0x10, s6;
	v23 =	vmov v24  }
0x4bf: {  	vm1 =	veq.f32 v23, v20;
	vm2 =	vlt.s32 v22, v21  }
0x4c0: {  	vm15 =	vgt.f32 v23, v20;
	vm1 =	vmand vm1, vm2  }
0x4c1: {  	vm1 =	vmor vm15, vm1  }
0x4c2: {  	v38 =	vsel vm1, v23, v20  }
0x4c3: {  	(xrf0) =	vmax.scan.msk.f32 $0xffff, v38;
	_ =	sdelay $0x5  }
0x4c4: {  	v39, _, _ =	vpop (xrf0)  }
0x4c5: {  	v23 =	vbroadcast v39, $0xF  }
0x4c6: {  	v40 =	vsel vm1, v22, v21  }
0x4c7: {  	v22 =	vxor.u32 $0x80000000, v40;
	vm2 =	veq.f32 v38, v23  }
0x4c8: {  	v20 =	vnsel vm2, $0xFFFFFFFF, v22  }
0x4c9: {  	(xrf0) =	vmin.scan.msk.u32 $0xffff, v20;
	_ =	sdelay $0x5  }
0x4ca: {  	v20, _, _ =	vpop (xrf0)  }
0x4cb: {  	(v2sf) =	vpush v20, $0xF;
	_ =	sdelay $0xe  }
0x4cc: {  	s4 =	spop (v2sf)  }
0x4cd: {  	v19 =	vor.u32 s3, v19;
	s24 =	sxor.u32 $0x80000000, s4  }
0x4ce: {  	v18 =	vsel vm1, v19, v18;
	vm15 =	veq.s32 v40, s24  }
0x4cf: {  	v18 =	vxor.u32 $0x80000000, v18;
	vm1 =	vmand vm2, vm15  }
0x4d0: {  	v18 =	vnsel vm1, $0xFFFFFFFF, v18  }
0x4d1: {  	(xrf0) =	vmin.scan.msk.u32 $0xffff, v18;
	_ =	sdelay $0x5  }
0x4d2: {  	v42 =	vld [tilespmem:$0x1FFF0];
	v18, _, _ =	vpop (xrf0)  }
0x4d3: {  	(v2sf) =	vpush v18, $0xF;
	_ =	sdelay $0x1  }
0x4d4: {  	v41 =	vlaneseq.u32  }
0x4d5: {  	vm15 =	veq.s32 v41, $0x0  }
0x4d6: {  	v0 =	vsel vm15, s2, v0;
	vm15 =	vnez.u8 v42  }
0x4d7: {  	v0 =	vsel vm15, v0, v1  }
0x4d8: {  	v0 =	vsel vm3, v0, v2  }
0x4d9: {  	v0 =	vsel vm0, v0, v3  }
0x4da: {  	v0 =	vsel vm4, v0, v4  }
0x4db: {  	v0 =	vsel vm5, v0, v5  }
0x4dc: {  	v0 =	vsel vm6, v0, v6  }
0x4dd: {  	v0 =	vsel vm7, v0, v7  }
0x4de: {  	v0 =	vsel vm8, v0, v8  }
0x4df: {  	v0 =	vsel vm9, v0, v9  }
0x4e0: {  	v0 =	vsel vm10, v0, v10;
	vm10 =	vcmask $0x300  }
0x4e1: {  	v43 =	vnsel vm10, $0x0, v15;
	v0 =	vsel vm11, v0, v11;
	vm11 =	vcmask $0x310;
	s25 =	spop (v2sf)  }
0x4e2: {  	v1 =	vsel vm11, v43, v16;
	v0 =	vsel vm12, v0, v12;
	vm12 =	vcmask $0x710;
	s2 =	sxor.u32 $0x80000000, s25  }
0x4e3: {  	vm15 =	vcmask $0xB10;
	v1 =	vsel vm12, v1, v17;
	v44 =	vmov s2  }
0x4e4: {  	v0 =	vsel vm13, v0, v13;
	v1 =	vnsel vm15, s2, v1  }
0x4e5: {  	v0 =	vsel vm14, v0, v14  }
0x4e6: {  	v45 =	vadd.s32 $0x200, v1  }
0x4e7: {  	v46 =	vimm.f32 $-Inf;
	s26 =	simm.s32 $0x5220;
	v47 =	vadd.s32 $0x200, v0  }
0x4e8: {  	s28 =	simm.s32 $0x5620;
	[tilespmem:v44+s26+$0x0] =	vst.idx.msk $0x1, v46  }
0x4e9: {  	v2 =	vld.idx.msk [tilespmem:v1+s28+$0x0], $0xffff;
	v1 =	vadd.s32 $0x400, v1  }
0x4ea: {  	v4 =	vld.idx.msk [tilespmem:v0+s28+$0x0], $0xffff;
	v0 =	vadd.s32 $0x400, v0  }
0x4eb: {  	v3 =	vld.idx.msk [tilespmem:v45+s28+$0x0], $0xffff  }
0x4ec: {  	v5 =	vld.idx.msk [tilespmem:v47+s28+$0x0], $0xffff;
	_ =	sdelay $0x1  }
0x4ed: {  	v2 =	vnsel vm0, $0x0, v2;
	v1 =	vld.idx.msk [tilespmem:v1+s28+$0x0], $0xffff  }
0x4ee: {  	v48 =	vmul.f32 v4, v4;
	v0 =	vld.idx.msk [tilespmem:v0+s28+$0x0], $0xffff;
	v49 =	vmul.f32 v2, v2  }
0x4ef: {  	v3 =	vnsel vm0, $0x0, v3;
	v2 =	vadd.f32 v2, v4  }
0x4f0: {  	v51 =	vmul.f32 v5, v5;
	v52 =	vmul.f32 v3, v3;
	v50 =	vadd.f32 v49, v48  }
0x4f1: {  	v53 =	vadd.f32 v3, v5;
	(xrf2) =	vadd.scan.msk.f32 $0xffff, v2  }
0x4f2: {  	v54 =	vadd.f32 v52, v51;
	v1 =	vnsel vm0, $0x0, v1;
	(xrf2) =	vadd.scan.msk.f32 $0xffff, v50  }
0x4f3: {  	(xrf2) =	vadd.scan.msk.f32 $0xffff, v53;
	v55 =	vadd.f32 v1, v0  }
0x4f4: {  	(xrf2) =	vadd.scan.msk.f32 $0xffff, v54  }
0x4f5: {  	v0 =	vmul.f32 v0, v0;
	v1 =	vmul.f32 v1, v1;
	(xrf2) =	vadd.scan.msk.f32 $0xffff, v55;
	_ =	sdelay $0x1  }
0x4f6: {  	v0 =	vadd.f32 v1, v0;
	_ =	sdelay $0x1  }
0x4f7: {  	(xrf2) =	vadd.scan.msk.f32 $0xffff, v0;
	_ =	sdelay $0x1  }
0x4f8: {  	v56, _, _ =	vpop (xrf2)  }
0x4f9: {  	v0 =	vmul.f32 v56, v56;
	v57, _, _ =	vpop (xrf2)  }
0x4fa: {  	v58, _, _ =	vpop (xrf2)  }
0x4fb: {  	v0 =	vmul.f32 $5.000000070e-02, v0;
	v3, _, _ =	vpop (xrf2);
	v2 =	vmul.f32 v58, v58  }
0x4fc: {  	v59, _, _ =	vpop (xrf2)  }
0x4fd: {  	v0 =	vsub.f32 v57, v0;
	v60 =	vmul.f32 $5.000000070e-02, v2;
	v61 =	vmul.f32 v59, v59;
	_ =	sdelay $0x1  }
0x4fe: {  	v0 =	vadd.f32 $0.0e+00, v0;
	v1 =	vsub.f32 v3, v60;
	v2 =	vmul.f32 $5.000000070e-02, v61  }
0x4ff: {  	v62, _, _ =	vpop (xrf2)  }
0x500: {  	v0 =	vadd.f32 v1, v0;
	v63 =	vsub.f32 v62, v2;
	_ =	sdelay $0x1  }
0x501: {  	v0 =	vadd.f32 v63, v0;
	_ =	sdelay $0x1  }
0x502: {  	v0 =	vmul.f32 $1.052631530e-03, v0;
	_ =	sdelay $0x1  }
0x503: {  	v0 =	vbroadcast v0, $0xF;
	_ =	sdelay $0x1  }
0x504: {  	s29 =	simm.s32 $0x0;
	s30 =	simm.s32 $0x5C20;
	s31 =	simm.s32 $0x1;
	[tilespmem:$0x5C20] =	vst v0  }
0x505: {  	[hbm4b:s1+s29] =	stream.linear.scatter [tilespmem:s30], [sflag:$0x1], $0x80, $0x38;
	[tilespmem:$0x5CA0] =	vst v63  }
0x506: {  	_ =	swait.ge [sflag:s31], $0x80  }
0x507: {  	[sflag:s31] =	ssyncset.done $0x0  }
0x508: {  	[sflag:s31] =	ssyncadd.s32 $0xFFFFFF80  }
0x509: {  	_ =	sfence.sel $0x180000  }
0x50a: {  	[bflag:$0x0] =	sbarrier.arrive $0xFFFF  }
0x50b: {  	_ =	strace $0x90000047  }
0x50c: {  	s0 =	sadd.s32 $0x100000, s0;
	[bflag:$0x2] =	sbarrier.arrive $0xFFFF  }
0x50d: {  	[sflag:s0] =	ssyncadd.tile.s32 $0x1;
	_ =	shalt  }
.Lfunc_end2:
_tile_overlayer_lowered:
.L_overlay_start_2:
0x50e: {  	(tag) =	ssettag $0x2  }
0x50f: {  	s0 =	rddreg [dreg:$0x0];
	s2 =	stileid.u32  }
0x510: {  	s1 =	rddreg [dreg:$0x1];
	p0 =	sne.s32 s2, $0x0  }
0x511: {  	s3 =	rddreg [dreg:$0x2];
	[bflag:$0x3] =	sbarrier.arrive $0xFFFF;
	s2 =	simm.s32 @!p0 $0x1C01  }
0x512: {  	[timem:s3], [sflag:s2] =	dma.local @!p0 [hbm:s0], s1  }
0x513: {  	s0 =	simm.s32 @!p0 $0x1  }
0x514: {  	_ =	swait.ge @!p0 [sflag:s0], s1  }
0x515: {  	s1 =	ssub.s32 @!p0 $0x0, s1;
	[sflag:s0] =	ssyncset.done @!p0 $0x0  }
0x516: {  	[sflag:s0] =	ssyncadd.s32 @!p0 s1  }
0x517: {  	[bflag:$0x3] =	sbarrier.arrive $0xFFFF  }
0x518: {  	_ =	shalt  }

</sc_bundles>
